<compile_context>
chip_gen: v7x
topology: tpu7x:2x2x1
jax: 0.10.2.dev20260603
libtpu: 0.0.44.dev20260713+nightly
codegen_flags: <defaults>
</compile_context>

<pallas_src>
import functools

import jax
import jax.numpy as jnp
from jax.experimental import pallas as pl
from jax.experimental.pallas import tpu as pltpu
from jax.experimental.pallas import tpu_sc as plsc

_F32 = jnp.float32


def _gather_sc(We, idx_flat):
    N = idx_flat.shape[0]
    H = We.shape[1]
    W = 128
    mesh = plsc.VectorSubcoreMesh(core_axis_name="core", subcore_axis_name="subcore")
    idx2 = idx_flat.reshape(1, N)

    @functools.partial(
        pl.kernel,
        out_type=jax.ShapeDtypeStruct((N, H), _F32),
        mesh=mesh,
    )
    def gather_kernel(table_hbm, i_hbm, o_hbm):
        def body(i_vmem, o_vmem):
            pltpu.sync_copy(table_hbm.at[i_vmem.at[0]], o_vmem)

        pltpu.emit_pipeline(
            body,
            grid=(N // W,),
            in_specs=[pl.BlockSpec((1, W), lambda i: (0, i))],
            out_specs=[pl.BlockSpec((W, H), lambda i: (i, 0))],
            core_axis_name=("core", "subcore"),
            dimension_semantics=(pltpu.PARALLEL,),
        )(i_hbm, o_hbm)

    return gather_kernel(We, idx2)


def _gru_cat(x, h, W1, b, W2, bh, n):
    rz = jax.nn.sigmoid(
        jnp.dot(jnp.concatenate([x, h], axis=1), W1,
                preferred_element_type=_F32) + b)
    r = rz[:, :n]
    z = rz[:, n:]
    hc = jnp.tanh(
        jnp.dot(jnp.concatenate([x, h * r], axis=1), W2,
                preferred_element_type=_F32) + bh)
    return z * h + (1.0 - z) * hc


def _fused_body(T, B, H, Y, Bc,
                x_ref, w1f, bf_, w2f, bhf_,
                w1b, bb_, w2b, bhb_,
                w1o, bo_, w2o, bho_,
                wac, ba_, wah, way, wfc, wff, wfh, bfb,
                wy, byb, y_ref,
                ctx4, hs4, ctxT_s, hsT_s, pc_s, q_s, s_s, wc_s):
    H2 = 2 * H
    NC = B // Bc
    i = pl.program_id(0)

    @pl.when(i == 0)
    def _scans():
        h0 = jnp.zeros((B, H), _F32)
        W1f, Bf, W2f, Bhf = w1f[:], bf_[:], w2f[:], bhf_[:]
        W1b, Bb, W2b, Bhb = w1b[:], bb_[:], w2b[:], bhb_[:]

        def step_bi(t, carry):
            hf, hb = carry
            xf = x_ref[pl.ds(t, 1)][0]
            xb = x_ref[pl.ds(T - 1 - t, 1)][0]
            hf = _gru_cat(xf, hf, W1f, Bf, W2f, Bhf, H)
            hb = _gru_cat(xb, hb, W1b, Bb, W2b, Bhb, H)
            ctx4[:, pl.ds(t, 1), :, 0:H] = hf.reshape(NC, 1, Bc, H)
            ctx4[:, pl.ds(T - 1 - t, 1), :, H:H2] = hb.reshape(NC, 1, Bc, H)
            return hf, hb

        jax.lax.fori_loop(0, T, step_bi, (h0, h0), unroll=16)

        W1o, Bo, W2o, Bho = w1o[:], bo_[:], w2o[:], bho_[:]
        hs4[:, pl.ds(0, 1)] = jnp.zeros((NC, 1, Bc, H), _F32)

        def step_o(k, h):
            c = ctx4[:, pl.ds(k, 1)].reshape(B, H2)
            h = _gru_cat(c, h, W1o, Bo, W2o, Bho, H)
            hs4[:, pl.ds(k, 1)] = h.reshape(NC, 1, Bc, H)
            return h

        jax.lax.fori_loop(1, T, step_o, h0, unroll=16)

    ctxc = ctx4[i]
    hsc = hs4[i]
    ctxT_s[:] = jnp.transpose(ctxc, (1, 0, 2))
    hsT_s[:] = jnp.transpose(hsc, (1, 0, 2))
    pc_s[:] = (jnp.dot(ctxc.reshape(T * Bc, H2), wac[:],
                       preferred_element_type=_F32)
               + ba_[:]).reshape(T, Bc, H2)
    q_s[:] = jnp.dot(hsc.reshape(T * Bc, H), wah[:],
                     preferred_element_type=_F32).reshape(T, Bc, H2)
    wayb = way[:].reshape(1, 1, H2)

    s_s[:, 0:1, :] = jnp.zeros((Bc, 1, T), _F32)

    def step(j, _):
        qk = q_s[pl.ds(j - 1, 1)]
        sc = jnp.sum(jnp.tanh(pc_s[:] + qk) * wayb, axis=-1)
        s_s[:, pl.ds(j, 1), :] = sc.T[:, None, :]
        return 0

    jax.lax.fori_loop(1, T, step, 0, unroll=16)

    e = jnp.exp(s_s[:])
    s_s[:] = e / jnp.sum(e, axis=-1, keepdims=True)

    for b in range(Bc):
        wc_s[b] = jnp.dot(s_s[b], ctxT_s[b], preferred_element_type=_F32)

    M = T * Bc
    wc2 = wc_s[:].reshape(M, H2)
    h2 = hsT_s[:].reshape(M, H)
    lfc = jnp.dot(wc2, wfc[:], preferred_element_type=_F32)
    fw = jax.nn.sigmoid(
        jnp.dot(lfc, wff[:], preferred_element_type=_F32)
        + jnp.dot(h2, wfh[:], preferred_element_type=_F32) + bfb[:])
    hf = lfc * fw + h2
    y2 = jnp.dot(hf, wy[:], preferred_element_type=_F32) + byb[:]
    y_ref[:] = y2.reshape(Bc, T, Y)


def _fused_tc(x, w1f, b_f, w2f, bh_f, w1b, b_b, w2b, bh_b,
              w1o, b_o, w2o, bh_o,
              Wa_c, ba, Wa_h, Wa_y, Wf_c, Wf_f, Wf_h, bf, Wy, by,
              interpret=False):
    T, B, H = x.shape
    H2 = 2 * H
    Y = Wy.shape[1]
    Bc = 8
    NC = B // Bc
    body = functools.partial(_fused_body, T, B, H, Y, Bc)
    full = lambda w: pl.BlockSpec(w.shape, lambda i: tuple(0 for _ in w.shape))
    return pl.pallas_call(
        body,
        grid=(NC,),
        in_specs=[
            pl.BlockSpec((T, B, H), lambda i: (0, 0, 0)),
            full(w1f), full(b_f), full(w2f), full(bh_f),
            full(w1b), full(b_b), full(w2b), full(bh_b),
            full(w1o), full(b_o), full(w2o), full(bh_o),
            full(Wa_c), full(ba), full(Wa_h), full(Wa_y),
            full(Wf_c), full(Wf_f), full(Wf_h), full(bf),
            full(Wy), full(by),
        ],
        out_specs=pl.BlockSpec((Bc, T, Y), lambda i: (i, 0, 0)),
        out_shape=jax.ShapeDtypeStruct((B, T, Y), _F32),
        scratch_shapes=[
            pltpu.VMEM((NC, T, Bc, H2), _F32),
            pltpu.VMEM((NC, T, Bc, H), _F32),
            pltpu.VMEM((Bc, T, H2), _F32),
            pltpu.VMEM((Bc, T, H), _F32),
            pltpu.VMEM((T, Bc, H2), _F32),
            pltpu.VMEM((T, Bc, H2), _F32),
            pltpu.VMEM((Bc, T, T), _F32),
            pltpu.VMEM((Bc, T, H2), _F32),
        ],
        compiler_params=pltpu.CompilerParams(
            vmem_limit_bytes=64 * 1024 * 1024),
        interpret=interpret,
    )(x, w1f, b_f, w2f, bh_f, w1b, b_b, w2b, bh_b, w1o, b_o, w2o, bh_o,
      Wa_c, ba, Wa_h, Wa_y, Wf_c, Wf_f, Wf_h, bf, Wy, by)


def kernel(inputs, We, Wx_f, Wh_f, b_f, Wxh_f, Whh_f, bh_f,
           Wx_b, Wh_b, b_b, Wxh_b, Whh_b, bh_b,
           Wx_o, Wh_o, b_o, Wxh_o, Whh_o, bh_o, Wy, by,
           Wa_h, Wa_c, ba, Wa_y, Wf_h, Wf_c, Wf_f, bf):
    T, B = inputs.shape
    H = We.shape[1]

    x = _gather_sc(We, inputs.reshape(T * B)).reshape(T, B, H)

    y_full = _fused_tc(
        x,
        jnp.concatenate([Wx_f, Wh_f], axis=0), b_f,
        jnp.concatenate([Wxh_f, Whh_f], axis=0), bh_f,
        jnp.concatenate([Wx_b, Wh_b], axis=0), b_b,
        jnp.concatenate([Wxh_b, Whh_b], axis=0), bh_b,
        jnp.concatenate([Wx_o, Wh_o], axis=0), b_o,
        jnp.concatenate([Wxh_o, Whh_o], axis=0), bh_o,
        Wa_c, ba, Wa_h, Wa_y.reshape(1, 2 * H), Wf_c, Wf_f, Wf_h, bf, Wy, by)
    return jnp.transpose(y_full[:, 1:, :], (1, 0, 2))

# --- scband reference (transcript-rebuilt; emitter-appended) ---
"""Pipeline reference for scband-gru-4269197492287 (READ-ONLY COPY).

The authoritative reference and input builder live on the scoring server;
editing this copy changes nothing except your own understanding.
"""

import jax, jax.numpy as jnp
import numpy as np

T, B, H, V, Y = 128, 64, 256, 100000, 51


def _glorot(key, i, o, shape=None):
    d = float(np.sqrt(6.0 / (i + o)))
    s = [i, o] if shape is None else shape
    return jax.random.uniform(key, s, minval=-d, maxval=d, dtype=jnp.float32)


def setup_inputs(seed: int = 0):
    key = jax.random.key(seed)
    ks = jax.random.split(key, 32)
    inp = {}
    inp["inputs"] = jax.random.randint(ks[0], (T, B), 0, V, dtype=jnp.int32)
    inp["We"] = _glorot(ks[1], V, H)
    inp["Wx_f"] = _glorot(ks[2], H, 2 * H)
    inp["Wh_f"] = _glorot(ks[3], H, 2 * H)
    inp["b_f"] = jnp.zeros((1, 2 * H), jnp.float32)
    inp["Wxh_f"] = _glorot(ks[4], H, H)
    inp["Whh_f"] = _glorot(ks[5], H, H)
    inp["bh_f"] = jnp.zeros((1, H), jnp.float32)
    inp["Wx_b"] = _glorot(ks[6], H, 2 * H)
    inp["Wh_b"] = _glorot(ks[7], H, 2 * H)
    inp["b_b"] = jnp.zeros((1, 2 * H), jnp.float32)
    inp["Wxh_b"] = _glorot(ks[8], H, H)
    inp["Whh_b"] = _glorot(ks[9], H, H)
    inp["bh_b"] = jnp.zeros((1, H), jnp.float32)
    inp["Wx_o"] = _glorot(ks[10], 2 * H, 2 * H)
    inp["Wh_o"] = _glorot(ks[11], H, 2 * H)
    inp["b_o"] = jnp.zeros((1, 2 * H), jnp.float32)
    inp["Wxh_o"] = _glorot(ks[12], 2 * H, H)
    inp["Whh_o"] = _glorot(ks[13], H, H)
    inp["bh_o"] = jnp.zeros((1, H), jnp.float32)
    inp["Wy"] = 0.02 * jax.random.normal(ks[14], (H, Y), dtype=jnp.float32)
    inp["by"] = jnp.zeros((1, Y), jnp.float32)
    inp["Wa_h"] = _glorot(ks[15], H, 2 * H)
    inp["Wa_c"] = _glorot(ks[16], 2 * H, 2 * H)
    inp["ba"] = jnp.zeros((1, 2 * H), jnp.float32)
    inp["Wa_y"] = _glorot(ks[17], 2 * H, 1, shape=[2 * H])
    inp["Wf_h"] = 0.02 * jax.random.normal(ks[18], (H, H), dtype=jnp.float32)
    inp["Wf_c"] = 0.02 * jax.random.normal(ks[19], (2 * H, H), dtype=jnp.float32)
    inp["Wf_f"] = 0.02 * jax.random.normal(ks[20], (H, H), dtype=jnp.float32)
    inp["bf"] = jnp.zeros((1, H), jnp.float32)
    return inp


def _gru_step(x, h, Wx, Wh, b, Wxh, Whh, bh):
    n = Whh.shape[0]
    rz = jax.nn.sigmoid(x @ Wx + h @ Wh + b)
    r = rz[:, :n]
    z = rz[:, n:2 * n]
    hc = jnp.tanh(x @ Wxh + (h * r) @ Whh + bh)
    return z * h + (1.0 - z) * hc


def _forward(inputs, We, Wx_f, Wh_f, b_f, Wxh_f, Whh_f, bh_f, Wx_b, Wh_b, b_b, Wxh_b, Whh_b, bh_b, Wx_o, Wh_o, b_o, Wxh_o, Whh_o, bh_o, Wy, by, Wa_h, Wa_c, ba, Wa_y, Wf_h, Wf_c, Wf_f, bf):
    Bn = inputs.shape[1]
    Hn = We.shape[1]
    Yn = Wy.shape[1]
    h0 = jnp.zeros((Bn, Hn), jnp.float32)
    x_f = jnp.take(We, inputs, axis=0)  # [T, B, H] embedding lookup
    x_b = x_f[::-1]

    def fwd_scan(carry, elems):
        hf, hb = carry
        ef, eb = elems
        hf2 = _gru_step(ef, hf, Wx_f, Wh_f, b_f, Wxh_f, Whh_f, bh_f)
        hb2 = _gru_step(eb, hb, Wx_b, Wh_b, b_b, Wxh_b, Whh_b, bh_b)
        return (hf2, hb2), (hf2, hb2)

    _, (h_f_t, h_b_t) = jax.lax.scan(fwd_scan, (h0, h0), (x_f, x_b))
    context = jnp.concatenate([h_f_t, h_b_t[::-1]], axis=2)  # [T, B, 2H]
    projected_context = context @ Wa_c + ba

    def out_scan(carry, x_t):
        h_tm1, hf_tm1, y_tm1 = carry
        h_a = jnp.tanh(projected_context + h_tm1 @ Wa_h)
        alphas = jnp.exp(jnp.einsum('tbd,d->tb', h_a, Wa_y))
        alphas = alphas / jnp.sum(alphas, axis=0, keepdims=True)
        weighted_context = jnp.sum(context * alphas[:, :, None], axis=0)
        h_t = _gru_step(x_t, h_tm1, Wx_o, Wh_o, b_o, Wxh_o, Whh_o, bh_o)
        lfc = weighted_context @ Wf_c
        fw = jax.nn.sigmoid(lfc @ Wf_f + h_t @ Wf_h + bf)
        hf_t = lfc * fw + h_t
        y_t = hf_t @ Wy + by
        return (h_t, hf_t, y_t), y_t

    init = (h0, h0, jnp.zeros((Bn, Yn), jnp.float32))
    _, y = jax.lax.scan(out_scan, init, context[1:])
    return y  # [T-1, B, Y]


def reference(inputs, We, Wx_f, Wh_f, b_f, Wxh_f, Whh_f, bh_f, Wx_b, Wh_b, b_b, Wxh_b, Whh_b, bh_b, Wx_o, Wh_o, b_o, Wxh_o, Whh_o, bh_o, Wy, by, Wa_h, Wa_c, ba, Wa_y, Wf_h, Wf_c, Wf_f, bf):
    return _forward(inputs, We, Wx_f, Wh_f, b_f, Wxh_f, Whh_f, bh_f, Wx_b, Wh_b, b_b, Wxh_b, Whh_b, bh_b, Wx_o, Wh_o, b_o, Wxh_o, Whh_o, bh_o, Wy, by, Wa_h, Wa_c, ba, Wa_y, Wf_h, Wf_c, Wf_f, bf)

if __name__ == "__main__":
    import jax
    _d = setup_inputs()
    print(jax.jit(kernel)(*tuple(_d.values())))

</pallas_src>

<mosaic_0001>
#map = affine_map<(d0, d1) -> (0, 0)>
module attributes {stable_mosaic.version = 14 : i64} {
  func.func @gather_kernel(%arg0: i32, %arg1: i32, %arg2: memref<100000x256xf32, #tpu.memory_space<hbm>>, %arg3: memref<1x8192xi32, #tpu.memory_space<hbm>>, %arg4: memref<8192x256xf32, #tpu.memory_space<hbm>>) attributes {dimension_semantics = [#tpu.dimension_semantics<core_parallel>, #tpu.dimension_semantics<subcore_parallel>], iteration_bounds = array<i64: 2, 16>, scalar_prefetch = 0 : i64, scratch_operands = 0 : i64, tpu.core_type = #tpu.core_type<sc_vector_subcore>, window_params = [{transform_indices = #map}, {transform_indices = #map}, {transform_indices = #map}]} {
    %mul3A = arith.constant 1 : i32
    %mul3A_0 = arith.muli %arg1, %mul3A : i32
    %add3A = arith.constant 0 : i32
    %add3A_1 = arith.addi %add3A, %mul3A_0 : i32
    %mul3A_2 = arith.constant 16 : i32
    %mul3A_3 = arith.muli %arg0, %mul3A_2 : i32
    %add3A_4 = arith.addi %add3A_1, %mul3A_3 : i32
    %mul3A_5 = arith.constant 2 : i32
    %mul3A_6 = arith.muli %add3A_4, %mul3A_5 : i32
    "tpu.region"() ({
      %run_scoped3A = memref.alloca() : memref<2x1x128xi32, #tpu.memory_space<vmem>>
      %run_scoped3A_7 = tpu.sem_alloc : memref<2x!tpu.dma_semaphore, #tpu.memory_space<semaphore_mem>>
      %run_scoped3A_8 = memref.alloca() : memref<2x128x256xf32, #tpu.memory_space<vmem>>
      %run_scoped3A_9 = tpu.sem_alloc : memref<2x!tpu.dma_semaphore, #tpu.memory_space<semaphore_mem>>
      %add3A_10 = arith.constant 0 : i32
      %add3A_11 = arith.addi %add3A_10, %mul3A_6 : i32
      %select_n3A = arith.constant true
      %select_n3A_12 = arith.constant 0 : i32
      %select_n3A_13 = arith.constant -1 : i32
      %select_n3A_14 = arith.select %select_n3A, %select_n3A_13, %select_n3A_12 : i32
      %eq3A = arith.constant -1 : i32
      %eq3A_15 = arith.cmpi eq, %select_n3A_14, %eq3A : i32
      %select_n3A_16 = arith.constant 1 : i32
      %select_n3A_17 = arith.select %eq3A_15, %select_n3A_16, %select_n3A_14 : i32
      %add3A_18 = arith.addi %select_n3A_17, %mul3A_6 : i32
      %select_n3A_19 = arith.constant true
      %select_n3A_20 = arith.constant 0 : i32
      %select_n3A_21 = arith.constant 1 : i32
      %select_n3A_22 = arith.select %select_n3A_19, %select_n3A_21, %select_n3A_20 : i32
      %eq3A_23 = arith.constant 2 : i32
      %eq3A_24 = arith.cmpi eq, %select_n3A_22, %eq3A_23 : i32
      %select_n3A_25 = arith.constant 0 : i32
      %select_n3A_26 = arith.select %eq3A_24, %select_n3A_25, %select_n3A_22 : i32
      %add3A_27 = arith.addi %select_n3A_26, %mul3A_6 : i32
      %add3A_28 = arith.constant 1 : i32
      %add3A_29 = arith.addi %select_n3A_26, %add3A_28 : i32
      %select_n3A_30 = arith.constant true
      %select_n3A_31 = arith.select %select_n3A_30, %add3A_29, %select_n3A_26 : i32
      %eq3A_32 = arith.constant 2 : i32
      %eq3A_33 = arith.cmpi eq, %select_n3A_31, %eq3A_32 : i32
      %select_n3A_34 = arith.constant 0 : i32
      %select_n3A_35 = arith.select %eq3A_33, %select_n3A_34, %select_n3A_31 : i32
      %add3A_36 = arith.addi %select_n3A_35, %mul3A_6 : i32
      "tpu.trace_start"() <{level = 10 : i32, message = "ep_initialize_0"}> : () -> ()
      %rem3A = arith.constant 0 : i32
      %rem3A_37 = arith.constant 2 : i32
      %rem3A_38 = arith.remui %rem3A, %rem3A_37 : i32
      %mul3A_39 = arith.constant 128 : i32
      %mul3A_40 = arith.muli %mul3A_39, %add3A_11 : i32
      %dma_start3A = arith.constant 0 : i32
      %dma_start3A_41 = arith.constant 0 : i32
      %dma_start3A_42 = tpu.memref_slice %run_scoped3A[%rem3A_38, %dma_start3A, %dma_start3A_41] : memref<2x1x128xi32, #tpu.memory_space<vmem>> -> memref<1x1x128xi32, #tpu.memory_space<vmem>>
      %dma_start3A_43 = tpu.memref_squeeze %dma_start3A_42 : memref<1x1x128xi32, #tpu.memory_space<vmem>> -> memref<1x128xi32, #tpu.memory_space<vmem>>
      %dma_start3A_44 = arith.constant 0 : i32
      %dma_start3A_45 = tpu.memref_slice %arg3[%dma_start3A_44, %mul3A_40] : memref<1x8192xi32, #tpu.memory_space<hbm>> -> memref<1x128xi32, #tpu.memory_space<hbm>>
      %dma_start3A_46 = tpu.memref_slice %run_scoped3A_7[%rem3A_38] : memref<2x!tpu.dma_semaphore, #tpu.memory_space<semaphore_mem>> -> memref<1x!tpu.dma_semaphore, #tpu.memory_space<semaphore_mem>>
      %dma_start3A_47 = tpu.memref_squeeze %dma_start3A_46 : memref<1x!tpu.dma_semaphore, #tpu.memory_space<semaphore_mem>> -> memref<!tpu.dma_semaphore, #tpu.memory_space<semaphore_mem>>
      %dma_start3A_48 = arith.constant 0 : i32
      %dma_start3A_49 = arith.constant 0 : i32
      %dma_start3A_50 = tpu.memref_slice %run_scoped3A[%rem3A_38, %dma_start3A_48, %dma_start3A_49] : memref<2x1x128xi32, #tpu.memory_space<vmem>> -> memref<1x1x128xi32, #tpu.memory_space<vmem>>
      %dma_start3A_51 = tpu.memref_squeeze %dma_start3A_50 : memref<1x1x128xi32, #tpu.memory_space<vmem>> -> memref<1x128xi32, #tpu.memory_space<vmem>>
      %dma_start3A_52 = arith.constant 0 : i32
      %dma_start3A_53 = tpu.memref_slice %arg3[%dma_start3A_52, %mul3A_40] : memref<1x8192xi32, #tpu.memory_space<hbm>> -> memref<1x128xi32, #tpu.memory_space<hbm>>
      tpu.enqueue_dma source(%dma_start3A_53 : memref<1x128xi32, #tpu.memory_space<hbm>>) target(%dma_start3A_51 : memref<1x128xi32, #tpu.memory_space<vmem>>) target_semaphore(%dma_start3A_47 : memref<!tpu.dma_semaphore, #tpu.memory_space<semaphore_mem>>)
      %add3A_54 = arith.constant 0 : i32
      %add3A_55 = arith.constant 1 : i32
      %add3A_56 = arith.addi %add3A_54, %add3A_55 : i32
      %select_n3A_57 = arith.constant true
      %select_n3A_58 = arith.constant 0 : i32
      %select_n3A_59 = arith.select %select_n3A_57, %add3A_56, %select_n3A_58 : i32
      "tpu.trace_stop"() : () -> ()
      %scan3A = arith.constant 0 : i32
      %scan3A_60 = arith.constant 0 : i32
      %scan3A_61 = arith.constant 0 : i32
      %scan3A_62 = arith.constant 0 : i32
      %scan3A_63 = arith.constant 0 : i32
      %scan3A_64 = arith.constant 2 : i32
      %scan3A_65 = arith.addi %scan3A_63, %scan3A_64 : i32
      %scan3A_66 = arith.constant 1 : i32
      %scan3A_67:5 = scf.for %scan3A_121 = %scan3A_63 to %scan3A_65 step %scan3A_66 iter_args(%scan3A_122 = %select_n3A_59, %scan3A_123 = %scan3A, %scan3A_124 = %scan3A_60, %scan3A_125 = %scan3A_61, %scan3A_126 = %scan3A_62) -> (i32, i32, i32, i32, i32)  : i32 {
        %eq3A_127 = arith.constant 0 : i32
        %eq3A_128 = arith.cmpi eq, %scan3A_121, %eq3A_127 : i32
        %eq3A_129 = arith.constant 1 : i32
        %eq3A_130 = arith.cmpi eq, %scan3A_121, %eq3A_129 : i32
        %add3A_131 = arith.addi %scan3A_126, %mul3A_6 : i32
        %sub3A_132 = arith.constant 1 : i32
        %sub3A_133 = arith.subi %scan3A_126, %sub3A_132 : i32
        %select_n3A_134 = arith.constant true
        %select_n3A_135 = arith.select %select_n3A_134, %sub3A_133, %scan3A_126 : i32
        %eq3A_136 = arith.constant -1 : i32
        %eq3A_137 = arith.cmpi eq, %select_n3A_135, %eq3A_136 : i32
        %select_n3A_138 = arith.constant 1 : i32
        %select_n3A_139 = arith.select %eq3A_137, %select_n3A_138, %select_n3A_135 : i32
        %add3A_140 = arith.addi %select_n3A_139, %mul3A_6 : i32
        %add3A_141 = arith.constant 1 : i32
        %add3A_142 = arith.addi %scan3A_126, %add3A_141 : i32
        %select_n3A_143 = arith.constant true
        %select_n3A_144 = arith.select %select_n3A_143, %add3A_142, %scan3A_126 : i32
        %eq3A_145 = arith.constant 2 : i32
        %eq3A_146 = arith.cmpi eq, %select_n3A_144, %eq3A_145 : i32
        %select_n3A_147 = arith.constant 0 : i32
        %select_n3A_148 = arith.select %eq3A_146, %select_n3A_147, %select_n3A_144 : i32
        %add3A_149 = arith.addi %select_n3A_148, %mul3A_6 : i32
        %add3A_150 = arith.constant 1 : i32
        %add3A_151 = arith.addi %select_n3A_148, %add3A_150 : i32
        %select_n3A_152 = arith.constant true
        %select_n3A_153 = arith.select %select_n3A_152, %add3A_151, %select_n3A_148 : i32
        %eq3A_154 = arith.constant 2 : i32
        %eq3A_155 = arith.cmpi eq, %select_n3A_153, %eq3A_154 : i32
        %select_n3A_156 = arith.constant 0 : i32
        %select_n3A_157 = arith.select %eq3A_155, %select_n3A_156, %select_n3A_153 : i32
        %add3A_158 = arith.addi %select_n3A_157, %mul3A_6 : i32
        %ne3A = arith.cmpi ne, %add3A_131, %add3A_149 : i32
        %or3A = arith.constant false
        %or3A_159 = arith.ori %or3A, %ne3A : i1
        %ge3A = arith.constant 1 : i32
        %ge3A_160 = arith.cmpi sge, %scan3A_121, %ge3A : i32
        %not3A = arith.constant true
        %not3A_161 = arith.xori %ge3A_160, %not3A : i1
        %and3A = arith.andi %or3A_159, %not3A_161 : i1
        %convert_element_type3A = arith.extui %and3A : i1 to i32
        %cond3A = arith.constant 0 : i32
        %cond3A_162 = arith.cmpi ne, %convert_element_type3A, %cond3A : i32
        scf.if %cond3A_162 {
          "tpu.trace_start"() <{level = 10 : i32, message = "ep_copy_in"}> : () -> ()
          %rem3A_264 = arith.constant 2 : i32
          %rem3A_265 = arith.remui %scan3A_122, %rem3A_264 : i32
          %mul3A_266 = arith.constant 128 : i32
          %mul3A_267 = arith.muli %mul3A_266, %add3A_149 : i32
          %dma_start3A_268 = arith.constant 0 : i32
          %dma_start3A_269 = arith.constant 0 : i32
          %dma_start3A_270 = tpu.memref_slice %run_scoped3A[%rem3A_265, %dma_start3A_268, %dma_start3A_269] : memref<2x1x128xi32, #tpu.memory_space<vmem>> -> memref<1x1x128xi32, #tpu.memory_space<vmem>>
          %dma_start3A_271 = tpu.memref_squeeze %dma_start3A_270 : memref<1x1x128xi32, #tpu.memory_space<vmem>> -> memref<1x128xi32, #tpu.memory_space<vmem>>
          %dma_start3A_272 = arith.constant 0 : i32
          %dma_start3A_273 = tpu.memref_slice %arg3[%dma_start3A_272, %mul3A_267] : memref<1x8192xi32, #tpu.memory_space<hbm>> -> memref<1x128xi32, #tpu.memory_space<hbm>>
          %dma_start3A_274 = tpu.memref_slice %run_scoped3A_7[%rem3A_265] : memref<2x!tpu.dma_semaphore, #tpu.memory_space<semaphore_mem>> -> memref<1x!tpu.dma_semaphore, #tpu.memory_space<semaphore_mem>>
          %dma_start3A_275 = tpu.memref_squeeze %dma_start3A_274 : memref<1x!tpu.dma_semaphore, #tpu.memory_space<semaphore_mem>> -> memref<!tpu.dma_semaphore, #tpu.memory_space<semaphore_mem>>
          %dma_start3A_276 = arith.constant 0 : i32
          %dma_start3A_277 = arith.constant 0 : i32
          %dma_start3A_278 = tpu.memref_slice %run_scoped3A[%rem3A_265, %dma_start3A_276, %dma_start3A_277] : memref<2x1x128xi32, #tpu.memory_space<vmem>> -> memref<1x1x128xi32, #tpu.memory_space<vmem>>
          %dma_start3A_279 = tpu.memref_squeeze %dma_start3A_278 : memref<1x1x128xi32, #tpu.memory_space<vmem>> -> memref<1x128xi32, #tpu.memory_space<vmem>>
          %dma_start3A_280 = arith.constant 0 : i32
          %dma_start3A_281 = tpu.memref_slice %arg3[%dma_start3A_280, %mul3A_267] : memref<1x8192xi32, #tpu.memory_space<hbm>> -> memref<1x128xi32, #tpu.memory_space<hbm>>
          tpu.enqueue_dma source(%dma_start3A_281 : memref<1x128xi32, #tpu.memory_space<hbm>>) target(%dma_start3A_279 : memref<1x128xi32, #tpu.memory_space<vmem>>) target_semaphore(%dma_start3A_275 : memref<!tpu.dma_semaphore, #tpu.memory_space<semaphore_mem>>)
          "tpu.trace_stop"() : () -> ()
        } else {
        }
        %and3A_163 = arith.constant true
        %and3A_164 = arith.andi %and3A, %and3A_163 : i1
        %add3A_165 = arith.constant 1 : i32
        %add3A_166 = arith.addi %scan3A_122, %add3A_165 : i32
        %select_n3A_167 = arith.select %and3A_164, %add3A_166, %scan3A_122 : i32
        %ne3A_168 = arith.cmpi ne, %add3A_131, %add3A_149 : i32
        %or3A_169 = arith.constant false
        %or3A_170 = arith.ori %or3A_169, %ne3A_168 : i1
        %or3A_171 = arith.constant false
        %or3A_172 = arith.ori %or3A_170, %or3A_171 : i1
        %ge3A_173 = arith.constant 1 : i32
        %ge3A_174 = arith.cmpi sge, %scan3A_121, %ge3A_173 : i32
        %not3A_175 = arith.constant true
        %not3A_176 = arith.xori %ge3A_174, %not3A_175 : i1
        %and3A_177 = arith.andi %or3A_172, %not3A_176 : i1
        %ne3A_178 = arith.cmpi ne, %add3A_131, %add3A_140 : i32
        %or3A_179 = arith.constant false
        %or3A_180 = arith.ori %or3A_179, %ne3A_178 : i1
        %or3A_181 = arith.ori %or3A_180, %eq3A_128 : i1
        %convert_element_type3A_182 = arith.extui %or3A_181 : i1 to i32
        %cond3A_183 = arith.constant 0 : i32
        %cond3A_184 = arith.cmpi ne, %convert_element_type3A_182, %cond3A_183 : i32
        scf.if %cond3A_184 {
          "tpu.trace_start"() <{level = 10 : i32, message = "ep_wait_in"}> : () -> ()
          %mul3A_264 = arith.constant 128 : i32
          %mul3A_265 = arith.muli %mul3A_264, %add3A_131 : i32
          %rem3A_266 = arith.constant 2 : i32
          %rem3A_267 = arith.remui %scan3A_123, %rem3A_266 : i32
          %dma_wait3A_268 = arith.constant 0 : i32
          %dma_wait3A_269 = arith.constant 0 : i32
          %dma_wait3A_270 = tpu.memref_slice %run_scoped3A[%rem3A_267, %dma_wait3A_268, %dma_wait3A_269] : memref<2x1x128xi32, #tpu.memory_space<vmem>> -> memref<1x1x128xi32, #tpu.memory_space<vmem>>
          %dma_wait3A_271 = tpu.memref_squeeze %dma_wait3A_270 : memref<1x1x128xi32, #tpu.memory_space<vmem>> -> memref<1x128xi32, #tpu.memory_space<vmem>>
          %dma_wait3A_272 = arith.constant 0 : i32
          %dma_wait3A_273 = tpu.memref_slice %arg3[%dma_wait3A_272, %mul3A_265] : memref<1x8192xi32, #tpu.memory_space<hbm>> -> memref<1x128xi32, #tpu.memory_space<hbm>>
          %dma_wait3A_274 = tpu.memref_slice %run_scoped3A_7[%rem3A_267] : memref<2x!tpu.dma_semaphore, #tpu.memory_space<semaphore_mem>> -> memref<1x!tpu.dma_semaphore, #tpu.memory_space<semaphore_mem>>
          %dma_wait3A_275 = tpu.memref_squeeze %dma_wait3A_274 : memref<1x!tpu.dma_semaphore, #tpu.memory_space<semaphore_mem>> -> memref<!tpu.dma_semaphore, #tpu.memory_space<semaphore_mem>>
          %dma_wait3A_276 = arith.constant 0 : i32
          %dma_wait3A_277 = arith.constant 0 : i32
          %dma_wait3A_278 = tpu.memref_slice %run_scoped3A[%rem3A_267, %dma_wait3A_276, %dma_wait3A_277] : memref<2x1x128xi32, #tpu.memory_space<vmem>> -> memref<1x1x128xi32, #tpu.memory_space<vmem>>
          %dma_wait3A_279 = tpu.memref_squeeze %dma_wait3A_278 : memref<1x1x128xi32, #tpu.memory_space<vmem>> -> memref<1x128xi32, #tpu.memory_space<vmem>>
          %dma_wait3A_280 = arith.constant 0 : i32
          %dma_wait3A_281 = tpu.memref_slice %arg3[%dma_wait3A_280, %mul3A_265] : memref<1x8192xi32, #tpu.memory_space<hbm>> -> memref<1x128xi32, #tpu.memory_space<hbm>>
          tpu.wait_dma2 semaphore(%dma_wait3A_275 : memref<!tpu.dma_semaphore, #tpu.memory_space<semaphore_mem>>) src(%dma_wait3A_281 : memref<1x128xi32, #tpu.memory_space<hbm>>) dst(%dma_wait3A_279 : memref<1x128xi32, #tpu.memory_space<vmem>>)
          "tpu.trace_stop"() : () -> ()
        } else {
        }
        %ne3A_185 = arith.cmpi ne, %add3A_131, %add3A_140 : i32
        %or3A_186 = arith.constant false
        %or3A_187 = arith.ori %or3A_186, %ne3A_185 : i1
        %or3A_188 = arith.constant false
        %or3A_189 = arith.ori %or3A_187, %or3A_188 : i1
        %or3A_190 = arith.ori %or3A_189, %eq3A_128 : i1
        %convert_element_type3A_191 = arith.extui %or3A_190 : i1 to i32
        %cond3A_192 = arith.constant 0 : i32
        %cond3A_193 = arith.cmpi ne, %convert_element_type3A_191, %cond3A_192 : i32
        scf.if %cond3A_193 {
        } else {
        }
        %rem3A_194 = arith.constant 2 : i32
        %rem3A_195 = arith.remui %scan3A_123, %rem3A_194 : i32
        %rem3A_196 = arith.constant 2 : i32
        %rem3A_197 = arith.remui %scan3A_124, %rem3A_196 : i32
        %run_scoped3A_198 = arith.constant 0 : i32
        "tpu.trace_start"() <{level = 10 : i32, message = "ep_run_kernel"}> : () -> ()
        "tpu.region"() ({
          %run_scoped3A_264 = tpu.sem_alloc : memref<!tpu.dma_semaphore, #tpu.memory_space<semaphore_mem>>
          %dma_start3A_265 = arith.constant 0 : i32
          %dma_start3A_266 = arith.constant 0 : i32
          %dma_start3A_267 = tpu.memref_slice %run_scoped3A_8[%rem3A_197, %dma_start3A_265, %dma_start3A_266] : memref<2x128x256xf32, #tpu.memory_space<vmem>> -> memref<1x128x256xf32, #tpu.memory_space<vmem>>
          %dma_start3A_268 = tpu.memref_squeeze %dma_start3A_267 : memref<1x128x256xf32, #tpu.memory_space<vmem>> -> memref<128x256xf32, #tpu.memory_space<vmem>>
          %dma_start3A_269 = arith.constant 0 : i32
          %dma_start3A_270 = arith.constant 0 : i32
          %dma_start3A_271 = tpu.memref_slice %run_scoped3A[%rem3A_195, %dma_start3A_269, %dma_start3A_270] : memref<2x1x128xi32, #tpu.memory_space<vmem>> -> memref<1x1x128xi32, #tpu.memory_space<vmem>>
          %dma_start3A_272 = tpu.memref_squeeze %dma_start3A_271 : memref<1x1x128xi32, #tpu.memory_space<vmem>> -> memref<1x128xi32, #tpu.memory_space<vmem>>
          %dma_start3A_273 = arith.constant 0 : i32
          %dma_start3A_274 = tpu.memref_slice %dma_start3A_272[%run_scoped3A_198, %dma_start3A_273] : memref<1x128xi32, #tpu.memory_space<vmem>> -> memref<1x128xi32, #tpu.memory_space<vmem>>
          %dma_start3A_275 = tpu.memref_squeeze %dma_start3A_274 : memref<1x128xi32, #tpu.memory_space<vmem>> -> memref<128xi32, #tpu.memory_space<vmem>>
          %dma_start3A_276 = arith.constant 0 : i32
          %dma_start3A_277 = arith.constant 0 : i32
          %dma_start3A_278 = tpu.memref_slice %arg2[%dma_start3A_276, %dma_start3A_277] : memref<100000x256xf32, #tpu.memory_space<hbm>> -> memref<100000x256xf32, #tpu.memory_space<hbm>>
          tpu.enqueue_indirect_dma source(%dma_start3A_278 : memref<100000x256xf32, #tpu.memory_space<hbm>>) target(%dma_start3A_268 : memref<128x256xf32, #tpu.memory_space<vmem>>) offsets(%dma_start3A_275 : memref<128xi32, #tpu.memory_space<vmem>>) semaphore(%run_scoped3A_264 : memref<!tpu.dma_semaphore, #tpu.memory_space<semaphore_mem>>)
          %dma_wait3A_279 = arith.constant 0 : i32
          %dma_wait3A_280 = arith.constant 0 : i32
          %dma_wait3A_281 = tpu.memref_slice %run_scoped3A_8[%rem3A_197, %dma_wait3A_279, %dma_wait3A_280] : memref<2x128x256xf32, #tpu.memory_space<vmem>> -> memref<1x128x256xf32, #tpu.memory_space<vmem>>
          %dma_wait3A_282 = tpu.memref_squeeze %dma_wait3A_281 : memref<1x128x256xf32, #tpu.memory_space<vmem>> -> memref<128x256xf32, #tpu.memory_space<vmem>>
          %dma_wait3A_283 = arith.constant 0 : i32
          %dma_wait3A_284 = arith.constant 0 : i32
          %dma_wait3A_285 = tpu.memref_slice %run_scoped3A[%rem3A_195, %dma_wait3A_283, %dma_wait3A_284] : memref<2x1x128xi32, #tpu.memory_space<vmem>> -> memref<1x1x128xi32, #tpu.memory_space<vmem>>
          %dma_wait3A_286 = tpu.memref_squeeze %dma_wait3A_285 : memref<1x1x128xi32, #tpu.memory_space<vmem>> -> memref<1x128xi32, #tpu.memory_space<vmem>>
          %dma_wait3A_287 = arith.constant 0 : i32
          %dma_wait3A_288 = tpu.memref_slice %dma_wait3A_286[%run_scoped3A_198, %dma_wait3A_287] : memref<1x128xi32, #tpu.memory_space<vmem>> -> memref<1x128xi32, #tpu.memory_space<vmem>>
          %dma_wait3A_289 = tpu.memref_squeeze %dma_wait3A_288 : memref<1x128xi32, #tpu.memory_space<vmem>> -> memref<128xi32, #tpu.memory_space<vmem>>
          %dma_wait3A_290 = arith.constant 0 : i32
          %dma_wait3A_291 = arith.constant 0 : i32
          %dma_wait3A_292 = tpu.memref_slice %arg2[%dma_wait3A_290, %dma_wait3A_291] : memref<100000x256xf32, #tpu.memory_space<hbm>> -> memref<100000x256xf32, #tpu.memory_space<hbm>>
          tpu.wait_indirect_dma semaphore(%run_scoped3A_264 : memref<!tpu.dma_semaphore, #tpu.memory_space<semaphore_mem>>) src(%dma_wait3A_292 : memref<100000x256xf32, #tpu.memory_space<hbm>>) dst(%dma_wait3A_282 : memref<128x256xf32, #tpu.memory_space<vmem>>)
          tpu.yield
        }) : () -> ()
        "tpu.trace_stop"() : () -> ()
        %ne3A_199 = arith.cmpi ne, %add3A_131, %add3A_149 : i32
        %or3A_200 = arith.constant false
        %or3A_201 = arith.ori %or3A_200, %ne3A_199 : i1
        %or3A_202 = arith.ori %or3A_201, %eq3A_130 : i1
        %convert_element_type3A_203 = arith.extui %or3A_202 : i1 to i32
        %cond3A_204 = arith.constant 0 : i32
        %cond3A_205 = arith.cmpi ne, %convert_element_type3A_203, %cond3A_204 : i32
        scf.if %cond3A_205 {
        } else {
        }
        %and3A_206 = arith.constant false
        %and3A_207 = arith.andi %or3A_202, %and3A_206 : i1
        %ne3A_208 = arith.cmpi ne, %add3A_131, %add3A_149 : i32
        %or3A_209 = arith.constant false
        %or3A_210 = arith.ori %or3A_209, %ne3A_208 : i1
        %or3A_211 = arith.constant false
        %or3A_212 = arith.ori %or3A_210, %or3A_211 : i1
        %or3A_213 = arith.ori %or3A_212, %eq3A_130 : i1
        %convert_element_type3A_214 = arith.extui %or3A_213 : i1 to i32
        %cond3A_215 = arith.constant 0 : i32
        %cond3A_216 = arith.cmpi ne, %convert_element_type3A_214, %cond3A_215 : i32
        scf.if %cond3A_216 {
          "tpu.trace_start"() <{level = 10 : i32, message = "ep_copy_out"}> : () -> ()
          %rem3A_264 = arith.constant 2 : i32
          %rem3A_265 = arith.remui %scan3A_124, %rem3A_264 : i32
          %mul3A_266 = arith.constant 128 : i32
          %mul3A_267 = arith.muli %mul3A_266, %add3A_131 : i32
          %dma_start3A_268 = arith.constant 0 : i32
          %dma_start3A_269 = arith.constant 0 : i32
          %dma_start3A_270 = tpu.memref_slice %run_scoped3A_8[%rem3A_265, %dma_start3A_268, %dma_start3A_269] : memref<2x128x256xf32, #tpu.memory_space<vmem>> -> memref<1x128x256xf32, #tpu.memory_space<vmem>>
          %dma_start3A_271 = tpu.memref_squeeze %dma_start3A_270 : memref<1x128x256xf32, #tpu.memory_space<vmem>> -> memref<128x256xf32, #tpu.memory_space<vmem>>
          %dma_start3A_272 = arith.constant 0 : i32
          %dma_start3A_273 = tpu.memref_slice %arg4[%mul3A_267, %dma_start3A_272] : memref<8192x256xf32, #tpu.memory_space<hbm>> -> memref<128x256xf32, #tpu.memory_space<hbm>>
          %dma_start3A_274 = tpu.memref_slice %run_scoped3A_9[%rem3A_265] : memref<2x!tpu.dma_semaphore, #tpu.memory_space<semaphore_mem>> -> memref<1x!tpu.dma_semaphore, #tpu.memory_space<semaphore_mem>>
          %dma_start3A_275 = tpu.memref_squeeze %dma_start3A_274 : memref<1x!tpu.dma_semaphore, #tpu.memory_space<semaphore_mem>> -> memref<!tpu.dma_semaphore, #tpu.memory_space<semaphore_mem>>
          %dma_start3A_276 = arith.constant 0 : i32
          %dma_start3A_277 = tpu.memref_slice %arg4[%mul3A_267, %dma_start3A_276] : memref<8192x256xf32, #tpu.memory_space<hbm>> -> memref<128x256xf32, #tpu.memory_space<hbm>>
          %dma_start3A_278 = arith.constant 0 : i32
          %dma_start3A_279 = arith.constant 0 : i32
          %dma_start3A_280 = tpu.memref_slice %run_scoped3A_8[%rem3A_265, %dma_start3A_278, %dma_start3A_279] : memref<2x128x256xf32, #tpu.memory_space<vmem>> -> memref<1x128x256xf32, #tpu.memory_space<vmem>>
          %dma_start3A_281 = tpu.memref_squeeze %dma_start3A_280 : memref<1x128x256xf32, #tpu.memory_space<vmem>> -> memref<128x256xf32, #tpu.memory_space<vmem>>
          tpu.enqueue_dma source(%dma_start3A_281 : memref<128x256xf32, #tpu.memory_space<vmem>>) target(%dma_start3A_277 : memref<128x256xf32, #tpu.memory_space<hbm>>) target_semaphore(%dma_start3A_275 : memref<!tpu.dma_semaphore, #tpu.memory_space<semaphore_mem>>)
          "tpu.trace_stop"() : () -> ()
        } else {
        }
        %and3A_217 = arith.constant true
        %and3A_218 = arith.andi %or3A_213, %and3A_217 : i1
        %add3A_219 = arith.constant 1 : i32
        %add3A_220 = arith.addi %scan3A_124, %add3A_219 : i32
        %select_n3A_221 = arith.select %and3A_218, %add3A_220, %scan3A_124 : i32
        %ne3A_222 = arith.cmpi ne, %add3A_131, %add3A_140 : i32
        %or3A_223 = arith.constant false
        %or3A_224 = arith.ori %or3A_223, %ne3A_222 : i1
        %not3A_225 = arith.constant true
        %not3A_226 = arith.xori %eq3A_128, %not3A_225 : i1
        %and3A_227 = arith.andi %or3A_224, %not3A_226 : i1
        %convert_element_type3A_228 = arith.extui %and3A_227 : i1 to i32
        %cond3A_229 = arith.constant 0 : i32
        %cond3A_230 = arith.cmpi ne, %convert_element_type3A_228, %cond3A_229 : i32
        scf.if %cond3A_230 {
        } else {
        }
        %and3A_231 = arith.constant false
        %and3A_232 = arith.andi %and3A_227, %and3A_231 : i1
        %ne3A_233 = arith.cmpi ne, %add3A_131, %add3A_140 : i32
        %or3A_234 = arith.constant false
        %or3A_235 = arith.ori %or3A_234, %ne3A_233 : i1
        %or3A_236 = arith.constant false
        %or3A_237 = arith.ori %or3A_235, %or3A_236 : i1
        %not3A_238 = arith.constant true
        %not3A_239 = arith.xori %eq3A_128, %not3A_238 : i1
        %and3A_240 = arith.andi %or3A_237, %not3A_239 : i1
        %convert_element_type3A_241 = arith.extui %and3A_240 : i1 to i32
        %cond3A_242 = arith.constant 0 : i32
        %cond3A_243 = arith.cmpi ne, %convert_element_type3A_241, %cond3A_242 : i32
        scf.if %cond3A_243 {
          "tpu.trace_start"() <{level = 10 : i32, message = "ep_wait_out"}> : () -> ()
          %rem3A_264 = arith.constant 2 : i32
          %rem3A_265 = arith.remui %scan3A_125, %rem3A_264 : i32
          %mul3A_266 = arith.constant 128 : i32
          %mul3A_267 = arith.muli %mul3A_266, %add3A_140 : i32
          %dma_wait3A_268 = arith.constant 0 : i32
          %dma_wait3A_269 = arith.constant 0 : i32
          %dma_wait3A_270 = tpu.memref_slice %run_scoped3A_8[%rem3A_265, %dma_wait3A_268, %dma_wait3A_269] : memref<2x128x256xf32, #tpu.memory_space<vmem>> -> memref<1x128x256xf32, #tpu.memory_space<vmem>>
          %dma_wait3A_271 = tpu.memref_squeeze %dma_wait3A_270 : memref<1x128x256xf32, #tpu.memory_space<vmem>> -> memref<128x256xf32, #tpu.memory_space<vmem>>
          %dma_wait3A_272 = arith.constant 0 : i32
          %dma_wait3A_273 = tpu.memref_slice %arg4[%mul3A_267, %dma_wait3A_272] : memref<8192x256xf32, #tpu.memory_space<hbm>> -> memref<128x256xf32, #tpu.memory_space<hbm>>
          %dma_wait3A_274 = tpu.memref_slice %run_scoped3A_9[%rem3A_265] : memref<2x!tpu.dma_semaphore, #tpu.memory_space<semaphore_mem>> -> memref<1x!tpu.dma_semaphore, #tpu.memory_space<semaphore_mem>>
          %dma_wait3A_275 = tpu.memref_squeeze %dma_wait3A_274 : memref<1x!tpu.dma_semaphore, #tpu.memory_space<semaphore_mem>> -> memref<!tpu.dma_semaphore, #tpu.memory_space<semaphore_mem>>
          %dma_wait3A_276 = arith.constant 0 : i32
          %dma_wait3A_277 = tpu.memref_slice %arg4[%mul3A_267, %dma_wait3A_276] : memref<8192x256xf32, #tpu.memory_space<hbm>> -> memref<128x256xf32, #tpu.memory_space<hbm>>
          %dma_wait3A_278 = arith.constant 0 : i32
          %dma_wait3A_279 = arith.constant 0 : i32
          %dma_wait3A_280 = tpu.memref_slice %run_scoped3A_8[%rem3A_265, %dma_wait3A_278, %dma_wait3A_279] : memref<2x128x256xf32, #tpu.memory_space<vmem>> -> memref<1x128x256xf32, #tpu.memory_space<vmem>>
          %dma_wait3A_281 = tpu.memref_squeeze %dma_wait3A_280 : memref<1x128x256xf32, #tpu.memory_space<vmem>> -> memref<128x256xf32, #tpu.memory_space<vmem>>
          tpu.wait_dma2 semaphore(%dma_wait3A_275 : memref<!tpu.dma_semaphore, #tpu.memory_space<semaphore_mem>>) src(%dma_wait3A_281 : memref<128x256xf32, #tpu.memory_space<vmem>>) dst(%dma_wait3A_277 : memref<128x256xf32, #tpu.memory_space<hbm>>)
          "tpu.trace_stop"() : () -> ()
        } else {
        }
        %and3A_244 = arith.constant true
        %and3A_245 = arith.andi %and3A_240, %and3A_244 : i1
        %add3A_246 = arith.constant 1 : i32
        %add3A_247 = arith.addi %scan3A_125, %add3A_246 : i32
        %select_n3A_248 = arith.select %and3A_245, %add3A_247, %scan3A_125 : i32
        %ne3A_249 = arith.cmpi ne, %add3A_131, %add3A_149 : i32
        %or3A_250 = arith.constant false
        %or3A_251 = arith.ori %or3A_250, %ne3A_249 : i1
        %or3A_252 = arith.ori %or3A_251, %eq3A_130 : i1
        %add3A_253 = arith.constant 1 : i32
        %add3A_254 = arith.addi %scan3A_123, %add3A_253 : i32
        %select_n3A_255 = arith.select %or3A_252, %add3A_254, %scan3A_123 : i32
        %add3A_256 = arith.constant 1 : i32
        %add3A_257 = arith.addi %scan3A_126, %add3A_256 : i32
        %select_n3A_258 = arith.constant true
        %select_n3A_259 = arith.select %select_n3A_258, %add3A_257, %scan3A_126 : i32
        %eq3A_260 = arith.constant 2 : i32
        %eq3A_261 = arith.cmpi eq, %select_n3A_259, %eq3A_260 : i32
        %select_n3A_262 = arith.constant 0 : i32
        %select_n3A_263 = arith.select %eq3A_261, %select_n3A_262, %select_n3A_259 : i32
        scf.yield %select_n3A_167, %select_n3A_255, %select_n3A_221, %select_n3A_248, %select_n3A_263 : i32, i32, i32, i32, i32
      }
      %scan3A_68 = arith.constant 2 : i32
      %sub3A = arith.constant 1 : i32
      %sub3A_69 = arith.subi %scan3A_67#4, %sub3A : i32
      %select_n3A_70 = arith.constant true
      %select_n3A_71 = arith.select %select_n3A_70, %sub3A_69, %scan3A_67#4 : i32
      %eq3A_72 = arith.constant -1 : i32
      %eq3A_73 = arith.cmpi eq, %select_n3A_71, %eq3A_72 : i32
      %select_n3A_74 = arith.constant 1 : i32
      %select_n3A_75 = arith.select %eq3A_73, %select_n3A_74, %select_n3A_71 : i32
      %add3A_76 = arith.addi %select_n3A_75, %mul3A_6 : i32
      %sub3A_77 = arith.constant 1 : i32
      %sub3A_78 = arith.subi %select_n3A_75, %sub3A_77 : i32
      %select_n3A_79 = arith.constant true
      %select_n3A_80 = arith.select %select_n3A_79, %sub3A_78, %select_n3A_75 : i32
      %eq3A_81 = arith.constant -1 : i32
      %eq3A_82 = arith.cmpi eq, %select_n3A_80, %eq3A_81 : i32
      %select_n3A_83 = arith.constant 1 : i32
      %select_n3A_84 = arith.select %eq3A_82, %select_n3A_83, %select_n3A_80 : i32
      %add3A_85 = arith.addi %select_n3A_84, %mul3A_6 : i32
      %add3A_86 = arith.constant 1 : i32
      %add3A_87 = arith.addi %select_n3A_75, %add3A_86 : i32
      %select_n3A_88 = arith.constant true
      %select_n3A_89 = arith.select %select_n3A_88, %add3A_87, %select_n3A_75 : i32
      %eq3A_90 = arith.constant 2 : i32
      %eq3A_91 = arith.cmpi eq, %select_n3A_89, %eq3A_90 : i32
      %select_n3A_92 = arith.constant 0 : i32
      %select_n3A_93 = arith.select %eq3A_91, %select_n3A_92, %select_n3A_89 : i32
      %add3A_94 = arith.addi %select_n3A_93, %mul3A_6 : i32
      %add3A_95 = arith.constant 1 : i32
      %add3A_96 = arith.addi %select_n3A_93, %add3A_95 : i32
      %select_n3A_97 = arith.constant true
      %select_n3A_98 = arith.select %select_n3A_97, %add3A_96, %select_n3A_93 : i32
      %eq3A_99 = arith.constant 2 : i32
      %eq3A_100 = arith.cmpi eq, %select_n3A_98, %eq3A_99 : i32
      %select_n3A_101 = arith.constant 0 : i32
      %select_n3A_102 = arith.select %eq3A_100, %select_n3A_101, %select_n3A_98 : i32
      %add3A_103 = arith.addi %select_n3A_102, %mul3A_6 : i32
      "tpu.trace_start"() <{level = 10 : i32, message = "ep_finalize"}> : () -> ()
      %rem3A_104 = arith.constant 2 : i32
      %rem3A_105 = arith.remui %scan3A_67#3, %rem3A_104 : i32
      %mul3A_106 = arith.constant 128 : i32
      %mul3A_107 = arith.muli %mul3A_106, %add3A_76 : i32
      %dma_wait3A = arith.constant 0 : i32
      %dma_wait3A_108 = arith.constant 0 : i32
      %dma_wait3A_109 = tpu.memref_slice %run_scoped3A_8[%rem3A_105, %dma_wait3A, %dma_wait3A_108] : memref<2x128x256xf32, #tpu.memory_space<vmem>> -> memref<1x128x256xf32, #tpu.memory_space<vmem>>
      %dma_wait3A_110 = tpu.memref_squeeze %dma_wait3A_109 : memref<1x128x256xf32, #tpu.memory_space<vmem>> -> memref<128x256xf32, #tpu.memory_space<vmem>>
      %dma_wait3A_111 = arith.constant 0 : i32
      %dma_wait3A_112 = tpu.memref_slice %arg4[%mul3A_107, %dma_wait3A_111] : memref<8192x256xf32, #tpu.memory_space<hbm>> -> memref<128x256xf32, #tpu.memory_space<hbm>>
      %dma_wait3A_113 = tpu.memref_slice %run_scoped3A_9[%rem3A_105] : memref<2x!tpu.dma_semaphore, #tpu.memory_space<semaphore_mem>> -> memref<1x!tpu.dma_semaphore, #tpu.memory_space<semaphore_mem>>
      %dma_wait3A_114 = tpu.memref_squeeze %dma_wait3A_113 : memref<1x!tpu.dma_semaphore, #tpu.memory_space<semaphore_mem>> -> memref<!tpu.dma_semaphore, #tpu.memory_space<semaphore_mem>>
      %dma_wait3A_115 = arith.constant 0 : i32
      %dma_wait3A_116 = tpu.memref_slice %arg4[%mul3A_107, %dma_wait3A_115] : memref<8192x256xf32, #tpu.memory_space<hbm>> -> memref<128x256xf32, #tpu.memory_space<hbm>>
      %dma_wait3A_117 = arith.constant 0 : i32
      %dma_wait3A_118 = arith.constant 0 : i32
      %dma_wait3A_119 = tpu.memref_slice %run_scoped3A_8[%rem3A_105, %dma_wait3A_117, %dma_wait3A_118] : memref<2x128x256xf32, #tpu.memory_space<vmem>> -> memref<1x128x256xf32, #tpu.memory_space<vmem>>
      %dma_wait3A_120 = tpu.memref_squeeze %dma_wait3A_119 : memref<1x128x256xf32, #tpu.memory_space<vmem>> -> memref<128x256xf32, #tpu.memory_space<vmem>>
      tpu.wait_dma2 semaphore(%dma_wait3A_114 : memref<!tpu.dma_semaphore, #tpu.memory_space<semaphore_mem>>) src(%dma_wait3A_120 : memref<128x256xf32, #tpu.memory_space<vmem>>) dst(%dma_wait3A_116 : memref<128x256xf32, #tpu.memory_space<hbm>>)
      "tpu.trace_stop"() : () -> ()
      tpu.yield
    }) : () -> ()
    return
  }
}

module attributes {stable_mosaic.version = 14 : i64} {
  func.func @_fused_body(%arg0: i32, %arg1: memref<128x64x256xf32, #tpu.memory_space<vmem>>, %arg2: memref<512x512xf32, #tpu.memory_space<vmem>>, %arg3: memref<1x512xf32, #tpu.memory_space<vmem>>, %arg4: memref<512x256xf32, #tpu.memory_space<vmem>>, %arg5: memref<1x256xf32, #tpu.memory_space<vmem>>, %arg6: memref<512x512xf32, #tpu.memory_space<vmem>>, %arg7: memref<1x512xf32, #tpu.memory_space<vmem>>, %arg8: memref<512x256xf32, #tpu.memory_space<vmem>>, %arg9: memref<1x256xf32, #tpu.memory_space<vmem>>, %arg10: memref<768x512xf32, #tpu.memory_space<vmem>>, %arg11: memref<1x512xf32, #tpu.memory_space<vmem>>, %arg12: memref<768x256xf32, #tpu.memory_space<vmem>>, %arg13: memref<1x256xf32, #tpu.memory_space<vmem>>, %arg14: memref<512x512xf32, #tpu.memory_space<vmem>>, %arg15: memref<1x512xf32, #tpu.memory_space<vmem>>, %arg16: memref<256x512xf32, #tpu.memory_space<vmem>>, %arg17: memref<1x512xf32, #tpu.memory_space<vmem>>, %arg18: memref<512x256xf32, #tpu.memory_space<vmem>>, %arg19: memref<256x256xf32, #tpu.memory_space<vmem>>, %arg20: memref<256x256xf32, #tpu.memory_space<vmem>>, %arg21: memref<1x256xf32, #tpu.memory_space<vmem>>, %arg22: memref<256x51xf32, #tpu.memory_space<vmem>>, %arg23: memref<1x51xf32, #tpu.memory_space<vmem>>, %arg24: memref<8x128x51xf32, #tpu.memory_space<vmem>>, %arg25: memref<8x128x8x512xf32, #tpu.memory_space<vmem>>, %arg26: memref<8x128x8x256xf32, #tpu.memory_space<vmem>>, %arg27: memref<8x128x512xf32, #tpu.memory_space<vmem>>, %arg28: memref<8x128x256xf32, #tpu.memory_space<vmem>>, %arg29: memref<128x8x512xf32, #tpu.memory_space<vmem>>, %arg30: memref<128x8x512xf32, #tpu.memory_space<vmem>>, %arg31: memref<8x128x128xf32, #tpu.memory_space<vmem>>, %arg32: memref<8x128x512xf32, #tpu.memory_space<vmem>>) attributes {dimension_semantics = [#tpu.dimension_semantics<arbitrary>], iteration_bounds = array<i64: 8>, scalar_prefetch = 0 : i64, scratch_operands = 8 : i64, tpu.core_type = #tpu.core_type<tc>, window_params = [{pipeline_mode = #tpu.pipeline_mode<synchronous>, transform_indices = @transform_0, window_bounds = array<i64: 128, 64, 256>}, {pipeline_mode = #tpu.pipeline_mode<synchronous>, transform_indices = @transform_1, window_bounds = array<i64: 512, 512>}, {pipeline_mode = #tpu.pipeline_mode<synchronous>, transform_indices = @transform_2, window_bounds = array<i64: 1, 512>}, {pipeline_mode = #tpu.pipeline_mode<synchronous>, transform_indices = @transform_3, window_bounds = array<i64: 512, 256>}, {pipeline_mode = #tpu.pipeline_mode<synchronous>, transform_indices = @transform_4, window_bounds = array<i64: 1, 256>}, {pipeline_mode = #tpu.pipeline_mode<synchronous>, transform_indices = @transform_5, window_bounds = array<i64: 512, 512>}, {pipeline_mode = #tpu.pipeline_mode<synchronous>, transform_indices = @transform_6, window_bounds = array<i64: 1, 512>}, {pipeline_mode = #tpu.pipeline_mode<synchronous>, transform_indices = @transform_7, window_bounds = array<i64: 512, 256>}, {pipeline_mode = #tpu.pipeline_mode<synchronous>, transform_indices = @transform_8, window_bounds = array<i64: 1, 256>}, {pipeline_mode = #tpu.pipeline_mode<synchronous>, transform_indices = @transform_9, window_bounds = array<i64: 768, 512>}, {pipeline_mode = #tpu.pipeline_mode<synchronous>, transform_indices = @transform_10, window_bounds = array<i64: 1, 512>}, {pipeline_mode = #tpu.pipeline_mode<synchronous>, transform_indices = @transform_11, window_bounds = array<i64: 768, 256>}, {pipeline_mode = #tpu.pipeline_mode<synchronous>, transform_indices = @transform_12, window_bounds = array<i64: 1, 256>}, {pipeline_mode = #tpu.pipeline_mode<synchronous>, transform_indices = @transform_13, window_bounds = array<i64: 512, 512>}, {pipeline_mode = #tpu.pipeline_mode<synchronous>, transform_indices = @transform_14, window_bounds = array<i64: 1, 512>}, {pipeline_mode = #tpu.pipeline_mode<synchronous>, transform_indices = @transform_15, window_bounds = array<i64: 256, 512>}, {pipeline_mode = #tpu.pipeline_mode<synchronous>, transform_indices = @transform_16, window_bounds = array<i64: 1, 512>}, {pipeline_mode = #tpu.pipeline_mode<synchronous>, transform_indices = @transform_17, window_bounds = array<i64: 512, 256>}, {pipeline_mode = #tpu.pipeline_mode<synchronous>, transform_indices = @transform_18, window_bounds = array<i64: 256, 256>}, {pipeline_mode = #tpu.pipeline_mode<synchronous>, transform_indices = @transform_19, window_bounds = array<i64: 256, 256>}, {pipeline_mode = #tpu.pipeline_mode<synchronous>, transform_indices = @transform_20, window_bounds = array<i64: 1, 256>}, {pipeline_mode = #tpu.pipeline_mode<synchronous>, transform_indices = @transform_21, window_bounds = array<i64: 256, 51>}, {pipeline_mode = #tpu.pipeline_mode<synchronous>, transform_indices = @transform_22, window_bounds = array<i64: 1, 51>}, {transform_indices = @transform_23, window_bounds = array<i64: 8, 128, 51>}]} {
    %eq3A = arith.constant 0 : i32
    %eq3A_0 = arith.cmpi eq, %arg0, %eq3A : i32
    %convert_element_type3A = arith.extui %eq3A_0 : i1 to i32
    %cond3A = arith.constant 0 : i32
    %cond3A_1 = arith.cmpi ne, %convert_element_type3A, %cond3A : i32
    scf.if %cond3A_1 {
      %broadcast_in_dim3A_638 = arith.constant 0.000000e+00 : f32
      %broadcast_in_dim3A_639 = vector.broadcast %broadcast_in_dim3A_638 : f32 to vector<64x256xf32>
      %get3A_640 = arith.constant 0 : index
      %get3A_641 = arith.constant 0 : index
      %get3A_642 = vector.load %arg2[%get3A_640, %get3A_641] : memref<512x512xf32, #tpu.memory_space<vmem>>, vector<512x512xf32>
      %get3A_643 = arith.constant 0 : index
      %get3A_644 = arith.constant 0 : index
      %get3A_645 = vector.load %arg3[%get3A_643, %get3A_644] : memref<1x512xf32, #tpu.memory_space<vmem>>, vector<1x512xf32>
      %get3A_646 = arith.constant 0 : index
      %get3A_647 = arith.constant 0 : index
      %get3A_648 = vector.load %arg4[%get3A_646, %get3A_647] : memref<512x256xf32, #tpu.memory_space<vmem>>, vector<512x256xf32>
      %get3A_649 = arith.constant 0 : index
      %get3A_650 = arith.constant 0 : index
      %get3A_651 = vector.load %arg5[%get3A_649, %get3A_650] : memref<1x256xf32, #tpu.memory_space<vmem>>, vector<1x256xf32>
      %get3A_652 = arith.constant 0 : index
      %get3A_653 = arith.constant 0 : index
      %get3A_654 = vector.load %arg6[%get3A_652, %get3A_653] : memref<512x512xf32, #tpu.memory_space<vmem>>, vector<512x512xf32>
      %get3A_655 = arith.constant 0 : index
      %get3A_656 = arith.constant 0 : index
      %get3A_657 = vector.load %arg7[%get3A_655, %get3A_656] : memref<1x512xf32, #tpu.memory_space<vmem>>, vector<1x512xf32>
      %get3A_658 = arith.constant 0 : index
      %get3A_659 = arith.constant 0 : index
      %get3A_660 = vector.load %arg8[%get3A_658, %get3A_659] : memref<512x256xf32, #tpu.memory_space<vmem>>, vector<512x256xf32>
      %get3A_661 = arith.constant 0 : index
      %get3A_662 = arith.constant 0 : index
      %get3A_663 = vector.load %arg9[%get3A_661, %get3A_662] : memref<1x256xf32, #tpu.memory_space<vmem>>, vector<1x256xf32>
      %scan3A_664 = arith.constant 0 : i32
      %scan3A_665 = arith.constant 128 : i32
      %scan3A_666 = arith.addi %scan3A_664, %scan3A_665 : i32
      %scan3A_667 = arith.constant 16 : i32
      %scan3A_668:2 = scf.for %scan3A_1293 = %scan3A_664 to %scan3A_666 step %scan3A_667 iter_args(%scan3A_1294 = %broadcast_in_dim3A_639, %scan3A_1295 = %broadcast_in_dim3A_639) -> (vector<64x256xf32>, vector<64x256xf32>)  : i32 {
        %get3A_1296 = arith.index_cast %scan3A_1293 : i32 to index
        %get3A_1297 = arith.constant 0 : index
        %get3A_1298 = arith.constant 0 : index
        %get3A_1299 = vector.load %arg1[%get3A_1296, %get3A_1297, %get3A_1298] : memref<128x64x256xf32, #tpu.memory_space<vmem>>, vector<1x64x256xf32>
        %squeeze3A = vector.shape_cast %get3A_1299 : vector<1x64x256xf32> to vector<64x256xf32>
        %sub3A_1300 = arith.constant 127 : i32
        %sub3A_1301 = arith.subi %sub3A_1300, %scan3A_1293 : i32
        %get3A_1302 = arith.index_cast %sub3A_1301 : i32 to index
        %get3A_1303 = arith.constant 0 : index
        %get3A_1304 = arith.constant 0 : index
        %get3A_1305 = vector.load %arg1[%get3A_1302, %get3A_1303, %get3A_1304] : memref<128x64x256xf32, #tpu.memory_space<vmem>>, vector<1x64x256xf32>
        %squeeze3A_1306 = vector.shape_cast %get3A_1305 : vector<1x64x256xf32> to vector<64x256xf32>
        %concatenate3A_1307 = tpu.concatenate %squeeze3A, %scan3A_1294 in 1 : vector<64x256xf32>, vector<64x256xf32> -> vector<64x512xf32>
        %dot_general3A_1308 = arith.constant dense<0.000000e+00> : vector<64x512xf32>
        %dot_general3A_1309 = tpu.matmul %concatenate3A_1307, %get3A_642, %dot_general3A_1308 {dimension_numbers = #tpu.dot_dimension_numbers<[1], [0], [0], [1], [0, 0, 1, 1], [], []>, transpose_lhs_hint = false} : vector<64x512xf32>, vector<512x512xf32>, vector<64x512xf32> -> vector<64x512xf32>
        %add3A_1310 = vector.broadcast %get3A_645 : vector<1x512xf32> to vector<64x512xf32>
        %add3A_1311 = arith.addf %dot_general3A_1309, %add3A_1310 : vector<64x512xf32>
        %logistic3A_1312 = arith.negf %add3A_1311 : vector<64x512xf32>
        %logistic3A_1313 = math.exp %logistic3A_1312 : vector<64x512xf32>
        %logistic3A_1314 = arith.constant 1.000000e+00 : f32
        %logistic3A_1315 = vector.broadcast %logistic3A_1314 : f32 to vector<64x512xf32>
        %logistic3A_1316 = arith.addf %logistic3A_1315, %logistic3A_1313 : vector<64x512xf32>
        %logistic3A_1317 = arith.divf %logistic3A_1315, %logistic3A_1316 : vector<64x512xf32>
        %slice3A_1318 = vector.extract_strided_slice %logistic3A_1317 {offsets = [0, 0], sizes = [64, 256], strides = [1, 1]} : vector<64x512xf32> to vector<64x256xf32>
        %slice3A_1319 = vector.extract_strided_slice %logistic3A_1317 {offsets = [0, 256], sizes = [64, 256], strides = [1, 1]} : vector<64x512xf32> to vector<64x256xf32>
        %mul3A_1320 = arith.mulf %scan3A_1294, %slice3A_1318 : vector<64x256xf32>
        %concatenate3A_1321 = tpu.concatenate %squeeze3A, %mul3A_1320 in 1 : vector<64x256xf32>, vector<64x256xf32> -> vector<64x512xf32>
        %dot_general3A_1322 = arith.constant dense<0.000000e+00> : vector<64x256xf32>
        %dot_general3A_1323 = tpu.matmul %concatenate3A_1321, %get3A_648, %dot_general3A_1322 {dimension_numbers = #tpu.dot_dimension_numbers<[1], [0], [0], [1], [0, 0, 1, 1], [], []>, transpose_lhs_hint = false} : vector<64x512xf32>, vector<512x256xf32>, vector<64x256xf32> -> vector<64x256xf32>
        %add3A_1324 = vector.broadcast %get3A_651 : vector<1x256xf32> to vector<64x256xf32>
        %add3A_1325 = arith.addf %dot_general3A_1323, %add3A_1324 : vector<64x256xf32>
        %tanh3A_1326 = math.tanh %add3A_1325 : vector<64x256xf32>
        %mul3A_1327 = arith.mulf %slice3A_1319, %scan3A_1294 : vector<64x256xf32>
        %sub3A_1328 = arith.constant 1.000000e+00 : f32
        %sub3A_1329 = vector.broadcast %sub3A_1328 : f32 to vector<64x256xf32>
        %sub3A_1330 = arith.subf %sub3A_1329, %slice3A_1319 : vector<64x256xf32>
        %mul3A_1331 = arith.mulf %sub3A_1330, %tanh3A_1326 : vector<64x256xf32>
        %add3A_1332 = arith.addf %mul3A_1327, %mul3A_1331 : vector<64x256xf32>
        %concatenate3A_1333 = tpu.concatenate %squeeze3A_1306, %scan3A_1295 in 1 : vector<64x256xf32>, vector<64x256xf32> -> vector<64x512xf32>
        %dot_general3A_1334 = arith.constant dense<0.000000e+00> : vector<64x512xf32>
        %dot_general3A_1335 = tpu.matmul %concatenate3A_1333, %get3A_654, %dot_general3A_1334 {dimension_numbers = #tpu.dot_dimension_numbers<[1], [0], [0], [1], [0, 0, 1, 1], [], []>, transpose_lhs_hint = false} : vector<64x512xf32>, vector<512x512xf32>, vector<64x512xf32> -> vector<64x512xf32>
        %add3A_1336 = vector.broadcast %get3A_657 : vector<1x512xf32> to vector<64x512xf32>
        %add3A_1337 = arith.addf %dot_general3A_1335, %add3A_1336 : vector<64x512xf32>
        %logistic3A_1338 = arith.negf %add3A_1337 : vector<64x512xf32>
        %logistic3A_1339 = math.exp %logistic3A_1338 : vector<64x512xf32>
        %logistic3A_1340 = arith.constant 1.000000e+00 : f32
        %logistic3A_1341 = vector.broadcast %logistic3A_1340 : f32 to vector<64x512xf32>
        %logistic3A_1342 = arith.addf %logistic3A_1341, %logistic3A_1339 : vector<64x512xf32>
        %logistic3A_1343 = arith.divf %logistic3A_1341, %logistic3A_1342 : vector<64x512xf32>
        %slice3A_1344 = vector.extract_strided_slice %logistic3A_1343 {offsets = [0, 0], sizes = [64, 256], strides = [1, 1]} : vector<64x512xf32> to vector<64x256xf32>
        %slice3A_1345 = vector.extract_strided_slice %logistic3A_1343 {offsets = [0, 256], sizes = [64, 256], strides = [1, 1]} : vector<64x512xf32> to vector<64x256xf32>
        %mul3A_1346 = arith.mulf %scan3A_1295, %slice3A_1344 : vector<64x256xf32>
        %concatenate3A_1347 = tpu.concatenate %squeeze3A_1306, %mul3A_1346 in 1 : vector<64x256xf32>, vector<64x256xf32> -> vector<64x512xf32>
        %dot_general3A_1348 = arith.constant dense<0.000000e+00> : vector<64x256xf32>
        %dot_general3A_1349 = tpu.matmul %concatenate3A_1347, %get3A_660, %dot_general3A_1348 {dimension_numbers = #tpu.dot_dimension_numbers<[1], [0], [0], [1], [0, 0, 1, 1], [], []>, transpose_lhs_hint = false} : vector<64x512xf32>, vector<512x256xf32>, vector<64x256xf32> -> vector<64x256xf32>
        %add3A_1350 = vector.broadcast %get3A_663 : vector<1x256xf32> to vector<64x256xf32>
        %add3A_1351 = arith.addf %dot_general3A_1349, %add3A_1350 : vector<64x256xf32>
        %tanh3A_1352 = math.tanh %add3A_1351 : vector<64x256xf32>
        %mul3A_1353 = arith.mulf %slice3A_1345, %scan3A_1295 : vector<64x256xf32>
        %sub3A_1354 = arith.constant 1.000000e+00 : f32
        %sub3A_1355 = vector.broadcast %sub3A_1354 : f32 to vector<64x256xf32>
        %sub3A_1356 = arith.subf %sub3A_1355, %slice3A_1345 : vector<64x256xf32>
        %mul3A_1357 = arith.mulf %sub3A_1356, %tanh3A_1352 : vector<64x256xf32>
        %add3A_1358 = arith.addf %mul3A_1353, %mul3A_1357 : vector<64x256xf32>
        %reshape3A_1359 = vector.shape_cast %add3A_1332 : vector<64x256xf32> to vector<8x1x8x256xf32>
        %swap3A_1360 = arith.constant 0 : index
        %swap3A_1361 = arith.index_cast %scan3A_1293 : i32 to index
        %swap3A_1362 = arith.constant 0 : index
        %swap3A_1363 = arith.constant 0 : index
        %swap3A_1364 = vector.load %arg25[%swap3A_1360, %swap3A_1361, %swap3A_1362, %swap3A_1363] : memref<8x128x8x512xf32, #tpu.memory_space<vmem>>, vector<8x1x8x256xf32>
        tpu.vector_store %arg25[%swap3A_1360, %swap3A_1361, %swap3A_1362, %swap3A_1363], %reshape3A_1359 {strides = array<i32>} : memref<8x128x8x512xf32, #tpu.memory_space<vmem>>, vector<8x1x8x256xf32>,
        %reshape3A_1365 = vector.shape_cast %add3A_1358 : vector<64x256xf32> to vector<8x1x8x256xf32>
        %sub3A_1366 = arith.constant 127 : i32
        %sub3A_1367 = arith.subi %sub3A_1366, %scan3A_1293 : i32
        %swap3A_1368 = arith.constant 0 : index
        %swap3A_1369 = arith.index_cast %sub3A_1367 : i32 to index
        %swap3A_1370 = arith.constant 0 : index
        %swap3A_1371 = arith.constant 256 : index
        %swap3A_1372 = vector.load %arg25[%swap3A_1368, %swap3A_1369, %swap3A_1370, %swap3A_1371] : memref<8x128x8x512xf32, #tpu.memory_space<vmem>>, vector<8x1x8x256xf32>
        tpu.vector_store %arg25[%swap3A_1368, %swap3A_1369, %swap3A_1370, %swap3A_1371], %reshape3A_1365 {strides = array<i32>} : memref<8x128x8x512xf32, #tpu.memory_space<vmem>>, vector<8x1x8x256xf32>,
        %scan3A_1373 = arith.constant 1 : i32
        %scan3A_1374 = arith.addi %scan3A_1293, %scan3A_1373 : i32
        %get3A_1375 = arith.index_cast %scan3A_1374 : i32 to index
        %get3A_1376 = arith.constant 0 : index
        %get3A_1377 = arith.constant 0 : index
        %get3A_1378 = vector.load %arg1[%get3A_1375, %get3A_1376, %get3A_1377] : memref<128x64x256xf32, #tpu.memory_space<vmem>>, vector<1x64x256xf32>
        %squeeze3A_1379 = vector.shape_cast %get3A_1378 : vector<1x64x256xf32> to vector<64x256xf32>
        %sub3A_1380 = arith.constant 127 : i32
        %sub3A_1381 = arith.subi %sub3A_1380, %scan3A_1374 : i32
        %get3A_1382 = arith.index_cast %sub3A_1381 : i32 to index
        %get3A_1383 = arith.constant 0 : index
        %get3A_1384 = arith.constant 0 : index
        %get3A_1385 = vector.load %arg1[%get3A_1382, %get3A_1383, %get3A_1384] : memref<128x64x256xf32, #tpu.memory_space<vmem>>, vector<1x64x256xf32>
        %squeeze3A_1386 = vector.shape_cast %get3A_1385 : vector<1x64x256xf32> to vector<64x256xf32>
        %concatenate3A_1387 = tpu.concatenate %squeeze3A_1379, %add3A_1332 in 1 : vector<64x256xf32>, vector<64x256xf32> -> vector<64x512xf32>
        %dot_general3A_1388 = arith.constant dense<0.000000e+00> : vector<64x512xf32>
        %dot_general3A_1389 = tpu.matmul %concatenate3A_1387, %get3A_642, %dot_general3A_1388 {dimension_numbers = #tpu.dot_dimension_numbers<[1], [0], [0], [1], [0, 0, 1, 1], [], []>, transpose_lhs_hint = false} : vector<64x512xf32>, vector<512x512xf32>, vector<64x512xf32> -> vector<64x512xf32>
        %add3A_1390 = vector.broadcast %get3A_645 : vector<1x512xf32> to vector<64x512xf32>
        %add3A_1391 = arith.addf %dot_general3A_1389, %add3A_1390 : vector<64x512xf32>
        %logistic3A_1392 = arith.negf %add3A_1391 : vector<64x512xf32>
        %logistic3A_1393 = math.exp %logistic3A_1392 : vector<64x512xf32>
        %logistic3A_1394 = arith.constant 1.000000e+00 : f32
        %logistic3A_1395 = vector.broadcast %logistic3A_1394 : f32 to vector<64x512xf32>
        %logistic3A_1396 = arith.addf %logistic3A_1395, %logistic3A_1393 : vector<64x512xf32>
        %logistic3A_1397 = arith.divf %logistic3A_1395, %logistic3A_1396 : vector<64x512xf32>
        %slice3A_1398 = vector.extract_strided_slice %logistic3A_1397 {offsets = [0, 0], sizes = [64, 256], strides = [1, 1]} : vector<64x512xf32> to vector<64x256xf32>
        %slice3A_1399 = vector.extract_strided_slice %logistic3A_1397 {offsets = [0, 256], sizes = [64, 256], strides = [1, 1]} : vector<64x512xf32> to vector<64x256xf32>
        %mul3A_1400 = arith.mulf %add3A_1332, %slice3A_1398 : vector<64x256xf32>
        %concatenate3A_1401 = tpu.concatenate %squeeze3A_1379, %mul3A_1400 in 1 : vector<64x256xf32>, vector<64x256xf32> -> vector<64x512xf32>
        %dot_general3A_1402 = arith.constant dense<0.000000e+00> : vector<64x256xf32>
        %dot_general3A_1403 = tpu.matmul %concatenate3A_1401, %get3A_648, %dot_general3A_1402 {dimension_numbers = #tpu.dot_dimension_numbers<[1], [0], [0], [1], [0, 0, 1, 1], [], []>, transpose_lhs_hint = false} : vector<64x512xf32>, vector<512x256xf32>, vector<64x256xf32> -> vector<64x256xf32>
        %add3A_1404 = vector.broadcast %get3A_651 : vector<1x256xf32> to vector<64x256xf32>
        %add3A_1405 = arith.addf %dot_general3A_1403, %add3A_1404 : vector<64x256xf32>
        %tanh3A_1406 = math.tanh %add3A_1405 : vector<64x256xf32>
        %mul3A_1407 = arith.mulf %slice3A_1399, %add3A_1332 : vector<64x256xf32>
        %sub3A_1408 = arith.constant 1.000000e+00 : f32
        %sub3A_1409 = vector.broadcast %sub3A_1408 : f32 to vector<64x256xf32>
        %sub3A_1410 = arith.subf %sub3A_1409, %slice3A_1399 : vector<64x256xf32>
        %mul3A_1411 = arith.mulf %sub3A_1410, %tanh3A_1406 : vector<64x256xf32>
        %add3A_1412 = arith.addf %mul3A_1407, %mul3A_1411 : vector<64x256xf32>
        %concatenate3A_1413 = tpu.concatenate %squeeze3A_1386, %add3A_1358 in 1 : vector<64x256xf32>, vector<64x256xf32> -> vector<64x512xf32>
        %dot_general3A_1414 = arith.constant dense<0.000000e+00> : vector<64x512xf32>
        %dot_general3A_1415 = tpu.matmul %concatenate3A_1413, %get3A_654, %dot_general3A_1414 {dimension_numbers = #tpu.dot_dimension_numbers<[1], [0], [0], [1], [0, 0, 1, 1], [], []>, transpose_lhs_hint = false} : vector<64x512xf32>, vector<512x512xf32>, vector<64x512xf32> -> vector<64x512xf32>
        %add3A_1416 = vector.broadcast %get3A_657 : vector<1x512xf32> to vector<64x512xf32>
        %add3A_1417 = arith.addf %dot_general3A_1415, %add3A_1416 : vector<64x512xf32>
        %logistic3A_1418 = arith.negf %add3A_1417 : vector<64x512xf32>
        %logistic3A_1419 = math.exp %logistic3A_1418 : vector<64x512xf32>
        %logistic3A_1420 = arith.constant 1.000000e+00 : f32
        %logistic3A_1421 = vector.broadcast %logistic3A_1420 : f32 to vector<64x512xf32>
        %logistic3A_1422 = arith.addf %logistic3A_1421, %logistic3A_1419 : vector<64x512xf32>
        %logistic3A_1423 = arith.divf %logistic3A_1421, %logistic3A_1422 : vector<64x512xf32>
        %slice3A_1424 = vector.extract_strided_slice %logistic3A_1423 {offsets = [0, 0], sizes = [64, 256], strides = [1, 1]} : vector<64x512xf32> to vector<64x256xf32>
        %slice3A_1425 = vector.extract_strided_slice %logistic3A_1423 {offsets = [0, 256], sizes = [64, 256], strides = [1, 1]} : vector<64x512xf32> to vector<64x256xf32>
        %mul3A_1426 = arith.mulf %add3A_1358, %slice3A_1424 : vector<64x256xf32>
        %concatenate3A_1427 = tpu.concatenate %squeeze3A_1386, %mul3A_1426 in 1 : vector<64x256xf32>, vector<64x256xf32> -> vector<64x512xf32>
        %dot_general3A_1428 = arith.constant dense<0.000000e+00> : vector<64x256xf32>
        %dot_general3A_1429 = tpu.matmul %concatenate3A_1427, %get3A_660, %dot_general3A_1428 {dimension_numbers = #tpu.dot_dimension_numbers<[1], [0], [0], [1], [0, 0, 1, 1], [], []>, transpose_lhs_hint = false} : vector<64x512xf32>, vector<512x256xf32>, vector<64x256xf32> -> vector<64x256xf32>
        %add3A_1430 = vector.broadcast %get3A_663 : vector<1x256xf32> to vector<64x256xf32>
        %add3A_1431 = arith.addf %dot_general3A_1429, %add3A_1430 : vector<64x256xf32>
        %tanh3A_1432 = math.tanh %add3A_1431 : vector<64x256xf32>
        %mul3A_1433 = arith.mulf %slice3A_1425, %add3A_1358 : vector<64x256xf32>
        %sub3A_1434 = arith.constant 1.000000e+00 : f32
        %sub3A_1435 = vector.broadcast %sub3A_1434 : f32 to vector<64x256xf32>
        %sub3A_1436 = arith.subf %sub3A_1435, %slice3A_1425 : vector<64x256xf32>
        %mul3A_1437 = arith.mulf %sub3A_1436, %tanh3A_1432 : vector<64x256xf32>
        %add3A_1438 = arith.addf %mul3A_1433, %mul3A_1437 : vector<64x256xf32>
        %reshape3A_1439 = vector.shape_cast %add3A_1412 : vector<64x256xf32> to vector<8x1x8x256xf32>
        %swap3A_1440 = arith.constant 0 : index
        %swap3A_1441 = arith.index_cast %scan3A_1374 : i32 to index
        %swap3A_1442 = arith.constant 0 : index
        %swap3A_1443 = arith.constant 0 : index
        %swap3A_1444 = vector.load %arg25[%swap3A_1440, %swap3A_1441, %swap3A_1442, %swap3A_1443] : memref<8x128x8x512xf32, #tpu.memory_space<vmem>>, vector<8x1x8x256xf32>
        tpu.vector_store %arg25[%swap3A_1440, %swap3A_1441, %swap3A_1442, %swap3A_1443], %reshape3A_1439 {strides = array<i32>} : memref<8x128x8x512xf32, #tpu.memory_space<vmem>>, vector<8x1x8x256xf32>,
        %reshape3A_1445 = vector.shape_cast %add3A_1438 : vector<64x256xf32> to vector<8x1x8x256xf32>
        %sub3A_1446 = arith.constant 127 : i32
        %sub3A_1447 = arith.subi %sub3A_1446, %scan3A_1374 : i32
        %swap3A_1448 = arith.constant 0 : index
        %swap3A_1449 = arith.index_cast %sub3A_1447 : i32 to index
        %swap3A_1450 = arith.constant 0 : index
        %swap3A_1451 = arith.constant 256 : index
        %swap3A_1452 = vector.load %arg25[%swap3A_1448, %swap3A_1449, %swap3A_1450, %swap3A_1451] : memref<8x128x8x512xf32, #tpu.memory_space<vmem>>, vector<8x1x8x256xf32>
        tpu.vector_store %arg25[%swap3A_1448, %swap3A_1449, %swap3A_1450, %swap3A_1451], %reshape3A_1445 {strides = array<i32>} : memref<8x128x8x512xf32, #tpu.memory_space<vmem>>, vector<8x1x8x256xf32>,
        %scan3A_1453 = arith.constant 2 : i32
        %scan3A_1454 = arith.addi %scan3A_1293, %scan3A_1453 : i32
        %get3A_1455 = arith.index_cast %scan3A_1454 : i32 to index
        %get3A_1456 = arith.constant 0 : index
        %get3A_1457 = arith.constant 0 : index
        %get3A_1458 = vector.load %arg1[%get3A_1455, %get3A_1456, %get3A_1457] : memref<128x64x256xf32, #tpu.memory_space<vmem>>, vector<1x64x256xf32>
        %squeeze3A_1459 = vector.shape_cast %get3A_1458 : vector<1x64x256xf32> to vector<64x256xf32>
        %sub3A_1460 = arith.constant 127 : i32
        %sub3A_1461 = arith.subi %sub3A_1460, %scan3A_1454 : i32
        %get3A_1462 = arith.index_cast %sub3A_1461 : i32 to index
        %get3A_1463 = arith.constant 0 : index
        %get3A_1464 = arith.constant 0 : index
        %get3A_1465 = vector.load %arg1[%get3A_1462, %get3A_1463, %get3A_1464] : memref<128x64x256xf32, #tpu.memory_space<vmem>>, vector<1x64x256xf32>
        %squeeze3A_1466 = vector.shape_cast %get3A_1465 : vector<1x64x256xf32> to vector<64x256xf32>
        %concatenate3A_1467 = tpu.concatenate %squeeze3A_1459, %add3A_1412 in 1 : vector<64x256xf32>, vector<64x256xf32> -> vector<64x512xf32>
        %dot_general3A_1468 = arith.constant dense<0.000000e+00> : vector<64x512xf32>
        %dot_general3A_1469 = tpu.matmul %concatenate3A_1467, %get3A_642, %dot_general3A_1468 {dimension_numbers = #tpu.dot_dimension_numbers<[1], [0], [0], [1], [0, 0, 1, 1], [], []>, transpose_lhs_hint = false} : vector<64x512xf32>, vector<512x512xf32>, vector<64x512xf32> -> vector<64x512xf32>
        %add3A_1470 = vector.broadcast %get3A_645 : vector<1x512xf32> to vector<64x512xf32>
        %add3A_1471 = arith.addf %dot_general3A_1469, %add3A_1470 : vector<64x512xf32>
        %logistic3A_1472 = arith.negf %add3A_1471 : vector<64x512xf32>
        %logistic3A_1473 = math.exp %logistic3A_1472 : vector<64x512xf32>
        %logistic3A_1474 = arith.constant 1.000000e+00 : f32
        %logistic3A_1475 = vector.broadcast %logistic3A_1474 : f32 to vector<64x512xf32>
        %logistic3A_1476 = arith.addf %logistic3A_1475, %logistic3A_1473 : vector<64x512xf32>
        %logistic3A_1477 = arith.divf %logistic3A_1475, %logistic3A_1476 : vector<64x512xf32>
        %slice3A_1478 = vector.extract_strided_slice %logistic3A_1477 {offsets = [0, 0], sizes = [64, 256], strides = [1, 1]} : vector<64x512xf32> to vector<64x256xf32>
        %slice3A_1479 = vector.extract_strided_slice %logistic3A_1477 {offsets = [0, 256], sizes = [64, 256], strides = [1, 1]} : vector<64x512xf32> to vector<64x256xf32>
        %mul3A_1480 = arith.mulf %add3A_1412, %slice3A_1478 : vector<64x256xf32>
        %concatenate3A_1481 = tpu.concatenate %squeeze3A_1459, %mul3A_1480 in 1 : vector<64x256xf32>, vector<64x256xf32> -> vector<64x512xf32>
        %dot_general3A_1482 = arith.constant dense<0.000000e+00> : vector<64x256xf32>
        %dot_general3A_1483 = tpu.matmul %concatenate3A_1481, %get3A_648, %dot_general3A_1482 {dimension_numbers = #tpu.dot_dimension_numbers<[1], [0], [0], [1], [0, 0, 1, 1], [], []>, transpose_lhs_hint = false} : vector<64x512xf32>, vector<512x256xf32>, vector<64x256xf32> -> vector<64x256xf32>
        %add3A_1484 = vector.broadcast %get3A_651 : vector<1x256xf32> to vector<64x256xf32>
        %add3A_1485 = arith.addf %dot_general3A_1483, %add3A_1484 : vector<64x256xf32>
        %tanh3A_1486 = math.tanh %add3A_1485 : vector<64x256xf32>
        %mul3A_1487 = arith.mulf %slice3A_1479, %add3A_1412 : vector<64x256xf32>
        %sub3A_1488 = arith.constant 1.000000e+00 : f32
        %sub3A_1489 = vector.broadcast %sub3A_1488 : f32 to vector<64x256xf32>
        %sub3A_1490 = arith.subf %sub3A_1489, %slice3A_1479 : vector<64x256xf32>
        %mul3A_1491 = arith.mulf %sub3A_1490, %tanh3A_1486 : vector<64x256xf32>
        %add3A_1492 = arith.addf %mul3A_1487, %mul3A_1491 : vector<64x256xf32>
        %concatenate3A_1493 = tpu.concatenate %squeeze3A_1466, %add3A_1438 in 1 : vector<64x256xf32>, vector<64x256xf32> -> vector<64x512xf32>
        %dot_general3A_1494 = arith.constant dense<0.000000e+00> : vector<64x512xf32>
        %dot_general3A_1495 = tpu.matmul %concatenate3A_1493, %get3A_654, %dot_general3A_1494 {dimension_numbers = #tpu.dot_dimension_numbers<[1], [0], [0], [1], [0, 0, 1, 1], [], []>, transpose_lhs_hint = false} : vector<64x512xf32>, vector<512x512xf32>, vector<64x512xf32> -> vector<64x512xf32>
        %add3A_1496 = vector.broadcast %get3A_657 : vector<1x512xf32> to vector<64x512xf32>
        %add3A_1497 = arith.addf %dot_general3A_1495, %add3A_1496 : vector<64x512xf32>
        %logistic3A_1498 = arith.negf %add3A_1497 : vector<64x512xf32>
        %logistic3A_1499 = math.exp %logistic3A_1498 : vector<64x512xf32>
        %logistic3A_1500 = arith.constant 1.000000e+00 : f32
        %logistic3A_1501 = vector.broadcast %logistic3A_1500 : f32 to vector<64x512xf32>
        %logistic3A_1502 = arith.addf %logistic3A_1501, %logistic3A_1499 : vector<64x512xf32>
        %logistic3A_1503 = arith.divf %logistic3A_1501, %logistic3A_1502 : vector<64x512xf32>
        %slice3A_1504 = vector.extract_strided_slice %logistic3A_1503 {offsets = [0, 0], sizes = [64, 256], strides = [1, 1]} : vector<64x512xf32> to vector<64x256xf32>
        %slice3A_1505 = vector.extract_strided_slice %logistic3A_1503 {offsets = [0, 256], sizes = [64, 256], strides = [1, 1]} : vector<64x512xf32> to vector<64x256xf32>
        %mul3A_1506 = arith.mulf %add3A_1438, %slice3A_1504 : vector<64x256xf32>
        %concatenate3A_1507 = tpu.concatenate %squeeze3A_1466, %mul3A_1506 in 1 : vector<64x256xf32>, vector<64x256xf32> -> vector<64x512xf32>
        %dot_general3A_1508 = arith.constant dense<0.000000e+00> : vector<64x256xf32>
        %dot_general3A_1509 = tpu.matmul %concatenate3A_1507, %get3A_660, %dot_general3A_1508 {dimension_numbers = #tpu.dot_dimension_numbers<[1], [0], [0], [1], [0, 0, 1, 1], [], []>, transpose_lhs_hint = false} : vector<64x512xf32>, vector<512x256xf32>, vector<64x256xf32> -> vector<64x256xf32>
        %add3A_1510 = vector.broadcast %get3A_663 : vector<1x256xf32> to vector<64x256xf32>
        %add3A_1511 = arith.addf %dot_general3A_1509, %add3A_1510 : vector<64x256xf32>
        %tanh3A_1512 = math.tanh %add3A_1511 : vector<64x256xf32>
        %mul3A_1513 = arith.mulf %slice3A_1505, %add3A_1438 : vector<64x256xf32>
        %sub3A_1514 = arith.constant 1.000000e+00 : f32
        %sub3A_1515 = vector.broadcast %sub3A_1514 : f32 to vector<64x256xf32>
        %sub3A_1516 = arith.subf %sub3A_1515, %slice3A_1505 : vector<64x256xf32>
        %mul3A_1517 = arith.mulf %sub3A_1516, %tanh3A_1512 : vector<64x256xf32>
        %add3A_1518 = arith.addf %mul3A_1513, %mul3A_1517 : vector<64x256xf32>
        %reshape3A_1519 = vector.shape_cast %add3A_1492 : vector<64x256xf32> to vector<8x1x8x256xf32>
        %swap3A_1520 = arith.constant 0 : index
        %swap3A_1521 = arith.index_cast %scan3A_1454 : i32 to index
        %swap3A_1522 = arith.constant 0 : index
        %swap3A_1523 = arith.constant 0 : index
        %swap3A_1524 = vector.load %arg25[%swap3A_1520, %swap3A_1521, %swap3A_1522, %swap3A_1523] : memref<8x128x8x512xf32, #tpu.memory_space<vmem>>, vector<8x1x8x256xf32>
        tpu.vector_store %arg25[%swap3A_1520, %swap3A_1521, %swap3A_1522, %swap3A_1523], %reshape3A_1519 {strides = array<i32>} : memref<8x128x8x512xf32, #tpu.memory_space<vmem>>, vector<8x1x8x256xf32>,
        %reshape3A_1525 = vector.shape_cast %add3A_1518 : vector<64x256xf32> to vector<8x1x8x256xf32>
        %sub3A_1526 = arith.constant 127 : i32
        %sub3A_1527 = arith.subi %sub3A_1526, %scan3A_1454 : i32
        %swap3A_1528 = arith.constant 0 : index
        %swap3A_1529 = arith.index_cast %sub3A_1527 : i32 to index
        %swap3A_1530 = arith.constant 0 : index
        %swap3A_1531 = arith.constant 256 : index
        %swap3A_1532 = vector.load %arg25[%swap3A_1528, %swap3A_1529, %swap3A_1530, %swap3A_1531] : memref<8x128x8x512xf32, #tpu.memory_space<vmem>>, vector<8x1x8x256xf32>
        tpu.vector_store %arg25[%swap3A_1528, %swap3A_1529, %swap3A_1530, %swap3A_1531], %reshape3A_1525 {strides = array<i32>} : memref<8x128x8x512xf32, #tpu.memory_space<vmem>>, vector<8x1x8x256xf32>,
        %scan3A_1533 = arith.constant 3 : i32
        %scan3A_1534 = arith.addi %scan3A_1293, %scan3A_1533 : i32
        %get3A_1535 = arith.index_cast %scan3A_1534 : i32 to index
        %get3A_1536 = arith.constant 0 : index
        %get3A_1537 = arith.constant 0 : index
        %get3A_1538 = vector.load %arg1[%get3A_1535, %get3A_1536, %get3A_1537] : memref<128x64x256xf32, #tpu.memory_space<vmem>>, vector<1x64x256xf32>
        %squeeze3A_1539 = vector.shape_cast %get3A_1538 : vector<1x64x256xf32> to vector<64x256xf32>
        %sub3A_1540 = arith.constant 127 : i32
        %sub3A_1541 = arith.subi %sub3A_1540, %scan3A_1534 : i32
        %get3A_1542 = arith.index_cast %sub3A_1541 : i32 to index
        %get3A_1543 = arith.constant 0 : index
        %get3A_1544 = arith.constant 0 : index
        %get3A_1545 = vector.load %arg1[%get3A_1542, %get3A_1543, %get3A_1544] : memref<128x64x256xf32, #tpu.memory_space<vmem>>, vector<1x64x256xf32>
        %squeeze3A_1546 = vector.shape_cast %get3A_1545 : vector<1x64x256xf32> to vector<64x256xf32>
        %concatenate3A_1547 = tpu.concatenate %squeeze3A_1539, %add3A_1492 in 1 : vector<64x256xf32>, vector<64x256xf32> -> vector<64x512xf32>
        %dot_general3A_1548 = arith.constant dense<0.000000e+00> : vector<64x512xf32>
        %dot_general3A_1549 = tpu.matmul %concatenate3A_1547, %get3A_642, %dot_general3A_1548 {dimension_numbers = #tpu.dot_dimension_numbers<[1], [0], [0], [1], [0, 0, 1, 1], [], []>, transpose_lhs_hint = false} : vector<64x512xf32>, vector<512x512xf32>, vector<64x512xf32> -> vector<64x512xf32>
        %add3A_1550 = vector.broadcast %get3A_645 : vector<1x512xf32> to vector<64x512xf32>
        %add3A_1551 = arith.addf %dot_general3A_1549, %add3A_1550 : vector<64x512xf32>
        %logistic3A_1552 = arith.negf %add3A_1551 : vector<64x512xf32>
        %logistic3A_1553 = math.exp %logistic3A_1552 : vector<64x512xf32>
        %logistic3A_1554 = arith.constant 1.000000e+00 : f32
        %logistic3A_1555 = vector.broadcast %logistic3A_1554 : f32 to vector<64x512xf32>
        %logistic3A_1556 = arith.addf %logistic3A_1555, %logistic3A_1553 : vector<64x512xf32>
        %logistic3A_1557 = arith.divf %logistic3A_1555, %logistic3A_1556 : vector<64x512xf32>
        %slice3A_1558 = vector.extract_strided_slice %logistic3A_1557 {offsets = [0, 0], sizes = [64, 256], strides = [1, 1]} : vector<64x512xf32> to vector<64x256xf32>
        %slice3A_1559 = vector.extract_strided_slice %logistic3A_1557 {offsets = [0, 256], sizes = [64, 256], strides = [1, 1]} : vector<64x512xf32> to vector<64x256xf32>
        %mul3A_1560 = arith.mulf %add3A_1492, %slice3A_1558 : vector<64x256xf32>
        %concatenate3A_1561 = tpu.concatenate %squeeze3A_1539, %mul3A_1560 in 1 : vector<64x256xf32>, vector<64x256xf32> -> vector<64x512xf32>
        %dot_general3A_1562 = arith.constant dense<0.000000e+00> : vector<64x256xf32>
        %dot_general3A_1563 = tpu.matmul %concatenate3A_1561, %get3A_648, %dot_general3A_1562 {dimension_numbers = #tpu.dot_dimension_numbers<[1], [0], [0], [1], [0, 0, 1, 1], [], []>, transpose_lhs_hint = false} : vector<64x512xf32>, vector<512x256xf32>, vector<64x256xf32> -> vector<64x256xf32>
        %add3A_1564 = vector.broadcast %get3A_651 : vector<1x256xf32> to vector<64x256xf32>
        %add3A_1565 = arith.addf %dot_general3A_1563, %add3A_1564 : vector<64x256xf32>
        %tanh3A_1566 = math.tanh %add3A_1565 : vector<64x256xf32>
        %mul3A_1567 = arith.mulf %slice3A_1559, %add3A_1492 : vector<64x256xf32>
        %sub3A_1568 = arith.constant 1.000000e+00 : f32
        %sub3A_1569 = vector.broadcast %sub3A_1568 : f32 to vector<64x256xf32>
        %sub3A_1570 = arith.subf %sub3A_1569, %slice3A_1559 : vector<64x256xf32>
        %mul3A_1571 = arith.mulf %sub3A_1570, %tanh3A_1566 : vector<64x256xf32>
        %add3A_1572 = arith.addf %mul3A_1567, %mul3A_1571 : vector<64x256xf32>
        %concatenate3A_1573 = tpu.concatenate %squeeze3A_1546, %add3A_1518 in 1 : vector<64x256xf32>, vector<64x256xf32> -> vector<64x512xf32>
        %dot_general3A_1574 = arith.constant dense<0.000000e+00> : vector<64x512xf32>
        %dot_general3A_1575 = tpu.matmul %concatenate3A_1573, %get3A_654, %dot_general3A_1574 {dimension_numbers = #tpu.dot_dimension_numbers<[1], [0], [0], [1], [0, 0, 1, 1], [], []>, transpose_lhs_hint = false} : vector<64x512xf32>, vector<512x512xf32>, vector<64x512xf32> -> vector<64x512xf32>
        %add3A_1576 = vector.broadcast %get3A_657 : vector<1x512xf32> to vector<64x512xf32>
        %add3A_1577 = arith.addf %dot_general3A_1575, %add3A_1576 : vector<64x512xf32>
        %logistic3A_1578 = arith.negf %add3A_1577 : vector<64x512xf32>
        %logistic3A_1579 = math.exp %logistic3A_1578 : vector<64x512xf32>
        %logistic3A_1580 = arith.constant 1.000000e+00 : f32
        %logistic3A_1581 = vector.broadcast %logistic3A_1580 : f32 to vector<64x512xf32>
        %logistic3A_1582 = arith.addf %logistic3A_1581, %logistic3A_1579 : vector<64x512xf32>
        %logistic3A_1583 = arith.divf %logistic3A_1581, %logistic3A_1582 : vector<64x512xf32>
        %slice3A_1584 = vector.extract_strided_slice %logistic3A_1583 {offsets = [0, 0], sizes = [64, 256], strides = [1, 1]} : vector<64x512xf32> to vector<64x256xf32>
        %slice3A_1585 = vector.extract_strided_slice %logistic3A_1583 {offsets = [0, 256], sizes = [64, 256], strides = [1, 1]} : vector<64x512xf32> to vector<64x256xf32>
        %mul3A_1586 = arith.mulf %add3A_1518, %slice3A_1584 : vector<64x256xf32>
        %concatenate3A_1587 = tpu.concatenate %squeeze3A_1546, %mul3A_1586 in 1 : vector<64x256xf32>, vector<64x256xf32> -> vector<64x512xf32>
        %dot_general3A_1588 = arith.constant dense<0.000000e+00> : vector<64x256xf32>
        %dot_general3A_1589 = tpu.matmul %concatenate3A_1587, %get3A_660, %dot_general3A_1588 {dimension_numbers = #tpu.dot_dimension_numbers<[1], [0], [0], [1], [0, 0, 1, 1], [], []>, transpose_lhs_hint = false} : vector<64x512xf32>, vector<512x256xf32>, vector<64x256xf32> -> vector<64x256xf32>
        %add3A_1590 = vector.broadcast %get3A_663 : vector<1x256xf32> to vector<64x256xf32>
        %add3A_1591 = arith.addf %dot_general3A_1589, %add3A_1590 : vector<64x256xf32>
        %tanh3A_1592 = math.tanh %add3A_1591 : vector<64x256xf32>
        %mul3A_1593 = arith.mulf %slice3A_1585, %add3A_1518 : vector<64x256xf32>
        %sub3A_1594 = arith.constant 1.000000e+00 : f32
        %sub3A_1595 = vector.broadcast %sub3A_1594 : f32 to vector<64x256xf32>
        %sub3A_1596 = arith.subf %sub3A_1595, %slice3A_1585 : vector<64x256xf32>
        %mul3A_1597 = arith.mulf %sub3A_1596, %tanh3A_1592 : vector<64x256xf32>
        %add3A_1598 = arith.addf %mul3A_1593, %mul3A_1597 : vector<64x256xf32>
        %reshape3A_1599 = vector.shape_cast %add3A_1572 : vector<64x256xf32> to vector<8x1x8x256xf32>
        %swap3A_1600 = arith.constant 0 : index
        %swap3A_1601 = arith.index_cast %scan3A_1534 : i32 to index
        %swap3A_1602 = arith.constant 0 : index
        %swap3A_1603 = arith.constant 0 : index
        %swap3A_1604 = vector.load %arg25[%swap3A_1600, %swap3A_1601, %swap3A_1602, %swap3A_1603] : memref<8x128x8x512xf32, #tpu.memory_space<vmem>>, vector<8x1x8x256xf32>
        tpu.vector_store %arg25[%swap3A_1600, %swap3A_1601, %swap3A_1602, %swap3A_1603], %reshape3A_1599 {strides = array<i32>} : memref<8x128x8x512xf32, #tpu.memory_space<vmem>>, vector<8x1x8x256xf32>,
        %reshape3A_1605 = vector.shape_cast %add3A_1598 : vector<64x256xf32> to vector<8x1x8x256xf32>
        %sub3A_1606 = arith.constant 127 : i32
        %sub3A_1607 = arith.subi %sub3A_1606, %scan3A_1534 : i32
        %swap3A_1608 = arith.constant 0 : index
        %swap3A_1609 = arith.index_cast %sub3A_1607 : i32 to index
        %swap3A_1610 = arith.constant 0 : index
        %swap3A_1611 = arith.constant 256 : index
        %swap3A_1612 = vector.load %arg25[%swap3A_1608, %swap3A_1609, %swap3A_1610, %swap3A_1611] : memref<8x128x8x512xf32, #tpu.memory_space<vmem>>, vector<8x1x8x256xf32>
        tpu.vector_store %arg25[%swap3A_1608, %swap3A_1609, %swap3A_1610, %swap3A_1611], %reshape3A_1605 {strides = array<i32>} : memref<8x128x8x512xf32, #tpu.memory_space<vmem>>, vector<8x1x8x256xf32>,
        %scan3A_1613 = arith.constant 4 : i32
        %scan3A_1614 = arith.addi %scan3A_1293, %scan3A_1613 : i32
        %get3A_1615 = arith.index_cast %scan3A_1614 : i32 to index
        %get3A_1616 = arith.constant 0 : index
        %get3A_1617 = arith.constant 0 : index
        %get3A_1618 = vector.load %arg1[%get3A_1615, %get3A_1616, %get3A_1617] : memref<128x64x256xf32, #tpu.memory_space<vmem>>, vector<1x64x256xf32>
        %squeeze3A_1619 = vector.shape_cast %get3A_1618 : vector<1x64x256xf32> to vector<64x256xf32>
        %sub3A_1620 = arith.constant 127 : i32
        %sub3A_1621 = arith.subi %sub3A_1620, %scan3A_1614 : i32
        %get3A_1622 = arith.index_cast %sub3A_1621 : i32 to index
        %get3A_1623 = arith.constant 0 : index
        %get3A_1624 = arith.constant 0 : index
        %get3A_1625 = vector.load %arg1[%get3A_1622, %get3A_1623, %get3A_1624] : memref<128x64x256xf32, #tpu.memory_space<vmem>>, vector<1x64x256xf32>
        %squeeze3A_1626 = vector.shape_cast %get3A_1625 : vector<1x64x256xf32> to vector<64x256xf32>
        %concatenate3A_1627 = tpu.concatenate %squeeze3A_1619, %add3A_1572 in 1 : vector<64x256xf32>, vector<64x256xf32> -> vector<64x512xf32>
        %dot_general3A_1628 = arith.constant dense<0.000000e+00> : vector<64x512xf32>
        %dot_general3A_1629 = tpu.matmul %concatenate3A_1627, %get3A_642, %dot_general3A_1628 {dimension_numbers = #tpu.dot_dimension_numbers<[1], [0], [0], [1], [0, 0, 1, 1], [], []>, transpose_lhs_hint = false} : vector<64x512xf32>, vector<512x512xf32>, vector<64x512xf32> -> vector<64x512xf32>
        %add3A_1630 = vector.broadcast %get3A_645 : vector<1x512xf32> to vector<64x512xf32>
        %add3A_1631 = arith.addf %dot_general3A_1629, %add3A_1630 : vector<64x512xf32>
        %logistic3A_1632 = arith.negf %add3A_1631 : vector<64x512xf32>
        %logistic3A_1633 = math.exp %logistic3A_1632 : vector<64x512xf32>
        %logistic3A_1634 = arith.constant 1.000000e+00 : f32
        %logistic3A_1635 = vector.broadcast %logistic3A_1634 : f32 to vector<64x512xf32>
        %logistic3A_1636 = arith.addf %logistic3A_1635, %logistic3A_1633 : vector<64x512xf32>
        %logistic3A_1637 = arith.divf %logistic3A_1635, %logistic3A_1636 : vector<64x512xf32>
        %slice3A_1638 = vector.extract_strided_slice %logistic3A_1637 {offsets = [0, 0], sizes = [64, 256], strides = [1, 1]} : vector<64x512xf32> to vector<64x256xf32>
        %slice3A_1639 = vector.extract_strided_slice %logistic3A_1637 {offsets = [0, 256], sizes = [64, 256], strides = [1, 1]} : vector<64x512xf32> to vector<64x256xf32>
        %mul3A_1640 = arith.mulf %add3A_1572, %slice3A_1638 : vector<64x256xf32>
        %concatenate3A_1641 = tpu.concatenate %squeeze3A_1619, %mul3A_1640 in 1 : vector<64x256xf32>, vector<64x256xf32> -> vector<64x512xf32>
        %dot_general3A_1642 = arith.constant dense<0.000000e+00> : vector<64x256xf32>
        %dot_general3A_1643 = tpu.matmul %concatenate3A_1641, %get3A_648, %dot_general3A_1642 {dimension_numbers = #tpu.dot_dimension_numbers<[1], [0], [0], [1], [0, 0, 1, 1], [], []>, transpose_lhs_hint = false} : vector<64x512xf32>, vector<512x256xf32>, vector<64x256xf32> -> vector<64x256xf32>
        %add3A_1644 = vector.broadcast %get3A_651 : vector<1x256xf32> to vector<64x256xf32>
        %add3A_1645 = arith.addf %dot_general3A_1643, %add3A_1644 : vector<64x256xf32>
        %tanh3A_1646 = math.tanh %add3A_1645 : vector<64x256xf32>
        %mul3A_1647 = arith.mulf %slice3A_1639, %add3A_1572 : vector<64x256xf32>
        %sub3A_1648 = arith.constant 1.000000e+00 : f32
        %sub3A_1649 = vector.broadcast %sub3A_1648 : f32 to vector<64x256xf32>
        %sub3A_1650 = arith.subf %sub3A_1649, %slice3A_1639 : vector<64x256xf32>
        %mul3A_1651 = arith.mulf %sub3A_1650, %tanh3A_1646 : vector<64x256xf32>
        %add3A_1652 = arith.addf %mul3A_1647, %mul3A_1651 : vector<64x256xf32>
        %concatenate3A_1653 = tpu.concatenate %squeeze3A_1626, %add3A_1598 in 1 : vector<64x256xf32>, vector<64x256xf32> -> vector<64x512xf32>
        %dot_general3A_1654 = arith.constant dense<0.000000e+00> : vector<64x512xf32>
        %dot_general3A_1655 = tpu.matmul %concatenate3A_1653, %get3A_654, %dot_general3A_1654 {dimension_numbers = #tpu.dot_dimension_numbers<[1], [0], [0], [1], [0, 0, 1, 1], [], []>, transpose_lhs_hint = false} : vector<64x512xf32>, vector<512x512xf32>, vector<64x512xf32> -> vector<64x512xf32>
        %add3A_1656 = vector.broadcast %get3A_657 : vector<1x512xf32> to vector<64x512xf32>
        %add3A_1657 = arith.addf %dot_general3A_1655, %add3A_1656 : vector<64x512xf32>
        %logistic3A_1658 = arith.negf %add3A_1657 : vector<64x512xf32>
        %logistic3A_1659 = math.exp %logistic3A_1658 : vector<64x512xf32>
        %logistic3A_1660 = arith.constant 1.000000e+00 : f32
        %logistic3A_1661 = vector.broadcast %logistic3A_1660 : f32 to vector<64x512xf32>
        %logistic3A_1662 = arith.addf %logistic3A_1661, %logistic3A_1659 : vector<64x512xf32>
        %logistic3A_1663 = arith.divf %logistic3A_1661, %logistic3A_1662 : vector<64x512xf32>
        %slice3A_1664 = vector.extract_strided_slice %logistic3A_1663 {offsets = [0, 0], sizes = [64, 256], strides = [1, 1]} : vector<64x512xf32> to vector<64x256xf32>
        %slice3A_1665 = vector.extract_strided_slice %logistic3A_1663 {offsets = [0, 256], sizes = [64, 256], strides = [1, 1]} : vector<64x512xf32> to vector<64x256xf32>
        %mul3A_1666 = arith.mulf %add3A_1598, %slice3A_1664 : vector<64x256xf32>
        %concatenate3A_1667 = tpu.concatenate %squeeze3A_1626, %mul3A_1666 in 1 : vector<64x256xf32>, vector<64x256xf32> -> vector<64x512xf32>
        %dot_general3A_1668 = arith.constant dense<0.000000e+00> : vector<64x256xf32>
        %dot_general3A_1669 = tpu.matmul %concatenate3A_1667, %get3A_660, %dot_general3A_1668 {dimension_numbers = #tpu.dot_dimension_numbers<[1], [0], [0], [1], [0, 0, 1, 1], [], []>, transpose_lhs_hint = false} : vector<64x512xf32>, vector<512x256xf32>, vector<64x256xf32> -> vector<64x256xf32>
        %add3A_1670 = vector.broadcast %get3A_663 : vector<1x256xf32> to vector<64x256xf32>
        %add3A_1671 = arith.addf %dot_general3A_1669, %add3A_1670 : vector<64x256xf32>
        %tanh3A_1672 = math.tanh %add3A_1671 : vector<64x256xf32>
        %mul3A_1673 = arith.mulf %slice3A_1665, %add3A_1598 : vector<64x256xf32>
        %sub3A_1674 = arith.constant 1.000000e+00 : f32
        %sub3A_1675 = vector.broadcast %sub3A_1674 : f32 to vector<64x256xf32>
        %sub3A_1676 = arith.subf %sub3A_1675, %slice3A_1665 : vector<64x256xf32>
        %mul3A_1677 = arith.mulf %sub3A_1676, %tanh3A_1672 : vector<64x256xf32>
        %add3A_1678 = arith.addf %mul3A_1673, %mul3A_1677 : vector<64x256xf32>
        %reshape3A_1679 = vector.shape_cast %add3A_1652 : vector<64x256xf32> to vector<8x1x8x256xf32>
        %swap3A_1680 = arith.constant 0 : index
        %swap3A_1681 = arith.index_cast %scan3A_1614 : i32 to index
        %swap3A_1682 = arith.constant 0 : index
        %swap3A_1683 = arith.constant 0 : index
        %swap3A_1684 = vector.load %arg25[%swap3A_1680, %swap3A_1681, %swap3A_1682, %swap3A_1683] : memref<8x128x8x512xf32, #tpu.memory_space<vmem>>, vector<8x1x8x256xf32>
        tpu.vector_store %arg25[%swap3A_1680, %swap3A_1681, %swap3A_1682, %swap3A_1683], %reshape3A_1679 {strides = array<i32>} : memref<8x128x8x512xf32, #tpu.memory_space<vmem>>, vector<8x1x8x256xf32>,
        %reshape3A_1685 = vector.shape_cast %add3A_1678 : vector<64x256xf32> to vector<8x1x8x256xf32>
        %sub3A_1686 = arith.constant 127 : i32
        %sub3A_1687 = arith.subi %sub3A_1686, %scan3A_1614 : i32
        %swap3A_1688 = arith.constant 0 : index
        %swap3A_1689 = arith.index_cast %sub3A_1687 : i32 to index
        %swap3A_1690 = arith.constant 0 : index
        %swap3A_1691 = arith.constant 256 : index
        %swap3A_1692 = vector.load %arg25[%swap3A_1688, %swap3A_1689, %swap3A_1690, %swap3A_1691] : memref<8x128x8x512xf32, #tpu.memory_space<vmem>>, vector<8x1x8x256xf32>
        tpu.vector_store %arg25[%swap3A_1688, %swap3A_1689, %swap3A_1690, %swap3A_1691], %reshape3A_1685 {strides = array<i32>} : memref<8x128x8x512xf32, #tpu.memory_space<vmem>>, vector<8x1x8x256xf32>,
        %scan3A_1693 = arith.constant 5 : i32
        %scan3A_1694 = arith.addi %scan3A_1293, %scan3A_1693 : i32
        %get3A_1695 = arith.index_cast %scan3A_1694 : i32 to index
        %get3A_1696 = arith.constant 0 : index
        %get3A_1697 = arith.constant 0 : index
        %get3A_1698 = vector.load %arg1[%get3A_1695, %get3A_1696, %get3A_1697] : memref<128x64x256xf32, #tpu.memory_space<vmem>>, vector<1x64x256xf32>
        %squeeze3A_1699 = vector.shape_cast %get3A_1698 : vector<1x64x256xf32> to vector<64x256xf32>
        %sub3A_1700 = arith.constant 127 : i32
        %sub3A_1701 = arith.subi %sub3A_1700, %scan3A_1694 : i32
        %get3A_1702 = arith.index_cast %sub3A_1701 : i32 to index
        %get3A_1703 = arith.constant 0 : index
        %get3A_1704 = arith.constant 0 : index
        %get3A_1705 = vector.load %arg1[%get3A_1702, %get3A_1703, %get3A_1704] : memref<128x64x256xf32, #tpu.memory_space<vmem>>, vector<1x64x256xf32>
        %squeeze3A_1706 = vector.shape_cast %get3A_1705 : vector<1x64x256xf32> to vector<64x256xf32>
        %concatenate3A_1707 = tpu.concatenate %squeeze3A_1699, %add3A_1652 in 1 : vector<64x256xf32>, vector<64x256xf32> -> vector<64x512xf32>
        %dot_general3A_1708 = arith.constant dense<0.000000e+00> : vector<64x512xf32>
        %dot_general3A_1709 = tpu.matmul %concatenate3A_1707, %get3A_642, %dot_general3A_1708 {dimension_numbers = #tpu.dot_dimension_numbers<[1], [0], [0], [1], [0, 0, 1, 1], [], []>, transpose_lhs_hint = false} : vector<64x512xf32>, vector<512x512xf32>, vector<64x512xf32> -> vector<64x512xf32>
        %add3A_1710 = vector.broadcast %get3A_645 : vector<1x512xf32> to vector<64x512xf32>
        %add3A_1711 = arith.addf %dot_general3A_1709, %add3A_1710 : vector<64x512xf32>
        %logistic3A_1712 = arith.negf %add3A_1711 : vector<64x512xf32>
        %logistic3A_1713 = math.exp %logistic3A_1712 : vector<64x512xf32>
        %logistic3A_1714 = arith.constant 1.000000e+00 : f32
        %logistic3A_1715 = vector.broadcast %logistic3A_1714 : f32 to vector<64x512xf32>
        %logistic3A_1716 = arith.addf %logistic3A_1715, %logistic3A_1713 : vector<64x512xf32>
        %logistic3A_1717 = arith.divf %logistic3A_1715, %logistic3A_1716 : vector<64x512xf32>
        %slice3A_1718 = vector.extract_strided_slice %logistic3A_1717 {offsets = [0, 0], sizes = [64, 256], strides = [1, 1]} : vector<64x512xf32> to vector<64x256xf32>
        %slice3A_1719 = vector.extract_strided_slice %logistic3A_1717 {offsets = [0, 256], sizes = [64, 256], strides = [1, 1]} : vector<64x512xf32> to vector<64x256xf32>
        %mul3A_1720 = arith.mulf %add3A_1652, %slice3A_1718 : vector<64x256xf32>
        %concatenate3A_1721 = tpu.concatenate %squeeze3A_1699, %mul3A_1720 in 1 : vector<64x256xf32>, vector<64x256xf32> -> vector<64x512xf32>
        %dot_general3A_1722 = arith.constant dense<0.000000e+00> : vector<64x256xf32>
        %dot_general3A_1723 = tpu.matmul %concatenate3A_1721, %get3A_648, %dot_general3A_1722 {dimension_numbers = #tpu.dot_dimension_numbers<[1], [0], [0], [1], [0, 0, 1, 1], [], []>, transpose_lhs_hint = false} : vector<64x512xf32>, vector<512x256xf32>, vector<64x256xf32> -> vector<64x256xf32>
        %add3A_1724 = vector.broadcast %get3A_651 : vector<1x256xf32> to vector<64x256xf32>
        %add3A_1725 = arith.addf %dot_general3A_1723, %add3A_1724 : vector<64x256xf32>
        %tanh3A_1726 = math.tanh %add3A_1725 : vector<64x256xf32>
        %mul3A_1727 = arith.mulf %slice3A_1719, %add3A_1652 : vector<64x256xf32>
        %sub3A_1728 = arith.constant 1.000000e+00 : f32
        %sub3A_1729 = vector.broadcast %sub3A_1728 : f32 to vector<64x256xf32>
        %sub3A_1730 = arith.subf %sub3A_1729, %slice3A_1719 : vector<64x256xf32>
        %mul3A_1731 = arith.mulf %sub3A_1730, %tanh3A_1726 : vector<64x256xf32>
        %add3A_1732 = arith.addf %mul3A_1727, %mul3A_1731 : vector<64x256xf32>
        %concatenate3A_1733 = tpu.concatenate %squeeze3A_1706, %add3A_1678 in 1 : vector<64x256xf32>, vector<64x256xf32> -> vector<64x512xf32>
        %dot_general3A_1734 = arith.constant dense<0.000000e+00> : vector<64x512xf32>
        %dot_general3A_1735 = tpu.matmul %concatenate3A_1733, %get3A_654, %dot_general3A_1734 {dimension_numbers = #tpu.dot_dimension_numbers<[1], [0], [0], [1], [0, 0, 1, 1], [], []>, transpose_lhs_hint = false} : vector<64x512xf32>, vector<512x512xf32>, vector<64x512xf32> -> vector<64x512xf32>
        %add3A_1736 = vector.broadcast %get3A_657 : vector<1x512xf32> to vector<64x512xf32>
        %add3A_1737 = arith.addf %dot_general3A_1735, %add3A_1736 : vector<64x512xf32>
        %logistic3A_1738 = arith.negf %add3A_1737 : vector<64x512xf32>
        %logistic3A_1739 = math.exp %logistic3A_1738 : vector<64x512xf32>
        %logistic3A_1740 = arith.constant 1.000000e+00 : f32
        %logistic3A_1741 = vector.broadcast %logistic3A_1740 : f32 to vector<64x512xf32>
        %logistic3A_1742 = arith.addf %logistic3A_1741, %logistic3A_1739 : vector<64x512xf32>
        %logistic3A_1743 = arith.divf %logistic3A_1741, %logistic3A_1742 : vector<64x512xf32>
        %slice3A_1744 = vector.extract_strided_slice %logistic3A_1743 {offsets = [0, 0], sizes = [64, 256], strides = [1, 1]} : vector<64x512xf32> to vector<64x256xf32>
        %slice3A_1745 = vector.extract_strided_slice %logistic3A_1743 {offsets = [0, 256], sizes = [64, 256], strides = [1, 1]} : vector<64x512xf32> to vector<64x256xf32>
        %mul3A_1746 = arith.mulf %add3A_1678, %slice3A_1744 : vector<64x256xf32>
        %concatenate3A_1747 = tpu.concatenate %squeeze3A_1706, %mul3A_1746 in 1 : vector<64x256xf32>, vector<64x256xf32> -> vector<64x512xf32>
        %dot_general3A_1748 = arith.constant dense<0.000000e+00> : vector<64x256xf32>
        %dot_general3A_1749 = tpu.matmul %concatenate3A_1747, %get3A_660, %dot_general3A_1748 {dimension_numbers = #tpu.dot_dimension_numbers<[1], [0], [0], [1], [0, 0, 1, 1], [], []>, transpose_lhs_hint = false} : vector<64x512xf32>, vector<512x256xf32>, vector<64x256xf32> -> vector<64x256xf32>
        %add3A_1750 = vector.broadcast %get3A_663 : vector<1x256xf32> to vector<64x256xf32>
        %add3A_1751 = arith.addf %dot_general3A_1749, %add3A_1750 : vector<64x256xf32>
        %tanh3A_1752 = math.tanh %add3A_1751 : vector<64x256xf32>
        %mul3A_1753 = arith.mulf %slice3A_1745, %add3A_1678 : vector<64x256xf32>
        %sub3A_1754 = arith.constant 1.000000e+00 : f32
        %sub3A_1755 = vector.broadcast %sub3A_1754 : f32 to vector<64x256xf32>
        %sub3A_1756 = arith.subf %sub3A_1755, %slice3A_1745 : vector<64x256xf32>
        %mul3A_1757 = arith.mulf %sub3A_1756, %tanh3A_1752 : vector<64x256xf32>
        %add3A_1758 = arith.addf %mul3A_1753, %mul3A_1757 : vector<64x256xf32>
        %reshape3A_1759 = vector.shape_cast %add3A_1732 : vector<64x256xf32> to vector<8x1x8x256xf32>
        %swap3A_1760 = arith.constant 0 : index
        %swap3A_1761 = arith.index_cast %scan3A_1694 : i32 to index
        %swap3A_1762 = arith.constant 0 : index
        %swap3A_1763 = arith.constant 0 : index
        %swap3A_1764 = vector.load %arg25[%swap3A_1760, %swap3A_1761, %swap3A_1762, %swap3A_1763] : memref<8x128x8x512xf32, #tpu.memory_space<vmem>>, vector<8x1x8x256xf32>
        tpu.vector_store %arg25[%swap3A_1760, %swap3A_1761, %swap3A_1762, %swap3A_1763], %reshape3A_1759 {strides = array<i32>} : memref<8x128x8x512xf32, #tpu.memory_space<vmem>>, vector<8x1x8x256xf32>,
        %reshape3A_1765 = vector.shape_cast %add3A_1758 : vector<64x256xf32> to vector<8x1x8x256xf32>
        %sub3A_1766 = arith.constant 127 : i32
        %sub3A_1767 = arith.subi %sub3A_1766, %scan3A_1694 : i32
        %swap3A_1768 = arith.constant 0 : index
        %swap3A_1769 = arith.index_cast %sub3A_1767 : i32 to index
        %swap3A_1770 = arith.constant 0 : index
        %swap3A_1771 = arith.constant 256 : index
        %swap3A_1772 = vector.load %arg25[%swap3A_1768, %swap3A_1769, %swap3A_1770, %swap3A_1771] : memref<8x128x8x512xf32, #tpu.memory_space<vmem>>, vector<8x1x8x256xf32>
        tpu.vector_store %arg25[%swap3A_1768, %swap3A_1769, %swap3A_1770, %swap3A_1771], %reshape3A_1765 {strides = array<i32>} : memref<8x128x8x512xf32, #tpu.memory_space<vmem>>, vector<8x1x8x256xf32>,
        %scan3A_1773 = arith.constant 6 : i32
        %scan3A_1774 = arith.addi %scan3A_1293, %scan3A_1773 : i32
        %get3A_1775 = arith.index_cast %scan3A_1774 : i32 to index
        %get3A_1776 = arith.constant 0 : index
        %get3A_1777 = arith.constant 0 : index
        %get3A_1778 = vector.load %arg1[%get3A_1775, %get3A_1776, %get3A_1777] : memref<128x64x256xf32, #tpu.memory_space<vmem>>, vector<1x64x256xf32>
        %squeeze3A_1779 = vector.shape_cast %get3A_1778 : vector<1x64x256xf32> to vector<64x256xf32>
        %sub3A_1780 = arith.constant 127 : i32
        %sub3A_1781 = arith.subi %sub3A_1780, %scan3A_1774 : i32
        %get3A_1782 = arith.index_cast %sub3A_1781 : i32 to index
        %get3A_1783 = arith.constant 0 : index
        %get3A_1784 = arith.constant 0 : index
        %get3A_1785 = vector.load %arg1[%get3A_1782, %get3A_1783, %get3A_1784] : memref<128x64x256xf32, #tpu.memory_space<vmem>>, vector<1x64x256xf32>
        %squeeze3A_1786 = vector.shape_cast %get3A_1785 : vector<1x64x256xf32> to vector<64x256xf32>
        %concatenate3A_1787 = tpu.concatenate %squeeze3A_1779, %add3A_1732 in 1 : vector<64x256xf32>, vector<64x256xf32> -> vector<64x512xf32>
        %dot_general3A_1788 = arith.constant dense<0.000000e+00> : vector<64x512xf32>
        %dot_general3A_1789 = tpu.matmul %concatenate3A_1787, %get3A_642, %dot_general3A_1788 {dimension_numbers = #tpu.dot_dimension_numbers<[1], [0], [0], [1], [0, 0, 1, 1], [], []>, transpose_lhs_hint = false} : vector<64x512xf32>, vector<512x512xf32>, vector<64x512xf32> -> vector<64x512xf32>
        %add3A_1790 = vector.broadcast %get3A_645 : vector<1x512xf32> to vector<64x512xf32>
        %add3A_1791 = arith.addf %dot_general3A_1789, %add3A_1790 : vector<64x512xf32>
        %logistic3A_1792 = arith.negf %add3A_1791 : vector<64x512xf32>
        %logistic3A_1793 = math.exp %logistic3A_1792 : vector<64x512xf32>
        %logistic3A_1794 = arith.constant 1.000000e+00 : f32
        %logistic3A_1795 = vector.broadcast %logistic3A_1794 : f32 to vector<64x512xf32>
        %logistic3A_1796 = arith.addf %logistic3A_1795, %logistic3A_1793 : vector<64x512xf32>
        %logistic3A_1797 = arith.divf %logistic3A_1795, %logistic3A_1796 : vector<64x512xf32>
        %slice3A_1798 = vector.extract_strided_slice %logistic3A_1797 {offsets = [0, 0], sizes = [64, 256], strides = [1, 1]} : vector<64x512xf32> to vector<64x256xf32>
        %slice3A_1799 = vector.extract_strided_slice %logistic3A_1797 {offsets = [0, 256], sizes = [64, 256], strides = [1, 1]} : vector<64x512xf32> to vector<64x256xf32>
        %mul3A_1800 = arith.mulf %add3A_1732, %slice3A_1798 : vector<64x256xf32>
        %concatenate3A_1801 = tpu.concatenate %squeeze3A_1779, %mul3A_1800 in 1 : vector<64x256xf32>, vector<64x256xf32> -> vector<64x512xf32>
        %dot_general3A_1802 = arith.constant dense<0.000000e+00> : vector<64x256xf32>
        %dot_general3A_1803 = tpu.matmul %concatenate3A_1801, %get3A_648, %dot_general3A_1802 {dimension_numbers = #tpu.dot_dimension_numbers<[1], [0], [0], [1], [0, 0, 1, 1], [], []>, transpose_lhs_hint = false} : vector<64x512xf32>, vector<512x256xf32>, vector<64x256xf32> -> vector<64x256xf32>
        %add3A_1804 = vector.broadcast %get3A_651 : vector<1x256xf32> to vector<64x256xf32>
        %add3A_1805 = arith.addf %dot_general3A_1803, %add3A_1804 : vector<64x256xf32>
        %tanh3A_1806 = math.tanh %add3A_1805 : vector<64x256xf32>
        %mul3A_1807 = arith.mulf %slice3A_1799, %add3A_1732 : vector<64x256xf32>
        %sub3A_1808 = arith.constant 1.000000e+00 : f32
        %sub3A_1809 = vector.broadcast %sub3A_1808 : f32 to vector<64x256xf32>
        %sub3A_1810 = arith.subf %sub3A_1809, %slice3A_1799 : vector<64x256xf32>
        %mul3A_1811 = arith.mulf %sub3A_1810, %tanh3A_1806 : vector<64x256xf32>
        %add3A_1812 = arith.addf %mul3A_1807, %mul3A_1811 : vector<64x256xf32>
        %concatenate3A_1813 = tpu.concatenate %squeeze3A_1786, %add3A_1758 in 1 : vector<64x256xf32>, vector<64x256xf32> -> vector<64x512xf32>
        %dot_general3A_1814 = arith.constant dense<0.000000e+00> : vector<64x512xf32>
        %dot_general3A_1815 = tpu.matmul %concatenate3A_1813, %get3A_654, %dot_general3A_1814 {dimension_numbers = #tpu.dot_dimension_numbers<[1], [0], [0], [1], [0, 0, 1, 1], [], []>, transpose_lhs_hint = false} : vector<64x512xf32>, vector<512x512xf32>, vector<64x512xf32> -> vector<64x512xf32>
        %add3A_1816 = vector.broadcast %get3A_657 : vector<1x512xf32> to vector<64x512xf32>
        %add3A_1817 = arith.addf %dot_general3A_1815, %add3A_1816 : vector<64x512xf32>
        %logistic3A_1818 = arith.negf %add3A_1817 : vector<64x512xf32>
        %logistic3A_1819 = math.exp %logistic3A_1818 : vector<64x512xf32>
        %logistic3A_1820 = arith.constant 1.000000e+00 : f32
        %logistic3A_1821 = vector.broadcast %logistic3A_1820 : f32 to vector<64x512xf32>
        %logistic3A_1822 = arith.addf %logistic3A_1821, %logistic3A_1819 : vector<64x512xf32>
        %logistic3A_1823 = arith.divf %logistic3A_1821, %logistic3A_1822 : vector<64x512xf32>
        %slice3A_1824 = vector.extract_strided_slice %logistic3A_1823 {offsets = [0, 0], sizes = [64, 256], strides = [1, 1]} : vector<64x512xf32> to vector<64x256xf32>
        %slice3A_1825 = vector.extract_strided_slice %logistic3A_1823 {offsets = [0, 256], sizes = [64, 256], strides = [1, 1]} : vector<64x512xf32> to vector<64x256xf32>
        %mul3A_1826 = arith.mulf %add3A_1758, %slice3A_1824 : vector<64x256xf32>
        %concatenate3A_1827 = tpu.concatenate %squeeze3A_1786, %mul3A_1826 in 1 : vector<64x256xf32>, vector<64x256xf32> -> vector<64x512xf32>
        %dot_general3A_1828 = arith.constant dense<0.000000e+00> : vector<64x256xf32>
        %dot_general3A_1829 = tpu.matmul %concatenate3A_1827, %get3A_660, %dot_general3A_1828 {dimension_numbers = #tpu.dot_dimension_numbers<[1], [0], [0], [1], [0, 0, 1, 1], [], []>, transpose_lhs_hint = false} : vector<64x512xf32>, vector<512x256xf32>, vector<64x256xf32> -> vector<64x256xf32>
        %add3A_1830 = vector.broadcast %get3A_663 : vector<1x256xf32> to vector<64x256xf32>
        %add3A_1831 = arith.addf %dot_general3A_1829, %add3A_1830 : vector<64x256xf32>
        %tanh3A_1832 = math.tanh %add3A_1831 : vector<64x256xf32>
        %mul3A_1833 = arith.mulf %slice3A_1825, %add3A_1758 : vector<64x256xf32>
        %sub3A_1834 = arith.constant 1.000000e+00 : f32
        %sub3A_1835 = vector.broadcast %sub3A_1834 : f32 to vector<64x256xf32>
        %sub3A_1836 = arith.subf %sub3A_1835, %slice3A_1825 : vector<64x256xf32>
        %mul3A_1837 = arith.mulf %sub3A_1836, %tanh3A_1832 : vector<64x256xf32>
        %add3A_1838 = arith.addf %mul3A_1833, %mul3A_1837 : vector<64x256xf32>
        %reshape3A_1839 = vector.shape_cast %add3A_1812 : vector<64x256xf32> to vector<8x1x8x256xf32>
        %swap3A_1840 = arith.constant 0 : index
        %swap3A_1841 = arith.index_cast %scan3A_1774 : i32 to index
        %swap3A_1842 = arith.constant 0 : index
        %swap3A_1843 = arith.constant 0 : index
        %swap3A_1844 = vector.load %arg25[%swap3A_1840, %swap3A_1841, %swap3A_1842, %swap3A_1843] : memref<8x128x8x512xf32, #tpu.memory_space<vmem>>, vector<8x1x8x256xf32>
        tpu.vector_store %arg25[%swap3A_1840, %swap3A_1841, %swap3A_1842, %swap3A_1843], %reshape3A_1839 {strides = array<i32>} : memref<8x128x8x512xf32, #tpu.memory_space<vmem>>, vector<8x1x8x256xf32>,
        %reshape3A_1845 = vector.shape_cast %add3A_1838 : vector<64x256xf32> to vector<8x1x8x256xf32>
        %sub3A_1846 = arith.constant 127 : i32
        %sub3A_1847 = arith.subi %sub3A_1846, %scan3A_1774 : i32
        %swap3A_1848 = arith.constant 0 : index
        %swap3A_1849 = arith.index_cast %sub3A_1847 : i32 to index
        %swap3A_1850 = arith.constant 0 : index
        %swap3A_1851 = arith.constant 256 : index
        %swap3A_1852 = vector.load %arg25[%swap3A_1848, %swap3A_1849, %swap3A_1850, %swap3A_1851] : memref<8x128x8x512xf32, #tpu.memory_space<vmem>>, vector<8x1x8x256xf32>
        tpu.vector_store %arg25[%swap3A_1848, %swap3A_1849, %swap3A_1850, %swap3A_1851], %reshape3A_1845 {strides = array<i32>} : memref<8x128x8x512xf32, #tpu.memory_space<vmem>>, vector<8x1x8x256xf32>,
        %scan3A_1853 = arith.constant 7 : i32
        %scan3A_1854 = arith.addi %scan3A_1293, %scan3A_1853 : i32
        %get3A_1855 = arith.index_cast %scan3A_1854 : i32 to index
        %get3A_1856 = arith.constant 0 : index
        %get3A_1857 = arith.constant 0 : index
        %get3A_1858 = vector.load %arg1[%get3A_1855, %get3A_1856, %get3A_1857] : memref<128x64x256xf32, #tpu.memory_space<vmem>>, vector<1x64x256xf32>
        %squeeze3A_1859 = vector.shape_cast %get3A_1858 : vector<1x64x256xf32> to vector<64x256xf32>
        %sub3A_1860 = arith.constant 127 : i32
        %sub3A_1861 = arith.subi %sub3A_1860, %scan3A_1854 : i32
        %get3A_1862 = arith.index_cast %sub3A_1861 : i32 to index
        %get3A_1863 = arith.constant 0 : index
        %get3A_1864 = arith.constant 0 : index
        %get3A_1865 = vector.load %arg1[%get3A_1862, %get3A_1863, %get3A_1864] : memref<128x64x256xf32, #tpu.memory_space<vmem>>, vector<1x64x256xf32>
        %squeeze3A_1866 = vector.shape_cast %get3A_1865 : vector<1x64x256xf32> to vector<64x256xf32>
        %concatenate3A_1867 = tpu.concatenate %squeeze3A_1859, %add3A_1812 in 1 : vector<64x256xf32>, vector<64x256xf32> -> vector<64x512xf32>
        %dot_general3A_1868 = arith.constant dense<0.000000e+00> : vector<64x512xf32>
        %dot_general3A_1869 = tpu.matmul %concatenate3A_1867, %get3A_642, %dot_general3A_1868 {dimension_numbers = #tpu.dot_dimension_numbers<[1], [0], [0], [1], [0, 0, 1, 1], [], []>, transpose_lhs_hint = false} : vector<64x512xf32>, vector<512x512xf32>, vector<64x512xf32> -> vector<64x512xf32>
        %add3A_1870 = vector.broadcast %get3A_645 : vector<1x512xf32> to vector<64x512xf32>
        %add3A_1871 = arith.addf %dot_general3A_1869, %add3A_1870 : vector<64x512xf32>
        %logistic3A_1872 = arith.negf %add3A_1871 : vector<64x512xf32>
        %logistic3A_1873 = math.exp %logistic3A_1872 : vector<64x512xf32>
        %logistic3A_1874 = arith.constant 1.000000e+00 : f32
        %logistic3A_1875 = vector.broadcast %logistic3A_1874 : f32 to vector<64x512xf32>
        %logistic3A_1876 = arith.addf %logistic3A_1875, %logistic3A_1873 : vector<64x512xf32>
        %logistic3A_1877 = arith.divf %logistic3A_1875, %logistic3A_1876 : vector<64x512xf32>
        %slice3A_1878 = vector.extract_strided_slice %logistic3A_1877 {offsets = [0, 0], sizes = [64, 256], strides = [1, 1]} : vector<64x512xf32> to vector<64x256xf32>
        %slice3A_1879 = vector.extract_strided_slice %logistic3A_1877 {offsets = [0, 256], sizes = [64, 256], strides = [1, 1]} : vector<64x512xf32> to vector<64x256xf32>
        %mul3A_1880 = arith.mulf %add3A_1812, %slice3A_1878 : vector<64x256xf32>
        %concatenate3A_1881 = tpu.concatenate %squeeze3A_1859, %mul3A_1880 in 1 : vector<64x256xf32>, vector<64x256xf32> -> vector<64x512xf32>
        %dot_general3A_1882 = arith.constant dense<0.000000e+00> : vector<64x256xf32>
        %dot_general3A_1883 = tpu.matmul %concatenate3A_1881, %get3A_648, %dot_general3A_1882 {dimension_numbers = #tpu.dot_dimension_numbers<[1], [0], [0], [1], [0, 0, 1, 1], [], []>, transpose_lhs_hint = false} : vector<64x512xf32>, vector<512x256xf32>, vector<64x256xf32> -> vector<64x256xf32>
        %add3A_1884 = vector.broadcast %get3A_651 : vector<1x256xf32> to vector<64x256xf32>
        %add3A_1885 = arith.addf %dot_general3A_1883, %add3A_1884 : vector<64x256xf32>
        %tanh3A_1886 = math.tanh %add3A_1885 : vector<64x256xf32>
        %mul3A_1887 = arith.mulf %slice3A_1879, %add3A_1812 : vector<64x256xf32>
        %sub3A_1888 = arith.constant 1.000000e+00 : f32
        %sub3A_1889 = vector.broadcast %sub3A_1888 : f32 to vector<64x256xf32>
        %sub3A_1890 = arith.subf %sub3A_1889, %slice3A_1879 : vector<64x256xf32>
        %mul3A_1891 = arith.mulf %sub3A_1890, %tanh3A_1886 : vector<64x256xf32>
        %add3A_1892 = arith.addf %mul3A_1887, %mul3A_1891 : vector<64x256xf32>
        %concatenate3A_1893 = tpu.concatenate %squeeze3A_1866, %add3A_1838 in 1 : vector<64x256xf32>, vector<64x256xf32> -> vector<64x512xf32>
        %dot_general3A_1894 = arith.constant dense<0.000000e+00> : vector<64x512xf32>
        %dot_general3A_1895 = tpu.matmul %concatenate3A_1893, %get3A_654, %dot_general3A_1894 {dimension_numbers = #tpu.dot_dimension_numbers<[1], [0], [0], [1], [0, 0, 1, 1], [], []>, transpose_lhs_hint = false} : vector<64x512xf32>, vector<512x512xf32>, vector<64x512xf32> -> vector<64x512xf32>
        %add3A_1896 = vector.broadcast %get3A_657 : vector<1x512xf32> to vector<64x512xf32>
        %add3A_1897 = arith.addf %dot_general3A_1895, %add3A_1896 : vector<64x512xf32>
        %logistic3A_1898 = arith.negf %add3A_1897 : vector<64x512xf32>
        %logistic3A_1899 = math.exp %logistic3A_1898 : vector<64x512xf32>
        %logistic3A_1900 = arith.constant 1.000000e+00 : f32
        %logistic3A_1901 = vector.broadcast %logistic3A_1900 : f32 to vector<64x512xf32>
        %logistic3A_1902 = arith.addf %logistic3A_1901, %logistic3A_1899 : vector<64x512xf32>
        %logistic3A_1903 = arith.divf %logistic3A_1901, %logistic3A_1902 : vector<64x512xf32>
        %slice3A_1904 = vector.extract_strided_slice %logistic3A_1903 {offsets = [0, 0], sizes = [64, 256], strides = [1, 1]} : vector<64x512xf32> to vector<64x256xf32>
        %slice3A_1905 = vector.extract_strided_slice %logistic3A_1903 {offsets = [0, 256], sizes = [64, 256], strides = [1, 1]} : vector<64x512xf32> to vector<64x256xf32>
        %mul3A_1906 = arith.mulf %add3A_1838, %slice3A_1904 : vector<64x256xf32>
        %concatenate3A_1907 = tpu.concatenate %squeeze3A_1866, %mul3A_1906 in 1 : vector<64x256xf32>, vector<64x256xf32> -> vector<64x512xf32>
        %dot_general3A_1908 = arith.constant dense<0.000000e+00> : vector<64x256xf32>
        %dot_general3A_1909 = tpu.matmul %concatenate3A_1907, %get3A_660, %dot_general3A_1908 {dimension_numbers = #tpu.dot_dimension_numbers<[1], [0], [0], [1], [0, 0, 1, 1], [], []>, transpose_lhs_hint = false} : vector<64x512xf32>, vector<512x256xf32>, vector<64x256xf32> -> vector<64x256xf32>
        %add3A_1910 = vector.broadcast %get3A_663 : vector<1x256xf32> to vector<64x256xf32>
        %add3A_1911 = arith.addf %dot_general3A_1909, %add3A_1910 : vector<64x256xf32>
        %tanh3A_1912 = math.tanh %add3A_1911 : vector<64x256xf32>
        %mul3A_1913 = arith.mulf %slice3A_1905, %add3A_1838 : vector<64x256xf32>
        %sub3A_1914 = arith.constant 1.000000e+00 : f32
        %sub3A_1915 = vector.broadcast %sub3A_1914 : f32 to vector<64x256xf32>
        %sub3A_1916 = arith.subf %sub3A_1915, %slice3A_1905 : vector<64x256xf32>
        %mul3A_1917 = arith.mulf %sub3A_1916, %tanh3A_1912 : vector<64x256xf32>
        %add3A_1918 = arith.addf %mul3A_1913, %mul3A_1917 : vector<64x256xf32>
        %reshape3A_1919 = vector.shape_cast %add3A_1892 : vector<64x256xf32> to vector<8x1x8x256xf32>
        %swap3A_1920 = arith.constant 0 : index
        %swap3A_1921 = arith.index_cast %scan3A_1854 : i32 to index
        %swap3A_1922 = arith.constant 0 : index
        %swap3A_1923 = arith.constant 0 : index
        %swap3A_1924 = vector.load %arg25[%swap3A_1920, %swap3A_1921, %swap3A_1922, %swap3A_1923] : memref<8x128x8x512xf32, #tpu.memory_space<vmem>>, vector<8x1x8x256xf32>
        tpu.vector_store %arg25[%swap3A_1920, %swap3A_1921, %swap3A_1922, %swap3A_1923], %reshape3A_1919 {strides = array<i32>} : memref<8x128x8x512xf32, #tpu.memory_space<vmem>>, vector<8x1x8x256xf32>,
        %reshape3A_1925 = vector.shape_cast %add3A_1918 : vector<64x256xf32> to vector<8x1x8x256xf32>
        %sub3A_1926 = arith.constant 127 : i32
        %sub3A_1927 = arith.subi %sub3A_1926, %scan3A_1854 : i32
        %swap3A_1928 = arith.constant 0 : index
        %swap3A_1929 = arith.index_cast %sub3A_1927 : i32 to index
        %swap3A_1930 = arith.constant 0 : index
        %swap3A_1931 = arith.constant 256 : index
        %swap3A_1932 = vector.load %arg25[%swap3A_1928, %swap3A_1929, %swap3A_1930, %swap3A_1931] : memref<8x128x8x512xf32, #tpu.memory_space<vmem>>, vector<8x1x8x256xf32>
        tpu.vector_store %arg25[%swap3A_1928, %swap3A_1929, %swap3A_1930, %swap3A_1931], %reshape3A_1925 {strides = array<i32>} : memref<8x128x8x512xf32, #tpu.memory_space<vmem>>, vector<8x1x8x256xf32>,
        %scan3A_1933 = arith.constant 8 : i32
        %scan3A_1934 = arith.addi %scan3A_1293, %scan3A_1933 : i32
        %get3A_1935 = arith.index_cast %scan3A_1934 : i32 to index
        %get3A_1936 = arith.constant 0 : index
        %get3A_1937 = arith.constant 0 : index
        %get3A_1938 = vector.load %arg1[%get3A_1935, %get3A_1936, %get3A_1937] : memref<128x64x256xf32, #tpu.memory_space<vmem>>, vector<1x64x256xf32>
        %squeeze3A_1939 = vector.shape_cast %get3A_1938 : vector<1x64x256xf32> to vector<64x256xf32>
        %sub3A_1940 = arith.constant 127 : i32
        %sub3A_1941 = arith.subi %sub3A_1940, %scan3A_1934 : i32
        %get3A_1942 = arith.index_cast %sub3A_1941 : i32 to index
        %get3A_1943 = arith.constant 0 : index
        %get3A_1944 = arith.constant 0 : index
        %get3A_1945 = vector.load %arg1[%get3A_1942, %get3A_1943, %get3A_1944] : memref<128x64x256xf32, #tpu.memory_space<vmem>>, vector<1x64x256xf32>
        %squeeze3A_1946 = vector.shape_cast %get3A_1945 : vector<1x64x256xf32> to vector<64x256xf32>
        %concatenate3A_1947 = tpu.concatenate %squeeze3A_1939, %add3A_1892 in 1 : vector<64x256xf32>, vector<64x256xf32> -> vector<64x512xf32>
        %dot_general3A_1948 = arith.constant dense<0.000000e+00> : vector<64x512xf32>
        %dot_general3A_1949 = tpu.matmul %concatenate3A_1947, %get3A_642, %dot_general3A_1948 {dimension_numbers = #tpu.dot_dimension_numbers<[1], [0], [0], [1], [0, 0, 1, 1], [], []>, transpose_lhs_hint = false} : vector<64x512xf32>, vector<512x512xf32>, vector<64x512xf32> -> vector<64x512xf32>
        %add3A_1950 = vector.broadcast %get3A_645 : vector<1x512xf32> to vector<64x512xf32>
        %add3A_1951 = arith.addf %dot_general3A_1949, %add3A_1950 : vector<64x512xf32>
        %logistic3A_1952 = arith.negf %add3A_1951 : vector<64x512xf32>
        %logistic3A_1953 = math.exp %logistic3A_1952 : vector<64x512xf32>
        %logistic3A_1954 = arith.constant 1.000000e+00 : f32
        %logistic3A_1955 = vector.broadcast %logistic3A_1954 : f32 to vector<64x512xf32>
        %logistic3A_1956 = arith.addf %logistic3A_1955, %logistic3A_1953 : vector<64x512xf32>
        %logistic3A_1957 = arith.divf %logistic3A_1955, %logistic3A_1956 : vector<64x512xf32>
        %slice3A_1958 = vector.extract_strided_slice %logistic3A_1957 {offsets = [0, 0], sizes = [64, 256], strides = [1, 1]} : vector<64x512xf32> to vector<64x256xf32>
        %slice3A_1959 = vector.extract_strided_slice %logistic3A_1957 {offsets = [0, 256], sizes = [64, 256], strides = [1, 1]} : vector<64x512xf32> to vector<64x256xf32>
        %mul3A_1960 = arith.mulf %add3A_1892, %slice3A_1958 : vector<64x256xf32>
        %concatenate3A_1961 = tpu.concatenate %squeeze3A_1939, %mul3A_1960 in 1 : vector<64x256xf32>, vector<64x256xf32> -> vector<64x512xf32>
        %dot_general3A_1962 = arith.constant dense<0.000000e+00> : vector<64x256xf32>
        %dot_general3A_1963 = tpu.matmul %concatenate3A_1961, %get3A_648, %dot_general3A_1962 {dimension_numbers = #tpu.dot_dimension_numbers<[1], [0], [0], [1], [0, 0, 1, 1], [], []>, transpose_lhs_hint = false} : vector<64x512xf32>, vector<512x256xf32>, vector<64x256xf32> -> vector<64x256xf32>
        %add3A_1964 = vector.broadcast %get3A_651 : vector<1x256xf32> to vector<64x256xf32>
        %add3A_1965 = arith.addf %dot_general3A_1963, %add3A_1964 : vector<64x256xf32>
        %tanh3A_1966 = math.tanh %add3A_1965 : vector<64x256xf32>
        %mul3A_1967 = arith.mulf %slice3A_1959, %add3A_1892 : vector<64x256xf32>
        %sub3A_1968 = arith.constant 1.000000e+00 : f32
        %sub3A_1969 = vector.broadcast %sub3A_1968 : f32 to vector<64x256xf32>
        %sub3A_1970 = arith.subf %sub3A_1969, %slice3A_1959 : vector<64x256xf32>
        %mul3A_1971 = arith.mulf %sub3A_1970, %tanh3A_1966 : vector<64x256xf32>
        %add3A_1972 = arith.addf %mul3A_1967, %mul3A_1971 : vector<64x256xf32>
        %concatenate3A_1973 = tpu.concatenate %squeeze3A_1946, %add3A_1918 in 1 : vector<64x256xf32>, vector<64x256xf32> -> vector<64x512xf32>
        %dot_general3A_1974 = arith.constant dense<0.000000e+00> : vector<64x512xf32>
        %dot_general3A_1975 = tpu.matmul %concatenate3A_1973, %get3A_654, %dot_general3A_1974 {dimension_numbers = #tpu.dot_dimension_numbers<[1], [0], [0], [1], [0, 0, 1, 1], [], []>, transpose_lhs_hint = false} : vector<64x512xf32>, vector<512x512xf32>, vector<64x512xf32> -> vector<64x512xf32>
        %add3A_1976 = vector.broadcast %get3A_657 : vector<1x512xf32> to vector<64x512xf32>
        %add3A_1977 = arith.addf %dot_general3A_1975, %add3A_1976 : vector<64x512xf32>
        %logistic3A_1978 = arith.negf %add3A_1977 : vector<64x512xf32>
        %logistic3A_1979 = math.exp %logistic3A_1978 : vector<64x512xf32>
        %logistic3A_1980 = arith.constant 1.000000e+00 : f32
        %logistic3A_1981 = vector.broadcast %logistic3A_1980 : f32 to vector<64x512xf32>
        %logistic3A_1982 = arith.addf %logistic3A_1981, %logistic3A_1979 : vector<64x512xf32>
        %logistic3A_1983 = arith.divf %logistic3A_1981, %logistic3A_1982 : vector<64x512xf32>
        %slice3A_1984 = vector.extract_strided_slice %logistic3A_1983 {offsets = [0, 0], sizes = [64, 256], strides = [1, 1]} : vector<64x512xf32> to vector<64x256xf32>
        %slice3A_1985 = vector.extract_strided_slice %logistic3A_1983 {offsets = [0, 256], sizes = [64, 256], strides = [1, 1]} : vector<64x512xf32> to vector<64x256xf32>
        %mul3A_1986 = arith.mulf %add3A_1918, %slice3A_1984 : vector<64x256xf32>
        %concatenate3A_1987 = tpu.concatenate %squeeze3A_1946, %mul3A_1986 in 1 : vector<64x256xf32>, vector<64x256xf32> -> vector<64x512xf32>
        %dot_general3A_1988 = arith.constant dense<0.000000e+00> : vector<64x256xf32>
        %dot_general3A_1989 = tpu.matmul %concatenate3A_1987, %get3A_660, %dot_general3A_1988 {dimension_numbers = #tpu.dot_dimension_numbers<[1], [0], [0], [1], [0, 0, 1, 1], [], []>, transpose_lhs_hint = false} : vector<64x512xf32>, vector<512x256xf32>, vector<64x256xf32> -> vector<64x256xf32>
        %add3A_1990 = vector.broadcast %get3A_663 : vector<1x256xf32> to vector<64x256xf32>
        %add3A_1991 = arith.addf %dot_general3A_1989, %add3A_1990 : vector<64x256xf32>
        %tanh3A_1992 = math.tanh %add3A_1991 : vector<64x256xf32>
        %mul3A_1993 = arith.mulf %slice3A_1985, %add3A_1918 : vector<64x256xf32>
        %sub3A_1994 = arith.constant 1.000000e+00 : f32
        %sub3A_1995 = vector.broadcast %sub3A_1994 : f32 to vector<64x256xf32>
        %sub3A_1996 = arith.subf %sub3A_1995, %slice3A_1985 : vector<64x256xf32>
        %mul3A_1997 = arith.mulf %sub3A_1996, %tanh3A_1992 : vector<64x256xf32>
        %add3A_1998 = arith.addf %mul3A_1993, %mul3A_1997 : vector<64x256xf32>
        %reshape3A_1999 = vector.shape_cast %add3A_1972 : vector<64x256xf32> to vector<8x1x8x256xf32>
        %swap3A_2000 = arith.constant 0 : index
        %swap3A_2001 = arith.index_cast %scan3A_1934 : i32 to index
        %swap3A_2002 = arith.constant 0 : index
        %swap3A_2003 = arith.constant 0 : index
        %swap3A_2004 = vector.load %arg25[%swap3A_2000, %swap3A_2001, %swap3A_2002, %swap3A_2003] : memref<8x128x8x512xf32, #tpu.memory_space<vmem>>, vector<8x1x8x256xf32>
        tpu.vector_store %arg25[%swap3A_2000, %swap3A_2001, %swap3A_2002, %swap3A_2003], %reshape3A_1999 {strides = array<i32>} : memref<8x128x8x512xf32, #tpu.memory_space<vmem>>, vector<8x1x8x256xf32>,
        %reshape3A_2005 = vector.shape_cast %add3A_1998 : vector<64x256xf32> to vector<8x1x8x256xf32>
        %sub3A_2006 = arith.constant 127 : i32
        %sub3A_2007 = arith.subi %sub3A_2006, %scan3A_1934 : i32
        %swap3A_2008 = arith.constant 0 : index
        %swap3A_2009 = arith.index_cast %sub3A_2007 : i32 to index
        %swap3A_2010 = arith.constant 0 : index
        %swap3A_2011 = arith.constant 256 : index
        %swap3A_2012 = vector.load %arg25[%swap3A_2008, %swap3A_2009, %swap3A_2010, %swap3A_2011] : memref<8x128x8x512xf32, #tpu.memory_space<vmem>>, vector<8x1x8x256xf32>
        tpu.vector_store %arg25[%swap3A_2008, %swap3A_2009, %swap3A_2010, %swap3A_2011], %reshape3A_2005 {strides = array<i32>} : memref<8x128x8x512xf32, #tpu.memory_space<vmem>>, vector<8x1x8x256xf32>,
        %scan3A_2013 = arith.constant 9 : i32
        %scan3A_2014 = arith.addi %scan3A_1293, %scan3A_2013 : i32
        %get3A_2015 = arith.index_cast %scan3A_2014 : i32 to index
        %get3A_2016 = arith.constant 0 : index
        %get3A_2017 = arith.constant 0 : index
        %get3A_2018 = vector.load %arg1[%get3A_2015, %get3A_2016, %get3A_2017] : memref<128x64x256xf32, #tpu.memory_space<vmem>>, vector<1x64x256xf32>
        %squeeze3A_2019 = vector.shape_cast %get3A_2018 : vector<1x64x256xf32> to vector<64x256xf32>
        %sub3A_2020 = arith.constant 127 : i32
        %sub3A_2021 = arith.subi %sub3A_2020, %scan3A_2014 : i32
        %get3A_2022 = arith.index_cast %sub3A_2021 : i32 to index
        %get3A_2023 = arith.constant 0 : index
        %get3A_2024 = arith.constant 0 : index
        %get3A_2025 = vector.load %arg1[%get3A_2022, %get3A_2023, %get3A_2024] : memref<128x64x256xf32, #tpu.memory_space<vmem>>, vector<1x64x256xf32>
        %squeeze3A_2026 = vector.shape_cast %get3A_2025 : vector<1x64x256xf32> to vector<64x256xf32>
        %concatenate3A_2027 = tpu.concatenate %squeeze3A_2019, %add3A_1972 in 1 : vector<64x256xf32>, vector<64x256xf32> -> vector<64x512xf32>
        %dot_general3A_2028 = arith.constant dense<0.000000e+00> : vector<64x512xf32>
        %dot_general3A_2029 = tpu.matmul %concatenate3A_2027, %get3A_642, %dot_general3A_2028 {dimension_numbers = #tpu.dot_dimension_numbers<[1], [0], [0], [1], [0, 0, 1, 1], [], []>, transpose_lhs_hint = false} : vector<64x512xf32>, vector<512x512xf32>, vector<64x512xf32> -> vector<64x512xf32>
        %add3A_2030 = vector.broadcast %get3A_645 : vector<1x512xf32> to vector<64x512xf32>
        %add3A_2031 = arith.addf %dot_general3A_2029, %add3A_2030 : vector<64x512xf32>
        %logistic3A_2032 = arith.negf %add3A_2031 : vector<64x512xf32>
        %logistic3A_2033 = math.exp %logistic3A_2032 : vector<64x512xf32>
        %logistic3A_2034 = arith.constant 1.000000e+00 : f32
        %logistic3A_2035 = vector.broadcast %logistic3A_2034 : f32 to vector<64x512xf32>
        %logistic3A_2036 = arith.addf %logistic3A_2035, %logistic3A_2033 : vector<64x512xf32>
        %logistic3A_2037 = arith.divf %logistic3A_2035, %logistic3A_2036 : vector<64x512xf32>
        %slice3A_2038 = vector.extract_strided_slice %logistic3A_2037 {offsets = [0, 0], sizes = [64, 256], strides = [1, 1]} : vector<64x512xf32> to vector<64x256xf32>
        %slice3A_2039 = vector.extract_strided_slice %logistic3A_2037 {offsets = [0, 256], sizes = [64, 256], strides = [1, 1]} : vector<64x512xf32> to vector<64x256xf32>
        %mul3A_2040 = arith.mulf %add3A_1972, %slice3A_2038 : vector<64x256xf32>
        %concatenate3A_2041 = tpu.concatenate %squeeze3A_2019, %mul3A_2040 in 1 : vector<64x256xf32>, vector<64x256xf32> -> vector<64x512xf32>
        %dot_general3A_2042 = arith.constant dense<0.000000e+00> : vector<64x256xf32>
        %dot_general3A_2043 = tpu.matmul %concatenate3A_2041, %get3A_648, %dot_general3A_2042 {dimension_numbers = #tpu.dot_dimension_numbers<[1], [0], [0], [1], [0, 0, 1, 1], [], []>, transpose_lhs_hint = false} : vector<64x512xf32>, vector<512x256xf32>, vector<64x256xf32> -> vector<64x256xf32>
        %add3A_2044 = vector.broadcast %get3A_651 : vector<1x256xf32> to vector<64x256xf32>
        %add3A_2045 = arith.addf %dot_general3A_2043, %add3A_2044 : vector<64x256xf32>
        %tanh3A_2046 = math.tanh %add3A_2045 : vector<64x256xf32>
        %mul3A_2047 = arith.mulf %slice3A_2039, %add3A_1972 : vector<64x256xf32>
        %sub3A_2048 = arith.constant 1.000000e+00 : f32
        %sub3A_2049 = vector.broadcast %sub3A_2048 : f32 to vector<64x256xf32>
        %sub3A_2050 = arith.subf %sub3A_2049, %slice3A_2039 : vector<64x256xf32>
        %mul3A_2051 = arith.mulf %sub3A_2050, %tanh3A_2046 : vector<64x256xf32>
        %add3A_2052 = arith.addf %mul3A_2047, %mul3A_2051 : vector<64x256xf32>
        %concatenate3A_2053 = tpu.concatenate %squeeze3A_2026, %add3A_1998 in 1 : vector<64x256xf32>, vector<64x256xf32> -> vector<64x512xf32>
        %dot_general3A_2054 = arith.constant dense<0.000000e+00> : vector<64x512xf32>
        %dot_general3A_2055 = tpu.matmul %concatenate3A_2053, %get3A_654, %dot_general3A_2054 {dimension_numbers = #tpu.dot_dimension_numbers<[1], [0], [0], [1], [0, 0, 1, 1], [], []>, transpose_lhs_hint = false} : vector<64x512xf32>, vector<512x512xf32>, vector<64x512xf32> -> vector<64x512xf32>
        %add3A_2056 = vector.broadcast %get3A_657 : vector<1x512xf32> to vector<64x512xf32>
        %add3A_2057 = arith.addf %dot_general3A_2055, %add3A_2056 : vector<64x512xf32>
        %logistic3A_2058 = arith.negf %add3A_2057 : vector<64x512xf32>
        %logistic3A_2059 = math.exp %logistic3A_2058 : vector<64x512xf32>
        %logistic3A_2060 = arith.constant 1.000000e+00 : f32
        %logistic3A_2061 = vector.broadcast %logistic3A_2060 : f32 to vector<64x512xf32>
        %logistic3A_2062 = arith.addf %logistic3A_2061, %logistic3A_2059 : vector<64x512xf32>
        %logistic3A_2063 = arith.divf %logistic3A_2061, %logistic3A_2062 : vector<64x512xf32>
        %slice3A_2064 = vector.extract_strided_slice %logistic3A_2063 {offsets = [0, 0], sizes = [64, 256], strides = [1, 1]} : vector<64x512xf32> to vector<64x256xf32>
        %slice3A_2065 = vector.extract_strided_slice %logistic3A_2063 {offsets = [0, 256], sizes = [64, 256], strides = [1, 1]} : vector<64x512xf32> to vector<64x256xf32>
        %mul3A_2066 = arith.mulf %add3A_1998, %slice3A_2064 : vector<64x256xf32>
        %concatenate3A_2067 = tpu.concatenate %squeeze3A_2026, %mul3A_2066 in 1 : vector<64x256xf32>, vector<64x256xf32> -> vector<64x512xf32>
        %dot_general3A_2068 = arith.constant dense<0.000000e+00> : vector<64x256xf32>
        %dot_general3A_2069 = tpu.matmul %concatenate3A_2067, %get3A_660, %dot_general3A_2068 {dimension_numbers = #tpu.dot_dimension_numbers<[1], [0], [0], [1], [0, 0, 1, 1], [], []>, transpose_lhs_hint = false} : vector<64x512xf32>, vector<512x256xf32>, vector<64x256xf32> -> vector<64x256xf32>
        %add3A_2070 = vector.broadcast %get3A_663 : vector<1x256xf32> to vector<64x256xf32>
        %add3A_2071 = arith.addf %dot_general3A_2069, %add3A_2070 : vector<64x256xf32>
        %tanh3A_2072 = math.tanh %add3A_2071 : vector<64x256xf32>
        %mul3A_2073 = arith.mulf %slice3A_2065, %add3A_1998 : vector<64x256xf32>
        %sub3A_2074 = arith.constant 1.000000e+00 : f32
        %sub3A_2075 = vector.broadcast %sub3A_2074 : f32 to vector<64x256xf32>
        %sub3A_2076 = arith.subf %sub3A_2075, %slice3A_2065 : vector<64x256xf32>
        %mul3A_2077 = arith.mulf %sub3A_2076, %tanh3A_2072 : vector<64x256xf32>
        %add3A_2078 = arith.addf %mul3A_2073, %mul3A_2077 : vector<64x256xf32>
        %reshape3A_2079 = vector.shape_cast %add3A_2052 : vector<64x256xf32> to vector<8x1x8x256xf32>
        %swap3A_2080 = arith.constant 0 : index
        %swap3A_2081 = arith.index_cast %scan3A_2014 : i32 to index
        %swap3A_2082 = arith.constant 0 : index
        %swap3A_2083 = arith.constant 0 : index
        %swap3A_2084 = vector.load %arg25[%swap3A_2080, %swap3A_2081, %swap3A_2082, %swap3A_2083] : memref<8x128x8x512xf32, #tpu.memory_space<vmem>>, vector<8x1x8x256xf32>
        tpu.vector_store %arg25[%swap3A_2080, %swap3A_2081, %swap3A_2082, %swap3A_2083], %reshape3A_2079 {strides = array<i32>} : memref<8x128x8x512xf32, #tpu.memory_space<vmem>>, vector<8x1x8x256xf32>,
        %reshape3A_2085 = vector.shape_cast %add3A_2078 : vector<64x256xf32> to vector<8x1x8x256xf32>
        %sub3A_2086 = arith.constant 127 : i32
        %sub3A_2087 = arith.subi %sub3A_2086, %scan3A_2014 : i32
        %swap3A_2088 = arith.constant 0 : index
        %swap3A_2089 = arith.index_cast %sub3A_2087 : i32 to index
        %swap3A_2090 = arith.constant 0 : index
        %swap3A_2091 = arith.constant 256 : index
        %swap3A_2092 = vector.load %arg25[%swap3A_2088, %swap3A_2089, %swap3A_2090, %swap3A_2091] : memref<8x128x8x512xf32, #tpu.memory_space<vmem>>, vector<8x1x8x256xf32>
        tpu.vector_store %arg25[%swap3A_2088, %swap3A_2089, %swap3A_2090, %swap3A_2091], %reshape3A_2085 {strides = array<i32>} : memref<8x128x8x512xf32, #tpu.memory_space<vmem>>, vector<8x1x8x256xf32>,
        %scan3A_2093 = arith.constant 10 : i32
        %scan3A_2094 = arith.addi %scan3A_1293, %scan3A_2093 : i32
        %get3A_2095 = arith.index_cast %scan3A_2094 : i32 to index
        %get3A_2096 = arith.constant 0 : index
        %get3A_2097 = arith.constant 0 : index
        %get3A_2098 = vector.load %arg1[%get3A_2095, %get3A_2096, %get3A_2097] : memref<128x64x256xf32, #tpu.memory_space<vmem>>, vector<1x64x256xf32>
        %squeeze3A_2099 = vector.shape_cast %get3A_2098 : vector<1x64x256xf32> to vector<64x256xf32>
        %sub3A_2100 = arith.constant 127 : i32
        %sub3A_2101 = arith.subi %sub3A_2100, %scan3A_2094 : i32
        %get3A_2102 = arith.index_cast %sub3A_2101 : i32 to index
        %get3A_2103 = arith.constant 0 : index
        %get3A_2104 = arith.constant 0 : index
        %get3A_2105 = vector.load %arg1[%get3A_2102, %get3A_2103, %get3A_2104] : memref<128x64x256xf32, #tpu.memory_space<vmem>>, vector<1x64x256xf32>
        %squeeze3A_2106 = vector.shape_cast %get3A_2105 : vector<1x64x256xf32> to vector<64x256xf32>
        %concatenate3A_2107 = tpu.concatenate %squeeze3A_2099, %add3A_2052 in 1 : vector<64x256xf32>, vector<64x256xf32> -> vector<64x512xf32>
        %dot_general3A_2108 = arith.constant dense<0.000000e+00> : vector<64x512xf32>
        %dot_general3A_2109 = tpu.matmul %concatenate3A_2107, %get3A_642, %dot_general3A_2108 {dimension_numbers = #tpu.dot_dimension_numbers<[1], [0], [0], [1], [0, 0, 1, 1], [], []>, transpose_lhs_hint = false} : vector<64x512xf32>, vector<512x512xf32>, vector<64x512xf32> -> vector<64x512xf32>
        %add3A_2110 = vector.broadcast %get3A_645 : vector<1x512xf32> to vector<64x512xf32>
        %add3A_2111 = arith.addf %dot_general3A_2109, %add3A_2110 : vector<64x512xf32>
        %logistic3A_2112 = arith.negf %add3A_2111 : vector<64x512xf32>
        %logistic3A_2113 = math.exp %logistic3A_2112 : vector<64x512xf32>
        %logistic3A_2114 = arith.constant 1.000000e+00 : f32
        %logistic3A_2115 = vector.broadcast %logistic3A_2114 : f32 to vector<64x512xf32>
        %logistic3A_2116 = arith.addf %logistic3A_2115, %logistic3A_2113 : vector<64x512xf32>
        %logistic3A_2117 = arith.divf %logistic3A_2115, %logistic3A_2116 : vector<64x512xf32>
        %slice3A_2118 = vector.extract_strided_slice %logistic3A_2117 {offsets = [0, 0], sizes = [64, 256], strides = [1, 1]} : vector<64x512xf32> to vector<64x256xf32>
        %slice3A_2119 = vector.extract_strided_slice %logistic3A_2117 {offsets = [0, 256], sizes = [64, 256], strides = [1, 1]} : vector<64x512xf32> to vector<64x256xf32>
        %mul3A_2120 = arith.mulf %add3A_2052, %slice3A_2118 : vector<64x256xf32>
        %concatenate3A_2121 = tpu.concatenate %squeeze3A_2099, %mul3A_2120 in 1 : vector<64x256xf32>, vector<64x256xf32> -> vector<64x512xf32>
        %dot_general3A_2122 = arith.constant dense<0.000000e+00> : vector<64x256xf32>
        %dot_general3A_2123 = tpu.matmul %concatenate3A_2121, %get3A_648, %dot_general3A_2122 {dimension_numbers = #tpu.dot_dimension_numbers<[1], [0], [0], [1], [0, 0, 1, 1], [], []>, transpose_lhs_hint = false} : vector<64x512xf32>, vector<512x256xf32>, vector<64x256xf32> -> vector<64x256xf32>
        %add3A_2124 = vector.broadcast %get3A_651 : vector<1x256xf32> to vector<64x256xf32>
        %add3A_2125 = arith.addf %dot_general3A_2123, %add3A_2124 : vector<64x256xf32>
        %tanh3A_2126 = math.tanh %add3A_2125 : vector<64x256xf32>
        %mul3A_2127 = arith.mulf %slice3A_2119, %add3A_2052 : vector<64x256xf32>
        %sub3A_2128 = arith.constant 1.000000e+00 : f32
        %sub3A_2129 = vector.broadcast %sub3A_2128 : f32 to vector<64x256xf32>
        %sub3A_2130 = arith.subf %sub3A_2129, %slice3A_2119 : vector<64x256xf32>
        %mul3A_2131 = arith.mulf %sub3A_2130, %tanh3A_2126 : vector<64x256xf32>
        %add3A_2132 = arith.addf %mul3A_2127, %mul3A_2131 : vector<64x256xf32>
        %concatenate3A_2133 = tpu.concatenate %squeeze3A_2106, %add3A_2078 in 1 : vector<64x256xf32>, vector<64x256xf32> -> vector<64x512xf32>
        %dot_general3A_2134 = arith.constant dense<0.000000e+00> : vector<64x512xf32>
        %dot_general3A_2135 = tpu.matmul %concatenate3A_2133, %get3A_654, %dot_general3A_2134 {dimension_numbers = #tpu.dot_dimension_numbers<[1], [0], [0], [1], [0, 0, 1, 1], [], []>, transpose_lhs_hint = false} : vector<64x512xf32>, vector<512x512xf32>, vector<64x512xf32> -> vector<64x512xf32>
        %add3A_2136 = vector.broadcast %get3A_657 : vector<1x512xf32> to vector<64x512xf32>
        %add3A_2137 = arith.addf %dot_general3A_2135, %add3A_2136 : vector<64x512xf32>
        %logistic3A_2138 = arith.negf %add3A_2137 : vector<64x512xf32>
        %logistic3A_2139 = math.exp %logistic3A_2138 : vector<64x512xf32>
        %logistic3A_2140 = arith.constant 1.000000e+00 : f32
        %logistic3A_2141 = vector.broadcast %logistic3A_2140 : f32 to vector<64x512xf32>
        %logistic3A_2142 = arith.addf %logistic3A_2141, %logistic3A_2139 : vector<64x512xf32>
        %logistic3A_2143 = arith.divf %logistic3A_2141, %logistic3A_2142 : vector<64x512xf32>
        %slice3A_2144 = vector.extract_strided_slice %logistic3A_2143 {offsets = [0, 0], sizes = [64, 256], strides = [1, 1]} : vector<64x512xf32> to vector<64x256xf32>
        %slice3A_2145 = vector.extract_strided_slice %logistic3A_2143 {offsets = [0, 256], sizes = [64, 256], strides = [1, 1]} : vector<64x512xf32> to vector<64x256xf32>
        %mul3A_2146 = arith.mulf %add3A_2078, %slice3A_2144 : vector<64x256xf32>
        %concatenate3A_2147 = tpu.concatenate %squeeze3A_2106, %mul3A_2146 in 1 : vector<64x256xf32>, vector<64x256xf32> -> vector<64x512xf32>
        %dot_general3A_2148 = arith.constant dense<0.000000e+00> : vector<64x256xf32>
        %dot_general3A_2149 = tpu.matmul %concatenate3A_2147, %get3A_660, %dot_general3A_2148 {dimension_numbers = #tpu.dot_dimension_numbers<[1], [0], [0], [1], [0, 0, 1, 1], [], []>, transpose_lhs_hint = false} : vector<64x512xf32>, vector<512x256xf32>, vector<64x256xf32> -> vector<64x256xf32>
        %add3A_2150 = vector.broadcast %get3A_663 : vector<1x256xf32> to vector<64x256xf32>
        %add3A_2151 = arith.addf %dot_general3A_2149, %add3A_2150 : vector<64x256xf32>
        %tanh3A_2152 = math.tanh %add3A_2151 : vector<64x256xf32>
        %mul3A_2153 = arith.mulf %slice3A_2145, %add3A_2078 : vector<64x256xf32>
        %sub3A_2154 = arith.constant 1.000000e+00 : f32
        %sub3A_2155 = vector.broadcast %sub3A_2154 : f32 to vector<64x256xf32>
        %sub3A_2156 = arith.subf %sub3A_2155, %slice3A_2145 : vector<64x256xf32>
        %mul3A_2157 = arith.mulf %sub3A_2156, %tanh3A_2152 : vector<64x256xf32>
        %add3A_2158 = arith.addf %mul3A_2153, %mul3A_2157 : vector<64x256xf32>
        %reshape3A_2159 = vector.shape_cast %add3A_2132 : vector<64x256xf32> to vector<8x1x8x256xf32>
        %swap3A_2160 = arith.constant 0 : index
        %swap3A_2161 = arith.index_cast %scan3A_2094 : i32 to index
        %swap3A_2162 = arith.constant 0 : index
        %swap3A_2163 = arith.constant 0 : index
        %swap3A_2164 = vector.load %arg25[%swap3A_2160, %swap3A_2161, %swap3A_2162, %swap3A_2163] : memref<8x128x8x512xf32, #tpu.memory_space<vmem>>, vector<8x1x8x256xf32>
        tpu.vector_store %arg25[%swap3A_2160, %swap3A_2161, %swap3A_2162, %swap3A_2163], %reshape3A_2159 {strides = array<i32>} : memref<8x128x8x512xf32, #tpu.memory_space<vmem>>, vector<8x1x8x256xf32>,
        %reshape3A_2165 = vector.shape_cast %add3A_2158 : vector<64x256xf32> to vector<8x1x8x256xf32>
        %sub3A_2166 = arith.constant 127 : i32
        %sub3A_2167 = arith.subi %sub3A_2166, %scan3A_2094 : i32
        %swap3A_2168 = arith.constant 0 : index
        %swap3A_2169 = arith.index_cast %sub3A_2167 : i32 to index
        %swap3A_2170 = arith.constant 0 : index
        %swap3A_2171 = arith.constant 256 : index
        %swap3A_2172 = vector.load %arg25[%swap3A_2168, %swap3A_2169, %swap3A_2170, %swap3A_2171] : memref<8x128x8x512xf32, #tpu.memory_space<vmem>>, vector<8x1x8x256xf32>
        tpu.vector_store %arg25[%swap3A_2168, %swap3A_2169, %swap3A_2170, %swap3A_2171], %reshape3A_2165 {strides = array<i32>} : memref<8x128x8x512xf32, #tpu.memory_space<vmem>>, vector<8x1x8x256xf32>,
        %scan3A_2173 = arith.constant 11 : i32
        %scan3A_2174 = arith.addi %scan3A_1293, %scan3A_2173 : i32
        %get3A_2175 = arith.index_cast %scan3A_2174 : i32 to index
        %get3A_2176 = arith.constant 0 : index
        %get3A_2177 = arith.constant 0 : index
        %get3A_2178 = vector.load %arg1[%get3A_2175, %get3A_2176, %get3A_2177] : memref<128x64x256xf32, #tpu.memory_space<vmem>>, vector<1x64x256xf32>
        %squeeze3A_2179 = vector.shape_cast %get3A_2178 : vector<1x64x256xf32> to vector<64x256xf32>
        %sub3A_2180 = arith.constant 127 : i32
        %sub3A_2181 = arith.subi %sub3A_2180, %scan3A_2174 : i32
        %get3A_2182 = arith.index_cast %sub3A_2181 : i32 to index
        %get3A_2183 = arith.constant 0 : index
        %get3A_2184 = arith.constant 0 : index
        %get3A_2185 = vector.load %arg1[%get3A_2182, %get3A_2183, %get3A_2184] : memref<128x64x256xf32, #tpu.memory_space<vmem>>, vector<1x64x256xf32>
        %squeeze3A_2186 = vector.shape_cast %get3A_2185 : vector<1x64x256xf32> to vector<64x256xf32>
        %concatenate3A_2187 = tpu.concatenate %squeeze3A_2179, %add3A_2132 in 1 : vector<64x256xf32>, vector<64x256xf32> -> vector<64x512xf32>
        %dot_general3A_2188 = arith.constant dense<0.000000e+00> : vector<64x512xf32>
        %dot_general3A_2189 = tpu.matmul %concatenate3A_2187, %get3A_642, %dot_general3A_2188 {dimension_numbers = #tpu.dot_dimension_numbers<[1], [0], [0], [1], [0, 0, 1, 1], [], []>, transpose_lhs_hint = false} : vector<64x512xf32>, vector<512x512xf32>, vector<64x512xf32> -> vector<64x512xf32>
        %add3A_2190 = vector.broadcast %get3A_645 : vector<1x512xf32> to vector<64x512xf32>
        %add3A_2191 = arith.addf %dot_general3A_2189, %add3A_2190 : vector<64x512xf32>
        %logistic3A_2192 = arith.negf %add3A_2191 : vector<64x512xf32>
        %logistic3A_2193 = math.exp %logistic3A_2192 : vector<64x512xf32>
        %logistic3A_2194 = arith.constant 1.000000e+00 : f32
        %logistic3A_2195 = vector.broadcast %logistic3A_2194 : f32 to vector<64x512xf32>
        %logistic3A_2196 = arith.addf %logistic3A_2195, %logistic3A_2193 : vector<64x512xf32>
        %logistic3A_2197 = arith.divf %logistic3A_2195, %logistic3A_2196 : vector<64x512xf32>
        %slice3A_2198 = vector.extract_strided_slice %logistic3A_2197 {offsets = [0, 0], sizes = [64, 256], strides = [1, 1]} : vector<64x512xf32> to vector<64x256xf32>
        %slice3A_2199 = vector.extract_strided_slice %logistic3A_2197 {offsets = [0, 256], sizes = [64, 256], strides = [1, 1]} : vector<64x512xf32> to vector<64x256xf32>
        %mul3A_2200 = arith.mulf %add3A_2132, %slice3A_2198 : vector<64x256xf32>
        %concatenate3A_2201 = tpu.concatenate %squeeze3A_2179, %mul3A_2200 in 1 : vector<64x256xf32>, vector<64x256xf32> -> vector<64x512xf32>
        %dot_general3A_2202 = arith.constant dense<0.000000e+00> : vector<64x256xf32>
        %dot_general3A_2203 = tpu.matmul %concatenate3A_2201, %get3A_648, %dot_general3A_2202 {dimension_numbers = #tpu.dot_dimension_numbers<[1], [0], [0], [1], [0, 0, 1, 1], [], []>, transpose_lhs_hint = false} : vector<64x512xf32>, vector<512x256xf32>, vector<64x256xf32> -> vector<64x256xf32>
        %add3A_2204 = vector.broadcast %get3A_651 : vector<1x256xf32> to vector<64x256xf32>
        %add3A_2205 = arith.addf %dot_general3A_2203, %add3A_2204 : vector<64x256xf32>
        %tanh3A_2206 = math.tanh %add3A_2205 : vector<64x256xf32>
        %mul3A_2207 = arith.mulf %slice3A_2199, %add3A_2132 : vector<64x256xf32>
        %sub3A_2208 = arith.constant 1.000000e+00 : f32
        %sub3A_2209 = vector.broadcast %sub3A_2208 : f32 to vector<64x256xf32>
        %sub3A_2210 = arith.subf %sub3A_2209, %slice3A_2199 : vector<64x256xf32>
        %mul3A_2211 = arith.mulf %sub3A_2210, %tanh3A_2206 : vector<64x256xf32>
        %add3A_2212 = arith.addf %mul3A_2207, %mul3A_2211 : vector<64x256xf32>
        %concatenate3A_2213 = tpu.concatenate %squeeze3A_2186, %add3A_2158 in 1 : vector<64x256xf32>, vector<64x256xf32> -> vector<64x512xf32>
        %dot_general3A_2214 = arith.constant dense<0.000000e+00> : vector<64x512xf32>
        %dot_general3A_2215 = tpu.matmul %concatenate3A_2213, %get3A_654, %dot_general3A_2214 {dimension_numbers = #tpu.dot_dimension_numbers<[1], [0], [0], [1], [0, 0, 1, 1], [], []>, transpose_lhs_hint = false} : vector<64x512xf32>, vector<512x512xf32>, vector<64x512xf32> -> vector<64x512xf32>
        %add3A_2216 = vector.broadcast %get3A_657 : vector<1x512xf32> to vector<64x512xf32>
        %add3A_2217 = arith.addf %dot_general3A_2215, %add3A_2216 : vector<64x512xf32>
        %logistic3A_2218 = arith.negf %add3A_2217 : vector<64x512xf32>
        %logistic3A_2219 = math.exp %logistic3A_2218 : vector<64x512xf32>
        %logistic3A_2220 = arith.constant 1.000000e+00 : f32
        %logistic3A_2221 = vector.broadcast %logistic3A_2220 : f32 to vector<64x512xf32>
        %logistic3A_2222 = arith.addf %logistic3A_2221, %logistic3A_2219 : vector<64x512xf32>
        %logistic3A_2223 = arith.divf %logistic3A_2221, %logistic3A_2222 : vector<64x512xf32>
        %slice3A_2224 = vector.extract_strided_slice %logistic3A_2223 {offsets = [0, 0], sizes = [64, 256], strides = [1, 1]} : vector<64x512xf32> to vector<64x256xf32>
        %slice3A_2225 = vector.extract_strided_slice %logistic3A_2223 {offsets = [0, 256], sizes = [64, 256], strides = [1, 1]} : vector<64x512xf32> to vector<64x256xf32>
        %mul3A_2226 = arith.mulf %add3A_2158, %slice3A_2224 : vector<64x256xf32>
        %concatenate3A_2227 = tpu.concatenate %squeeze3A_2186, %mul3A_2226 in 1 : vector<64x256xf32>, vector<64x256xf32> -> vector<64x512xf32>
        %dot_general3A_2228 = arith.constant dense<0.000000e+00> : vector<64x256xf32>
        %dot_general3A_2229 = tpu.matmul %concatenate3A_2227, %get3A_660, %dot_general3A_2228 {dimension_numbers = #tpu.dot_dimension_numbers<[1], [0], [0], [1], [0, 0, 1, 1], [], []>, transpose_lhs_hint = false} : vector<64x512xf32>, vector<512x256xf32>, vector<64x256xf32> -> vector<64x256xf32>
        %add3A_2230 = vector.broadcast %get3A_663 : vector<1x256xf32> to vector<64x256xf32>
        %add3A_2231 = arith.addf %dot_general3A_2229, %add3A_2230 : vector<64x256xf32>
        %tanh3A_2232 = math.tanh %add3A_2231 : vector<64x256xf32>
        %mul3A_2233 = arith.mulf %slice3A_2225, %add3A_2158 : vector<64x256xf32>
        %sub3A_2234 = arith.constant 1.000000e+00 : f32
        %sub3A_2235 = vector.broadcast %sub3A_2234 : f32 to vector<64x256xf32>
        %sub3A_2236 = arith.subf %sub3A_2235, %slice3A_2225 : vector<64x256xf32>
        %mul3A_2237 = arith.mulf %sub3A_2236, %tanh3A_2232 : vector<64x256xf32>
        %add3A_2238 = arith.addf %mul3A_2233, %mul3A_2237 : vector<64x256xf32>
        %reshape3A_2239 = vector.shape_cast %add3A_2212 : vector<64x256xf32> to vector<8x1x8x256xf32>
        %swap3A_2240 = arith.constant 0 : index
        %swap3A_2241 = arith.index_cast %scan3A_2174 : i32 to index
        %swap3A_2242 = arith.constant 0 : index
        %swap3A_2243 = arith.constant 0 : index
        %swap3A_2244 = vector.load %arg25[%swap3A_2240, %swap3A_2241, %swap3A_2242, %swap3A_2243] : memref<8x128x8x512xf32, #tpu.memory_space<vmem>>, vector<8x1x8x256xf32>
        tpu.vector_store %arg25[%swap3A_2240, %swap3A_2241, %swap3A_2242, %swap3A_2243], %reshape3A_2239 {strides = array<i32>} : memref<8x128x8x512xf32, #tpu.memory_space<vmem>>, vector<8x1x8x256xf32>,
        %reshape3A_2245 = vector.shape_cast %add3A_2238 : vector<64x256xf32> to vector<8x1x8x256xf32>
        %sub3A_2246 = arith.constant 127 : i32
        %sub3A_2247 = arith.subi %sub3A_2246, %scan3A_2174 : i32
        %swap3A_2248 = arith.constant 0 : index
        %swap3A_2249 = arith.index_cast %sub3A_2247 : i32 to index
        %swap3A_2250 = arith.constant 0 : index
        %swap3A_2251 = arith.constant 256 : index
        %swap3A_2252 = vector.load %arg25[%swap3A_2248, %swap3A_2249, %swap3A_2250, %swap3A_2251] : memref<8x128x8x512xf32, #tpu.memory_space<vmem>>, vector<8x1x8x256xf32>
        tpu.vector_store %arg25[%swap3A_2248, %swap3A_2249, %swap3A_2250, %swap3A_2251], %reshape3A_2245 {strides = array<i32>} : memref<8x128x8x512xf32, #tpu.memory_space<vmem>>, vector<8x1x8x256xf32>,
        %scan3A_2253 = arith.constant 12 : i32
        %scan3A_2254 = arith.addi %scan3A_1293, %scan3A_2253 : i32
        %get3A_2255 = arith.index_cast %scan3A_2254 : i32 to index
        %get3A_2256 = arith.constant 0 : index
        %get3A_2257 = arith.constant 0 : index
        %get3A_2258 = vector.load %arg1[%get3A_2255, %get3A_2256, %get3A_2257] : memref<128x64x256xf32, #tpu.memory_space<vmem>>, vector<1x64x256xf32>
        %squeeze3A_2259 = vector.shape_cast %get3A_2258 : vector<1x64x256xf32> to vector<64x256xf32>
        %sub3A_2260 = arith.constant 127 : i32
        %sub3A_2261 = arith.subi %sub3A_2260, %scan3A_2254 : i32
        %get3A_2262 = arith.index_cast %sub3A_2261 : i32 to index
        %get3A_2263 = arith.constant 0 : index
        %get3A_2264 = arith.constant 0 : index
        %get3A_2265 = vector.load %arg1[%get3A_2262, %get3A_2263, %get3A_2264] : memref<128x64x256xf32, #tpu.memory_space<vmem>>, vector<1x64x256xf32>
        %squeeze3A_2266 = vector.shape_cast %get3A_2265 : vector<1x64x256xf32> to vector<64x256xf32>
        %concatenate3A_2267 = tpu.concatenate %squeeze3A_2259, %add3A_2212 in 1 : vector<64x256xf32>, vector<64x256xf32> -> vector<64x512xf32>
        %dot_general3A_2268 = arith.constant dense<0.000000e+00> : vector<64x512xf32>
        %dot_general3A_2269 = tpu.matmul %concatenate3A_2267, %get3A_642, %dot_general3A_2268 {dimension_numbers = #tpu.dot_dimension_numbers<[1], [0], [0], [1], [0, 0, 1, 1], [], []>, transpose_lhs_hint = false} : vector<64x512xf32>, vector<512x512xf32>, vector<64x512xf32> -> vector<64x512xf32>
        %add3A_2270 = vector.broadcast %get3A_645 : vector<1x512xf32> to vector<64x512xf32>
        %add3A_2271 = arith.addf %dot_general3A_2269, %add3A_2270 : vector<64x512xf32>
        %logistic3A_2272 = arith.negf %add3A_2271 : vector<64x512xf32>
        %logistic3A_2273 = math.exp %logistic3A_2272 : vector<64x512xf32>
        %logistic3A_2274 = arith.constant 1.000000e+00 : f32
        %logistic3A_2275 = vector.broadcast %logistic3A_2274 : f32 to vector<64x512xf32>
        %logistic3A_2276 = arith.addf %logistic3A_2275, %logistic3A_2273 : vector<64x512xf32>
        %logistic3A_2277 = arith.divf %logistic3A_2275, %logistic3A_2276 : vector<64x512xf32>
        %slice3A_2278 = vector.extract_strided_slice %logistic3A_2277 {offsets = [0, 0], sizes = [64, 256], strides = [1, 1]} : vector<64x512xf32> to vector<64x256xf32>
        %slice3A_2279 = vector.extract_strided_slice %logistic3A_2277 {offsets = [0, 256], sizes = [64, 256], strides = [1, 1]} : vector<64x512xf32> to vector<64x256xf32>
        %mul3A_2280 = arith.mulf %add3A_2212, %slice3A_2278 : vector<64x256xf32>
        %concatenate3A_2281 = tpu.concatenate %squeeze3A_2259, %mul3A_2280 in 1 : vector<64x256xf32>, vector<64x256xf32> -> vector<64x512xf32>
        %dot_general3A_2282 = arith.constant dense<0.000000e+00> : vector<64x256xf32>
        %dot_general3A_2283 = tpu.matmul %concatenate3A_2281, %get3A_648, %dot_general3A_2282 {dimension_numbers = #tpu.dot_dimension_numbers<[1], [0], [0], [1], [0, 0, 1, 1], [], []>, transpose_lhs_hint = false} : vector<64x512xf32>, vector<512x256xf32>, vector<64x256xf32> -> vector<64x256xf32>
        %add3A_2284 = vector.broadcast %get3A_651 : vector<1x256xf32> to vector<64x256xf32>
        %add3A_2285 = arith.addf %dot_general3A_2283, %add3A_2284 : vector<64x256xf32>
        %tanh3A_2286 = math.tanh %add3A_2285 : vector<64x256xf32>
        %mul3A_2287 = arith.mulf %slice3A_2279, %add3A_2212 : vector<64x256xf32>
        %sub3A_2288 = arith.constant 1.000000e+00 : f32
        %sub3A_2289 = vector.broadcast %sub3A_2288 : f32 to vector<64x256xf32>
        %sub3A_2290 = arith.subf %sub3A_2289, %slice3A_2279 : vector<64x256xf32>
        %mul3A_2291 = arith.mulf %sub3A_2290, %tanh3A_2286 : vector<64x256xf32>
        %add3A_2292 = arith.addf %mul3A_2287, %mul3A_2291 : vector<64x256xf32>
        %concatenate3A_2293 = tpu.concatenate %squeeze3A_2266, %add3A_2238 in 1 : vector<64x256xf32>, vector<64x256xf32> -> vector<64x512xf32>
        %dot_general3A_2294 = arith.constant dense<0.000000e+00> : vector<64x512xf32>
        %dot_general3A_2295 = tpu.matmul %concatenate3A_2293, %get3A_654, %dot_general3A_2294 {dimension_numbers = #tpu.dot_dimension_numbers<[1], [0], [0], [1], [0, 0, 1, 1], [], []>, transpose_lhs_hint = false} : vector<64x512xf32>, vector<512x512xf32>, vector<64x512xf32> -> vector<64x512xf32>
        %add3A_2296 = vector.broadcast %get3A_657 : vector<1x512xf32> to vector<64x512xf32>
        %add3A_2297 = arith.addf %dot_general3A_2295, %add3A_2296 : vector<64x512xf32>
        %logistic3A_2298 = arith.negf %add3A_2297 : vector<64x512xf32>
        %logistic3A_2299 = math.exp %logistic3A_2298 : vector<64x512xf32>
        %logistic3A_2300 = arith.constant 1.000000e+00 : f32
        %logistic3A_2301 = vector.broadcast %logistic3A_2300 : f32 to vector<64x512xf32>
        %logistic3A_2302 = arith.addf %logistic3A_2301, %logistic3A_2299 : vector<64x512xf32>
        %logistic3A_2303 = arith.divf %logistic3A_2301, %logistic3A_2302 : vector<64x512xf32>
        %slice3A_2304 = vector.extract_strided_slice %logistic3A_2303 {offsets = [0, 0], sizes = [64, 256], strides = [1, 1]} : vector<64x512xf32> to vector<64x256xf32>
        %slice3A_2305 = vector.extract_strided_slice %logistic3A_2303 {offsets = [0, 256], sizes = [64, 256], strides = [1, 1]} : vector<64x512xf32> to vector<64x256xf32>
        %mul3A_2306 = arith.mulf %add3A_2238, %slice3A_2304 : vector<64x256xf32>
        %concatenate3A_2307 = tpu.concatenate %squeeze3A_2266, %mul3A_2306 in 1 : vector<64x256xf32>, vector<64x256xf32> -> vector<64x512xf32>
        %dot_general3A_2308 = arith.constant dense<0.000000e+00> : vector<64x256xf32>
        %dot_general3A_2309 = tpu.matmul %concatenate3A_2307, %get3A_660, %dot_general3A_2308 {dimension_numbers = #tpu.dot_dimension_numbers<[1], [0], [0], [1], [0, 0, 1, 1], [], []>, transpose_lhs_hint = false} : vector<64x512xf32>, vector<512x256xf32>, vector<64x256xf32> -> vector<64x256xf32>
        %add3A_2310 = vector.broadcast %get3A_663 : vector<1x256xf32> to vector<64x256xf32>
        %add3A_2311 = arith.addf %dot_general3A_2309, %add3A_2310 : vector<64x256xf32>
        %tanh3A_2312 = math.tanh %add3A_2311 : vector<64x256xf32>
        %mul3A_2313 = arith.mulf %slice3A_2305, %add3A_2238 : vector<64x256xf32>
        %sub3A_2314 = arith.constant 1.000000e+00 : f32
        %sub3A_2315 = vector.broadcast %sub3A_2314 : f32 to vector<64x256xf32>
        %sub3A_2316 = arith.subf %sub3A_2315, %slice3A_2305 : vector<64x256xf32>
        %mul3A_2317 = arith.mulf %sub3A_2316, %tanh3A_2312 : vector<64x256xf32>
        %add3A_2318 = arith.addf %mul3A_2313, %mul3A_2317 : vector<64x256xf32>
        %reshape3A_2319 = vector.shape_cast %add3A_2292 : vector<64x256xf32> to vector<8x1x8x256xf32>
        %swap3A_2320 = arith.constant 0 : index
        %swap3A_2321 = arith.index_cast %scan3A_2254 : i32 to index
        %swap3A_2322 = arith.constant 0 : index
        %swap3A_2323 = arith.constant 0 : index
        %swap3A_2324 = vector.load %arg25[%swap3A_2320, %swap3A_2321, %swap3A_2322, %swap3A_2323] : memref<8x128x8x512xf32, #tpu.memory_space<vmem>>, vector<8x1x8x256xf32>
        tpu.vector_store %arg25[%swap3A_2320, %swap3A_2321, %swap3A_2322, %swap3A_2323], %reshape3A_2319 {strides = array<i32>} : memref<8x128x8x512xf32, #tpu.memory_space<vmem>>, vector<8x1x8x256xf32>,
        %reshape3A_2325 = vector.shape_cast %add3A_2318 : vector<64x256xf32> to vector<8x1x8x256xf32>
        %sub3A_2326 = arith.constant 127 : i32
        %sub3A_2327 = arith.subi %sub3A_2326, %scan3A_2254 : i32
        %swap3A_2328 = arith.constant 0 : index
        %swap3A_2329 = arith.index_cast %sub3A_2327 : i32 to index
        %swap3A_2330 = arith.constant 0 : index
        %swap3A_2331 = arith.constant 256 : index
        %swap3A_2332 = vector.load %arg25[%swap3A_2328, %swap3A_2329, %swap3A_2330, %swap3A_2331] : memref<8x128x8x512xf32, #tpu.memory_space<vmem>>, vector<8x1x8x256xf32>
        tpu.vector_store %arg25[%swap3A_2328, %swap3A_2329, %swap3A_2330, %swap3A_2331], %reshape3A_2325 {strides = array<i32>} : memref<8x128x8x512xf32, #tpu.memory_space<vmem>>, vector<8x1x8x256xf32>,
        %scan3A_2333 = arith.constant 13 : i32
        %scan3A_2334 = arith.addi %scan3A_1293, %scan3A_2333 : i32
        %get3A_2335 = arith.index_cast %scan3A_2334 : i32 to index
        %get3A_2336 = arith.constant 0 : index
        %get3A_2337 = arith.constant 0 : index
        %get3A_2338 = vector.load %arg1[%get3A_2335, %get3A_2336, %get3A_2337] : memref<128x64x256xf32, #tpu.memory_space<vmem>>, vector<1x64x256xf32>
        %squeeze3A_2339 = vector.shape_cast %get3A_2338 : vector<1x64x256xf32> to vector<64x256xf32>
        %sub3A_2340 = arith.constant 127 : i32
        %sub3A_2341 = arith.subi %sub3A_2340, %scan3A_2334 : i32
        %get3A_2342 = arith.index_cast %sub3A_2341 : i32 to index
        %get3A_2343 = arith.constant 0 : index
        %get3A_2344 = arith.constant 0 : index
        %get3A_2345 = vector.load %arg1[%get3A_2342, %get3A_2343, %get3A_2344] : memref<128x64x256xf32, #tpu.memory_space<vmem>>, vector<1x64x256xf32>
        %squeeze3A_2346 = vector.shape_cast %get3A_2345 : vector<1x64x256xf32> to vector<64x256xf32>
        %concatenate3A_2347 = tpu.concatenate %squeeze3A_2339, %add3A_2292 in 1 : vector<64x256xf32>, vector<64x256xf32> -> vector<64x512xf32>
        %dot_general3A_2348 = arith.constant dense<0.000000e+00> : vector<64x512xf32>
        %dot_general3A_2349 = tpu.matmul %concatenate3A_2347, %get3A_642, %dot_general3A_2348 {dimension_numbers = #tpu.dot_dimension_numbers<[1], [0], [0], [1], [0, 0, 1, 1], [], []>, transpose_lhs_hint = false} : vector<64x512xf32>, vector<512x512xf32>, vector<64x512xf32> -> vector<64x512xf32>
        %add3A_2350 = vector.broadcast %get3A_645 : vector<1x512xf32> to vector<64x512xf32>
        %add3A_2351 = arith.addf %dot_general3A_2349, %add3A_2350 : vector<64x512xf32>
        %logistic3A_2352 = arith.negf %add3A_2351 : vector<64x512xf32>
        %logistic3A_2353 = math.exp %logistic3A_2352 : vector<64x512xf32>
        %logistic3A_2354 = arith.constant 1.000000e+00 : f32
        %logistic3A_2355 = vector.broadcast %logistic3A_2354 : f32 to vector<64x512xf32>
        %logistic3A_2356 = arith.addf %logistic3A_2355, %logistic3A_2353 : vector<64x512xf32>
        %logistic3A_2357 = arith.divf %logistic3A_2355, %logistic3A_2356 : vector<64x512xf32>
        %slice3A_2358 = vector.extract_strided_slice %logistic3A_2357 {offsets = [0, 0], sizes = [64, 256], strides = [1, 1]} : vector<64x512xf32> to vector<64x256xf32>
        %slice3A_2359 = vector.extract_strided_slice %logistic3A_2357 {offsets = [0, 256], sizes = [64, 256], strides = [1, 1]} : vector<64x512xf32> to vector<64x256xf32>
        %mul3A_2360 = arith.mulf %add3A_2292, %slice3A_2358 : vector<64x256xf32>
        %concatenate3A_2361 = tpu.concatenate %squeeze3A_2339, %mul3A_2360 in 1 : vector<64x256xf32>, vector<64x256xf32> -> vector<64x512xf32>
        %dot_general3A_2362 = arith.constant dense<0.000000e+00> : vector<64x256xf32>
        %dot_general3A_2363 = tpu.matmul %concatenate3A_2361, %get3A_648, %dot_general3A_2362 {dimension_numbers = #tpu.dot_dimension_numbers<[1], [0], [0], [1], [0, 0, 1, 1], [], []>, transpose_lhs_hint = false} : vector<64x512xf32>, vector<512x256xf32>, vector<64x256xf32> -> vector<64x256xf32>
        %add3A_2364 = vector.broadcast %get3A_651 : vector<1x256xf32> to vector<64x256xf32>
        %add3A_2365 = arith.addf %dot_general3A_2363, %add3A_2364 : vector<64x256xf32>
        %tanh3A_2366 = math.tanh %add3A_2365 : vector<64x256xf32>
        %mul3A_2367 = arith.mulf %slice3A_2359, %add3A_2292 : vector<64x256xf32>
        %sub3A_2368 = arith.constant 1.000000e+00 : f32
        %sub3A_2369 = vector.broadcast %sub3A_2368 : f32 to vector<64x256xf32>
        %sub3A_2370 = arith.subf %sub3A_2369, %slice3A_2359 : vector<64x256xf32>
        %mul3A_2371 = arith.mulf %sub3A_2370, %tanh3A_2366 : vector<64x256xf32>
        %add3A_2372 = arith.addf %mul3A_2367, %mul3A_2371 : vector<64x256xf32>
        %concatenate3A_2373 = tpu.concatenate %squeeze3A_2346, %add3A_2318 in 1 : vector<64x256xf32>, vector<64x256xf32> -> vector<64x512xf32>
        %dot_general3A_2374 = arith.constant dense<0.000000e+00> : vector<64x512xf32>
        %dot_general3A_2375 = tpu.matmul %concatenate3A_2373, %get3A_654, %dot_general3A_2374 {dimension_numbers = #tpu.dot_dimension_numbers<[1], [0], [0], [1], [0, 0, 1, 1], [], []>, transpose_lhs_hint = false} : vector<64x512xf32>, vector<512x512xf32>, vector<64x512xf32> -> vector<64x512xf32>
        %add3A_2376 = vector.broadcast %get3A_657 : vector<1x512xf32> to vector<64x512xf32>
        %add3A_2377 = arith.addf %dot_general3A_2375, %add3A_2376 : vector<64x512xf32>
        %logistic3A_2378 = arith.negf %add3A_2377 : vector<64x512xf32>
        %logistic3A_2379 = math.exp %logistic3A_2378 : vector<64x512xf32>
        %logistic3A_2380 = arith.constant 1.000000e+00 : f32
        %logistic3A_2381 = vector.broadcast %logistic3A_2380 : f32 to vector<64x512xf32>
        %logistic3A_2382 = arith.addf %logistic3A_2381, %logistic3A_2379 : vector<64x512xf32>
        %logistic3A_2383 = arith.divf %logistic3A_2381, %logistic3A_2382 : vector<64x512xf32>
        %slice3A_2384 = vector.extract_strided_slice %logistic3A_2383 {offsets = [0, 0], sizes = [64, 256], strides = [1, 1]} : vector<64x512xf32> to vector<64x256xf32>
        %slice3A_2385 = vector.extract_strided_slice %logistic3A_2383 {offsets = [0, 256], sizes = [64, 256], strides = [1, 1]} : vector<64x512xf32> to vector<64x256xf32>
        %mul3A_2386 = arith.mulf %add3A_2318, %slice3A_2384 : vector<64x256xf32>
        %concatenate3A_2387 = tpu.concatenate %squeeze3A_2346, %mul3A_2386 in 1 : vector<64x256xf32>, vector<64x256xf32> -> vector<64x512xf32>
        %dot_general3A_2388 = arith.constant dense<0.000000e+00> : vector<64x256xf32>
        %dot_general3A_2389 = tpu.matmul %concatenate3A_2387, %get3A_660, %dot_general3A_2388 {dimension_numbers = #tpu.dot_dimension_numbers<[1], [0], [0], [1], [0, 0, 1, 1], [], []>, transpose_lhs_hint = false} : vector<64x512xf32>, vector<512x256xf32>, vector<64x256xf32> -> vector<64x256xf32>
        %add3A_2390 = vector.broadcast %get3A_663 : vector<1x256xf32> to vector<64x256xf32>
        %add3A_2391 = arith.addf %dot_general3A_2389, %add3A_2390 : vector<64x256xf32>
        %tanh3A_2392 = math.tanh %add3A_2391 : vector<64x256xf32>
        %mul3A_2393 = arith.mulf %slice3A_2385, %add3A_2318 : vector<64x256xf32>
        %sub3A_2394 = arith.constant 1.000000e+00 : f32
        %sub3A_2395 = vector.broadcast %sub3A_2394 : f32 to vector<64x256xf32>
        %sub3A_2396 = arith.subf %sub3A_2395, %slice3A_2385 : vector<64x256xf32>
        %mul3A_2397 = arith.mulf %sub3A_2396, %tanh3A_2392 : vector<64x256xf32>
        %add3A_2398 = arith.addf %mul3A_2393, %mul3A_2397 : vector<64x256xf32>
        %reshape3A_2399 = vector.shape_cast %add3A_2372 : vector<64x256xf32> to vector<8x1x8x256xf32>
        %swap3A_2400 = arith.constant 0 : index
        %swap3A_2401 = arith.index_cast %scan3A_2334 : i32 to index
        %swap3A_2402 = arith.constant 0 : index
        %swap3A_2403 = arith.constant 0 : index
        %swap3A_2404 = vector.load %arg25[%swap3A_2400, %swap3A_2401, %swap3A_2402, %swap3A_2403] : memref<8x128x8x512xf32, #tpu.memory_space<vmem>>, vector<8x1x8x256xf32>
        tpu.vector_store %arg25[%swap3A_2400, %swap3A_2401, %swap3A_2402, %swap3A_2403], %reshape3A_2399 {strides = array<i32>} : memref<8x128x8x512xf32, #tpu.memory_space<vmem>>, vector<8x1x8x256xf32>,
        %reshape3A_2405 = vector.shape_cast %add3A_2398 : vector<64x256xf32> to vector<8x1x8x256xf32>
        %sub3A_2406 = arith.constant 127 : i32
        %sub3A_2407 = arith.subi %sub3A_2406, %scan3A_2334 : i32
        %swap3A_2408 = arith.constant 0 : index
        %swap3A_2409 = arith.index_cast %sub3A_2407 : i32 to index
        %swap3A_2410 = arith.constant 0 : index
        %swap3A_2411 = arith.constant 256 : index
        %swap3A_2412 = vector.load %arg25[%swap3A_2408, %swap3A_2409, %swap3A_2410, %swap3A_2411] : memref<8x128x8x512xf32, #tpu.memory_space<vmem>>, vector<8x1x8x256xf32>
        tpu.vector_store %arg25[%swap3A_2408, %swap3A_2409, %swap3A_2410, %swap3A_2411], %reshape3A_2405 {strides = array<i32>} : memref<8x128x8x512xf32, #tpu.memory_space<vmem>>, vector<8x1x8x256xf32>,
        %scan3A_2413 = arith.constant 14 : i32
        %scan3A_2414 = arith.addi %scan3A_1293, %scan3A_2413 : i32
        %get3A_2415 = arith.index_cast %scan3A_2414 : i32 to index
        %get3A_2416 = arith.constant 0 : index
        %get3A_2417 = arith.constant 0 : index
        %get3A_2418 = vector.load %arg1[%get3A_2415, %get3A_2416, %get3A_2417] : memref<128x64x256xf32, #tpu.memory_space<vmem>>, vector<1x64x256xf32>
        %squeeze3A_2419 = vector.shape_cast %get3A_2418 : vector<1x64x256xf32> to vector<64x256xf32>
        %sub3A_2420 = arith.constant 127 : i32
        %sub3A_2421 = arith.subi %sub3A_2420, %scan3A_2414 : i32
        %get3A_2422 = arith.index_cast %sub3A_2421 : i32 to index
        %get3A_2423 = arith.constant 0 : index
        %get3A_2424 = arith.constant 0 : index
        %get3A_2425 = vector.load %arg1[%get3A_2422, %get3A_2423, %get3A_2424] : memref<128x64x256xf32, #tpu.memory_space<vmem>>, vector<1x64x256xf32>
        %squeeze3A_2426 = vector.shape_cast %get3A_2425 : vector<1x64x256xf32> to vector<64x256xf32>
        %concatenate3A_2427 = tpu.concatenate %squeeze3A_2419, %add3A_2372 in 1 : vector<64x256xf32>, vector<64x256xf32> -> vector<64x512xf32>
        %dot_general3A_2428 = arith.constant dense<0.000000e+00> : vector<64x512xf32>
        %dot_general3A_2429 = tpu.matmul %concatenate3A_2427, %get3A_642, %dot_general3A_2428 {dimension_numbers = #tpu.dot_dimension_numbers<[1], [0], [0], [1], [0, 0, 1, 1], [], []>, transpose_lhs_hint = false} : vector<64x512xf32>, vector<512x512xf32>, vector<64x512xf32> -> vector<64x512xf32>
        %add3A_2430 = vector.broadcast %get3A_645 : vector<1x512xf32> to vector<64x512xf32>
        %add3A_2431 = arith.addf %dot_general3A_2429, %add3A_2430 : vector<64x512xf32>
        %logistic3A_2432 = arith.negf %add3A_2431 : vector<64x512xf32>
        %logistic3A_2433 = math.exp %logistic3A_2432 : vector<64x512xf32>
        %logistic3A_2434 = arith.constant 1.000000e+00 : f32
        %logistic3A_2435 = vector.broadcast %logistic3A_2434 : f32 to vector<64x512xf32>
        %logistic3A_2436 = arith.addf %logistic3A_2435, %logistic3A_2433 : vector<64x512xf32>
        %logistic3A_2437 = arith.divf %logistic3A_2435, %logistic3A_2436 : vector<64x512xf32>
        %slice3A_2438 = vector.extract_strided_slice %logistic3A_2437 {offsets = [0, 0], sizes = [64, 256], strides = [1, 1]} : vector<64x512xf32> to vector<64x256xf32>
        %slice3A_2439 = vector.extract_strided_slice %logistic3A_2437 {offsets = [0, 256], sizes = [64, 256], strides = [1, 1]} : vector<64x512xf32> to vector<64x256xf32>
        %mul3A_2440 = arith.mulf %add3A_2372, %slice3A_2438 : vector<64x256xf32>
        %concatenate3A_2441 = tpu.concatenate %squeeze3A_2419, %mul3A_2440 in 1 : vector<64x256xf32>, vector<64x256xf32> -> vector<64x512xf32>
        %dot_general3A_2442 = arith.constant dense<0.000000e+00> : vector<64x256xf32>
        %dot_general3A_2443 = tpu.matmul %concatenate3A_2441, %get3A_648, %dot_general3A_2442 {dimension_numbers = #tpu.dot_dimension_numbers<[1], [0], [0], [1], [0, 0, 1, 1], [], []>, transpose_lhs_hint = false} : vector<64x512xf32>, vector<512x256xf32>, vector<64x256xf32> -> vector<64x256xf32>
        %add3A_2444 = vector.broadcast %get3A_651 : vector<1x256xf32> to vector<64x256xf32>
        %add3A_2445 = arith.addf %dot_general3A_2443, %add3A_2444 : vector<64x256xf32>
        %tanh3A_2446 = math.tanh %add3A_2445 : vector<64x256xf32>
        %mul3A_2447 = arith.mulf %slice3A_2439, %add3A_2372 : vector<64x256xf32>
        %sub3A_2448 = arith.constant 1.000000e+00 : f32
        %sub3A_2449 = vector.broadcast %sub3A_2448 : f32 to vector<64x256xf32>
        %sub3A_2450 = arith.subf %sub3A_2449, %slice3A_2439 : vector<64x256xf32>
        %mul3A_2451 = arith.mulf %sub3A_2450, %tanh3A_2446 : vector<64x256xf32>
        %add3A_2452 = arith.addf %mul3A_2447, %mul3A_2451 : vector<64x256xf32>
        %concatenate3A_2453 = tpu.concatenate %squeeze3A_2426, %add3A_2398 in 1 : vector<64x256xf32>, vector<64x256xf32> -> vector<64x512xf32>
        %dot_general3A_2454 = arith.constant dense<0.000000e+00> : vector<64x512xf32>
        %dot_general3A_2455 = tpu.matmul %concatenate3A_2453, %get3A_654, %dot_general3A_2454 {dimension_numbers = #tpu.dot_dimension_numbers<[1], [0], [0], [1], [0, 0, 1, 1], [], []>, transpose_lhs_hint = false} : vector<64x512xf32>, vector<512x512xf32>, vector<64x512xf32> -> vector<64x512xf32>
        %add3A_2456 = vector.broadcast %get3A_657 : vector<1x512xf32> to vector<64x512xf32>
        %add3A_2457 = arith.addf %dot_general3A_2455, %add3A_2456 : vector<64x512xf32>
        %logistic3A_2458 = arith.negf %add3A_2457 : vector<64x512xf32>
        %logistic3A_2459 = math.exp %logistic3A_2458 : vector<64x512xf32>
        %logistic3A_2460 = arith.constant 1.000000e+00 : f32
        %logistic3A_2461 = vector.broadcast %logistic3A_2460 : f32 to vector<64x512xf32>
        %logistic3A_2462 = arith.addf %logistic3A_2461, %logistic3A_2459 : vector<64x512xf32>
        %logistic3A_2463 = arith.divf %logistic3A_2461, %logistic3A_2462 : vector<64x512xf32>
        %slice3A_2464 = vector.extract_strided_slice %logistic3A_2463 {offsets = [0, 0], sizes = [64, 256], strides = [1, 1]} : vector<64x512xf32> to vector<64x256xf32>
        %slice3A_2465 = vector.extract_strided_slice %logistic3A_2463 {offsets = [0, 256], sizes = [64, 256], strides = [1, 1]} : vector<64x512xf32> to vector<64x256xf32>
        %mul3A_2466 = arith.mulf %add3A_2398, %slice3A_2464 : vector<64x256xf32>
        %concatenate3A_2467 = tpu.concatenate %squeeze3A_2426, %mul3A_2466 in 1 : vector<64x256xf32>, vector<64x256xf32> -> vector<64x512xf32>
        %dot_general3A_2468 = arith.constant dense<0.000000e+00> : vector<64x256xf32>
        %dot_general3A_2469 = tpu.matmul %concatenate3A_2467, %get3A_660, %dot_general3A_2468 {dimension_numbers = #tpu.dot_dimension_numbers<[1], [0], [0], [1], [0, 0, 1, 1], [], []>, transpose_lhs_hint = false} : vector<64x512xf32>, vector<512x256xf32>, vector<64x256xf32> -> vector<64x256xf32>
        %add3A_2470 = vector.broadcast %get3A_663 : vector<1x256xf32> to vector<64x256xf32>
        %add3A_2471 = arith.addf %dot_general3A_2469, %add3A_2470 : vector<64x256xf32>
        %tanh3A_2472 = math.tanh %add3A_2471 : vector<64x256xf32>
        %mul3A_2473 = arith.mulf %slice3A_2465, %add3A_2398 : vector<64x256xf32>
        %sub3A_2474 = arith.constant 1.000000e+00 : f32
        %sub3A_2475 = vector.broadcast %sub3A_2474 : f32 to vector<64x256xf32>
        %sub3A_2476 = arith.subf %sub3A_2475, %slice3A_2465 : vector<64x256xf32>
        %mul3A_2477 = arith.mulf %sub3A_2476, %tanh3A_2472 : vector<64x256xf32>
        %add3A_2478 = arith.addf %mul3A_2473, %mul3A_2477 : vector<64x256xf32>
        %reshape3A_2479 = vector.shape_cast %add3A_2452 : vector<64x256xf32> to vector<8x1x8x256xf32>
        %swap3A_2480 = arith.constant 0 : index
        %swap3A_2481 = arith.index_cast %scan3A_2414 : i32 to index
        %swap3A_2482 = arith.constant 0 : index
        %swap3A_2483 = arith.constant 0 : index
        %swap3A_2484 = vector.load %arg25[%swap3A_2480, %swap3A_2481, %swap3A_2482, %swap3A_2483] : memref<8x128x8x512xf32, #tpu.memory_space<vmem>>, vector<8x1x8x256xf32>
        tpu.vector_store %arg25[%swap3A_2480, %swap3A_2481, %swap3A_2482, %swap3A_2483], %reshape3A_2479 {strides = array<i32>} : memref<8x128x8x512xf32, #tpu.memory_space<vmem>>, vector<8x1x8x256xf32>,
        %reshape3A_2485 = vector.shape_cast %add3A_2478 : vector<64x256xf32> to vector<8x1x8x256xf32>
        %sub3A_2486 = arith.constant 127 : i32
        %sub3A_2487 = arith.subi %sub3A_2486, %scan3A_2414 : i32
        %swap3A_2488 = arith.constant 0 : index
        %swap3A_2489 = arith.index_cast %sub3A_2487 : i32 to index
        %swap3A_2490 = arith.constant 0 : index
        %swap3A_2491 = arith.constant 256 : index
        %swap3A_2492 = vector.load %arg25[%swap3A_2488, %swap3A_2489, %swap3A_2490, %swap3A_2491] : memref<8x128x8x512xf32, #tpu.memory_space<vmem>>, vector<8x1x8x256xf32>
        tpu.vector_store %arg25[%swap3A_2488, %swap3A_2489, %swap3A_2490, %swap3A_2491], %reshape3A_2485 {strides = array<i32>} : memref<8x128x8x512xf32, #tpu.memory_space<vmem>>, vector<8x1x8x256xf32>,
        %scan3A_2493 = arith.constant 15 : i32
        %scan3A_2494 = arith.addi %scan3A_1293, %scan3A_2493 : i32
        %get3A_2495 = arith.index_cast %scan3A_2494 : i32 to index
        %get3A_2496 = arith.constant 0 : index
        %get3A_2497 = arith.constant 0 : index
        %get3A_2498 = vector.load %arg1[%get3A_2495, %get3A_2496, %get3A_2497] : memref<128x64x256xf32, #tpu.memory_space<vmem>>, vector<1x64x256xf32>
        %squeeze3A_2499 = vector.shape_cast %get3A_2498 : vector<1x64x256xf32> to vector<64x256xf32>
        %sub3A_2500 = arith.constant 127 : i32
        %sub3A_2501 = arith.subi %sub3A_2500, %scan3A_2494 : i32
        %get3A_2502 = arith.index_cast %sub3A_2501 : i32 to index
        %get3A_2503 = arith.constant 0 : index
        %get3A_2504 = arith.constant 0 : index
        %get3A_2505 = vector.load %arg1[%get3A_2502, %get3A_2503, %get3A_2504] : memref<128x64x256xf32, #tpu.memory_space<vmem>>, vector<1x64x256xf32>
        %squeeze3A_2506 = vector.shape_cast %get3A_2505 : vector<1x64x256xf32> to vector<64x256xf32>
        %concatenate3A_2507 = tpu.concatenate %squeeze3A_2499, %add3A_2452 in 1 : vector<64x256xf32>, vector<64x256xf32> -> vector<64x512xf32>
        %dot_general3A_2508 = arith.constant dense<0.000000e+00> : vector<64x512xf32>
        %dot_general3A_2509 = tpu.matmul %concatenate3A_2507, %get3A_642, %dot_general3A_2508 {dimension_numbers = #tpu.dot_dimension_numbers<[1], [0], [0], [1], [0, 0, 1, 1], [], []>, transpose_lhs_hint = false} : vector<64x512xf32>, vector<512x512xf32>, vector<64x512xf32> -> vector<64x512xf32>
        %add3A_2510 = vector.broadcast %get3A_645 : vector<1x512xf32> to vector<64x512xf32>
        %add3A_2511 = arith.addf %dot_general3A_2509, %add3A_2510 : vector<64x512xf32>
        %logistic3A_2512 = arith.negf %add3A_2511 : vector<64x512xf32>
        %logistic3A_2513 = math.exp %logistic3A_2512 : vector<64x512xf32>
        %logistic3A_2514 = arith.constant 1.000000e+00 : f32
        %logistic3A_2515 = vector.broadcast %logistic3A_2514 : f32 to vector<64x512xf32>
        %logistic3A_2516 = arith.addf %logistic3A_2515, %logistic3A_2513 : vector<64x512xf32>
        %logistic3A_2517 = arith.divf %logistic3A_2515, %logistic3A_2516 : vector<64x512xf32>
        %slice3A_2518 = vector.extract_strided_slice %logistic3A_2517 {offsets = [0, 0], sizes = [64, 256], strides = [1, 1]} : vector<64x512xf32> to vector<64x256xf32>
        %slice3A_2519 = vector.extract_strided_slice %logistic3A_2517 {offsets = [0, 256], sizes = [64, 256], strides = [1, 1]} : vector<64x512xf32> to vector<64x256xf32>
        %mul3A_2520 = arith.mulf %add3A_2452, %slice3A_2518 : vector<64x256xf32>
        %concatenate3A_2521 = tpu.concatenate %squeeze3A_2499, %mul3A_2520 in 1 : vector<64x256xf32>, vector<64x256xf32> -> vector<64x512xf32>
        %dot_general3A_2522 = arith.constant dense<0.000000e+00> : vector<64x256xf32>
        %dot_general3A_2523 = tpu.matmul %concatenate3A_2521, %get3A_648, %dot_general3A_2522 {dimension_numbers = #tpu.dot_dimension_numbers<[1], [0], [0], [1], [0, 0, 1, 1], [], []>, transpose_lhs_hint = false} : vector<64x512xf32>, vector<512x256xf32>, vector<64x256xf32> -> vector<64x256xf32>
        %add3A_2524 = vector.broadcast %get3A_651 : vector<1x256xf32> to vector<64x256xf32>
        %add3A_2525 = arith.addf %dot_general3A_2523, %add3A_2524 : vector<64x256xf32>
        %tanh3A_2526 = math.tanh %add3A_2525 : vector<64x256xf32>
        %mul3A_2527 = arith.mulf %slice3A_2519, %add3A_2452 : vector<64x256xf32>
        %sub3A_2528 = arith.constant 1.000000e+00 : f32
        %sub3A_2529 = vector.broadcast %sub3A_2528 : f32 to vector<64x256xf32>
        %sub3A_2530 = arith.subf %sub3A_2529, %slice3A_2519 : vector<64x256xf32>
        %mul3A_2531 = arith.mulf %sub3A_2530, %tanh3A_2526 : vector<64x256xf32>
        %add3A_2532 = arith.addf %mul3A_2527, %mul3A_2531 : vector<64x256xf32>
        %concatenate3A_2533 = tpu.concatenate %squeeze3A_2506, %add3A_2478 in 1 : vector<64x256xf32>, vector<64x256xf32> -> vector<64x512xf32>
        %dot_general3A_2534 = arith.constant dense<0.000000e+00> : vector<64x512xf32>
        %dot_general3A_2535 = tpu.matmul %concatenate3A_2533, %get3A_654, %dot_general3A_2534 {dimension_numbers = #tpu.dot_dimension_numbers<[1], [0], [0], [1], [0, 0, 1, 1], [], []>, transpose_lhs_hint = false} : vector<64x512xf32>, vector<512x512xf32>, vector<64x512xf32> -> vector<64x512xf32>
        %add3A_2536 = vector.broadcast %get3A_657 : vector<1x512xf32> to vector<64x512xf32>
        %add3A_2537 = arith.addf %dot_general3A_2535, %add3A_2536 : vector<64x512xf32>
        %logistic3A_2538 = arith.negf %add3A_2537 : vector<64x512xf32>
        %logistic3A_2539 = math.exp %logistic3A_2538 : vector<64x512xf32>
        %logistic3A_2540 = arith.constant 1.000000e+00 : f32
        %logistic3A_2541 = vector.broadcast %logistic3A_2540 : f32 to vector<64x512xf32>
        %logistic3A_2542 = arith.addf %logistic3A_2541, %logistic3A_2539 : vector<64x512xf32>
        %logistic3A_2543 = arith.divf %logistic3A_2541, %logistic3A_2542 : vector<64x512xf32>
        %slice3A_2544 = vector.extract_strided_slice %logistic3A_2543 {offsets = [0, 0], sizes = [64, 256], strides = [1, 1]} : vector<64x512xf32> to vector<64x256xf32>
        %slice3A_2545 = vector.extract_strided_slice %logistic3A_2543 {offsets = [0, 256], sizes = [64, 256], strides = [1, 1]} : vector<64x512xf32> to vector<64x256xf32>
        %mul3A_2546 = arith.mulf %add3A_2478, %slice3A_2544 : vector<64x256xf32>
        %concatenate3A_2547 = tpu.concatenate %squeeze3A_2506, %mul3A_2546 in 1 : vector<64x256xf32>, vector<64x256xf32> -> vector<64x512xf32>
        %dot_general3A_2548 = arith.constant dense<0.000000e+00> : vector<64x256xf32>
        %dot_general3A_2549 = tpu.matmul %concatenate3A_2547, %get3A_660, %dot_general3A_2548 {dimension_numbers = #tpu.dot_dimension_numbers<[1], [0], [0], [1], [0, 0, 1, 1], [], []>, transpose_lhs_hint = false} : vector<64x512xf32>, vector<512x256xf32>, vector<64x256xf32> -> vector<64x256xf32>
        %add3A_2550 = vector.broadcast %get3A_663 : vector<1x256xf32> to vector<64x256xf32>
        %add3A_2551 = arith.addf %dot_general3A_2549, %add3A_2550 : vector<64x256xf32>
        %tanh3A_2552 = math.tanh %add3A_2551 : vector<64x256xf32>
        %mul3A_2553 = arith.mulf %slice3A_2545, %add3A_2478 : vector<64x256xf32>
        %sub3A_2554 = arith.constant 1.000000e+00 : f32
        %sub3A_2555 = vector.broadcast %sub3A_2554 : f32 to vector<64x256xf32>
        %sub3A_2556 = arith.subf %sub3A_2555, %slice3A_2545 : vector<64x256xf32>
        %mul3A_2557 = arith.mulf %sub3A_2556, %tanh3A_2552 : vector<64x256xf32>
        %add3A_2558 = arith.addf %mul3A_2553, %mul3A_2557 : vector<64x256xf32>
        %reshape3A_2559 = vector.shape_cast %add3A_2532 : vector<64x256xf32> to vector<8x1x8x256xf32>
        %swap3A_2560 = arith.constant 0 : index
        %swap3A_2561 = arith.index_cast %scan3A_2494 : i32 to index
        %swap3A_2562 = arith.constant 0 : index
        %swap3A_2563 = arith.constant 0 : index
        %swap3A_2564 = vector.load %arg25[%swap3A_2560, %swap3A_2561, %swap3A_2562, %swap3A_2563] : memref<8x128x8x512xf32, #tpu.memory_space<vmem>>, vector<8x1x8x256xf32>
        tpu.vector_store %arg25[%swap3A_2560, %swap3A_2561, %swap3A_2562, %swap3A_2563], %reshape3A_2559 {strides = array<i32>} : memref<8x128x8x512xf32, #tpu.memory_space<vmem>>, vector<8x1x8x256xf32>,
        %reshape3A_2565 = vector.shape_cast %add3A_2558 : vector<64x256xf32> to vector<8x1x8x256xf32>
        %sub3A_2566 = arith.constant 127 : i32
        %sub3A_2567 = arith.subi %sub3A_2566, %scan3A_2494 : i32
        %swap3A_2568 = arith.constant 0 : index
        %swap3A_2569 = arith.index_cast %sub3A_2567 : i32 to index
        %swap3A_2570 = arith.constant 0 : index
        %swap3A_2571 = arith.constant 256 : index
        %swap3A_2572 = vector.load %arg25[%swap3A_2568, %swap3A_2569, %swap3A_2570, %swap3A_2571] : memref<8x128x8x512xf32, #tpu.memory_space<vmem>>, vector<8x1x8x256xf32>
        tpu.vector_store %arg25[%swap3A_2568, %swap3A_2569, %swap3A_2570, %swap3A_2571], %reshape3A_2565 {strides = array<i32>} : memref<8x128x8x512xf32, #tpu.memory_space<vmem>>, vector<8x1x8x256xf32>,
        scf.yield %add3A_2532, %add3A_2558 : vector<64x256xf32>, vector<64x256xf32>
      }
      %scan3A_669 = arith.constant 128 : i32
      %get3A_670 = arith.constant 0 : index
      %get3A_671 = arith.constant 0 : index
      %get3A_672 = vector.load %arg10[%get3A_670, %get3A_671] : memref<768x512xf32, #tpu.memory_space<vmem>>, vector<768x512xf32>
      %get3A_673 = arith.constant 0 : index
      %get3A_674 = arith.constant 0 : index
      %get3A_675 = vector.load %arg11[%get3A_673, %get3A_674] : memref<1x512xf32, #tpu.memory_space<vmem>>, vector<1x512xf32>
      %get3A_676 = arith.constant 0 : index
      %get3A_677 = arith.constant 0 : index
      %get3A_678 = vector.load %arg12[%get3A_676, %get3A_677] : memref<768x256xf32, #tpu.memory_space<vmem>>, vector<768x256xf32>
      %get3A_679 = arith.constant 0 : index
      %get3A_680 = arith.constant 0 : index
      %get3A_681 = vector.load %arg13[%get3A_679, %get3A_680] : memref<1x256xf32, #tpu.memory_space<vmem>>, vector<1x256xf32>
      %broadcast_in_dim3A_682 = arith.constant 0.000000e+00 : f32
      %broadcast_in_dim3A_683 = vector.broadcast %broadcast_in_dim3A_682 : f32 to vector<8x1x8x256xf32>
      %swap3A_684 = arith.constant 0 : index
      %swap3A_685 = arith.constant 0 : index
      %swap3A_686 = arith.constant 0 : index
      %swap3A_687 = arith.constant 0 : index
      %swap3A_688 = vector.load %arg26[%swap3A_684, %swap3A_685, %swap3A_686, %swap3A_687] : memref<8x128x8x256xf32, #tpu.memory_space<vmem>>, vector<8x1x8x256xf32>
      tpu.vector_store %arg26[%swap3A_684, %swap3A_685, %swap3A_686, %swap3A_687], %broadcast_in_dim3A_683 {strides = array<i32>} : memref<8x128x8x256xf32, #tpu.memory_space<vmem>>, vector<8x1x8x256xf32>,
      %scan3A_689 = arith.constant 1 : i32
      %scan3A_690 = arith.constant 112 : i32
      %scan3A_691 = arith.addi %scan3A_689, %scan3A_690 : i32
      %scan3A_692 = arith.constant 16 : i32
      %scan3A_693 = scf.for %scan3A_1293 = %scan3A_689 to %scan3A_691 step %scan3A_692 iter_args(%scan3A_1294 = %broadcast_in_dim3A_639) -> (vector<64x256xf32>)  : i32 {
        %get3A_1295 = arith.constant 0 : index
        %get3A_1296 = arith.index_cast %scan3A_1293 : i32 to index
        %get3A_1297 = arith.constant 0 : index
        %get3A_1298 = arith.constant 0 : index
        %get3A_1299 = vector.load %arg25[%get3A_1295, %get3A_1296, %get3A_1297, %get3A_1298] : memref<8x128x8x512xf32, #tpu.memory_space<vmem>>, vector<8x1x8x512xf32>
        %reshape3A_1300 = vector.shape_cast %get3A_1299 : vector<8x1x8x512xf32> to vector<64x512xf32>
        %concatenate3A_1301 = tpu.concatenate %reshape3A_1300, %scan3A_1294 in 1 : vector<64x512xf32>, vector<64x256xf32> -> vector<64x768xf32>
        %dot_general3A_1302 = arith.constant dense<0.000000e+00> : vector<64x512xf32>
        %dot_general3A_1303 = tpu.matmul %concatenate3A_1301, %get3A_672, %dot_general3A_1302 {dimension_numbers = #tpu.dot_dimension_numbers<[1], [0], [0], [1], [0, 0, 1, 1], [], []>, transpose_lhs_hint = false} : vector<64x768xf32>, vector<768x512xf32>, vector<64x512xf32> -> vector<64x512xf32>
        %add3A_1304 = vector.broadcast %get3A_675 : vector<1x512xf32> to vector<64x512xf32>
        %add3A_1305 = arith.addf %dot_general3A_1303, %add3A_1304 : vector<64x512xf32>
        %logistic3A_1306 = arith.negf %add3A_1305 : vector<64x512xf32>
        %logistic3A_1307 = math.exp %logistic3A_1306 : vector<64x512xf32>
        %logistic3A_1308 = arith.constant 1.000000e+00 : f32
        %logistic3A_1309 = vector.broadcast %logistic3A_1308 : f32 to vector<64x512xf32>
        %logistic3A_1310 = arith.addf %logistic3A_1309, %logistic3A_1307 : vector<64x512xf32>
        %logistic3A_1311 = arith.divf %logistic3A_1309, %logistic3A_1310 : vector<64x512xf32>
        %slice3A_1312 = vector.extract_strided_slice %logistic3A_1311 {offsets = [0, 0], sizes = [64, 256], strides = [1, 1]} : vector<64x512xf32> to vector<64x256xf32>
        %slice3A_1313 = vector.extract_strided_slice %logistic3A_1311 {offsets = [0, 256], sizes = [64, 256], strides = [1, 1]} : vector<64x512xf32> to vector<64x256xf32>
        %mul3A_1314 = arith.mulf %scan3A_1294, %slice3A_1312 : vector<64x256xf32>
        %concatenate3A_1315 = tpu.concatenate %reshape3A_1300, %mul3A_1314 in 1 : vector<64x512xf32>, vector<64x256xf32> -> vector<64x768xf32>
        %dot_general3A_1316 = arith.constant dense<0.000000e+00> : vector<64x256xf32>
        %dot_general3A_1317 = tpu.matmul %concatenate3A_1315, %get3A_678, %dot_general3A_1316 {dimension_numbers = #tpu.dot_dimension_numbers<[1], [0], [0], [1], [0, 0, 1, 1], [], []>, transpose_lhs_hint = false} : vector<64x768xf32>, vector<768x256xf32>, vector<64x256xf32> -> vector<64x256xf32>
        %add3A_1318 = vector.broadcast %get3A_681 : vector<1x256xf32> to vector<64x256xf32>
        %add3A_1319 = arith.addf %dot_general3A_1317, %add3A_1318 : vector<64x256xf32>
        %tanh3A_1320 = math.tanh %add3A_1319 : vector<64x256xf32>
        %mul3A_1321 = arith.mulf %slice3A_1313, %scan3A_1294 : vector<64x256xf32>
        %sub3A_1322 = arith.constant 1.000000e+00 : f32
        %sub3A_1323 = vector.broadcast %sub3A_1322 : f32 to vector<64x256xf32>
        %sub3A_1324 = arith.subf %sub3A_1323, %slice3A_1313 : vector<64x256xf32>
        %mul3A_1325 = arith.mulf %sub3A_1324, %tanh3A_1320 : vector<64x256xf32>
        %add3A_1326 = arith.addf %mul3A_1321, %mul3A_1325 : vector<64x256xf32>
        %reshape3A_1327 = vector.shape_cast %add3A_1326 : vector<64x256xf32> to vector<8x1x8x256xf32>
        %swap3A_1328 = arith.constant 0 : index
        %swap3A_1329 = arith.index_cast %scan3A_1293 : i32 to index
        %swap3A_1330 = arith.constant 0 : index
        %swap3A_1331 = arith.constant 0 : index
        %swap3A_1332 = vector.load %arg26[%swap3A_1328, %swap3A_1329, %swap3A_1330, %swap3A_1331] : memref<8x128x8x256xf32, #tpu.memory_space<vmem>>, vector<8x1x8x256xf32>
        tpu.vector_store %arg26[%swap3A_1328, %swap3A_1329, %swap3A_1330, %swap3A_1331], %reshape3A_1327 {strides = array<i32>} : memref<8x128x8x256xf32, #tpu.memory_space<vmem>>, vector<8x1x8x256xf32>,
        %scan3A_1333 = arith.constant 1 : i32
        %scan3A_1334 = arith.addi %scan3A_1293, %scan3A_1333 : i32
        %get3A_1335 = arith.constant 0 : index
        %get3A_1336 = arith.index_cast %scan3A_1334 : i32 to index
        %get3A_1337 = arith.constant 0 : index
        %get3A_1338 = arith.constant 0 : index
        %get3A_1339 = vector.load %arg25[%get3A_1335, %get3A_1336, %get3A_1337, %get3A_1338] : memref<8x128x8x512xf32, #tpu.memory_space<vmem>>, vector<8x1x8x512xf32>
        %reshape3A_1340 = vector.shape_cast %get3A_1339 : vector<8x1x8x512xf32> to vector<64x512xf32>
        %concatenate3A_1341 = tpu.concatenate %reshape3A_1340, %add3A_1326 in 1 : vector<64x512xf32>, vector<64x256xf32> -> vector<64x768xf32>
        %dot_general3A_1342 = arith.constant dense<0.000000e+00> : vector<64x512xf32>
        %dot_general3A_1343 = tpu.matmul %concatenate3A_1341, %get3A_672, %dot_general3A_1342 {dimension_numbers = #tpu.dot_dimension_numbers<[1], [0], [0], [1], [0, 0, 1, 1], [], []>, transpose_lhs_hint = false} : vector<64x768xf32>, vector<768x512xf32>, vector<64x512xf32> -> vector<64x512xf32>
        %add3A_1344 = vector.broadcast %get3A_675 : vector<1x512xf32> to vector<64x512xf32>
        %add3A_1345 = arith.addf %dot_general3A_1343, %add3A_1344 : vector<64x512xf32>
        %logistic3A_1346 = arith.negf %add3A_1345 : vector<64x512xf32>
        %logistic3A_1347 = math.exp %logistic3A_1346 : vector<64x512xf32>
        %logistic3A_1348 = arith.constant 1.000000e+00 : f32
        %logistic3A_1349 = vector.broadcast %logistic3A_1348 : f32 to vector<64x512xf32>
        %logistic3A_1350 = arith.addf %logistic3A_1349, %logistic3A_1347 : vector<64x512xf32>
        %logistic3A_1351 = arith.divf %logistic3A_1349, %logistic3A_1350 : vector<64x512xf32>
        %slice3A_1352 = vector.extract_strided_slice %logistic3A_1351 {offsets = [0, 0], sizes = [64, 256], strides = [1, 1]} : vector<64x512xf32> to vector<64x256xf32>
        %slice3A_1353 = vector.extract_strided_slice %logistic3A_1351 {offsets = [0, 256], sizes = [64, 256], strides = [1, 1]} : vector<64x512xf32> to vector<64x256xf32>
        %mul3A_1354 = arith.mulf %add3A_1326, %slice3A_1352 : vector<64x256xf32>
        %concatenate3A_1355 = tpu.concatenate %reshape3A_1340, %mul3A_1354 in 1 : vector<64x512xf32>, vector<64x256xf32> -> vector<64x768xf32>
        %dot_general3A_1356 = arith.constant dense<0.000000e+00> : vector<64x256xf32>
        %dot_general3A_1357 = tpu.matmul %concatenate3A_1355, %get3A_678, %dot_general3A_1356 {dimension_numbers = #tpu.dot_dimension_numbers<[1], [0], [0], [1], [0, 0, 1, 1], [], []>, transpose_lhs_hint = false} : vector<64x768xf32>, vector<768x256xf32>, vector<64x256xf32> -> vector<64x256xf32>
        %add3A_1358 = vector.broadcast %get3A_681 : vector<1x256xf32> to vector<64x256xf32>
        %add3A_1359 = arith.addf %dot_general3A_1357, %add3A_1358 : vector<64x256xf32>
        %tanh3A_1360 = math.tanh %add3A_1359 : vector<64x256xf32>
        %mul3A_1361 = arith.mulf %slice3A_1353, %add3A_1326 : vector<64x256xf32>
        %sub3A_1362 = arith.constant 1.000000e+00 : f32
        %sub3A_1363 = vector.broadcast %sub3A_1362 : f32 to vector<64x256xf32>
        %sub3A_1364 = arith.subf %sub3A_1363, %slice3A_1353 : vector<64x256xf32>
        %mul3A_1365 = arith.mulf %sub3A_1364, %tanh3A_1360 : vector<64x256xf32>
        %add3A_1366 = arith.addf %mul3A_1361, %mul3A_1365 : vector<64x256xf32>
        %reshape3A_1367 = vector.shape_cast %add3A_1366 : vector<64x256xf32> to vector<8x1x8x256xf32>
        %swap3A_1368 = arith.constant 0 : index
        %swap3A_1369 = arith.index_cast %scan3A_1334 : i32 to index
        %swap3A_1370 = arith.constant 0 : index
        %swap3A_1371 = arith.constant 0 : index
        %swap3A_1372 = vector.load %arg26[%swap3A_1368, %swap3A_1369, %swap3A_1370, %swap3A_1371] : memref<8x128x8x256xf32, #tpu.memory_space<vmem>>, vector<8x1x8x256xf32>
        tpu.vector_store %arg26[%swap3A_1368, %swap3A_1369, %swap3A_1370, %swap3A_1371], %reshape3A_1367 {strides = array<i32>} : memref<8x128x8x256xf32, #tpu.memory_space<vmem>>, vector<8x1x8x256xf32>,
        %scan3A_1373 = arith.constant 2 : i32
        %scan3A_1374 = arith.addi %scan3A_1293, %scan3A_1373 : i32
        %get3A_1375 = arith.constant 0 : index
        %get3A_1376 = arith.index_cast %scan3A_1374 : i32 to index
        %get3A_1377 = arith.constant 0 : index
        %get3A_1378 = arith.constant 0 : index
        %get3A_1379 = vector.load %arg25[%get3A_1375, %get3A_1376, %get3A_1377, %get3A_1378] : memref<8x128x8x512xf32, #tpu.memory_space<vmem>>, vector<8x1x8x512xf32>
        %reshape3A_1380 = vector.shape_cast %get3A_1379 : vector<8x1x8x512xf32> to vector<64x512xf32>
        %concatenate3A_1381 = tpu.concatenate %reshape3A_1380, %add3A_1366 in 1 : vector<64x512xf32>, vector<64x256xf32> -> vector<64x768xf32>
        %dot_general3A_1382 = arith.constant dense<0.000000e+00> : vector<64x512xf32>
        %dot_general3A_1383 = tpu.matmul %concatenate3A_1381, %get3A_672, %dot_general3A_1382 {dimension_numbers = #tpu.dot_dimension_numbers<[1], [0], [0], [1], [0, 0, 1, 1], [], []>, transpose_lhs_hint = false} : vector<64x768xf32>, vector<768x512xf32>, vector<64x512xf32> -> vector<64x512xf32>
        %add3A_1384 = vector.broadcast %get3A_675 : vector<1x512xf32> to vector<64x512xf32>
        %add3A_1385 = arith.addf %dot_general3A_1383, %add3A_1384 : vector<64x512xf32>
        %logistic3A_1386 = arith.negf %add3A_1385 : vector<64x512xf32>
        %logistic3A_1387 = math.exp %logistic3A_1386 : vector<64x512xf32>
        %logistic3A_1388 = arith.constant 1.000000e+00 : f32
        %logistic3A_1389 = vector.broadcast %logistic3A_1388 : f32 to vector<64x512xf32>
        %logistic3A_1390 = arith.addf %logistic3A_1389, %logistic3A_1387 : vector<64x512xf32>
        %logistic3A_1391 = arith.divf %logistic3A_1389, %logistic3A_1390 : vector<64x512xf32>
        %slice3A_1392 = vector.extract_strided_slice %logistic3A_1391 {offsets = [0, 0], sizes = [64, 256], strides = [1, 1]} : vector<64x512xf32> to vector<64x256xf32>
        %slice3A_1393 = vector.extract_strided_slice %logistic3A_1391 {offsets = [0, 256], sizes = [64, 256], strides = [1, 1]} : vector<64x512xf32> to vector<64x256xf32>
        %mul3A_1394 = arith.mulf %add3A_1366, %slice3A_1392 : vector<64x256xf32>
        %concatenate3A_1395 = tpu.concatenate %reshape3A_1380, %mul3A_1394 in 1 : vector<64x512xf32>, vector<64x256xf32> -> vector<64x768xf32>
        %dot_general3A_1396 = arith.constant dense<0.000000e+00> : vector<64x256xf32>
        %dot_general3A_1397 = tpu.matmul %concatenate3A_1395, %get3A_678, %dot_general3A_1396 {dimension_numbers = #tpu.dot_dimension_numbers<[1], [0], [0], [1], [0, 0, 1, 1], [], []>, transpose_lhs_hint = false} : vector<64x768xf32>, vector<768x256xf32>, vector<64x256xf32> -> vector<64x256xf32>
        %add3A_1398 = vector.broadcast %get3A_681 : vector<1x256xf32> to vector<64x256xf32>
        %add3A_1399 = arith.addf %dot_general3A_1397, %add3A_1398 : vector<64x256xf32>
        %tanh3A_1400 = math.tanh %add3A_1399 : vector<64x256xf32>
        %mul3A_1401 = arith.mulf %slice3A_1393, %add3A_1366 : vector<64x256xf32>
        %sub3A_1402 = arith.constant 1.000000e+00 : f32
        %sub3A_1403 = vector.broadcast %sub3A_1402 : f32 to vector<64x256xf32>
        %sub3A_1404 = arith.subf %sub3A_1403, %slice3A_1393 : vector<64x256xf32>
        %mul3A_1405 = arith.mulf %sub3A_1404, %tanh3A_1400 : vector<64x256xf32>
        %add3A_1406 = arith.addf %mul3A_1401, %mul3A_1405 : vector<64x256xf32>
        %reshape3A_1407 = vector.shape_cast %add3A_1406 : vector<64x256xf32> to vector<8x1x8x256xf32>
        %swap3A_1408 = arith.constant 0 : index
        %swap3A_1409 = arith.index_cast %scan3A_1374 : i32 to index
        %swap3A_1410 = arith.constant 0 : index
        %swap3A_1411 = arith.constant 0 : index
        %swap3A_1412 = vector.load %arg26[%swap3A_1408, %swap3A_1409, %swap3A_1410, %swap3A_1411] : memref<8x128x8x256xf32, #tpu.memory_space<vmem>>, vector<8x1x8x256xf32>
        tpu.vector_store %arg26[%swap3A_1408, %swap3A_1409, %swap3A_1410, %swap3A_1411], %reshape3A_1407 {strides = array<i32>} : memref<8x128x8x256xf32, #tpu.memory_space<vmem>>, vector<8x1x8x256xf32>,
        %scan3A_1413 = arith.constant 3 : i32
        %scan3A_1414 = arith.addi %scan3A_1293, %scan3A_1413 : i32
        %get3A_1415 = arith.constant 0 : index
        %get3A_1416 = arith.index_cast %scan3A_1414 : i32 to index
        %get3A_1417 = arith.constant 0 : index
        %get3A_1418 = arith.constant 0 : index
        %get3A_1419 = vector.load %arg25[%get3A_1415, %get3A_1416, %get3A_1417, %get3A_1418] : memref<8x128x8x512xf32, #tpu.memory_space<vmem>>, vector<8x1x8x512xf32>
        %reshape3A_1420 = vector.shape_cast %get3A_1419 : vector<8x1x8x512xf32> to vector<64x512xf32>
        %concatenate3A_1421 = tpu.concatenate %reshape3A_1420, %add3A_1406 in 1 : vector<64x512xf32>, vector<64x256xf32> -> vector<64x768xf32>
        %dot_general3A_1422 = arith.constant dense<0.000000e+00> : vector<64x512xf32>
        %dot_general3A_1423 = tpu.matmul %concatenate3A_1421, %get3A_672, %dot_general3A_1422 {dimension_numbers = #tpu.dot_dimension_numbers<[1], [0], [0], [1], [0, 0, 1, 1], [], []>, transpose_lhs_hint = false} : vector<64x768xf32>, vector<768x512xf32>, vector<64x512xf32> -> vector<64x512xf32>
        %add3A_1424 = vector.broadcast %get3A_675 : vector<1x512xf32> to vector<64x512xf32>
        %add3A_1425 = arith.addf %dot_general3A_1423, %add3A_1424 : vector<64x512xf32>
        %logistic3A_1426 = arith.negf %add3A_1425 : vector<64x512xf32>
        %logistic3A_1427 = math.exp %logistic3A_1426 : vector<64x512xf32>
        %logistic3A_1428 = arith.constant 1.000000e+00 : f32
        %logistic3A_1429 = vector.broadcast %logistic3A_1428 : f32 to vector<64x512xf32>
        %logistic3A_1430 = arith.addf %logistic3A_1429, %logistic3A_1427 : vector<64x512xf32>
        %logistic3A_1431 = arith.divf %logistic3A_1429, %logistic3A_1430 : vector<64x512xf32>
        %slice3A_1432 = vector.extract_strided_slice %logistic3A_1431 {offsets = [0, 0], sizes = [64, 256], strides = [1, 1]} : vector<64x512xf32> to vector<64x256xf32>
        %slice3A_1433 = vector.extract_strided_slice %logistic3A_1431 {offsets = [0, 256], sizes = [64, 256], strides = [1, 1]} : vector<64x512xf32> to vector<64x256xf32>
        %mul3A_1434 = arith.mulf %add3A_1406, %slice3A_1432 : vector<64x256xf32>
        %concatenate3A_1435 = tpu.concatenate %reshape3A_1420, %mul3A_1434 in 1 : vector<64x512xf32>, vector<64x256xf32> -> vector<64x768xf32>
        %dot_general3A_1436 = arith.constant dense<0.000000e+00> : vector<64x256xf32>
        %dot_general3A_1437 = tpu.matmul %concatenate3A_1435, %get3A_678, %dot_general3A_1436 {dimension_numbers = #tpu.dot_dimension_numbers<[1], [0], [0], [1], [0, 0, 1, 1], [], []>, transpose_lhs_hint = false} : vector<64x768xf32>, vector<768x256xf32>, vector<64x256xf32> -> vector<64x256xf32>
        %add3A_1438 = vector.broadcast %get3A_681 : vector<1x256xf32> to vector<64x256xf32>
        %add3A_1439 = arith.addf %dot_general3A_1437, %add3A_1438 : vector<64x256xf32>
        %tanh3A_1440 = math.tanh %add3A_1439 : vector<64x256xf32>
        %mul3A_1441 = arith.mulf %slice3A_1433, %add3A_1406 : vector<64x256xf32>
        %sub3A_1442 = arith.constant 1.000000e+00 : f32
        %sub3A_1443 = vector.broadcast %sub3A_1442 : f32 to vector<64x256xf32>
        %sub3A_1444 = arith.subf %sub3A_1443, %slice3A_1433 : vector<64x256xf32>
        %mul3A_1445 = arith.mulf %sub3A_1444, %tanh3A_1440 : vector<64x256xf32>
        %add3A_1446 = arith.addf %mul3A_1441, %mul3A_1445 : vector<64x256xf32>
        %reshape3A_1447 = vector.shape_cast %add3A_1446 : vector<64x256xf32> to vector<8x1x8x256xf32>
        %swap3A_1448 = arith.constant 0 : index
        %swap3A_1449 = arith.index_cast %scan3A_1414 : i32 to index
        %swap3A_1450 = arith.constant 0 : index
        %swap3A_1451 = arith.constant 0 : index
        %swap3A_1452 = vector.load %arg26[%swap3A_1448, %swap3A_1449, %swap3A_1450, %swap3A_1451] : memref<8x128x8x256xf32, #tpu.memory_space<vmem>>, vector<8x1x8x256xf32>
        tpu.vector_store %arg26[%swap3A_1448, %swap3A_1449, %swap3A_1450, %swap3A_1451], %reshape3A_1447 {strides = array<i32>} : memref<8x128x8x256xf32, #tpu.memory_space<vmem>>, vector<8x1x8x256xf32>,
        %scan3A_1453 = arith.constant 4 : i32
        %scan3A_1454 = arith.addi %scan3A_1293, %scan3A_1453 : i32
        %get3A_1455 = arith.constant 0 : index
        %get3A_1456 = arith.index_cast %scan3A_1454 : i32 to index
        %get3A_1457 = arith.constant 0 : index
        %get3A_1458 = arith.constant 0 : index
        %get3A_1459 = vector.load %arg25[%get3A_1455, %get3A_1456, %get3A_1457, %get3A_1458] : memref<8x128x8x512xf32, #tpu.memory_space<vmem>>, vector<8x1x8x512xf32>
        %reshape3A_1460 = vector.shape_cast %get3A_1459 : vector<8x1x8x512xf32> to vector<64x512xf32>
        %concatenate3A_1461 = tpu.concatenate %reshape3A_1460, %add3A_1446 in 1 : vector<64x512xf32>, vector<64x256xf32> -> vector<64x768xf32>
        %dot_general3A_1462 = arith.constant dense<0.000000e+00> : vector<64x512xf32>
        %dot_general3A_1463 = tpu.matmul %concatenate3A_1461, %get3A_672, %dot_general3A_1462 {dimension_numbers = #tpu.dot_dimension_numbers<[1], [0], [0], [1], [0, 0, 1, 1], [], []>, transpose_lhs_hint = false} : vector<64x768xf32>, vector<768x512xf32>, vector<64x512xf32> -> vector<64x512xf32>
        %add3A_1464 = vector.broadcast %get3A_675 : vector<1x512xf32> to vector<64x512xf32>
        %add3A_1465 = arith.addf %dot_general3A_1463, %add3A_1464 : vector<64x512xf32>
        %logistic3A_1466 = arith.negf %add3A_1465 : vector<64x512xf32>
        %logistic3A_1467 = math.exp %logistic3A_1466 : vector<64x512xf32>
        %logistic3A_1468 = arith.constant 1.000000e+00 : f32
        %logistic3A_1469 = vector.broadcast %logistic3A_1468 : f32 to vector<64x512xf32>
        %logistic3A_1470 = arith.addf %logistic3A_1469, %logistic3A_1467 : vector<64x512xf32>
        %logistic3A_1471 = arith.divf %logistic3A_1469, %logistic3A_1470 : vector<64x512xf32>
        %slice3A_1472 = vector.extract_strided_slice %logistic3A_1471 {offsets = [0, 0], sizes = [64, 256], strides = [1, 1]} : vector<64x512xf32> to vector<64x256xf32>
        %slice3A_1473 = vector.extract_strided_slice %logistic3A_1471 {offsets = [0, 256], sizes = [64, 256], strides = [1, 1]} : vector<64x512xf32> to vector<64x256xf32>
        %mul3A_1474 = arith.mulf %add3A_1446, %slice3A_1472 : vector<64x256xf32>
        %concatenate3A_1475 = tpu.concatenate %reshape3A_1460, %mul3A_1474 in 1 : vector<64x512xf32>, vector<64x256xf32> -> vector<64x768xf32>
        %dot_general3A_1476 = arith.constant dense<0.000000e+00> : vector<64x256xf32>
        %dot_general3A_1477 = tpu.matmul %concatenate3A_1475, %get3A_678, %dot_general3A_1476 {dimension_numbers = #tpu.dot_dimension_numbers<[1], [0], [0], [1], [0, 0, 1, 1], [], []>, transpose_lhs_hint = false} : vector<64x768xf32>, vector<768x256xf32>, vector<64x256xf32> -> vector<64x256xf32>
        %add3A_1478 = vector.broadcast %get3A_681 : vector<1x256xf32> to vector<64x256xf32>
        %add3A_1479 = arith.addf %dot_general3A_1477, %add3A_1478 : vector<64x256xf32>
        %tanh3A_1480 = math.tanh %add3A_1479 : vector<64x256xf32>
        %mul3A_1481 = arith.mulf %slice3A_1473, %add3A_1446 : vector<64x256xf32>
        %sub3A_1482 = arith.constant 1.000000e+00 : f32
        %sub3A_1483 = vector.broadcast %sub3A_1482 : f32 to vector<64x256xf32>
        %sub3A_1484 = arith.subf %sub3A_1483, %slice3A_1473 : vector<64x256xf32>
        %mul3A_1485 = arith.mulf %sub3A_1484, %tanh3A_1480 : vector<64x256xf32>
        %add3A_1486 = arith.addf %mul3A_1481, %mul3A_1485 : vector<64x256xf32>
        %reshape3A_1487 = vector.shape_cast %add3A_1486 : vector<64x256xf32> to vector<8x1x8x256xf32>
        %swap3A_1488 = arith.constant 0 : index
        %swap3A_1489 = arith.index_cast %scan3A_1454 : i32 to index
        %swap3A_1490 = arith.constant 0 : index
        %swap3A_1491 = arith.constant 0 : index
        %swap3A_1492 = vector.load %arg26[%swap3A_1488, %swap3A_1489, %swap3A_1490, %swap3A_1491] : memref<8x128x8x256xf32, #tpu.memory_space<vmem>>, vector<8x1x8x256xf32>
        tpu.vector_store %arg26[%swap3A_1488, %swap3A_1489, %swap3A_1490, %swap3A_1491], %reshape3A_1487 {strides = array<i32>} : memref<8x128x8x256xf32, #tpu.memory_space<vmem>>, vector<8x1x8x256xf32>,
        %scan3A_1493 = arith.constant 5 : i32
        %scan3A_1494 = arith.addi %scan3A_1293, %scan3A_1493 : i32
        %get3A_1495 = arith.constant 0 : index
        %get3A_1496 = arith.index_cast %scan3A_1494 : i32 to index
        %get3A_1497 = arith.constant 0 : index
        %get3A_1498 = arith.constant 0 : index
        %get3A_1499 = vector.load %arg25[%get3A_1495, %get3A_1496, %get3A_1497, %get3A_1498] : memref<8x128x8x512xf32, #tpu.memory_space<vmem>>, vector<8x1x8x512xf32>
        %reshape3A_1500 = vector.shape_cast %get3A_1499 : vector<8x1x8x512xf32> to vector<64x512xf32>
        %concatenate3A_1501 = tpu.concatenate %reshape3A_1500, %add3A_1486 in 1 : vector<64x512xf32>, vector<64x256xf32> -> vector<64x768xf32>
        %dot_general3A_1502 = arith.constant dense<0.000000e+00> : vector<64x512xf32>
        %dot_general3A_1503 = tpu.matmul %concatenate3A_1501, %get3A_672, %dot_general3A_1502 {dimension_numbers = #tpu.dot_dimension_numbers<[1], [0], [0], [1], [0, 0, 1, 1], [], []>, transpose_lhs_hint = false} : vector<64x768xf32>, vector<768x512xf32>, vector<64x512xf32> -> vector<64x512xf32>
        %add3A_1504 = vector.broadcast %get3A_675 : vector<1x512xf32> to vector<64x512xf32>
        %add3A_1505 = arith.addf %dot_general3A_1503, %add3A_1504 : vector<64x512xf32>
        %logistic3A_1506 = arith.negf %add3A_1505 : vector<64x512xf32>
        %logistic3A_1507 = math.exp %logistic3A_1506 : vector<64x512xf32>
        %logistic3A_1508 = arith.constant 1.000000e+00 : f32
        %logistic3A_1509 = vector.broadcast %logistic3A_1508 : f32 to vector<64x512xf32>
        %logistic3A_1510 = arith.addf %logistic3A_1509, %logistic3A_1507 : vector<64x512xf32>
        %logistic3A_1511 = arith.divf %logistic3A_1509, %logistic3A_1510 : vector<64x512xf32>
        %slice3A_1512 = vector.extract_strided_slice %logistic3A_1511 {offsets = [0, 0], sizes = [64, 256], strides = [1, 1]} : vector<64x512xf32> to vector<64x256xf32>
        %slice3A_1513 = vector.extract_strided_slice %logistic3A_1511 {offsets = [0, 256], sizes = [64, 256], strides = [1, 1]} : vector<64x512xf32> to vector<64x256xf32>
        %mul3A_1514 = arith.mulf %add3A_1486, %slice3A_1512 : vector<64x256xf32>
        %concatenate3A_1515 = tpu.concatenate %reshape3A_1500, %mul3A_1514 in 1 : vector<64x512xf32>, vector<64x256xf32> -> vector<64x768xf32>
        %dot_general3A_1516 = arith.constant dense<0.000000e+00> : vector<64x256xf32>
        %dot_general3A_1517 = tpu.matmul %concatenate3A_1515, %get3A_678, %dot_general3A_1516 {dimension_numbers = #tpu.dot_dimension_numbers<[1], [0], [0], [1], [0, 0, 1, 1], [], []>, transpose_lhs_hint = false} : vector<64x768xf32>, vector<768x256xf32>, vector<64x256xf32> -> vector<64x256xf32>
        %add3A_1518 = vector.broadcast %get3A_681 : vector<1x256xf32> to vector<64x256xf32>
        %add3A_1519 = arith.addf %dot_general3A_1517, %add3A_1518 : vector<64x256xf32>
        %tanh3A_1520 = math.tanh %add3A_1519 : vector<64x256xf32>
        %mul3A_1521 = arith.mulf %slice3A_1513, %add3A_1486 : vector<64x256xf32>
        %sub3A_1522 = arith.constant 1.000000e+00 : f32
        %sub3A_1523 = vector.broadcast %sub3A_1522 : f32 to vector<64x256xf32>
        %sub3A_1524 = arith.subf %sub3A_1523, %slice3A_1513 : vector<64x256xf32>
        %mul3A_1525 = arith.mulf %sub3A_1524, %tanh3A_1520 : vector<64x256xf32>
        %add3A_1526 = arith.addf %mul3A_1521, %mul3A_1525 : vector<64x256xf32>
        %reshape3A_1527 = vector.shape_cast %add3A_1526 : vector<64x256xf32> to vector<8x1x8x256xf32>
        %swap3A_1528 = arith.constant 0 : index
        %swap3A_1529 = arith.index_cast %scan3A_1494 : i32 to index
        %swap3A_1530 = arith.constant 0 : index
        %swap3A_1531 = arith.constant 0 : index
        %swap3A_1532 = vector.load %arg26[%swap3A_1528, %swap3A_1529, %swap3A_1530, %swap3A_1531] : memref<8x128x8x256xf32, #tpu.memory_space<vmem>>, vector<8x1x8x256xf32>
        tpu.vector_store %arg26[%swap3A_1528, %swap3A_1529, %swap3A_1530, %swap3A_1531], %reshape3A_1527 {strides = array<i32>} : memref<8x128x8x256xf32, #tpu.memory_space<vmem>>, vector<8x1x8x256xf32>,
        %scan3A_1533 = arith.constant 6 : i32
        %scan3A_1534 = arith.addi %scan3A_1293, %scan3A_1533 : i32
        %get3A_1535 = arith.constant 0 : index
        %get3A_1536 = arith.index_cast %scan3A_1534 : i32 to index
        %get3A_1537 = arith.constant 0 : index
        %get3A_1538 = arith.constant 0 : index
        %get3A_1539 = vector.load %arg25[%get3A_1535, %get3A_1536, %get3A_1537, %get3A_1538] : memref<8x128x8x512xf32, #tpu.memory_space<vmem>>, vector<8x1x8x512xf32>
        %reshape3A_1540 = vector.shape_cast %get3A_1539 : vector<8x1x8x512xf32> to vector<64x512xf32>
        %concatenate3A_1541 = tpu.concatenate %reshape3A_1540, %add3A_1526 in 1 : vector<64x512xf32>, vector<64x256xf32> -> vector<64x768xf32>
        %dot_general3A_1542 = arith.constant dense<0.000000e+00> : vector<64x512xf32>
        %dot_general3A_1543 = tpu.matmul %concatenate3A_1541, %get3A_672, %dot_general3A_1542 {dimension_numbers = #tpu.dot_dimension_numbers<[1], [0], [0], [1], [0, 0, 1, 1], [], []>, transpose_lhs_hint = false} : vector<64x768xf32>, vector<768x512xf32>, vector<64x512xf32> -> vector<64x512xf32>
        %add3A_1544 = vector.broadcast %get3A_675 : vector<1x512xf32> to vector<64x512xf32>
        %add3A_1545 = arith.addf %dot_general3A_1543, %add3A_1544 : vector<64x512xf32>
        %logistic3A_1546 = arith.negf %add3A_1545 : vector<64x512xf32>
        %logistic3A_1547 = math.exp %logistic3A_1546 : vector<64x512xf32>
        %logistic3A_1548 = arith.constant 1.000000e+00 : f32
        %logistic3A_1549 = vector.broadcast %logistic3A_1548 : f32 to vector<64x512xf32>
        %logistic3A_1550 = arith.addf %logistic3A_1549, %logistic3A_1547 : vector<64x512xf32>
        %logistic3A_1551 = arith.divf %logistic3A_1549, %logistic3A_1550 : vector<64x512xf32>
        %slice3A_1552 = vector.extract_strided_slice %logistic3A_1551 {offsets = [0, 0], sizes = [64, 256], strides = [1, 1]} : vector<64x512xf32> to vector<64x256xf32>
        %slice3A_1553 = vector.extract_strided_slice %logistic3A_1551 {offsets = [0, 256], sizes = [64, 256], strides = [1, 1]} : vector<64x512xf32> to vector<64x256xf32>
        %mul3A_1554 = arith.mulf %add3A_1526, %slice3A_1552 : vector<64x256xf32>
        %concatenate3A_1555 = tpu.concatenate %reshape3A_1540, %mul3A_1554 in 1 : vector<64x512xf32>, vector<64x256xf32> -> vector<64x768xf32>
        %dot_general3A_1556 = arith.constant dense<0.000000e+00> : vector<64x256xf32>
        %dot_general3A_1557 = tpu.matmul %concatenate3A_1555, %get3A_678, %dot_general3A_1556 {dimension_numbers = #tpu.dot_dimension_numbers<[1], [0], [0], [1], [0, 0, 1, 1], [], []>, transpose_lhs_hint = false} : vector<64x768xf32>, vector<768x256xf32>, vector<64x256xf32> -> vector<64x256xf32>
        %add3A_1558 = vector.broadcast %get3A_681 : vector<1x256xf32> to vector<64x256xf32>
        %add3A_1559 = arith.addf %dot_general3A_1557, %add3A_1558 : vector<64x256xf32>
        %tanh3A_1560 = math.tanh %add3A_1559 : vector<64x256xf32>
        %mul3A_1561 = arith.mulf %slice3A_1553, %add3A_1526 : vector<64x256xf32>
        %sub3A_1562 = arith.constant 1.000000e+00 : f32
        %sub3A_1563 = vector.broadcast %sub3A_1562 : f32 to vector<64x256xf32>
        %sub3A_1564 = arith.subf %sub3A_1563, %slice3A_1553 : vector<64x256xf32>
        %mul3A_1565 = arith.mulf %sub3A_1564, %tanh3A_1560 : vector<64x256xf32>
        %add3A_1566 = arith.addf %mul3A_1561, %mul3A_1565 : vector<64x256xf32>
        %reshape3A_1567 = vector.shape_cast %add3A_1566 : vector<64x256xf32> to vector<8x1x8x256xf32>
        %swap3A_1568 = arith.constant 0 : index
        %swap3A_1569 = arith.index_cast %scan3A_1534 : i32 to index
        %swap3A_1570 = arith.constant 0 : index
        %swap3A_1571 = arith.constant 0 : index
        %swap3A_1572 = vector.load %arg26[%swap3A_1568, %swap3A_1569, %swap3A_1570, %swap3A_1571] : memref<8x128x8x256xf32, #tpu.memory_space<vmem>>, vector<8x1x8x256xf32>
        tpu.vector_store %arg26[%swap3A_1568, %swap3A_1569, %swap3A_1570, %swap3A_1571], %reshape3A_1567 {strides = array<i32>} : memref<8x128x8x256xf32, #tpu.memory_space<vmem>>, vector<8x1x8x256xf32>,
        %scan3A_1573 = arith.constant 7 : i32
        %scan3A_1574 = arith.addi %scan3A_1293, %scan3A_1573 : i32
        %get3A_1575 = arith.constant 0 : index
        %get3A_1576 = arith.index_cast %scan3A_1574 : i32 to index
        %get3A_1577 = arith.constant 0 : index
        %get3A_1578 = arith.constant 0 : index
        %get3A_1579 = vector.load %arg25[%get3A_1575, %get3A_1576, %get3A_1577, %get3A_1578] : memref<8x128x8x512xf32, #tpu.memory_space<vmem>>, vector<8x1x8x512xf32>
        %reshape3A_1580 = vector.shape_cast %get3A_1579 : vector<8x1x8x512xf32> to vector<64x512xf32>
        %concatenate3A_1581 = tpu.concatenate %reshape3A_1580, %add3A_1566 in 1 : vector<64x512xf32>, vector<64x256xf32> -> vector<64x768xf32>
        %dot_general3A_1582 = arith.constant dense<0.000000e+00> : vector<64x512xf32>
        %dot_general3A_1583 = tpu.matmul %concatenate3A_1581, %get3A_672, %dot_general3A_1582 {dimension_numbers = #tpu.dot_dimension_numbers<[1], [0], [0], [1], [0, 0, 1, 1], [], []>, transpose_lhs_hint = false} : vector<64x768xf32>, vector<768x512xf32>, vector<64x512xf32> -> vector<64x512xf32>
        %add3A_1584 = vector.broadcast %get3A_675 : vector<1x512xf32> to vector<64x512xf32>
        %add3A_1585 = arith.addf %dot_general3A_1583, %add3A_1584 : vector<64x512xf32>
        %logistic3A_1586 = arith.negf %add3A_1585 : vector<64x512xf32>
        %logistic3A_1587 = math.exp %logistic3A_1586 : vector<64x512xf32>
        %logistic3A_1588 = arith.constant 1.000000e+00 : f32
        %logistic3A_1589 = vector.broadcast %logistic3A_1588 : f32 to vector<64x512xf32>
        %logistic3A_1590 = arith.addf %logistic3A_1589, %logistic3A_1587 : vector<64x512xf32>
        %logistic3A_1591 = arith.divf %logistic3A_1589, %logistic3A_1590 : vector<64x512xf32>
        %slice3A_1592 = vector.extract_strided_slice %logistic3A_1591 {offsets = [0, 0], sizes = [64, 256], strides = [1, 1]} : vector<64x512xf32> to vector<64x256xf32>
        %slice3A_1593 = vector.extract_strided_slice %logistic3A_1591 {offsets = [0, 256], sizes = [64, 256], strides = [1, 1]} : vector<64x512xf32> to vector<64x256xf32>
        %mul3A_1594 = arith.mulf %add3A_1566, %slice3A_1592 : vector<64x256xf32>
        %concatenate3A_1595 = tpu.concatenate %reshape3A_1580, %mul3A_1594 in 1 : vector<64x512xf32>, vector<64x256xf32> -> vector<64x768xf32>
        %dot_general3A_1596 = arith.constant dense<0.000000e+00> : vector<64x256xf32>
        %dot_general3A_1597 = tpu.matmul %concatenate3A_1595, %get3A_678, %dot_general3A_1596 {dimension_numbers = #tpu.dot_dimension_numbers<[1], [0], [0], [1], [0, 0, 1, 1], [], []>, transpose_lhs_hint = false} : vector<64x768xf32>, vector<768x256xf32>, vector<64x256xf32> -> vector<64x256xf32>
        %add3A_1598 = vector.broadcast %get3A_681 : vector<1x256xf32> to vector<64x256xf32>
        %add3A_1599 = arith.addf %dot_general3A_1597, %add3A_1598 : vector<64x256xf32>
        %tanh3A_1600 = math.tanh %add3A_1599 : vector<64x256xf32>
        %mul3A_1601 = arith.mulf %slice3A_1593, %add3A_1566 : vector<64x256xf32>
        %sub3A_1602 = arith.constant 1.000000e+00 : f32
        %sub3A_1603 = vector.broadcast %sub3A_1602 : f32 to vector<64x256xf32>
        %sub3A_1604 = arith.subf %sub3A_1603, %slice3A_1593 : vector<64x256xf32>
        %mul3A_1605 = arith.mulf %sub3A_1604, %tanh3A_1600 : vector<64x256xf32>
        %add3A_1606 = arith.addf %mul3A_1601, %mul3A_1605 : vector<64x256xf32>
        %reshape3A_1607 = vector.shape_cast %add3A_1606 : vector<64x256xf32> to vector<8x1x8x256xf32>
        %swap3A_1608 = arith.constant 0 : index
        %swap3A_1609 = arith.index_cast %scan3A_1574 : i32 to index
        %swap3A_1610 = arith.constant 0 : index
        %swap3A_1611 = arith.constant 0 : index
        %swap3A_1612 = vector.load %arg26[%swap3A_1608, %swap3A_1609, %swap3A_1610, %swap3A_1611] : memref<8x128x8x256xf32, #tpu.memory_space<vmem>>, vector<8x1x8x256xf32>
        tpu.vector_store %arg26[%swap3A_1608, %swap3A_1609, %swap3A_1610, %swap3A_1611], %reshape3A_1607 {strides = array<i32>} : memref<8x128x8x256xf32, #tpu.memory_space<vmem>>, vector<8x1x8x256xf32>,
        %scan3A_1613 = arith.constant 8 : i32
        %scan3A_1614 = arith.addi %scan3A_1293, %scan3A_1613 : i32
        %get3A_1615 = arith.constant 0 : index
        %get3A_1616 = arith.index_cast %scan3A_1614 : i32 to index
        %get3A_1617 = arith.constant 0 : index
        %get3A_1618 = arith.constant 0 : index
        %get3A_1619 = vector.load %arg25[%get3A_1615, %get3A_1616, %get3A_1617, %get3A_1618] : memref<8x128x8x512xf32, #tpu.memory_space<vmem>>, vector<8x1x8x512xf32>
        %reshape3A_1620 = vector.shape_cast %get3A_1619 : vector<8x1x8x512xf32> to vector<64x512xf32>
        %concatenate3A_1621 = tpu.concatenate %reshape3A_1620, %add3A_1606 in 1 : vector<64x512xf32>, vector<64x256xf32> -> vector<64x768xf32>
        %dot_general3A_1622 = arith.constant dense<0.000000e+00> : vector<64x512xf32>
        %dot_general3A_1623 = tpu.matmul %concatenate3A_1621, %get3A_672, %dot_general3A_1622 {dimension_numbers = #tpu.dot_dimension_numbers<[1], [0], [0], [1], [0, 0, 1, 1], [], []>, transpose_lhs_hint = false} : vector<64x768xf32>, vector<768x512xf32>, vector<64x512xf32> -> vector<64x512xf32>
        %add3A_1624 = vector.broadcast %get3A_675 : vector<1x512xf32> to vector<64x512xf32>
        %add3A_1625 = arith.addf %dot_general3A_1623, %add3A_1624 : vector<64x512xf32>
        %logistic3A_1626 = arith.negf %add3A_1625 : vector<64x512xf32>
        %logistic3A_1627 = math.exp %logistic3A_1626 : vector<64x512xf32>
        %logistic3A_1628 = arith.constant 1.000000e+00 : f32
        %logistic3A_1629 = vector.broadcast %logistic3A_1628 : f32 to vector<64x512xf32>
        %logistic3A_1630 = arith.addf %logistic3A_1629, %logistic3A_1627 : vector<64x512xf32>
        %logistic3A_1631 = arith.divf %logistic3A_1629, %logistic3A_1630 : vector<64x512xf32>
        %slice3A_1632 = vector.extract_strided_slice %logistic3A_1631 {offsets = [0, 0], sizes = [64, 256], strides = [1, 1]} : vector<64x512xf32> to vector<64x256xf32>
        %slice3A_1633 = vector.extract_strided_slice %logistic3A_1631 {offsets = [0, 256], sizes = [64, 256], strides = [1, 1]} : vector<64x512xf32> to vector<64x256xf32>
        %mul3A_1634 = arith.mulf %add3A_1606, %slice3A_1632 : vector<64x256xf32>
        %concatenate3A_1635 = tpu.concatenate %reshape3A_1620, %mul3A_1634 in 1 : vector<64x512xf32>, vector<64x256xf32> -> vector<64x768xf32>
        %dot_general3A_1636 = arith.constant dense<0.000000e+00> : vector<64x256xf32>
        %dot_general3A_1637 = tpu.matmul %concatenate3A_1635, %get3A_678, %dot_general3A_1636 {dimension_numbers = #tpu.dot_dimension_numbers<[1], [0], [0], [1], [0, 0, 1, 1], [], []>, transpose_lhs_hint = false} : vector<64x768xf32>, vector<768x256xf32>, vector<64x256xf32> -> vector<64x256xf32>
        %add3A_1638 = vector.broadcast %get3A_681 : vector<1x256xf32> to vector<64x256xf32>
        %add3A_1639 = arith.addf %dot_general3A_1637, %add3A_1638 : vector<64x256xf32>
        %tanh3A_1640 = math.tanh %add3A_1639 : vector<64x256xf32>
        %mul3A_1641 = arith.mulf %slice3A_1633, %add3A_1606 : vector<64x256xf32>
        %sub3A_1642 = arith.constant 1.000000e+00 : f32
        %sub3A_1643 = vector.broadcast %sub3A_1642 : f32 to vector<64x256xf32>
        %sub3A_1644 = arith.subf %sub3A_1643, %slice3A_1633 : vector<64x256xf32>
        %mul3A_1645 = arith.mulf %sub3A_1644, %tanh3A_1640 : vector<64x256xf32>
        %add3A_1646 = arith.addf %mul3A_1641, %mul3A_1645 : vector<64x256xf32>
        %reshape3A_1647 = vector.shape_cast %add3A_1646 : vector<64x256xf32> to vector<8x1x8x256xf32>
        %swap3A_1648 = arith.constant 0 : index
        %swap3A_1649 = arith.index_cast %scan3A_1614 : i32 to index
        %swap3A_1650 = arith.constant 0 : index
        %swap3A_1651 = arith.constant 0 : index
        %swap3A_1652 = vector.load %arg26[%swap3A_1648, %swap3A_1649, %swap3A_1650, %swap3A_1651] : memref<8x128x8x256xf32, #tpu.memory_space<vmem>>, vector<8x1x8x256xf32>
        tpu.vector_store %arg26[%swap3A_1648, %swap3A_1649, %swap3A_1650, %swap3A_1651], %reshape3A_1647 {strides = array<i32>} : memref<8x128x8x256xf32, #tpu.memory_space<vmem>>, vector<8x1x8x256xf32>,
        %scan3A_1653 = arith.constant 9 : i32
        %scan3A_1654 = arith.addi %scan3A_1293, %scan3A_1653 : i32
        %get3A_1655 = arith.constant 0 : index
        %get3A_1656 = arith.index_cast %scan3A_1654 : i32 to index
        %get3A_1657 = arith.constant 0 : index
        %get3A_1658 = arith.constant 0 : index
        %get3A_1659 = vector.load %arg25[%get3A_1655, %get3A_1656, %get3A_1657, %get3A_1658] : memref<8x128x8x512xf32, #tpu.memory_space<vmem>>, vector<8x1x8x512xf32>
        %reshape3A_1660 = vector.shape_cast %get3A_1659 : vector<8x1x8x512xf32> to vector<64x512xf32>
        %concatenate3A_1661 = tpu.concatenate %reshape3A_1660, %add3A_1646 in 1 : vector<64x512xf32>, vector<64x256xf32> -> vector<64x768xf32>
        %dot_general3A_1662 = arith.constant dense<0.000000e+00> : vector<64x512xf32>
        %dot_general3A_1663 = tpu.matmul %concatenate3A_1661, %get3A_672, %dot_general3A_1662 {dimension_numbers = #tpu.dot_dimension_numbers<[1], [0], [0], [1], [0, 0, 1, 1], [], []>, transpose_lhs_hint = false} : vector<64x768xf32>, vector<768x512xf32>, vector<64x512xf32> -> vector<64x512xf32>
        %add3A_1664 = vector.broadcast %get3A_675 : vector<1x512xf32> to vector<64x512xf32>
        %add3A_1665 = arith.addf %dot_general3A_1663, %add3A_1664 : vector<64x512xf32>
        %logistic3A_1666 = arith.negf %add3A_1665 : vector<64x512xf32>
        %logistic3A_1667 = math.exp %logistic3A_1666 : vector<64x512xf32>
        %logistic3A_1668 = arith.constant 1.000000e+00 : f32
        %logistic3A_1669 = vector.broadcast %logistic3A_1668 : f32 to vector<64x512xf32>
        %logistic3A_1670 = arith.addf %logistic3A_1669, %logistic3A_1667 : vector<64x512xf32>
        %logistic3A_1671 = arith.divf %logistic3A_1669, %logistic3A_1670 : vector<64x512xf32>
        %slice3A_1672 = vector.extract_strided_slice %logistic3A_1671 {offsets = [0, 0], sizes = [64, 256], strides = [1, 1]} : vector<64x512xf32> to vector<64x256xf32>
        %slice3A_1673 = vector.extract_strided_slice %logistic3A_1671 {offsets = [0, 256], sizes = [64, 256], strides = [1, 1]} : vector<64x512xf32> to vector<64x256xf32>
        %mul3A_1674 = arith.mulf %add3A_1646, %slice3A_1672 : vector<64x256xf32>
        %concatenate3A_1675 = tpu.concatenate %reshape3A_1660, %mul3A_1674 in 1 : vector<64x512xf32>, vector<64x256xf32> -> vector<64x768xf32>
        %dot_general3A_1676 = arith.constant dense<0.000000e+00> : vector<64x256xf32>
        %dot_general3A_1677 = tpu.matmul %concatenate3A_1675, %get3A_678, %dot_general3A_1676 {dimension_numbers = #tpu.dot_dimension_numbers<[1], [0], [0], [1], [0, 0, 1, 1], [], []>, transpose_lhs_hint = false} : vector<64x768xf32>, vector<768x256xf32>, vector<64x256xf32> -> vector<64x256xf32>
        %add3A_1678 = vector.broadcast %get3A_681 : vector<1x256xf32> to vector<64x256xf32>
        %add3A_1679 = arith.addf %dot_general3A_1677, %add3A_1678 : vector<64x256xf32>
        %tanh3A_1680 = math.tanh %add3A_1679 : vector<64x256xf32>
        %mul3A_1681 = arith.mulf %slice3A_1673, %add3A_1646 : vector<64x256xf32>
        %sub3A_1682 = arith.constant 1.000000e+00 : f32
        %sub3A_1683 = vector.broadcast %sub3A_1682 : f32 to vector<64x256xf32>
        %sub3A_1684 = arith.subf %sub3A_1683, %slice3A_1673 : vector<64x256xf32>
        %mul3A_1685 = arith.mulf %sub3A_1684, %tanh3A_1680 : vector<64x256xf32>
        %add3A_1686 = arith.addf %mul3A_1681, %mul3A_1685 : vector<64x256xf32>
        %reshape3A_1687 = vector.shape_cast %add3A_1686 : vector<64x256xf32> to vector<8x1x8x256xf32>
        %swap3A_1688 = arith.constant 0 : index
        %swap3A_1689 = arith.index_cast %scan3A_1654 : i32 to index
        %swap3A_1690 = arith.constant 0 : index
        %swap3A_1691 = arith.constant 0 : index
        %swap3A_1692 = vector.load %arg26[%swap3A_1688, %swap3A_1689, %swap3A_1690, %swap3A_1691] : memref<8x128x8x256xf32, #tpu.memory_space<vmem>>, vector<8x1x8x256xf32>
        tpu.vector_store %arg26[%swap3A_1688, %swap3A_1689, %swap3A_1690, %swap3A_1691], %reshape3A_1687 {strides = array<i32>} : memref<8x128x8x256xf32, #tpu.memory_space<vmem>>, vector<8x1x8x256xf32>,
        %scan3A_1693 = arith.constant 10 : i32
        %scan3A_1694 = arith.addi %scan3A_1293, %scan3A_1693 : i32
        %get3A_1695 = arith.constant 0 : index
        %get3A_1696 = arith.index_cast %scan3A_1694 : i32 to index
        %get3A_1697 = arith.constant 0 : index
        %get3A_1698 = arith.constant 0 : index
        %get3A_1699 = vector.load %arg25[%get3A_1695, %get3A_1696, %get3A_1697, %get3A_1698] : memref<8x128x8x512xf32, #tpu.memory_space<vmem>>, vector<8x1x8x512xf32>
        %reshape3A_1700 = vector.shape_cast %get3A_1699 : vector<8x1x8x512xf32> to vector<64x512xf32>
        %concatenate3A_1701 = tpu.concatenate %reshape3A_1700, %add3A_1686 in 1 : vector<64x512xf32>, vector<64x256xf32> -> vector<64x768xf32>
        %dot_general3A_1702 = arith.constant dense<0.000000e+00> : vector<64x512xf32>
        %dot_general3A_1703 = tpu.matmul %concatenate3A_1701, %get3A_672, %dot_general3A_1702 {dimension_numbers = #tpu.dot_dimension_numbers<[1], [0], [0], [1], [0, 0, 1, 1], [], []>, transpose_lhs_hint = false} : vector<64x768xf32>, vector<768x512xf32>, vector<64x512xf32> -> vector<64x512xf32>
        %add3A_1704 = vector.broadcast %get3A_675 : vector<1x512xf32> to vector<64x512xf32>
        %add3A_1705 = arith.addf %dot_general3A_1703, %add3A_1704 : vector<64x512xf32>
        %logistic3A_1706 = arith.negf %add3A_1705 : vector<64x512xf32>
        %logistic3A_1707 = math.exp %logistic3A_1706 : vector<64x512xf32>
        %logistic3A_1708 = arith.constant 1.000000e+00 : f32
        %logistic3A_1709 = vector.broadcast %logistic3A_1708 : f32 to vector<64x512xf32>
        %logistic3A_1710 = arith.addf %logistic3A_1709, %logistic3A_1707 : vector<64x512xf32>
        %logistic3A_1711 = arith.divf %logistic3A_1709, %logistic3A_1710 : vector<64x512xf32>
        %slice3A_1712 = vector.extract_strided_slice %logistic3A_1711 {offsets = [0, 0], sizes = [64, 256], strides = [1, 1]} : vector<64x512xf32> to vector<64x256xf32>
        %slice3A_1713 = vector.extract_strided_slice %logistic3A_1711 {offsets = [0, 256], sizes = [64, 256], strides = [1, 1]} : vector<64x512xf32> to vector<64x256xf32>
        %mul3A_1714 = arith.mulf %add3A_1686, %slice3A_1712 : vector<64x256xf32>
        %concatenate3A_1715 = tpu.concatenate %reshape3A_1700, %mul3A_1714 in 1 : vector<64x512xf32>, vector<64x256xf32> -> vector<64x768xf32>
        %dot_general3A_1716 = arith.constant dense<0.000000e+00> : vector<64x256xf32>
        %dot_general3A_1717 = tpu.matmul %concatenate3A_1715, %get3A_678, %dot_general3A_1716 {dimension_numbers = #tpu.dot_dimension_numbers<[1], [0], [0], [1], [0, 0, 1, 1], [], []>, transpose_lhs_hint = false} : vector<64x768xf32>, vector<768x256xf32>, vector<64x256xf32> -> vector<64x256xf32>
        %add3A_1718 = vector.broadcast %get3A_681 : vector<1x256xf32> to vector<64x256xf32>
        %add3A_1719 = arith.addf %dot_general3A_1717, %add3A_1718 : vector<64x256xf32>
        %tanh3A_1720 = math.tanh %add3A_1719 : vector<64x256xf32>
        %mul3A_1721 = arith.mulf %slice3A_1713, %add3A_1686 : vector<64x256xf32>
        %sub3A_1722 = arith.constant 1.000000e+00 : f32
        %sub3A_1723 = vector.broadcast %sub3A_1722 : f32 to vector<64x256xf32>
        %sub3A_1724 = arith.subf %sub3A_1723, %slice3A_1713 : vector<64x256xf32>
        %mul3A_1725 = arith.mulf %sub3A_1724, %tanh3A_1720 : vector<64x256xf32>
        %add3A_1726 = arith.addf %mul3A_1721, %mul3A_1725 : vector<64x256xf32>
        %reshape3A_1727 = vector.shape_cast %add3A_1726 : vector<64x256xf32> to vector<8x1x8x256xf32>
        %swap3A_1728 = arith.constant 0 : index
        %swap3A_1729 = arith.index_cast %scan3A_1694 : i32 to index
        %swap3A_1730 = arith.constant 0 : index
        %swap3A_1731 = arith.constant 0 : index
        %swap3A_1732 = vector.load %arg26[%swap3A_1728, %swap3A_1729, %swap3A_1730, %swap3A_1731] : memref<8x128x8x256xf32, #tpu.memory_space<vmem>>, vector<8x1x8x256xf32>
        tpu.vector_store %arg26[%swap3A_1728, %swap3A_1729, %swap3A_1730, %swap3A_1731], %reshape3A_1727 {strides = array<i32>} : memref<8x128x8x256xf32, #tpu.memory_space<vmem>>, vector<8x1x8x256xf32>,
        %scan3A_1733 = arith.constant 11 : i32
        %scan3A_1734 = arith.addi %scan3A_1293, %scan3A_1733 : i32
        %get3A_1735 = arith.constant 0 : index
        %get3A_1736 = arith.index_cast %scan3A_1734 : i32 to index
        %get3A_1737 = arith.constant 0 : index
        %get3A_1738 = arith.constant 0 : index
        %get3A_1739 = vector.load %arg25[%get3A_1735, %get3A_1736, %get3A_1737, %get3A_1738] : memref<8x128x8x512xf32, #tpu.memory_space<vmem>>, vector<8x1x8x512xf32>
        %reshape3A_1740 = vector.shape_cast %get3A_1739 : vector<8x1x8x512xf32> to vector<64x512xf32>
        %concatenate3A_1741 = tpu.concatenate %reshape3A_1740, %add3A_1726 in 1 : vector<64x512xf32>, vector<64x256xf32> -> vector<64x768xf32>
        %dot_general3A_1742 = arith.constant dense<0.000000e+00> : vector<64x512xf32>
        %dot_general3A_1743 = tpu.matmul %concatenate3A_1741, %get3A_672, %dot_general3A_1742 {dimension_numbers = #tpu.dot_dimension_numbers<[1], [0], [0], [1], [0, 0, 1, 1], [], []>, transpose_lhs_hint = false} : vector<64x768xf32>, vector<768x512xf32>, vector<64x512xf32> -> vector<64x512xf32>
        %add3A_1744 = vector.broadcast %get3A_675 : vector<1x512xf32> to vector<64x512xf32>
        %add3A_1745 = arith.addf %dot_general3A_1743, %add3A_1744 : vector<64x512xf32>
        %logistic3A_1746 = arith.negf %add3A_1745 : vector<64x512xf32>
        %logistic3A_1747 = math.exp %logistic3A_1746 : vector<64x512xf32>
        %logistic3A_1748 = arith.constant 1.000000e+00 : f32
        %logistic3A_1749 = vector.broadcast %logistic3A_1748 : f32 to vector<64x512xf32>
        %logistic3A_1750 = arith.addf %logistic3A_1749, %logistic3A_1747 : vector<64x512xf32>
        %logistic3A_1751 = arith.divf %logistic3A_1749, %logistic3A_1750 : vector<64x512xf32>
        %slice3A_1752 = vector.extract_strided_slice %logistic3A_1751 {offsets = [0, 0], sizes = [64, 256], strides = [1, 1]} : vector<64x512xf32> to vector<64x256xf32>
        %slice3A_1753 = vector.extract_strided_slice %logistic3A_1751 {offsets = [0, 256], sizes = [64, 256], strides = [1, 1]} : vector<64x512xf32> to vector<64x256xf32>
        %mul3A_1754 = arith.mulf %add3A_1726, %slice3A_1752 : vector<64x256xf32>
        %concatenate3A_1755 = tpu.concatenate %reshape3A_1740, %mul3A_1754 in 1 : vector<64x512xf32>, vector<64x256xf32> -> vector<64x768xf32>
        %dot_general3A_1756 = arith.constant dense<0.000000e+00> : vector<64x256xf32>
        %dot_general3A_1757 = tpu.matmul %concatenate3A_1755, %get3A_678, %dot_general3A_1756 {dimension_numbers = #tpu.dot_dimension_numbers<[1], [0], [0], [1], [0, 0, 1, 1], [], []>, transpose_lhs_hint = false} : vector<64x768xf32>, vector<768x256xf32>, vector<64x256xf32> -> vector<64x256xf32>
        %add3A_1758 = vector.broadcast %get3A_681 : vector<1x256xf32> to vector<64x256xf32>
        %add3A_1759 = arith.addf %dot_general3A_1757, %add3A_1758 : vector<64x256xf32>
        %tanh3A_1760 = math.tanh %add3A_1759 : vector<64x256xf32>
        %mul3A_1761 = arith.mulf %slice3A_1753, %add3A_1726 : vector<64x256xf32>
        %sub3A_1762 = arith.constant 1.000000e+00 : f32
        %sub3A_1763 = vector.broadcast %sub3A_1762 : f32 to vector<64x256xf32>
        %sub3A_1764 = arith.subf %sub3A_1763, %slice3A_1753 : vector<64x256xf32>
        %mul3A_1765 = arith.mulf %sub3A_1764, %tanh3A_1760 : vector<64x256xf32>
        %add3A_1766 = arith.addf %mul3A_1761, %mul3A_1765 : vector<64x256xf32>
        %reshape3A_1767 = vector.shape_cast %add3A_1766 : vector<64x256xf32> to vector<8x1x8x256xf32>
        %swap3A_1768 = arith.constant 0 : index
        %swap3A_1769 = arith.index_cast %scan3A_1734 : i32 to index
        %swap3A_1770 = arith.constant 0 : index
        %swap3A_1771 = arith.constant 0 : index
        %swap3A_1772 = vector.load %arg26[%swap3A_1768, %swap3A_1769, %swap3A_1770, %swap3A_1771] : memref<8x128x8x256xf32, #tpu.memory_space<vmem>>, vector<8x1x8x256xf32>
        tpu.vector_store %arg26[%swap3A_1768, %swap3A_1769, %swap3A_1770, %swap3A_1771], %reshape3A_1767 {strides = array<i32>} : memref<8x128x8x256xf32, #tpu.memory_space<vmem>>, vector<8x1x8x256xf32>,
        %scan3A_1773 = arith.constant 12 : i32
        %scan3A_1774 = arith.addi %scan3A_1293, %scan3A_1773 : i32
        %get3A_1775 = arith.constant 0 : index
        %get3A_1776 = arith.index_cast %scan3A_1774 : i32 to index
        %get3A_1777 = arith.constant 0 : index
        %get3A_1778 = arith.constant 0 : index
        %get3A_1779 = vector.load %arg25[%get3A_1775, %get3A_1776, %get3A_1777, %get3A_1778] : memref<8x128x8x512xf32, #tpu.memory_space<vmem>>, vector<8x1x8x512xf32>
        %reshape3A_1780 = vector.shape_cast %get3A_1779 : vector<8x1x8x512xf32> to vector<64x512xf32>
        %concatenate3A_1781 = tpu.concatenate %reshape3A_1780, %add3A_1766 in 1 : vector<64x512xf32>, vector<64x256xf32> -> vector<64x768xf32>
        %dot_general3A_1782 = arith.constant dense<0.000000e+00> : vector<64x512xf32>
        %dot_general3A_1783 = tpu.matmul %concatenate3A_1781, %get3A_672, %dot_general3A_1782 {dimension_numbers = #tpu.dot_dimension_numbers<[1], [0], [0], [1], [0, 0, 1, 1], [], []>, transpose_lhs_hint = false} : vector<64x768xf32>, vector<768x512xf32>, vector<64x512xf32> -> vector<64x512xf32>
        %add3A_1784 = vector.broadcast %get3A_675 : vector<1x512xf32> to vector<64x512xf32>
        %add3A_1785 = arith.addf %dot_general3A_1783, %add3A_1784 : vector<64x512xf32>
        %logistic3A_1786 = arith.negf %add3A_1785 : vector<64x512xf32>
        %logistic3A_1787 = math.exp %logistic3A_1786 : vector<64x512xf32>
        %logistic3A_1788 = arith.constant 1.000000e+00 : f32
        %logistic3A_1789 = vector.broadcast %logistic3A_1788 : f32 to vector<64x512xf32>
        %logistic3A_1790 = arith.addf %logistic3A_1789, %logistic3A_1787 : vector<64x512xf32>
        %logistic3A_1791 = arith.divf %logistic3A_1789, %logistic3A_1790 : vector<64x512xf32>
        %slice3A_1792 = vector.extract_strided_slice %logistic3A_1791 {offsets = [0, 0], sizes = [64, 256], strides = [1, 1]} : vector<64x512xf32> to vector<64x256xf32>
        %slice3A_1793 = vector.extract_strided_slice %logistic3A_1791 {offsets = [0, 256], sizes = [64, 256], strides = [1, 1]} : vector<64x512xf32> to vector<64x256xf32>
        %mul3A_1794 = arith.mulf %add3A_1766, %slice3A_1792 : vector<64x256xf32>
        %concatenate3A_1795 = tpu.concatenate %reshape3A_1780, %mul3A_1794 in 1 : vector<64x512xf32>, vector<64x256xf32> -> vector<64x768xf32>
        %dot_general3A_1796 = arith.constant dense<0.000000e+00> : vector<64x256xf32>
        %dot_general3A_1797 = tpu.matmul %concatenate3A_1795, %get3A_678, %dot_general3A_1796 {dimension_numbers = #tpu.dot_dimension_numbers<[1], [0], [0], [1], [0, 0, 1, 1], [], []>, transpose_lhs_hint = false} : vector<64x768xf32>, vector<768x256xf32>, vector<64x256xf32> -> vector<64x256xf32>
        %add3A_1798 = vector.broadcast %get3A_681 : vector<1x256xf32> to vector<64x256xf32>
        %add3A_1799 = arith.addf %dot_general3A_1797, %add3A_1798 : vector<64x256xf32>
        %tanh3A_1800 = math.tanh %add3A_1799 : vector<64x256xf32>
        %mul3A_1801 = arith.mulf %slice3A_1793, %add3A_1766 : vector<64x256xf32>
        %sub3A_1802 = arith.constant 1.000000e+00 : f32
        %sub3A_1803 = vector.broadcast %sub3A_1802 : f32 to vector<64x256xf32>
        %sub3A_1804 = arith.subf %sub3A_1803, %slice3A_1793 : vector<64x256xf32>
        %mul3A_1805 = arith.mulf %sub3A_1804, %tanh3A_1800 : vector<64x256xf32>
        %add3A_1806 = arith.addf %mul3A_1801, %mul3A_1805 : vector<64x256xf32>
        %reshape3A_1807 = vector.shape_cast %add3A_1806 : vector<64x256xf32> to vector<8x1x8x256xf32>
        %swap3A_1808 = arith.constant 0 : index
        %swap3A_1809 = arith.index_cast %scan3A_1774 : i32 to index
        %swap3A_1810 = arith.constant 0 : index
        %swap3A_1811 = arith.constant 0 : index
        %swap3A_1812 = vector.load %arg26[%swap3A_1808, %swap3A_1809, %swap3A_1810, %swap3A_1811] : memref<8x128x8x256xf32, #tpu.memory_space<vmem>>, vector<8x1x8x256xf32>
        tpu.vector_store %arg26[%swap3A_1808, %swap3A_1809, %swap3A_1810, %swap3A_1811], %reshape3A_1807 {strides = array<i32>} : memref<8x128x8x256xf32, #tpu.memory_space<vmem>>, vector<8x1x8x256xf32>,
        %scan3A_1813 = arith.constant 13 : i32
        %scan3A_1814 = arith.addi %scan3A_1293, %scan3A_1813 : i32
        %get3A_1815 = arith.constant 0 : index
        %get3A_1816 = arith.index_cast %scan3A_1814 : i32 to index
        %get3A_1817 = arith.constant 0 : index
        %get3A_1818 = arith.constant 0 : index
        %get3A_1819 = vector.load %arg25[%get3A_1815, %get3A_1816, %get3A_1817, %get3A_1818] : memref<8x128x8x512xf32, #tpu.memory_space<vmem>>, vector<8x1x8x512xf32>
        %reshape3A_1820 = vector.shape_cast %get3A_1819 : vector<8x1x8x512xf32> to vector<64x512xf32>
        %concatenate3A_1821 = tpu.concatenate %reshape3A_1820, %add3A_1806 in 1 : vector<64x512xf32>, vector<64x256xf32> -> vector<64x768xf32>
        %dot_general3A_1822 = arith.constant dense<0.000000e+00> : vector<64x512xf32>
        %dot_general3A_1823 = tpu.matmul %concatenate3A_1821, %get3A_672, %dot_general3A_1822 {dimension_numbers = #tpu.dot_dimension_numbers<[1], [0], [0], [1], [0, 0, 1, 1], [], []>, transpose_lhs_hint = false} : vector<64x768xf32>, vector<768x512xf32>, vector<64x512xf32> -> vector<64x512xf32>
        %add3A_1824 = vector.broadcast %get3A_675 : vector<1x512xf32> to vector<64x512xf32>
        %add3A_1825 = arith.addf %dot_general3A_1823, %add3A_1824 : vector<64x512xf32>
        %logistic3A_1826 = arith.negf %add3A_1825 : vector<64x512xf32>
        %logistic3A_1827 = math.exp %logistic3A_1826 : vector<64x512xf32>
        %logistic3A_1828 = arith.constant 1.000000e+00 : f32
        %logistic3A_1829 = vector.broadcast %logistic3A_1828 : f32 to vector<64x512xf32>
        %logistic3A_1830 = arith.addf %logistic3A_1829, %logistic3A_1827 : vector<64x512xf32>
        %logistic3A_1831 = arith.divf %logistic3A_1829, %logistic3A_1830 : vector<64x512xf32>
        %slice3A_1832 = vector.extract_strided_slice %logistic3A_1831 {offsets = [0, 0], sizes = [64, 256], strides = [1, 1]} : vector<64x512xf32> to vector<64x256xf32>
        %slice3A_1833 = vector.extract_strided_slice %logistic3A_1831 {offsets = [0, 256], sizes = [64, 256], strides = [1, 1]} : vector<64x512xf32> to vector<64x256xf32>
        %mul3A_1834 = arith.mulf %add3A_1806, %slice3A_1832 : vector<64x256xf32>
        %concatenate3A_1835 = tpu.concatenate %reshape3A_1820, %mul3A_1834 in 1 : vector<64x512xf32>, vector<64x256xf32> -> vector<64x768xf32>
        %dot_general3A_1836 = arith.constant dense<0.000000e+00> : vector<64x256xf32>
        %dot_general3A_1837 = tpu.matmul %concatenate3A_1835, %get3A_678, %dot_general3A_1836 {dimension_numbers = #tpu.dot_dimension_numbers<[1], [0], [0], [1], [0, 0, 1, 1], [], []>, transpose_lhs_hint = false} : vector<64x768xf32>, vector<768x256xf32>, vector<64x256xf32> -> vector<64x256xf32>
        %add3A_1838 = vector.broadcast %get3A_681 : vector<1x256xf32> to vector<64x256xf32>
        %add3A_1839 = arith.addf %dot_general3A_1837, %add3A_1838 : vector<64x256xf32>
        %tanh3A_1840 = math.tanh %add3A_1839 : vector<64x256xf32>
        %mul3A_1841 = arith.mulf %slice3A_1833, %add3A_1806 : vector<64x256xf32>
        %sub3A_1842 = arith.constant 1.000000e+00 : f32
        %sub3A_1843 = vector.broadcast %sub3A_1842 : f32 to vector<64x256xf32>
        %sub3A_1844 = arith.subf %sub3A_1843, %slice3A_1833 : vector<64x256xf32>
        %mul3A_1845 = arith.mulf %sub3A_1844, %tanh3A_1840 : vector<64x256xf32>
        %add3A_1846 = arith.addf %mul3A_1841, %mul3A_1845 : vector<64x256xf32>
        %reshape3A_1847 = vector.shape_cast %add3A_1846 : vector<64x256xf32> to vector<8x1x8x256xf32>
        %swap3A_1848 = arith.constant 0 : index
        %swap3A_1849 = arith.index_cast %scan3A_1814 : i32 to index
        %swap3A_1850 = arith.constant 0 : index
        %swap3A_1851 = arith.constant 0 : index
        %swap3A_1852 = vector.load %arg26[%swap3A_1848, %swap3A_1849, %swap3A_1850, %swap3A_1851] : memref<8x128x8x256xf32, #tpu.memory_space<vmem>>, vector<8x1x8x256xf32>
        tpu.vector_store %arg26[%swap3A_1848, %swap3A_1849, %swap3A_1850, %swap3A_1851], %reshape3A_1847 {strides = array<i32>} : memref<8x128x8x256xf32, #tpu.memory_space<vmem>>, vector<8x1x8x256xf32>,
        %scan3A_1853 = arith.constant 14 : i32
        %scan3A_1854 = arith.addi %scan3A_1293, %scan3A_1853 : i32
        %get3A_1855 = arith.constant 0 : index
        %get3A_1856 = arith.index_cast %scan3A_1854 : i32 to index
        %get3A_1857 = arith.constant 0 : index
        %get3A_1858 = arith.constant 0 : index
        %get3A_1859 = vector.load %arg25[%get3A_1855, %get3A_1856, %get3A_1857, %get3A_1858] : memref<8x128x8x512xf32, #tpu.memory_space<vmem>>, vector<8x1x8x512xf32>
        %reshape3A_1860 = vector.shape_cast %get3A_1859 : vector<8x1x8x512xf32> to vector<64x512xf32>
        %concatenate3A_1861 = tpu.concatenate %reshape3A_1860, %add3A_1846 in 1 : vector<64x512xf32>, vector<64x256xf32> -> vector<64x768xf32>
        %dot_general3A_1862 = arith.constant dense<0.000000e+00> : vector<64x512xf32>
        %dot_general3A_1863 = tpu.matmul %concatenate3A_1861, %get3A_672, %dot_general3A_1862 {dimension_numbers = #tpu.dot_dimension_numbers<[1], [0], [0], [1], [0, 0, 1, 1], [], []>, transpose_lhs_hint = false} : vector<64x768xf32>, vector<768x512xf32>, vector<64x512xf32> -> vector<64x512xf32>
        %add3A_1864 = vector.broadcast %get3A_675 : vector<1x512xf32> to vector<64x512xf32>
        %add3A_1865 = arith.addf %dot_general3A_1863, %add3A_1864 : vector<64x512xf32>
        %logistic3A_1866 = arith.negf %add3A_1865 : vector<64x512xf32>
        %logistic3A_1867 = math.exp %logistic3A_1866 : vector<64x512xf32>
        %logistic3A_1868 = arith.constant 1.000000e+00 : f32
        %logistic3A_1869 = vector.broadcast %logistic3A_1868 : f32 to vector<64x512xf32>
        %logistic3A_1870 = arith.addf %logistic3A_1869, %logistic3A_1867 : vector<64x512xf32>
        %logistic3A_1871 = arith.divf %logistic3A_1869, %logistic3A_1870 : vector<64x512xf32>
        %slice3A_1872 = vector.extract_strided_slice %logistic3A_1871 {offsets = [0, 0], sizes = [64, 256], strides = [1, 1]} : vector<64x512xf32> to vector<64x256xf32>
        %slice3A_1873 = vector.extract_strided_slice %logistic3A_1871 {offsets = [0, 256], sizes = [64, 256], strides = [1, 1]} : vector<64x512xf32> to vector<64x256xf32>
        %mul3A_1874 = arith.mulf %add3A_1846, %slice3A_1872 : vector<64x256xf32>
        %concatenate3A_1875 = tpu.concatenate %reshape3A_1860, %mul3A_1874 in 1 : vector<64x512xf32>, vector<64x256xf32> -> vector<64x768xf32>
        %dot_general3A_1876 = arith.constant dense<0.000000e+00> : vector<64x256xf32>
        %dot_general3A_1877 = tpu.matmul %concatenate3A_1875, %get3A_678, %dot_general3A_1876 {dimension_numbers = #tpu.dot_dimension_numbers<[1], [0], [0], [1], [0, 0, 1, 1], [], []>, transpose_lhs_hint = false} : vector<64x768xf32>, vector<768x256xf32>, vector<64x256xf32> -> vector<64x256xf32>
        %add3A_1878 = vector.broadcast %get3A_681 : vector<1x256xf32> to vector<64x256xf32>
        %add3A_1879 = arith.addf %dot_general3A_1877, %add3A_1878 : vector<64x256xf32>
        %tanh3A_1880 = math.tanh %add3A_1879 : vector<64x256xf32>
        %mul3A_1881 = arith.mulf %slice3A_1873, %add3A_1846 : vector<64x256xf32>
        %sub3A_1882 = arith.constant 1.000000e+00 : f32
        %sub3A_1883 = vector.broadcast %sub3A_1882 : f32 to vector<64x256xf32>
        %sub3A_1884 = arith.subf %sub3A_1883, %slice3A_1873 : vector<64x256xf32>
        %mul3A_1885 = arith.mulf %sub3A_1884, %tanh3A_1880 : vector<64x256xf32>
        %add3A_1886 = arith.addf %mul3A_1881, %mul3A_1885 : vector<64x256xf32>
        %reshape3A_1887 = vector.shape_cast %add3A_1886 : vector<64x256xf32> to vector<8x1x8x256xf32>
        %swap3A_1888 = arith.constant 0 : index
        %swap3A_1889 = arith.index_cast %scan3A_1854 : i32 to index
        %swap3A_1890 = arith.constant 0 : index
        %swap3A_1891 = arith.constant 0 : index
        %swap3A_1892 = vector.load %arg26[%swap3A_1888, %swap3A_1889, %swap3A_1890, %swap3A_1891] : memref<8x128x8x256xf32, #tpu.memory_space<vmem>>, vector<8x1x8x256xf32>
        tpu.vector_store %arg26[%swap3A_1888, %swap3A_1889, %swap3A_1890, %swap3A_1891], %reshape3A_1887 {strides = array<i32>} : memref<8x128x8x256xf32, #tpu.memory_space<vmem>>, vector<8x1x8x256xf32>,
        %scan3A_1893 = arith.constant 15 : i32
        %scan3A_1894 = arith.addi %scan3A_1293, %scan3A_1893 : i32
        %get3A_1895 = arith.constant 0 : index
        %get3A_1896 = arith.index_cast %scan3A_1894 : i32 to index
        %get3A_1897 = arith.constant 0 : index
        %get3A_1898 = arith.constant 0 : index
        %get3A_1899 = vector.load %arg25[%get3A_1895, %get3A_1896, %get3A_1897, %get3A_1898] : memref<8x128x8x512xf32, #tpu.memory_space<vmem>>, vector<8x1x8x512xf32>
        %reshape3A_1900 = vector.shape_cast %get3A_1899 : vector<8x1x8x512xf32> to vector<64x512xf32>
        %concatenate3A_1901 = tpu.concatenate %reshape3A_1900, %add3A_1886 in 1 : vector<64x512xf32>, vector<64x256xf32> -> vector<64x768xf32>
        %dot_general3A_1902 = arith.constant dense<0.000000e+00> : vector<64x512xf32>
        %dot_general3A_1903 = tpu.matmul %concatenate3A_1901, %get3A_672, %dot_general3A_1902 {dimension_numbers = #tpu.dot_dimension_numbers<[1], [0], [0], [1], [0, 0, 1, 1], [], []>, transpose_lhs_hint = false} : vector<64x768xf32>, vector<768x512xf32>, vector<64x512xf32> -> vector<64x512xf32>
        %add3A_1904 = vector.broadcast %get3A_675 : vector<1x512xf32> to vector<64x512xf32>
        %add3A_1905 = arith.addf %dot_general3A_1903, %add3A_1904 : vector<64x512xf32>
        %logistic3A_1906 = arith.negf %add3A_1905 : vector<64x512xf32>
        %logistic3A_1907 = math.exp %logistic3A_1906 : vector<64x512xf32>
        %logistic3A_1908 = arith.constant 1.000000e+00 : f32
        %logistic3A_1909 = vector.broadcast %logistic3A_1908 : f32 to vector<64x512xf32>
        %logistic3A_1910 = arith.addf %logistic3A_1909, %logistic3A_1907 : vector<64x512xf32>
        %logistic3A_1911 = arith.divf %logistic3A_1909, %logistic3A_1910 : vector<64x512xf32>
        %slice3A_1912 = vector.extract_strided_slice %logistic3A_1911 {offsets = [0, 0], sizes = [64, 256], strides = [1, 1]} : vector<64x512xf32> to vector<64x256xf32>
        %slice3A_1913 = vector.extract_strided_slice %logistic3A_1911 {offsets = [0, 256], sizes = [64, 256], strides = [1, 1]} : vector<64x512xf32> to vector<64x256xf32>
        %mul3A_1914 = arith.mulf %add3A_1886, %slice3A_1912 : vector<64x256xf32>
        %concatenate3A_1915 = tpu.concatenate %reshape3A_1900, %mul3A_1914 in 1 : vector<64x512xf32>, vector<64x256xf32> -> vector<64x768xf32>
        %dot_general3A_1916 = arith.constant dense<0.000000e+00> : vector<64x256xf32>
        %dot_general3A_1917 = tpu.matmul %concatenate3A_1915, %get3A_678, %dot_general3A_1916 {dimension_numbers = #tpu.dot_dimension_numbers<[1], [0], [0], [1], [0, 0, 1, 1], [], []>, transpose_lhs_hint = false} : vector<64x768xf32>, vector<768x256xf32>, vector<64x256xf32> -> vector<64x256xf32>
        %add3A_1918 = vector.broadcast %get3A_681 : vector<1x256xf32> to vector<64x256xf32>
        %add3A_1919 = arith.addf %dot_general3A_1917, %add3A_1918 : vector<64x256xf32>
        %tanh3A_1920 = math.tanh %add3A_1919 : vector<64x256xf32>
        %mul3A_1921 = arith.mulf %slice3A_1913, %add3A_1886 : vector<64x256xf32>
        %sub3A_1922 = arith.constant 1.000000e+00 : f32
        %sub3A_1923 = vector.broadcast %sub3A_1922 : f32 to vector<64x256xf32>
        %sub3A_1924 = arith.subf %sub3A_1923, %slice3A_1913 : vector<64x256xf32>
        %mul3A_1925 = arith.mulf %sub3A_1924, %tanh3A_1920 : vector<64x256xf32>
        %add3A_1926 = arith.addf %mul3A_1921, %mul3A_1925 : vector<64x256xf32>
        %reshape3A_1927 = vector.shape_cast %add3A_1926 : vector<64x256xf32> to vector<8x1x8x256xf32>
        %swap3A_1928 = arith.constant 0 : index
        %swap3A_1929 = arith.index_cast %scan3A_1894 : i32 to index
        %swap3A_1930 = arith.constant 0 : index
        %swap3A_1931 = arith.constant 0 : index
        %swap3A_1932 = vector.load %arg26[%swap3A_1928, %swap3A_1929, %swap3A_1930, %swap3A_1931] : memref<8x128x8x256xf32, #tpu.memory_space<vmem>>, vector<8x1x8x256xf32>
        tpu.vector_store %arg26[%swap3A_1928, %swap3A_1929, %swap3A_1930, %swap3A_1931], %reshape3A_1927 {strides = array<i32>} : memref<8x128x8x256xf32, #tpu.memory_space<vmem>>, vector<8x1x8x256xf32>,
        scf.yield %add3A_1926 : vector<64x256xf32>
      }
      %scan3A_694 = arith.constant 112 : i32
      %scan3A_695 = arith.addi %scan3A_689, %scan3A_694 : i32
      %get3A_696 = arith.constant 0 : index
      %get3A_697 = arith.index_cast %scan3A_695 : i32 to index
      %get3A_698 = arith.constant 0 : index
      %get3A_699 = arith.constant 0 : index
      %get3A_700 = vector.load %arg25[%get3A_696, %get3A_697, %get3A_698, %get3A_699] : memref<8x128x8x512xf32, #tpu.memory_space<vmem>>, vector<8x1x8x512xf32>
      %reshape3A_701 = vector.shape_cast %get3A_700 : vector<8x1x8x512xf32> to vector<64x512xf32>
      %concatenate3A = tpu.concatenate %reshape3A_701, %scan3A_693 in 1 : vector<64x512xf32>, vector<64x256xf32> -> vector<64x768xf32>
      %dot_general3A_702 = arith.constant dense<0.000000e+00> : vector<64x512xf32>
      %dot_general3A_703 = tpu.matmul %concatenate3A, %get3A_672, %dot_general3A_702 {dimension_numbers = #tpu.dot_dimension_numbers<[1], [0], [0], [1], [0, 0, 1, 1], [], []>, transpose_lhs_hint = false} : vector<64x768xf32>, vector<768x512xf32>, vector<64x512xf32> -> vector<64x512xf32>
      %add3A_704 = vector.broadcast %get3A_675 : vector<1x512xf32> to vector<64x512xf32>
      %add3A_705 = arith.addf %dot_general3A_703, %add3A_704 : vector<64x512xf32>
      %logistic3A_706 = arith.negf %add3A_705 : vector<64x512xf32>
      %logistic3A_707 = math.exp %logistic3A_706 : vector<64x512xf32>
      %logistic3A_708 = arith.constant 1.000000e+00 : f32
      %logistic3A_709 = vector.broadcast %logistic3A_708 : f32 to vector<64x512xf32>
      %logistic3A_710 = arith.addf %logistic3A_709, %logistic3A_707 : vector<64x512xf32>
      %logistic3A_711 = arith.divf %logistic3A_709, %logistic3A_710 : vector<64x512xf32>
      %slice3A = vector.extract_strided_slice %logistic3A_711 {offsets = [0, 0], sizes = [64, 256], strides = [1, 1]} : vector<64x512xf32> to vector<64x256xf32>
      %slice3A_712 = vector.extract_strided_slice %logistic3A_711 {offsets = [0, 256], sizes = [64, 256], strides = [1, 1]} : vector<64x512xf32> to vector<64x256xf32>
      %mul3A_713 = arith.mulf %scan3A_693, %slice3A : vector<64x256xf32>
      %concatenate3A_714 = tpu.concatenate %reshape3A_701, %mul3A_713 in 1 : vector<64x512xf32>, vector<64x256xf32> -> vector<64x768xf32>
      %dot_general3A_715 = arith.constant dense<0.000000e+00> : vector<64x256xf32>
      %dot_general3A_716 = tpu.matmul %concatenate3A_714, %get3A_678, %dot_general3A_715 {dimension_numbers = #tpu.dot_dimension_numbers<[1], [0], [0], [1], [0, 0, 1, 1], [], []>, transpose_lhs_hint = false} : vector<64x768xf32>, vector<768x256xf32>, vector<64x256xf32> -> vector<64x256xf32>
      %add3A_717 = vector.broadcast %get3A_681 : vector<1x256xf32> to vector<64x256xf32>
      %add3A_718 = arith.addf %dot_general3A_716, %add3A_717 : vector<64x256xf32>
      %tanh3A_719 = math.tanh %add3A_718 : vector<64x256xf32>
      %mul3A_720 = arith.mulf %slice3A_712, %scan3A_693 : vector<64x256xf32>
      %sub3A_721 = arith.constant 1.000000e+00 : f32
      %sub3A_722 = vector.broadcast %sub3A_721 : f32 to vector<64x256xf32>
      %sub3A_723 = arith.subf %sub3A_722, %slice3A_712 : vector<64x256xf32>
      %mul3A_724 = arith.mulf %sub3A_723, %tanh3A_719 : vector<64x256xf32>
      %add3A_725 = arith.addf %mul3A_720, %mul3A_724 : vector<64x256xf32>
      %reshape3A_726 = vector.shape_cast %add3A_725 : vector<64x256xf32> to vector<8x1x8x256xf32>
      %swap3A_727 = arith.constant 0 : index
      %swap3A_728 = arith.index_cast %scan3A_695 : i32 to index
      %swap3A_729 = arith.constant 0 : index
      %swap3A_730 = arith.constant 0 : index
      %swap3A_731 = vector.load %arg26[%swap3A_727, %swap3A_728, %swap3A_729, %swap3A_730] : memref<8x128x8x256xf32, #tpu.memory_space<vmem>>, vector<8x1x8x256xf32>
      tpu.vector_store %arg26[%swap3A_727, %swap3A_728, %swap3A_729, %swap3A_730], %reshape3A_726 {strides = array<i32>} : memref<8x128x8x256xf32, #tpu.memory_space<vmem>>, vector<8x1x8x256xf32>,
      %scan3A_732 = arith.constant 113 : i32
      %scan3A_733 = arith.addi %scan3A_689, %scan3A_732 : i32
      %get3A_734 = arith.constant 0 : index
      %get3A_735 = arith.index_cast %scan3A_733 : i32 to index
      %get3A_736 = arith.constant 0 : index
      %get3A_737 = arith.constant 0 : index
      %get3A_738 = vector.load %arg25[%get3A_734, %get3A_735, %get3A_736, %get3A_737] : memref<8x128x8x512xf32, #tpu.memory_space<vmem>>, vector<8x1x8x512xf32>
      %reshape3A_739 = vector.shape_cast %get3A_738 : vector<8x1x8x512xf32> to vector<64x512xf32>
      %concatenate3A_740 = tpu.concatenate %reshape3A_739, %add3A_725 in 1 : vector<64x512xf32>, vector<64x256xf32> -> vector<64x768xf32>
      %dot_general3A_741 = arith.constant dense<0.000000e+00> : vector<64x512xf32>
      %dot_general3A_742 = tpu.matmul %concatenate3A_740, %get3A_672, %dot_general3A_741 {dimension_numbers = #tpu.dot_dimension_numbers<[1], [0], [0], [1], [0, 0, 1, 1], [], []>, transpose_lhs_hint = false} : vector<64x768xf32>, vector<768x512xf32>, vector<64x512xf32> -> vector<64x512xf32>
      %add3A_743 = vector.broadcast %get3A_675 : vector<1x512xf32> to vector<64x512xf32>
      %add3A_744 = arith.addf %dot_general3A_742, %add3A_743 : vector<64x512xf32>
      %logistic3A_745 = arith.negf %add3A_744 : vector<64x512xf32>
      %logistic3A_746 = math.exp %logistic3A_745 : vector<64x512xf32>
      %logistic3A_747 = arith.constant 1.000000e+00 : f32
      %logistic3A_748 = vector.broadcast %logistic3A_747 : f32 to vector<64x512xf32>
      %logistic3A_749 = arith.addf %logistic3A_748, %logistic3A_746 : vector<64x512xf32>
      %logistic3A_750 = arith.divf %logistic3A_748, %logistic3A_749 : vector<64x512xf32>
      %slice3A_751 = vector.extract_strided_slice %logistic3A_750 {offsets = [0, 0], sizes = [64, 256], strides = [1, 1]} : vector<64x512xf32> to vector<64x256xf32>
      %slice3A_752 = vector.extract_strided_slice %logistic3A_750 {offsets = [0, 256], sizes = [64, 256], strides = [1, 1]} : vector<64x512xf32> to vector<64x256xf32>
      %mul3A_753 = arith.mulf %add3A_725, %slice3A_751 : vector<64x256xf32>
      %concatenate3A_754 = tpu.concatenate %reshape3A_739, %mul3A_753 in 1 : vector<64x512xf32>, vector<64x256xf32> -> vector<64x768xf32>
      %dot_general3A_755 = arith.constant dense<0.000000e+00> : vector<64x256xf32>
      %dot_general3A_756 = tpu.matmul %concatenate3A_754, %get3A_678, %dot_general3A_755 {dimension_numbers = #tpu.dot_dimension_numbers<[1], [0], [0], [1], [0, 0, 1, 1], [], []>, transpose_lhs_hint = false} : vector<64x768xf32>, vector<768x256xf32>, vector<64x256xf32> -> vector<64x256xf32>
      %add3A_757 = vector.broadcast %get3A_681 : vector<1x256xf32> to vector<64x256xf32>
      %add3A_758 = arith.addf %dot_general3A_756, %add3A_757 : vector<64x256xf32>
      %tanh3A_759 = math.tanh %add3A_758 : vector<64x256xf32>
      %mul3A_760 = arith.mulf %slice3A_752, %add3A_725 : vector<64x256xf32>
      %sub3A_761 = arith.constant 1.000000e+00 : f32
      %sub3A_762 = vector.broadcast %sub3A_761 : f32 to vector<64x256xf32>
      %sub3A_763 = arith.subf %sub3A_762, %slice3A_752 : vector<64x256xf32>
      %mul3A_764 = arith.mulf %sub3A_763, %tanh3A_759 : vector<64x256xf32>
      %add3A_765 = arith.addf %mul3A_760, %mul3A_764 : vector<64x256xf32>
      %reshape3A_766 = vector.shape_cast %add3A_765 : vector<64x256xf32> to vector<8x1x8x256xf32>
      %swap3A_767 = arith.constant 0 : index
      %swap3A_768 = arith.index_cast %scan3A_733 : i32 to index
      %swap3A_769 = arith.constant 0 : index
      %swap3A_770 = arith.constant 0 : index
      %swap3A_771 = vector.load %arg26[%swap3A_767, %swap3A_768, %swap3A_769, %swap3A_770] : memref<8x128x8x256xf32, #tpu.memory_space<vmem>>, vector<8x1x8x256xf32>
      tpu.vector_store %arg26[%swap3A_767, %swap3A_768, %swap3A_769, %swap3A_770], %reshape3A_766 {strides = array<i32>} : memref<8x128x8x256xf32, #tpu.memory_space<vmem>>, vector<8x1x8x256xf32>,
      %scan3A_772 = arith.constant 114 : i32
      %scan3A_773 = arith.addi %scan3A_689, %scan3A_772 : i32
      %get3A_774 = arith.constant 0 : index
      %get3A_775 = arith.index_cast %scan3A_773 : i32 to index
      %get3A_776 = arith.constant 0 : index
      %get3A_777 = arith.constant 0 : index
      %get3A_778 = vector.load %arg25[%get3A_774, %get3A_775, %get3A_776, %get3A_777] : memref<8x128x8x512xf32, #tpu.memory_space<vmem>>, vector<8x1x8x512xf32>
      %reshape3A_779 = vector.shape_cast %get3A_778 : vector<8x1x8x512xf32> to vector<64x512xf32>
      %concatenate3A_780 = tpu.concatenate %reshape3A_779, %add3A_765 in 1 : vector<64x512xf32>, vector<64x256xf32> -> vector<64x768xf32>
      %dot_general3A_781 = arith.constant dense<0.000000e+00> : vector<64x512xf32>
      %dot_general3A_782 = tpu.matmul %concatenate3A_780, %get3A_672, %dot_general3A_781 {dimension_numbers = #tpu.dot_dimension_numbers<[1], [0], [0], [1], [0, 0, 1, 1], [], []>, transpose_lhs_hint = false} : vector<64x768xf32>, vector<768x512xf32>, vector<64x512xf32> -> vector<64x512xf32>
      %add3A_783 = vector.broadcast %get3A_675 : vector<1x512xf32> to vector<64x512xf32>
      %add3A_784 = arith.addf %dot_general3A_782, %add3A_783 : vector<64x512xf32>
      %logistic3A_785 = arith.negf %add3A_784 : vector<64x512xf32>
      %logistic3A_786 = math.exp %logistic3A_785 : vector<64x512xf32>
      %logistic3A_787 = arith.constant 1.000000e+00 : f32
      %logistic3A_788 = vector.broadcast %logistic3A_787 : f32 to vector<64x512xf32>
      %logistic3A_789 = arith.addf %logistic3A_788, %logistic3A_786 : vector<64x512xf32>
      %logistic3A_790 = arith.divf %logistic3A_788, %logistic3A_789 : vector<64x512xf32>
      %slice3A_791 = vector.extract_strided_slice %logistic3A_790 {offsets = [0, 0], sizes = [64, 256], strides = [1, 1]} : vector<64x512xf32> to vector<64x256xf32>
      %slice3A_792 = vector.extract_strided_slice %logistic3A_790 {offsets = [0, 256], sizes = [64, 256], strides = [1, 1]} : vector<64x512xf32> to vector<64x256xf32>
      %mul3A_793 = arith.mulf %add3A_765, %slice3A_791 : vector<64x256xf32>
      %concatenate3A_794 = tpu.concatenate %reshape3A_779, %mul3A_793 in 1 : vector<64x512xf32>, vector<64x256xf32> -> vector<64x768xf32>
      %dot_general3A_795 = arith.constant dense<0.000000e+00> : vector<64x256xf32>
      %dot_general3A_796 = tpu.matmul %concatenate3A_794, %get3A_678, %dot_general3A_795 {dimension_numbers = #tpu.dot_dimension_numbers<[1], [0], [0], [1], [0, 0, 1, 1], [], []>, transpose_lhs_hint = false} : vector<64x768xf32>, vector<768x256xf32>, vector<64x256xf32> -> vector<64x256xf32>
      %add3A_797 = vector.broadcast %get3A_681 : vector<1x256xf32> to vector<64x256xf32>
      %add3A_798 = arith.addf %dot_general3A_796, %add3A_797 : vector<64x256xf32>
      %tanh3A_799 = math.tanh %add3A_798 : vector<64x256xf32>
      %mul3A_800 = arith.mulf %slice3A_792, %add3A_765 : vector<64x256xf32>
      %sub3A_801 = arith.constant 1.000000e+00 : f32
      %sub3A_802 = vector.broadcast %sub3A_801 : f32 to vector<64x256xf32>
      %sub3A_803 = arith.subf %sub3A_802, %slice3A_792 : vector<64x256xf32>
      %mul3A_804 = arith.mulf %sub3A_803, %tanh3A_799 : vector<64x256xf32>
      %add3A_805 = arith.addf %mul3A_800, %mul3A_804 : vector<64x256xf32>
      %reshape3A_806 = vector.shape_cast %add3A_805 : vector<64x256xf32> to vector<8x1x8x256xf32>
      %swap3A_807 = arith.constant 0 : index
      %swap3A_808 = arith.index_cast %scan3A_773 : i32 to index
      %swap3A_809 = arith.constant 0 : index
      %swap3A_810 = arith.constant 0 : index
      %swap3A_811 = vector.load %arg26[%swap3A_807, %swap3A_808, %swap3A_809, %swap3A_810] : memref<8x128x8x256xf32, #tpu.memory_space<vmem>>, vector<8x1x8x256xf32>
      tpu.vector_store %arg26[%swap3A_807, %swap3A_808, %swap3A_809, %swap3A_810], %reshape3A_806 {strides = array<i32>} : memref<8x128x8x256xf32, #tpu.memory_space<vmem>>, vector<8x1x8x256xf32>,
      %scan3A_812 = arith.constant 115 : i32
      %scan3A_813 = arith.addi %scan3A_689, %scan3A_812 : i32
      %get3A_814 = arith.constant 0 : index
      %get3A_815 = arith.index_cast %scan3A_813 : i32 to index
      %get3A_816 = arith.constant 0 : index
      %get3A_817 = arith.constant 0 : index
      %get3A_818 = vector.load %arg25[%get3A_814, %get3A_815, %get3A_816, %get3A_817] : memref<8x128x8x512xf32, #tpu.memory_space<vmem>>, vector<8x1x8x512xf32>
      %reshape3A_819 = vector.shape_cast %get3A_818 : vector<8x1x8x512xf32> to vector<64x512xf32>
      %concatenate3A_820 = tpu.concatenate %reshape3A_819, %add3A_805 in 1 : vector<64x512xf32>, vector<64x256xf32> -> vector<64x768xf32>
      %dot_general3A_821 = arith.constant dense<0.000000e+00> : vector<64x512xf32>
      %dot_general3A_822 = tpu.matmul %concatenate3A_820, %get3A_672, %dot_general3A_821 {dimension_numbers = #tpu.dot_dimension_numbers<[1], [0], [0], [1], [0, 0, 1, 1], [], []>, transpose_lhs_hint = false} : vector<64x768xf32>, vector<768x512xf32>, vector<64x512xf32> -> vector<64x512xf32>
      %add3A_823 = vector.broadcast %get3A_675 : vector<1x512xf32> to vector<64x512xf32>
      %add3A_824 = arith.addf %dot_general3A_822, %add3A_823 : vector<64x512xf32>
      %logistic3A_825 = arith.negf %add3A_824 : vector<64x512xf32>
      %logistic3A_826 = math.exp %logistic3A_825 : vector<64x512xf32>
      %logistic3A_827 = arith.constant 1.000000e+00 : f32
      %logistic3A_828 = vector.broadcast %logistic3A_827 : f32 to vector<64x512xf32>
      %logistic3A_829 = arith.addf %logistic3A_828, %logistic3A_826 : vector<64x512xf32>
      %logistic3A_830 = arith.divf %logistic3A_828, %logistic3A_829 : vector<64x512xf32>
      %slice3A_831 = vector.extract_strided_slice %logistic3A_830 {offsets = [0, 0], sizes = [64, 256], strides = [1, 1]} : vector<64x512xf32> to vector<64x256xf32>
      %slice3A_832 = vector.extract_strided_slice %logistic3A_830 {offsets = [0, 256], sizes = [64, 256], strides = [1, 1]} : vector<64x512xf32> to vector<64x256xf32>
      %mul3A_833 = arith.mulf %add3A_805, %slice3A_831 : vector<64x256xf32>
      %concatenate3A_834 = tpu.concatenate %reshape3A_819, %mul3A_833 in 1 : vector<64x512xf32>, vector<64x256xf32> -> vector<64x768xf32>
      %dot_general3A_835 = arith.constant dense<0.000000e+00> : vector<64x256xf32>
      %dot_general3A_836 = tpu.matmul %concatenate3A_834, %get3A_678, %dot_general3A_835 {dimension_numbers = #tpu.dot_dimension_numbers<[1], [0], [0], [1], [0, 0, 1, 1], [], []>, transpose_lhs_hint = false} : vector<64x768xf32>, vector<768x256xf32>, vector<64x256xf32> -> vector<64x256xf32>
      %add3A_837 = vector.broadcast %get3A_681 : vector<1x256xf32> to vector<64x256xf32>
      %add3A_838 = arith.addf %dot_general3A_836, %add3A_837 : vector<64x256xf32>
      %tanh3A_839 = math.tanh %add3A_838 : vector<64x256xf32>
      %mul3A_840 = arith.mulf %slice3A_832, %add3A_805 : vector<64x256xf32>
      %sub3A_841 = arith.constant 1.000000e+00 : f32
      %sub3A_842 = vector.broadcast %sub3A_841 : f32 to vector<64x256xf32>
      %sub3A_843 = arith.subf %sub3A_842, %slice3A_832 : vector<64x256xf32>
      %mul3A_844 = arith.mulf %sub3A_843, %tanh3A_839 : vector<64x256xf32>
      %add3A_845 = arith.addf %mul3A_840, %mul3A_844 : vector<64x256xf32>
      %reshape3A_846 = vector.shape_cast %add3A_845 : vector<64x256xf32> to vector<8x1x8x256xf32>
      %swap3A_847 = arith.constant 0 : index
      %swap3A_848 = arith.index_cast %scan3A_813 : i32 to index
      %swap3A_849 = arith.constant 0 : index
      %swap3A_850 = arith.constant 0 : index
      %swap3A_851 = vector.load %arg26[%swap3A_847, %swap3A_848, %swap3A_849, %swap3A_850] : memref<8x128x8x256xf32, #tpu.memory_space<vmem>>, vector<8x1x8x256xf32>
      tpu.vector_store %arg26[%swap3A_847, %swap3A_848, %swap3A_849, %swap3A_850], %reshape3A_846 {strides = array<i32>} : memref<8x128x8x256xf32, #tpu.memory_space<vmem>>, vector<8x1x8x256xf32>,
      %scan3A_852 = arith.constant 116 : i32
      %scan3A_853 = arith.addi %scan3A_689, %scan3A_852 : i32
      %get3A_854 = arith.constant 0 : index
      %get3A_855 = arith.index_cast %scan3A_853 : i32 to index
      %get3A_856 = arith.constant 0 : index
      %get3A_857 = arith.constant 0 : index
      %get3A_858 = vector.load %arg25[%get3A_854, %get3A_855, %get3A_856, %get3A_857] : memref<8x128x8x512xf32, #tpu.memory_space<vmem>>, vector<8x1x8x512xf32>
      %reshape3A_859 = vector.shape_cast %get3A_858 : vector<8x1x8x512xf32> to vector<64x512xf32>
      %concatenate3A_860 = tpu.concatenate %reshape3A_859, %add3A_845 in 1 : vector<64x512xf32>, vector<64x256xf32> -> vector<64x768xf32>
      %dot_general3A_861 = arith.constant dense<0.000000e+00> : vector<64x512xf32>
      %dot_general3A_862 = tpu.matmul %concatenate3A_860, %get3A_672, %dot_general3A_861 {dimension_numbers = #tpu.dot_dimension_numbers<[1], [0], [0], [1], [0, 0, 1, 1], [], []>, transpose_lhs_hint = false} : vector<64x768xf32>, vector<768x512xf32>, vector<64x512xf32> -> vector<64x512xf32>
      %add3A_863 = vector.broadcast %get3A_675 : vector<1x512xf32> to vector<64x512xf32>
      %add3A_864 = arith.addf %dot_general3A_862, %add3A_863 : vector<64x512xf32>
      %logistic3A_865 = arith.negf %add3A_864 : vector<64x512xf32>
      %logistic3A_866 = math.exp %logistic3A_865 : vector<64x512xf32>
      %logistic3A_867 = arith.constant 1.000000e+00 : f32
      %logistic3A_868 = vector.broadcast %logistic3A_867 : f32 to vector<64x512xf32>
      %logistic3A_869 = arith.addf %logistic3A_868, %logistic3A_866 : vector<64x512xf32>
      %logistic3A_870 = arith.divf %logistic3A_868, %logistic3A_869 : vector<64x512xf32>
      %slice3A_871 = vector.extract_strided_slice %logistic3A_870 {offsets = [0, 0], sizes = [64, 256], strides = [1, 1]} : vector<64x512xf32> to vector<64x256xf32>
      %slice3A_872 = vector.extract_strided_slice %logistic3A_870 {offsets = [0, 256], sizes = [64, 256], strides = [1, 1]} : vector<64x512xf32> to vector<64x256xf32>
      %mul3A_873 = arith.mulf %add3A_845, %slice3A_871 : vector<64x256xf32>
      %concatenate3A_874 = tpu.concatenate %reshape3A_859, %mul3A_873 in 1 : vector<64x512xf32>, vector<64x256xf32> -> vector<64x768xf32>
      %dot_general3A_875 = arith.constant dense<0.000000e+00> : vector<64x256xf32>
      %dot_general3A_876 = tpu.matmul %concatenate3A_874, %get3A_678, %dot_general3A_875 {dimension_numbers = #tpu.dot_dimension_numbers<[1], [0], [0], [1], [0, 0, 1, 1], [], []>, transpose_lhs_hint = false} : vector<64x768xf32>, vector<768x256xf32>, vector<64x256xf32> -> vector<64x256xf32>
      %add3A_877 = vector.broadcast %get3A_681 : vector<1x256xf32> to vector<64x256xf32>
      %add3A_878 = arith.addf %dot_general3A_876, %add3A_877 : vector<64x256xf32>
      %tanh3A_879 = math.tanh %add3A_878 : vector<64x256xf32>
      %mul3A_880 = arith.mulf %slice3A_872, %add3A_845 : vector<64x256xf32>
      %sub3A_881 = arith.constant 1.000000e+00 : f32
      %sub3A_882 = vector.broadcast %sub3A_881 : f32 to vector<64x256xf32>
      %sub3A_883 = arith.subf %sub3A_882, %slice3A_872 : vector<64x256xf32>
      %mul3A_884 = arith.mulf %sub3A_883, %tanh3A_879 : vector<64x256xf32>
      %add3A_885 = arith.addf %mul3A_880, %mul3A_884 : vector<64x256xf32>
      %reshape3A_886 = vector.shape_cast %add3A_885 : vector<64x256xf32> to vector<8x1x8x256xf32>
      %swap3A_887 = arith.constant 0 : index
      %swap3A_888 = arith.index_cast %scan3A_853 : i32 to index
      %swap3A_889 = arith.constant 0 : index
      %swap3A_890 = arith.constant 0 : index
      %swap3A_891 = vector.load %arg26[%swap3A_887, %swap3A_888, %swap3A_889, %swap3A_890] : memref<8x128x8x256xf32, #tpu.memory_space<vmem>>, vector<8x1x8x256xf32>
      tpu.vector_store %arg26[%swap3A_887, %swap3A_888, %swap3A_889, %swap3A_890], %reshape3A_886 {strides = array<i32>} : memref<8x128x8x256xf32, #tpu.memory_space<vmem>>, vector<8x1x8x256xf32>,
      %scan3A_892 = arith.constant 117 : i32
      %scan3A_893 = arith.addi %scan3A_689, %scan3A_892 : i32
      %get3A_894 = arith.constant 0 : index
      %get3A_895 = arith.index_cast %scan3A_893 : i32 to index
      %get3A_896 = arith.constant 0 : index
      %get3A_897 = arith.constant 0 : index
      %get3A_898 = vector.load %arg25[%get3A_894, %get3A_895, %get3A_896, %get3A_897] : memref<8x128x8x512xf32, #tpu.memory_space<vmem>>, vector<8x1x8x512xf32>
      %reshape3A_899 = vector.shape_cast %get3A_898 : vector<8x1x8x512xf32> to vector<64x512xf32>
      %concatenate3A_900 = tpu.concatenate %reshape3A_899, %add3A_885 in 1 : vector<64x512xf32>, vector<64x256xf32> -> vector<64x768xf32>
      %dot_general3A_901 = arith.constant dense<0.000000e+00> : vector<64x512xf32>
      %dot_general3A_902 = tpu.matmul %concatenate3A_900, %get3A_672, %dot_general3A_901 {dimension_numbers = #tpu.dot_dimension_numbers<[1], [0], [0], [1], [0, 0, 1, 1], [], []>, transpose_lhs_hint = false} : vector<64x768xf32>, vector<768x512xf32>, vector<64x512xf32> -> vector<64x512xf32>
      %add3A_903 = vector.broadcast %get3A_675 : vector<1x512xf32> to vector<64x512xf32>
      %add3A_904 = arith.addf %dot_general3A_902, %add3A_903 : vector<64x512xf32>
      %logistic3A_905 = arith.negf %add3A_904 : vector<64x512xf32>
      %logistic3A_906 = math.exp %logistic3A_905 : vector<64x512xf32>
      %logistic3A_907 = arith.constant 1.000000e+00 : f32
      %logistic3A_908 = vector.broadcast %logistic3A_907 : f32 to vector<64x512xf32>
      %logistic3A_909 = arith.addf %logistic3A_908, %logistic3A_906 : vector<64x512xf32>
      %logistic3A_910 = arith.divf %logistic3A_908, %logistic3A_909 : vector<64x512xf32>
      %slice3A_911 = vector.extract_strided_slice %logistic3A_910 {offsets = [0, 0], sizes = [64, 256], strides = [1, 1]} : vector<64x512xf32> to vector<64x256xf32>
      %slice3A_912 = vector.extract_strided_slice %logistic3A_910 {offsets = [0, 256], sizes = [64, 256], strides = [1, 1]} : vector<64x512xf32> to vector<64x256xf32>
      %mul3A_913 = arith.mulf %add3A_885, %slice3A_911 : vector<64x256xf32>
      %concatenate3A_914 = tpu.concatenate %reshape3A_899, %mul3A_913 in 1 : vector<64x512xf32>, vector<64x256xf32> -> vector<64x768xf32>
      %dot_general3A_915 = arith.constant dense<0.000000e+00> : vector<64x256xf32>
      %dot_general3A_916 = tpu.matmul %concatenate3A_914, %get3A_678, %dot_general3A_915 {dimension_numbers = #tpu.dot_dimension_numbers<[1], [0], [0], [1], [0, 0, 1, 1], [], []>, transpose_lhs_hint = false} : vector<64x768xf32>, vector<768x256xf32>, vector<64x256xf32> -> vector<64x256xf32>
      %add3A_917 = vector.broadcast %get3A_681 : vector<1x256xf32> to vector<64x256xf32>
      %add3A_918 = arith.addf %dot_general3A_916, %add3A_917 : vector<64x256xf32>
      %tanh3A_919 = math.tanh %add3A_918 : vector<64x256xf32>
      %mul3A_920 = arith.mulf %slice3A_912, %add3A_885 : vector<64x256xf32>
      %sub3A_921 = arith.constant 1.000000e+00 : f32
      %sub3A_922 = vector.broadcast %sub3A_921 : f32 to vector<64x256xf32>
      %sub3A_923 = arith.subf %sub3A_922, %slice3A_912 : vector<64x256xf32>
      %mul3A_924 = arith.mulf %sub3A_923, %tanh3A_919 : vector<64x256xf32>
      %add3A_925 = arith.addf %mul3A_920, %mul3A_924 : vector<64x256xf32>
      %reshape3A_926 = vector.shape_cast %add3A_925 : vector<64x256xf32> to vector<8x1x8x256xf32>
      %swap3A_927 = arith.constant 0 : index
      %swap3A_928 = arith.index_cast %scan3A_893 : i32 to index
      %swap3A_929 = arith.constant 0 : index
      %swap3A_930 = arith.constant 0 : index
      %swap3A_931 = vector.load %arg26[%swap3A_927, %swap3A_928, %swap3A_929, %swap3A_930] : memref<8x128x8x256xf32, #tpu.memory_space<vmem>>, vector<8x1x8x256xf32>
      tpu.vector_store %arg26[%swap3A_927, %swap3A_928, %swap3A_929, %swap3A_930], %reshape3A_926 {strides = array<i32>} : memref<8x128x8x256xf32, #tpu.memory_space<vmem>>, vector<8x1x8x256xf32>,
      %scan3A_932 = arith.constant 118 : i32
      %scan3A_933 = arith.addi %scan3A_689, %scan3A_932 : i32
      %get3A_934 = arith.constant 0 : index
      %get3A_935 = arith.index_cast %scan3A_933 : i32 to index
      %get3A_936 = arith.constant 0 : index
      %get3A_937 = arith.constant 0 : index
      %get3A_938 = vector.load %arg25[%get3A_934, %get3A_935, %get3A_936, %get3A_937] : memref<8x128x8x512xf32, #tpu.memory_space<vmem>>, vector<8x1x8x512xf32>
      %reshape3A_939 = vector.shape_cast %get3A_938 : vector<8x1x8x512xf32> to vector<64x512xf32>
      %concatenate3A_940 = tpu.concatenate %reshape3A_939, %add3A_925 in 1 : vector<64x512xf32>, vector<64x256xf32> -> vector<64x768xf32>
      %dot_general3A_941 = arith.constant dense<0.000000e+00> : vector<64x512xf32>
      %dot_general3A_942 = tpu.matmul %concatenate3A_940, %get3A_672, %dot_general3A_941 {dimension_numbers = #tpu.dot_dimension_numbers<[1], [0], [0], [1], [0, 0, 1, 1], [], []>, transpose_lhs_hint = false} : vector<64x768xf32>, vector<768x512xf32>, vector<64x512xf32> -> vector<64x512xf32>
      %add3A_943 = vector.broadcast %get3A_675 : vector<1x512xf32> to vector<64x512xf32>
      %add3A_944 = arith.addf %dot_general3A_942, %add3A_943 : vector<64x512xf32>
      %logistic3A_945 = arith.negf %add3A_944 : vector<64x512xf32>
      %logistic3A_946 = math.exp %logistic3A_945 : vector<64x512xf32>
      %logistic3A_947 = arith.constant 1.000000e+00 : f32
      %logistic3A_948 = vector.broadcast %logistic3A_947 : f32 to vector<64x512xf32>
      %logistic3A_949 = arith.addf %logistic3A_948, %logistic3A_946 : vector<64x512xf32>
      %logistic3A_950 = arith.divf %logistic3A_948, %logistic3A_949 : vector<64x512xf32>
      %slice3A_951 = vector.extract_strided_slice %logistic3A_950 {offsets = [0, 0], sizes = [64, 256], strides = [1, 1]} : vector<64x512xf32> to vector<64x256xf32>
      %slice3A_952 = vector.extract_strided_slice %logistic3A_950 {offsets = [0, 256], sizes = [64, 256], strides = [1, 1]} : vector<64x512xf32> to vector<64x256xf32>
      %mul3A_953 = arith.mulf %add3A_925, %slice3A_951 : vector<64x256xf32>
      %concatenate3A_954 = tpu.concatenate %reshape3A_939, %mul3A_953 in 1 : vector<64x512xf32>, vector<64x256xf32> -> vector<64x768xf32>
      %dot_general3A_955 = arith.constant dense<0.000000e+00> : vector<64x256xf32>
      %dot_general3A_956 = tpu.matmul %concatenate3A_954, %get3A_678, %dot_general3A_955 {dimension_numbers = #tpu.dot_dimension_numbers<[1], [0], [0], [1], [0, 0, 1, 1], [], []>, transpose_lhs_hint = false} : vector<64x768xf32>, vector<768x256xf32>, vector<64x256xf32> -> vector<64x256xf32>
      %add3A_957 = vector.broadcast %get3A_681 : vector<1x256xf32> to vector<64x256xf32>
      %add3A_958 = arith.addf %dot_general3A_956, %add3A_957 : vector<64x256xf32>
      %tanh3A_959 = math.tanh %add3A_958 : vector<64x256xf32>
      %mul3A_960 = arith.mulf %slice3A_952, %add3A_925 : vector<64x256xf32>
      %sub3A_961 = arith.constant 1.000000e+00 : f32
      %sub3A_962 = vector.broadcast %sub3A_961 : f32 to vector<64x256xf32>
      %sub3A_963 = arith.subf %sub3A_962, %slice3A_952 : vector<64x256xf32>
      %mul3A_964 = arith.mulf %sub3A_963, %tanh3A_959 : vector<64x256xf32>
      %add3A_965 = arith.addf %mul3A_960, %mul3A_964 : vector<64x256xf32>
      %reshape3A_966 = vector.shape_cast %add3A_965 : vector<64x256xf32> to vector<8x1x8x256xf32>
      %swap3A_967 = arith.constant 0 : index
      %swap3A_968 = arith.index_cast %scan3A_933 : i32 to index
      %swap3A_969 = arith.constant 0 : index
      %swap3A_970 = arith.constant 0 : index
      %swap3A_971 = vector.load %arg26[%swap3A_967, %swap3A_968, %swap3A_969, %swap3A_970] : memref<8x128x8x256xf32, #tpu.memory_space<vmem>>, vector<8x1x8x256xf32>
      tpu.vector_store %arg26[%swap3A_967, %swap3A_968, %swap3A_969, %swap3A_970], %reshape3A_966 {strides = array<i32>} : memref<8x128x8x256xf32, #tpu.memory_space<vmem>>, vector<8x1x8x256xf32>,
      %scan3A_972 = arith.constant 119 : i32
      %scan3A_973 = arith.addi %scan3A_689, %scan3A_972 : i32
      %get3A_974 = arith.constant 0 : index
      %get3A_975 = arith.index_cast %scan3A_973 : i32 to index
      %get3A_976 = arith.constant 0 : index
      %get3A_977 = arith.constant 0 : index
      %get3A_978 = vector.load %arg25[%get3A_974, %get3A_975, %get3A_976, %get3A_977] : memref<8x128x8x512xf32, #tpu.memory_space<vmem>>, vector<8x1x8x512xf32>
      %reshape3A_979 = vector.shape_cast %get3A_978 : vector<8x1x8x512xf32> to vector<64x512xf32>
      %concatenate3A_980 = tpu.concatenate %reshape3A_979, %add3A_965 in 1 : vector<64x512xf32>, vector<64x256xf32> -> vector<64x768xf32>
      %dot_general3A_981 = arith.constant dense<0.000000e+00> : vector<64x512xf32>
      %dot_general3A_982 = tpu.matmul %concatenate3A_980, %get3A_672, %dot_general3A_981 {dimension_numbers = #tpu.dot_dimension_numbers<[1], [0], [0], [1], [0, 0, 1, 1], [], []>, transpose_lhs_hint = false} : vector<64x768xf32>, vector<768x512xf32>, vector<64x512xf32> -> vector<64x512xf32>
      %add3A_983 = vector.broadcast %get3A_675 : vector<1x512xf32> to vector<64x512xf32>
      %add3A_984 = arith.addf %dot_general3A_982, %add3A_983 : vector<64x512xf32>
      %logistic3A_985 = arith.negf %add3A_984 : vector<64x512xf32>
      %logistic3A_986 = math.exp %logistic3A_985 : vector<64x512xf32>
      %logistic3A_987 = arith.constant 1.000000e+00 : f32
      %logistic3A_988 = vector.broadcast %logistic3A_987 : f32 to vector<64x512xf32>
      %logistic3A_989 = arith.addf %logistic3A_988, %logistic3A_986 : vector<64x512xf32>
      %logistic3A_990 = arith.divf %logistic3A_988, %logistic3A_989 : vector<64x512xf32>
      %slice3A_991 = vector.extract_strided_slice %logistic3A_990 {offsets = [0, 0], sizes = [64, 256], strides = [1, 1]} : vector<64x512xf32> to vector<64x256xf32>
      %slice3A_992 = vector.extract_strided_slice %logistic3A_990 {offsets = [0, 256], sizes = [64, 256], strides = [1, 1]} : vector<64x512xf32> to vector<64x256xf32>
      %mul3A_993 = arith.mulf %add3A_965, %slice3A_991 : vector<64x256xf32>
      %concatenate3A_994 = tpu.concatenate %reshape3A_979, %mul3A_993 in 1 : vector<64x512xf32>, vector<64x256xf32> -> vector<64x768xf32>
      %dot_general3A_995 = arith.constant dense<0.000000e+00> : vector<64x256xf32>
      %dot_general3A_996 = tpu.matmul %concatenate3A_994, %get3A_678, %dot_general3A_995 {dimension_numbers = #tpu.dot_dimension_numbers<[1], [0], [0], [1], [0, 0, 1, 1], [], []>, transpose_lhs_hint = false} : vector<64x768xf32>, vector<768x256xf32>, vector<64x256xf32> -> vector<64x256xf32>
      %add3A_997 = vector.broadcast %get3A_681 : vector<1x256xf32> to vector<64x256xf32>
      %add3A_998 = arith.addf %dot_general3A_996, %add3A_997 : vector<64x256xf32>
      %tanh3A_999 = math.tanh %add3A_998 : vector<64x256xf32>
      %mul3A_1000 = arith.mulf %slice3A_992, %add3A_965 : vector<64x256xf32>
      %sub3A_1001 = arith.constant 1.000000e+00 : f32
      %sub3A_1002 = vector.broadcast %sub3A_1001 : f32 to vector<64x256xf32>
      %sub3A_1003 = arith.subf %sub3A_1002, %slice3A_992 : vector<64x256xf32>
      %mul3A_1004 = arith.mulf %sub3A_1003, %tanh3A_999 : vector<64x256xf32>
      %add3A_1005 = arith.addf %mul3A_1000, %mul3A_1004 : vector<64x256xf32>
      %reshape3A_1006 = vector.shape_cast %add3A_1005 : vector<64x256xf32> to vector<8x1x8x256xf32>
      %swap3A_1007 = arith.constant 0 : index
      %swap3A_1008 = arith.index_cast %scan3A_973 : i32 to index
      %swap3A_1009 = arith.constant 0 : index
      %swap3A_1010 = arith.constant 0 : index
      %swap3A_1011 = vector.load %arg26[%swap3A_1007, %swap3A_1008, %swap3A_1009, %swap3A_1010] : memref<8x128x8x256xf32, #tpu.memory_space<vmem>>, vector<8x1x8x256xf32>
      tpu.vector_store %arg26[%swap3A_1007, %swap3A_1008, %swap3A_1009, %swap3A_1010], %reshape3A_1006 {strides = array<i32>} : memref<8x128x8x256xf32, #tpu.memory_space<vmem>>, vector<8x1x8x256xf32>,
      %scan3A_1012 = arith.constant 120 : i32
      %scan3A_1013 = arith.addi %scan3A_689, %scan3A_1012 : i32
      %get3A_1014 = arith.constant 0 : index
      %get3A_1015 = arith.index_cast %scan3A_1013 : i32 to index
      %get3A_1016 = arith.constant 0 : index
      %get3A_1017 = arith.constant 0 : index
      %get3A_1018 = vector.load %arg25[%get3A_1014, %get3A_1015, %get3A_1016, %get3A_1017] : memref<8x128x8x512xf32, #tpu.memory_space<vmem>>, vector<8x1x8x512xf32>
      %reshape3A_1019 = vector.shape_cast %get3A_1018 : vector<8x1x8x512xf32> to vector<64x512xf32>
      %concatenate3A_1020 = tpu.concatenate %reshape3A_1019, %add3A_1005 in 1 : vector<64x512xf32>, vector<64x256xf32> -> vector<64x768xf32>
      %dot_general3A_1021 = arith.constant dense<0.000000e+00> : vector<64x512xf32>
      %dot_general3A_1022 = tpu.matmul %concatenate3A_1020, %get3A_672, %dot_general3A_1021 {dimension_numbers = #tpu.dot_dimension_numbers<[1], [0], [0], [1], [0, 0, 1, 1], [], []>, transpose_lhs_hint = false} : vector<64x768xf32>, vector<768x512xf32>, vector<64x512xf32> -> vector<64x512xf32>
      %add3A_1023 = vector.broadcast %get3A_675 : vector<1x512xf32> to vector<64x512xf32>
      %add3A_1024 = arith.addf %dot_general3A_1022, %add3A_1023 : vector<64x512xf32>
      %logistic3A_1025 = arith.negf %add3A_1024 : vector<64x512xf32>
      %logistic3A_1026 = math.exp %logistic3A_1025 : vector<64x512xf32>
      %logistic3A_1027 = arith.constant 1.000000e+00 : f32
      %logistic3A_1028 = vector.broadcast %logistic3A_1027 : f32 to vector<64x512xf32>
      %logistic3A_1029 = arith.addf %logistic3A_1028, %logistic3A_1026 : vector<64x512xf32>
      %logistic3A_1030 = arith.divf %logistic3A_1028, %logistic3A_1029 : vector<64x512xf32>
      %slice3A_1031 = vector.extract_strided_slice %logistic3A_1030 {offsets = [0, 0], sizes = [64, 256], strides = [1, 1]} : vector<64x512xf32> to vector<64x256xf32>
      %slice3A_1032 = vector.extract_strided_slice %logistic3A_1030 {offsets = [0, 256], sizes = [64, 256], strides = [1, 1]} : vector<64x512xf32> to vector<64x256xf32>
      %mul3A_1033 = arith.mulf %add3A_1005, %slice3A_1031 : vector<64x256xf32>
      %concatenate3A_1034 = tpu.concatenate %reshape3A_1019, %mul3A_1033 in 1 : vector<64x512xf32>, vector<64x256xf32> -> vector<64x768xf32>
      %dot_general3A_1035 = arith.constant dense<0.000000e+00> : vector<64x256xf32>
      %dot_general3A_1036 = tpu.matmul %concatenate3A_1034, %get3A_678, %dot_general3A_1035 {dimension_numbers = #tpu.dot_dimension_numbers<[1], [0], [0], [1], [0, 0, 1, 1], [], []>, transpose_lhs_hint = false} : vector<64x768xf32>, vector<768x256xf32>, vector<64x256xf32> -> vector<64x256xf32>
      %add3A_1037 = vector.broadcast %get3A_681 : vector<1x256xf32> to vector<64x256xf32>
      %add3A_1038 = arith.addf %dot_general3A_1036, %add3A_1037 : vector<64x256xf32>
      %tanh3A_1039 = math.tanh %add3A_1038 : vector<64x256xf32>
      %mul3A_1040 = arith.mulf %slice3A_1032, %add3A_1005 : vector<64x256xf32>
      %sub3A_1041 = arith.constant 1.000000e+00 : f32
      %sub3A_1042 = vector.broadcast %sub3A_1041 : f32 to vector<64x256xf32>
      %sub3A_1043 = arith.subf %sub3A_1042, %slice3A_1032 : vector<64x256xf32>
      %mul3A_1044 = arith.mulf %sub3A_1043, %tanh3A_1039 : vector<64x256xf32>
      %add3A_1045 = arith.addf %mul3A_1040, %mul3A_1044 : vector<64x256xf32>
      %reshape3A_1046 = vector.shape_cast %add3A_1045 : vector<64x256xf32> to vector<8x1x8x256xf32>
      %swap3A_1047 = arith.constant 0 : index
      %swap3A_1048 = arith.index_cast %scan3A_1013 : i32 to index
      %swap3A_1049 = arith.constant 0 : index
      %swap3A_1050 = arith.constant 0 : index
      %swap3A_1051 = vector.load %arg26[%swap3A_1047, %swap3A_1048, %swap3A_1049, %swap3A_1050] : memref<8x128x8x256xf32, #tpu.memory_space<vmem>>, vector<8x1x8x256xf32>
      tpu.vector_store %arg26[%swap3A_1047, %swap3A_1048, %swap3A_1049, %swap3A_1050], %reshape3A_1046 {strides = array<i32>} : memref<8x128x8x256xf32, #tpu.memory_space<vmem>>, vector<8x1x8x256xf32>,
      %scan3A_1052 = arith.constant 121 : i32
      %scan3A_1053 = arith.addi %scan3A_689, %scan3A_1052 : i32
      %get3A_1054 = arith.constant 0 : index
      %get3A_1055 = arith.index_cast %scan3A_1053 : i32 to index
      %get3A_1056 = arith.constant 0 : index
      %get3A_1057 = arith.constant 0 : index
      %get3A_1058 = vector.load %arg25[%get3A_1054, %get3A_1055, %get3A_1056, %get3A_1057] : memref<8x128x8x512xf32, #tpu.memory_space<vmem>>, vector<8x1x8x512xf32>
      %reshape3A_1059 = vector.shape_cast %get3A_1058 : vector<8x1x8x512xf32> to vector<64x512xf32>
      %concatenate3A_1060 = tpu.concatenate %reshape3A_1059, %add3A_1045 in 1 : vector<64x512xf32>, vector<64x256xf32> -> vector<64x768xf32>
      %dot_general3A_1061 = arith.constant dense<0.000000e+00> : vector<64x512xf32>
      %dot_general3A_1062 = tpu.matmul %concatenate3A_1060, %get3A_672, %dot_general3A_1061 {dimension_numbers = #tpu.dot_dimension_numbers<[1], [0], [0], [1], [0, 0, 1, 1], [], []>, transpose_lhs_hint = false} : vector<64x768xf32>, vector<768x512xf32>, vector<64x512xf32> -> vector<64x512xf32>
      %add3A_1063 = vector.broadcast %get3A_675 : vector<1x512xf32> to vector<64x512xf32>
      %add3A_1064 = arith.addf %dot_general3A_1062, %add3A_1063 : vector<64x512xf32>
      %logistic3A_1065 = arith.negf %add3A_1064 : vector<64x512xf32>
      %logistic3A_1066 = math.exp %logistic3A_1065 : vector<64x512xf32>
      %logistic3A_1067 = arith.constant 1.000000e+00 : f32
      %logistic3A_1068 = vector.broadcast %logistic3A_1067 : f32 to vector<64x512xf32>
      %logistic3A_1069 = arith.addf %logistic3A_1068, %logistic3A_1066 : vector<64x512xf32>
      %logistic3A_1070 = arith.divf %logistic3A_1068, %logistic3A_1069 : vector<64x512xf32>
      %slice3A_1071 = vector.extract_strided_slice %logistic3A_1070 {offsets = [0, 0], sizes = [64, 256], strides = [1, 1]} : vector<64x512xf32> to vector<64x256xf32>
      %slice3A_1072 = vector.extract_strided_slice %logistic3A_1070 {offsets = [0, 256], sizes = [64, 256], strides = [1, 1]} : vector<64x512xf32> to vector<64x256xf32>
      %mul3A_1073 = arith.mulf %add3A_1045, %slice3A_1071 : vector<64x256xf32>
      %concatenate3A_1074 = tpu.concatenate %reshape3A_1059, %mul3A_1073 in 1 : vector<64x512xf32>, vector<64x256xf32> -> vector<64x768xf32>
      %dot_general3A_1075 = arith.constant dense<0.000000e+00> : vector<64x256xf32>
      %dot_general3A_1076 = tpu.matmul %concatenate3A_1074, %get3A_678, %dot_general3A_1075 {dimension_numbers = #tpu.dot_dimension_numbers<[1], [0], [0], [1], [0, 0, 1, 1], [], []>, transpose_lhs_hint = false} : vector<64x768xf32>, vector<768x256xf32>, vector<64x256xf32> -> vector<64x256xf32>
      %add3A_1077 = vector.broadcast %get3A_681 : vector<1x256xf32> to vector<64x256xf32>
      %add3A_1078 = arith.addf %dot_general3A_1076, %add3A_1077 : vector<64x256xf32>
      %tanh3A_1079 = math.tanh %add3A_1078 : vector<64x256xf32>
      %mul3A_1080 = arith.mulf %slice3A_1072, %add3A_1045 : vector<64x256xf32>
      %sub3A_1081 = arith.constant 1.000000e+00 : f32
      %sub3A_1082 = vector.broadcast %sub3A_1081 : f32 to vector<64x256xf32>
      %sub3A_1083 = arith.subf %sub3A_1082, %slice3A_1072 : vector<64x256xf32>
      %mul3A_1084 = arith.mulf %sub3A_1083, %tanh3A_1079 : vector<64x256xf32>
      %add3A_1085 = arith.addf %mul3A_1080, %mul3A_1084 : vector<64x256xf32>
      %reshape3A_1086 = vector.shape_cast %add3A_1085 : vector<64x256xf32> to vector<8x1x8x256xf32>
      %swap3A_1087 = arith.constant 0 : index
      %swap3A_1088 = arith.index_cast %scan3A_1053 : i32 to index
      %swap3A_1089 = arith.constant 0 : index
      %swap3A_1090 = arith.constant 0 : index
      %swap3A_1091 = vector.load %arg26[%swap3A_1087, %swap3A_1088, %swap3A_1089, %swap3A_1090] : memref<8x128x8x256xf32, #tpu.memory_space<vmem>>, vector<8x1x8x256xf32>
      tpu.vector_store %arg26[%swap3A_1087, %swap3A_1088, %swap3A_1089, %swap3A_1090], %reshape3A_1086 {strides = array<i32>} : memref<8x128x8x256xf32, #tpu.memory_space<vmem>>, vector<8x1x8x256xf32>,
      %scan3A_1092 = arith.constant 122 : i32
      %scan3A_1093 = arith.addi %scan3A_689, %scan3A_1092 : i32
      %get3A_1094 = arith.constant 0 : index
      %get3A_1095 = arith.index_cast %scan3A_1093 : i32 to index
      %get3A_1096 = arith.constant 0 : index
      %get3A_1097 = arith.constant 0 : index
      %get3A_1098 = vector.load %arg25[%get3A_1094, %get3A_1095, %get3A_1096, %get3A_1097] : memref<8x128x8x512xf32, #tpu.memory_space<vmem>>, vector<8x1x8x512xf32>
      %reshape3A_1099 = vector.shape_cast %get3A_1098 : vector<8x1x8x512xf32> to vector<64x512xf32>
      %concatenate3A_1100 = tpu.concatenate %reshape3A_1099, %add3A_1085 in 1 : vector<64x512xf32>, vector<64x256xf32> -> vector<64x768xf32>
      %dot_general3A_1101 = arith.constant dense<0.000000e+00> : vector<64x512xf32>
      %dot_general3A_1102 = tpu.matmul %concatenate3A_1100, %get3A_672, %dot_general3A_1101 {dimension_numbers = #tpu.dot_dimension_numbers<[1], [0], [0], [1], [0, 0, 1, 1], [], []>, transpose_lhs_hint = false} : vector<64x768xf32>, vector<768x512xf32>, vector<64x512xf32> -> vector<64x512xf32>
      %add3A_1103 = vector.broadcast %get3A_675 : vector<1x512xf32> to vector<64x512xf32>
      %add3A_1104 = arith.addf %dot_general3A_1102, %add3A_1103 : vector<64x512xf32>
      %logistic3A_1105 = arith.negf %add3A_1104 : vector<64x512xf32>
      %logistic3A_1106 = math.exp %logistic3A_1105 : vector<64x512xf32>
      %logistic3A_1107 = arith.constant 1.000000e+00 : f32
      %logistic3A_1108 = vector.broadcast %logistic3A_1107 : f32 to vector<64x512xf32>
      %logistic3A_1109 = arith.addf %logistic3A_1108, %logistic3A_1106 : vector<64x512xf32>
      %logistic3A_1110 = arith.divf %logistic3A_1108, %logistic3A_1109 : vector<64x512xf32>
      %slice3A_1111 = vector.extract_strided_slice %logistic3A_1110 {offsets = [0, 0], sizes = [64, 256], strides = [1, 1]} : vector<64x512xf32> to vector<64x256xf32>
      %slice3A_1112 = vector.extract_strided_slice %logistic3A_1110 {offsets = [0, 256], sizes = [64, 256], strides = [1, 1]} : vector<64x512xf32> to vector<64x256xf32>
      %mul3A_1113 = arith.mulf %add3A_1085, %slice3A_1111 : vector<64x256xf32>
      %concatenate3A_1114 = tpu.concatenate %reshape3A_1099, %mul3A_1113 in 1 : vector<64x512xf32>, vector<64x256xf32> -> vector<64x768xf32>
      %dot_general3A_1115 = arith.constant dense<0.000000e+00> : vector<64x256xf32>
      %dot_general3A_1116 = tpu.matmul %concatenate3A_1114, %get3A_678, %dot_general3A_1115 {dimension_numbers = #tpu.dot_dimension_numbers<[1], [0], [0], [1], [0, 0, 1, 1], [], []>, transpose_lhs_hint = false} : vector<64x768xf32>, vector<768x256xf32>, vector<64x256xf32> -> vector<64x256xf32>
      %add3A_1117 = vector.broadcast %get3A_681 : vector<1x256xf32> to vector<64x256xf32>
      %add3A_1118 = arith.addf %dot_general3A_1116, %add3A_1117 : vector<64x256xf32>
      %tanh3A_1119 = math.tanh %add3A_1118 : vector<64x256xf32>
      %mul3A_1120 = arith.mulf %slice3A_1112, %add3A_1085 : vector<64x256xf32>
      %sub3A_1121 = arith.constant 1.000000e+00 : f32
      %sub3A_1122 = vector.broadcast %sub3A_1121 : f32 to vector<64x256xf32>
      %sub3A_1123 = arith.subf %sub3A_1122, %slice3A_1112 : vector<64x256xf32>
      %mul3A_1124 = arith.mulf %sub3A_1123, %tanh3A_1119 : vector<64x256xf32>
      %add3A_1125 = arith.addf %mul3A_1120, %mul3A_1124 : vector<64x256xf32>
      %reshape3A_1126 = vector.shape_cast %add3A_1125 : vector<64x256xf32> to vector<8x1x8x256xf32>
      %swap3A_1127 = arith.constant 0 : index
      %swap3A_1128 = arith.index_cast %scan3A_1093 : i32 to index
      %swap3A_1129 = arith.constant 0 : index
      %swap3A_1130 = arith.constant 0 : index
      %swap3A_1131 = vector.load %arg26[%swap3A_1127, %swap3A_1128, %swap3A_1129, %swap3A_1130] : memref<8x128x8x256xf32, #tpu.memory_space<vmem>>, vector<8x1x8x256xf32>
      tpu.vector_store %arg26[%swap3A_1127, %swap3A_1128, %swap3A_1129, %swap3A_1130], %reshape3A_1126 {strides = array<i32>} : memref<8x128x8x256xf32, #tpu.memory_space<vmem>>, vector<8x1x8x256xf32>,
      %scan3A_1132 = arith.constant 123 : i32
      %scan3A_1133 = arith.addi %scan3A_689, %scan3A_1132 : i32
      %get3A_1134 = arith.constant 0 : index
      %get3A_1135 = arith.index_cast %scan3A_1133 : i32 to index
      %get3A_1136 = arith.constant 0 : index
      %get3A_1137 = arith.constant 0 : index
      %get3A_1138 = vector.load %arg25[%get3A_1134, %get3A_1135, %get3A_1136, %get3A_1137] : memref<8x128x8x512xf32, #tpu.memory_space<vmem>>, vector<8x1x8x512xf32>
      %reshape3A_1139 = vector.shape_cast %get3A_1138 : vector<8x1x8x512xf32> to vector<64x512xf32>
      %concatenate3A_1140 = tpu.concatenate %reshape3A_1139, %add3A_1125 in 1 : vector<64x512xf32>, vector<64x256xf32> -> vector<64x768xf32>
      %dot_general3A_1141 = arith.constant dense<0.000000e+00> : vector<64x512xf32>
      %dot_general3A_1142 = tpu.matmul %concatenate3A_1140, %get3A_672, %dot_general3A_1141 {dimension_numbers = #tpu.dot_dimension_numbers<[1], [0], [0], [1], [0, 0, 1, 1], [], []>, transpose_lhs_hint = false} : vector<64x768xf32>, vector<768x512xf32>, vector<64x512xf32> -> vector<64x512xf32>
      %add3A_1143 = vector.broadcast %get3A_675 : vector<1x512xf32> to vector<64x512xf32>
      %add3A_1144 = arith.addf %dot_general3A_1142, %add3A_1143 : vector<64x512xf32>
      %logistic3A_1145 = arith.negf %add3A_1144 : vector<64x512xf32>
      %logistic3A_1146 = math.exp %logistic3A_1145 : vector<64x512xf32>
      %logistic3A_1147 = arith.constant 1.000000e+00 : f32
      %logistic3A_1148 = vector.broadcast %logistic3A_1147 : f32 to vector<64x512xf32>
      %logistic3A_1149 = arith.addf %logistic3A_1148, %logistic3A_1146 : vector<64x512xf32>
      %logistic3A_1150 = arith.divf %logistic3A_1148, %logistic3A_1149 : vector<64x512xf32>
      %slice3A_1151 = vector.extract_strided_slice %logistic3A_1150 {offsets = [0, 0], sizes = [64, 256], strides = [1, 1]} : vector<64x512xf32> to vector<64x256xf32>
      %slice3A_1152 = vector.extract_strided_slice %logistic3A_1150 {offsets = [0, 256], sizes = [64, 256], strides = [1, 1]} : vector<64x512xf32> to vector<64x256xf32>
      %mul3A_1153 = arith.mulf %add3A_1125, %slice3A_1151 : vector<64x256xf32>
      %concatenate3A_1154 = tpu.concatenate %reshape3A_1139, %mul3A_1153 in 1 : vector<64x512xf32>, vector<64x256xf32> -> vector<64x768xf32>
      %dot_general3A_1155 = arith.constant dense<0.000000e+00> : vector<64x256xf32>
      %dot_general3A_1156 = tpu.matmul %concatenate3A_1154, %get3A_678, %dot_general3A_1155 {dimension_numbers = #tpu.dot_dimension_numbers<[1], [0], [0], [1], [0, 0, 1, 1], [], []>, transpose_lhs_hint = false} : vector<64x768xf32>, vector<768x256xf32>, vector<64x256xf32> -> vector<64x256xf32>
      %add3A_1157 = vector.broadcast %get3A_681 : vector<1x256xf32> to vector<64x256xf32>
      %add3A_1158 = arith.addf %dot_general3A_1156, %add3A_1157 : vector<64x256xf32>
      %tanh3A_1159 = math.tanh %add3A_1158 : vector<64x256xf32>
      %mul3A_1160 = arith.mulf %slice3A_1152, %add3A_1125 : vector<64x256xf32>
      %sub3A_1161 = arith.constant 1.000000e+00 : f32
      %sub3A_1162 = vector.broadcast %sub3A_1161 : f32 to vector<64x256xf32>
      %sub3A_1163 = arith.subf %sub3A_1162, %slice3A_1152 : vector<64x256xf32>
      %mul3A_1164 = arith.mulf %sub3A_1163, %tanh3A_1159 : vector<64x256xf32>
      %add3A_1165 = arith.addf %mul3A_1160, %mul3A_1164 : vector<64x256xf32>
      %reshape3A_1166 = vector.shape_cast %add3A_1165 : vector<64x256xf32> to vector<8x1x8x256xf32>
      %swap3A_1167 = arith.constant 0 : index
      %swap3A_1168 = arith.index_cast %scan3A_1133 : i32 to index
      %swap3A_1169 = arith.constant 0 : index
      %swap3A_1170 = arith.constant 0 : index
      %swap3A_1171 = vector.load %arg26[%swap3A_1167, %swap3A_1168, %swap3A_1169, %swap3A_1170] : memref<8x128x8x256xf32, #tpu.memory_space<vmem>>, vector<8x1x8x256xf32>
      tpu.vector_store %arg26[%swap3A_1167, %swap3A_1168, %swap3A_1169, %swap3A_1170], %reshape3A_1166 {strides = array<i32>} : memref<8x128x8x256xf32, #tpu.memory_space<vmem>>, vector<8x1x8x256xf32>,
      %scan3A_1172 = arith.constant 124 : i32
      %scan3A_1173 = arith.addi %scan3A_689, %scan3A_1172 : i32
      %get3A_1174 = arith.constant 0 : index
      %get3A_1175 = arith.index_cast %scan3A_1173 : i32 to index
      %get3A_1176 = arith.constant 0 : index
      %get3A_1177 = arith.constant 0 : index
      %get3A_1178 = vector.load %arg25[%get3A_1174, %get3A_1175, %get3A_1176, %get3A_1177] : memref<8x128x8x512xf32, #tpu.memory_space<vmem>>, vector<8x1x8x512xf32>
      %reshape3A_1179 = vector.shape_cast %get3A_1178 : vector<8x1x8x512xf32> to vector<64x512xf32>
      %concatenate3A_1180 = tpu.concatenate %reshape3A_1179, %add3A_1165 in 1 : vector<64x512xf32>, vector<64x256xf32> -> vector<64x768xf32>
      %dot_general3A_1181 = arith.constant dense<0.000000e+00> : vector<64x512xf32>
      %dot_general3A_1182 = tpu.matmul %concatenate3A_1180, %get3A_672, %dot_general3A_1181 {dimension_numbers = #tpu.dot_dimension_numbers<[1], [0], [0], [1], [0, 0, 1, 1], [], []>, transpose_lhs_hint = false} : vector<64x768xf32>, vector<768x512xf32>, vector<64x512xf32> -> vector<64x512xf32>
      %add3A_1183 = vector.broadcast %get3A_675 : vector<1x512xf32> to vector<64x512xf32>
      %add3A_1184 = arith.addf %dot_general3A_1182, %add3A_1183 : vector<64x512xf32>
      %logistic3A_1185 = arith.negf %add3A_1184 : vector<64x512xf32>
      %logistic3A_1186 = math.exp %logistic3A_1185 : vector<64x512xf32>
      %logistic3A_1187 = arith.constant 1.000000e+00 : f32
      %logistic3A_1188 = vector.broadcast %logistic3A_1187 : f32 to vector<64x512xf32>
      %logistic3A_1189 = arith.addf %logistic3A_1188, %logistic3A_1186 : vector<64x512xf32>
      %logistic3A_1190 = arith.divf %logistic3A_1188, %logistic3A_1189 : vector<64x512xf32>
      %slice3A_1191 = vector.extract_strided_slice %logistic3A_1190 {offsets = [0, 0], sizes = [64, 256], strides = [1, 1]} : vector<64x512xf32> to vector<64x256xf32>
      %slice3A_1192 = vector.extract_strided_slice %logistic3A_1190 {offsets = [0, 256], sizes = [64, 256], strides = [1, 1]} : vector<64x512xf32> to vector<64x256xf32>
      %mul3A_1193 = arith.mulf %add3A_1165, %slice3A_1191 : vector<64x256xf32>
      %concatenate3A_1194 = tpu.concatenate %reshape3A_1179, %mul3A_1193 in 1 : vector<64x512xf32>, vector<64x256xf32> -> vector<64x768xf32>
      %dot_general3A_1195 = arith.constant dense<0.000000e+00> : vector<64x256xf32>
      %dot_general3A_1196 = tpu.matmul %concatenate3A_1194, %get3A_678, %dot_general3A_1195 {dimension_numbers = #tpu.dot_dimension_numbers<[1], [0], [0], [1], [0, 0, 1, 1], [], []>, transpose_lhs_hint = false} : vector<64x768xf32>, vector<768x256xf32>, vector<64x256xf32> -> vector<64x256xf32>
      %add3A_1197 = vector.broadcast %get3A_681 : vector<1x256xf32> to vector<64x256xf32>
      %add3A_1198 = arith.addf %dot_general3A_1196, %add3A_1197 : vector<64x256xf32>
      %tanh3A_1199 = math.tanh %add3A_1198 : vector<64x256xf32>
      %mul3A_1200 = arith.mulf %slice3A_1192, %add3A_1165 : vector<64x256xf32>
      %sub3A_1201 = arith.constant 1.000000e+00 : f32
      %sub3A_1202 = vector.broadcast %sub3A_1201 : f32 to vector<64x256xf32>
      %sub3A_1203 = arith.subf %sub3A_1202, %slice3A_1192 : vector<64x256xf32>
      %mul3A_1204 = arith.mulf %sub3A_1203, %tanh3A_1199 : vector<64x256xf32>
      %add3A_1205 = arith.addf %mul3A_1200, %mul3A_1204 : vector<64x256xf32>
      %reshape3A_1206 = vector.shape_cast %add3A_1205 : vector<64x256xf32> to vector<8x1x8x256xf32>
      %swap3A_1207 = arith.constant 0 : index
      %swap3A_1208 = arith.index_cast %scan3A_1173 : i32 to index
      %swap3A_1209 = arith.constant 0 : index
      %swap3A_1210 = arith.constant 0 : index
      %swap3A_1211 = vector.load %arg26[%swap3A_1207, %swap3A_1208, %swap3A_1209, %swap3A_1210] : memref<8x128x8x256xf32, #tpu.memory_space<vmem>>, vector<8x1x8x256xf32>
      tpu.vector_store %arg26[%swap3A_1207, %swap3A_1208, %swap3A_1209, %swap3A_1210], %reshape3A_1206 {strides = array<i32>} : memref<8x128x8x256xf32, #tpu.memory_space<vmem>>, vector<8x1x8x256xf32>,
      %scan3A_1212 = arith.constant 125 : i32
      %scan3A_1213 = arith.addi %scan3A_689, %scan3A_1212 : i32
      %get3A_1214 = arith.constant 0 : index
      %get3A_1215 = arith.index_cast %scan3A_1213 : i32 to index
      %get3A_1216 = arith.constant 0 : index
      %get3A_1217 = arith.constant 0 : index
      %get3A_1218 = vector.load %arg25[%get3A_1214, %get3A_1215, %get3A_1216, %get3A_1217] : memref<8x128x8x512xf32, #tpu.memory_space<vmem>>, vector<8x1x8x512xf32>
      %reshape3A_1219 = vector.shape_cast %get3A_1218 : vector<8x1x8x512xf32> to vector<64x512xf32>
      %concatenate3A_1220 = tpu.concatenate %reshape3A_1219, %add3A_1205 in 1 : vector<64x512xf32>, vector<64x256xf32> -> vector<64x768xf32>
      %dot_general3A_1221 = arith.constant dense<0.000000e+00> : vector<64x512xf32>
      %dot_general3A_1222 = tpu.matmul %concatenate3A_1220, %get3A_672, %dot_general3A_1221 {dimension_numbers = #tpu.dot_dimension_numbers<[1], [0], [0], [1], [0, 0, 1, 1], [], []>, transpose_lhs_hint = false} : vector<64x768xf32>, vector<768x512xf32>, vector<64x512xf32> -> vector<64x512xf32>
      %add3A_1223 = vector.broadcast %get3A_675 : vector<1x512xf32> to vector<64x512xf32>
      %add3A_1224 = arith.addf %dot_general3A_1222, %add3A_1223 : vector<64x512xf32>
      %logistic3A_1225 = arith.negf %add3A_1224 : vector<64x512xf32>
      %logistic3A_1226 = math.exp %logistic3A_1225 : vector<64x512xf32>
      %logistic3A_1227 = arith.constant 1.000000e+00 : f32
      %logistic3A_1228 = vector.broadcast %logistic3A_1227 : f32 to vector<64x512xf32>
      %logistic3A_1229 = arith.addf %logistic3A_1228, %logistic3A_1226 : vector<64x512xf32>
      %logistic3A_1230 = arith.divf %logistic3A_1228, %logistic3A_1229 : vector<64x512xf32>
      %slice3A_1231 = vector.extract_strided_slice %logistic3A_1230 {offsets = [0, 0], sizes = [64, 256], strides = [1, 1]} : vector<64x512xf32> to vector<64x256xf32>
      %slice3A_1232 = vector.extract_strided_slice %logistic3A_1230 {offsets = [0, 256], sizes = [64, 256], strides = [1, 1]} : vector<64x512xf32> to vector<64x256xf32>
      %mul3A_1233 = arith.mulf %add3A_1205, %slice3A_1231 : vector<64x256xf32>
      %concatenate3A_1234 = tpu.concatenate %reshape3A_1219, %mul3A_1233 in 1 : vector<64x512xf32>, vector<64x256xf32> -> vector<64x768xf32>
      %dot_general3A_1235 = arith.constant dense<0.000000e+00> : vector<64x256xf32>
      %dot_general3A_1236 = tpu.matmul %concatenate3A_1234, %get3A_678, %dot_general3A_1235 {dimension_numbers = #tpu.dot_dimension_numbers<[1], [0], [0], [1], [0, 0, 1, 1], [], []>, transpose_lhs_hint = false} : vector<64x768xf32>, vector<768x256xf32>, vector<64x256xf32> -> vector<64x256xf32>
      %add3A_1237 = vector.broadcast %get3A_681 : vector<1x256xf32> to vector<64x256xf32>
      %add3A_1238 = arith.addf %dot_general3A_1236, %add3A_1237 : vector<64x256xf32>
      %tanh3A_1239 = math.tanh %add3A_1238 : vector<64x256xf32>
      %mul3A_1240 = arith.mulf %slice3A_1232, %add3A_1205 : vector<64x256xf32>
      %sub3A_1241 = arith.constant 1.000000e+00 : f32
      %sub3A_1242 = vector.broadcast %sub3A_1241 : f32 to vector<64x256xf32>
      %sub3A_1243 = arith.subf %sub3A_1242, %slice3A_1232 : vector<64x256xf32>
      %mul3A_1244 = arith.mulf %sub3A_1243, %tanh3A_1239 : vector<64x256xf32>
      %add3A_1245 = arith.addf %mul3A_1240, %mul3A_1244 : vector<64x256xf32>
      %reshape3A_1246 = vector.shape_cast %add3A_1245 : vector<64x256xf32> to vector<8x1x8x256xf32>
      %swap3A_1247 = arith.constant 0 : index
      %swap3A_1248 = arith.index_cast %scan3A_1213 : i32 to index
      %swap3A_1249 = arith.constant 0 : index
      %swap3A_1250 = arith.constant 0 : index
      %swap3A_1251 = vector.load %arg26[%swap3A_1247, %swap3A_1248, %swap3A_1249, %swap3A_1250] : memref<8x128x8x256xf32, #tpu.memory_space<vmem>>, vector<8x1x8x256xf32>
      tpu.vector_store %arg26[%swap3A_1247, %swap3A_1248, %swap3A_1249, %swap3A_1250], %reshape3A_1246 {strides = array<i32>} : memref<8x128x8x256xf32, #tpu.memory_space<vmem>>, vector<8x1x8x256xf32>,
      %scan3A_1252 = arith.constant 126 : i32
      %scan3A_1253 = arith.addi %scan3A_689, %scan3A_1252 : i32
      %get3A_1254 = arith.constant 0 : index
      %get3A_1255 = arith.index_cast %scan3A_1253 : i32 to index
      %get3A_1256 = arith.constant 0 : index
      %get3A_1257 = arith.constant 0 : index
      %get3A_1258 = vector.load %arg25[%get3A_1254, %get3A_1255, %get3A_1256, %get3A_1257] : memref<8x128x8x512xf32, #tpu.memory_space<vmem>>, vector<8x1x8x512xf32>
      %reshape3A_1259 = vector.shape_cast %get3A_1258 : vector<8x1x8x512xf32> to vector<64x512xf32>
      %concatenate3A_1260 = tpu.concatenate %reshape3A_1259, %add3A_1245 in 1 : vector<64x512xf32>, vector<64x256xf32> -> vector<64x768xf32>
      %dot_general3A_1261 = arith.constant dense<0.000000e+00> : vector<64x512xf32>
      %dot_general3A_1262 = tpu.matmul %concatenate3A_1260, %get3A_672, %dot_general3A_1261 {dimension_numbers = #tpu.dot_dimension_numbers<[1], [0], [0], [1], [0, 0, 1, 1], [], []>, transpose_lhs_hint = false} : vector<64x768xf32>, vector<768x512xf32>, vector<64x512xf32> -> vector<64x512xf32>
      %add3A_1263 = vector.broadcast %get3A_675 : vector<1x512xf32> to vector<64x512xf32>
      %add3A_1264 = arith.addf %dot_general3A_1262, %add3A_1263 : vector<64x512xf32>
      %logistic3A_1265 = arith.negf %add3A_1264 : vector<64x512xf32>
      %logistic3A_1266 = math.exp %logistic3A_1265 : vector<64x512xf32>
      %logistic3A_1267 = arith.constant 1.000000e+00 : f32
      %logistic3A_1268 = vector.broadcast %logistic3A_1267 : f32 to vector<64x512xf32>
      %logistic3A_1269 = arith.addf %logistic3A_1268, %logistic3A_1266 : vector<64x512xf32>
      %logistic3A_1270 = arith.divf %logistic3A_1268, %logistic3A_1269 : vector<64x512xf32>
      %slice3A_1271 = vector.extract_strided_slice %logistic3A_1270 {offsets = [0, 0], sizes = [64, 256], strides = [1, 1]} : vector<64x512xf32> to vector<64x256xf32>
      %slice3A_1272 = vector.extract_strided_slice %logistic3A_1270 {offsets = [0, 256], sizes = [64, 256], strides = [1, 1]} : vector<64x512xf32> to vector<64x256xf32>
      %mul3A_1273 = arith.mulf %add3A_1245, %slice3A_1271 : vector<64x256xf32>
      %concatenate3A_1274 = tpu.concatenate %reshape3A_1259, %mul3A_1273 in 1 : vector<64x512xf32>, vector<64x256xf32> -> vector<64x768xf32>
      %dot_general3A_1275 = arith.constant dense<0.000000e+00> : vector<64x256xf32>
      %dot_general3A_1276 = tpu.matmul %concatenate3A_1274, %get3A_678, %dot_general3A_1275 {dimension_numbers = #tpu.dot_dimension_numbers<[1], [0], [0], [1], [0, 0, 1, 1], [], []>, transpose_lhs_hint = false} : vector<64x768xf32>, vector<768x256xf32>, vector<64x256xf32> -> vector<64x256xf32>
      %add3A_1277 = vector.broadcast %get3A_681 : vector<1x256xf32> to vector<64x256xf32>
      %add3A_1278 = arith.addf %dot_general3A_1276, %add3A_1277 : vector<64x256xf32>
      %tanh3A_1279 = math.tanh %add3A_1278 : vector<64x256xf32>
      %mul3A_1280 = arith.mulf %slice3A_1272, %add3A_1245 : vector<64x256xf32>
      %sub3A_1281 = arith.constant 1.000000e+00 : f32
      %sub3A_1282 = vector.broadcast %sub3A_1281 : f32 to vector<64x256xf32>
      %sub3A_1283 = arith.subf %sub3A_1282, %slice3A_1272 : vector<64x256xf32>
      %mul3A_1284 = arith.mulf %sub3A_1283, %tanh3A_1279 : vector<64x256xf32>
      %add3A_1285 = arith.addf %mul3A_1280, %mul3A_1284 : vector<64x256xf32>
      %reshape3A_1286 = vector.shape_cast %add3A_1285 : vector<64x256xf32> to vector<8x1x8x256xf32>
      %swap3A_1287 = arith.constant 0 : index
      %swap3A_1288 = arith.index_cast %scan3A_1253 : i32 to index
      %swap3A_1289 = arith.constant 0 : index
      %swap3A_1290 = arith.constant 0 : index
      %swap3A_1291 = vector.load %arg26[%swap3A_1287, %swap3A_1288, %swap3A_1289, %swap3A_1290] : memref<8x128x8x256xf32, #tpu.memory_space<vmem>>, vector<8x1x8x256xf32>
      tpu.vector_store %arg26[%swap3A_1287, %swap3A_1288, %swap3A_1289, %swap3A_1290], %reshape3A_1286 {strides = array<i32>} : memref<8x128x8x256xf32, #tpu.memory_space<vmem>>, vector<8x1x8x256xf32>,
      %scan3A_1292 = arith.constant 127 : i32
    } else {
    }
    %get3A = arith.index_cast %arg0 : i32 to index
    %get3A_2 = arith.constant 0 : index
    %get3A_3 = arith.constant 0 : index
    %get3A_4 = arith.constant 0 : index
    %get3A_5 = vector.load %arg25[%get3A, %get3A_2, %get3A_3, %get3A_4] : memref<8x128x8x512xf32, #tpu.memory_space<vmem>>, vector<1x128x8x512xf32>
    %get3A_6 = vector.shape_cast %get3A_5 : vector<1x128x8x512xf32> to vector<128x8x512xf32>
    %get3A_7 = arith.index_cast %arg0 : i32 to index
    %get3A_8 = arith.constant 0 : index
    %get3A_9 = arith.constant 0 : index
    %get3A_10 = arith.constant 0 : index
    %get3A_11 = vector.load %arg26[%get3A_7, %get3A_8, %get3A_9, %get3A_10] : memref<8x128x8x256xf32, #tpu.memory_space<vmem>>, vector<1x128x8x256xf32>
    %get3A_12 = vector.shape_cast %get3A_11 : vector<1x128x8x256xf32> to vector<128x8x256xf32>
    %transpose3A = tpu.transpose %get3A_6, [1, 0, 2] : vector<128x8x512xf32> -> vector<8x128x512xf32>
    %swap3A = arith.constant 0 : index
    %swap3A_13 = arith.constant 0 : index
    %swap3A_14 = arith.constant 0 : index
    %swap3A_15 = vector.load %arg27[%swap3A, %swap3A_13, %swap3A_14] : memref<8x128x512xf32, #tpu.memory_space<vmem>>, vector<8x128x512xf32>
    tpu.vector_store %arg27[%swap3A, %swap3A_13, %swap3A_14], %transpose3A {strides = array<i32>} : memref<8x128x512xf32, #tpu.memory_space<vmem>>, vector<8x128x512xf32>,
    %transpose3A_16 = tpu.transpose %get3A_12, [1, 0, 2] : vector<128x8x256xf32> -> vector<8x128x256xf32>
    %swap3A_17 = arith.constant 0 : index
    %swap3A_18 = arith.constant 0 : index
    %swap3A_19 = arith.constant 0 : index
    %swap3A_20 = vector.load %arg28[%swap3A_17, %swap3A_18, %swap3A_19] : memref<8x128x256xf32, #tpu.memory_space<vmem>>, vector<8x128x256xf32>
    tpu.vector_store %arg28[%swap3A_17, %swap3A_18, %swap3A_19], %transpose3A_16 {strides = array<i32>} : memref<8x128x256xf32, #tpu.memory_space<vmem>>, vector<8x128x256xf32>,
    %reshape3A = vector.shape_cast %get3A_6 : vector<128x8x512xf32> to vector<1024x512xf32>
    %get3A_21 = arith.constant 0 : index
    %get3A_22 = arith.constant 0 : index
    %get3A_23 = vector.load %arg14[%get3A_21, %get3A_22] : memref<512x512xf32, #tpu.memory_space<vmem>>, vector<512x512xf32>
    %dot_general3A = arith.constant dense<0.000000e+00> : vector<1024x512xf32>
    %dot_general3A_24 = tpu.matmul %reshape3A, %get3A_23, %dot_general3A {dimension_numbers = #tpu.dot_dimension_numbers<[1], [0], [0], [1], [0, 0, 1, 1], [], []>, transpose_lhs_hint = false} : vector<1024x512xf32>, vector<512x512xf32>, vector<1024x512xf32> -> vector<1024x512xf32>
    %get3A_25 = arith.constant 0 : index
    %get3A_26 = arith.constant 0 : index
    %get3A_27 = vector.load %arg15[%get3A_25, %get3A_26] : memref<1x512xf32, #tpu.memory_space<vmem>>, vector<1x512xf32>
    %add3A = vector.broadcast %get3A_27 : vector<1x512xf32> to vector<1024x512xf32>
    %add3A_28 = arith.addf %dot_general3A_24, %add3A : vector<1024x512xf32>
    %reshape3A_29 = vector.shape_cast %add3A_28 : vector<1024x512xf32> to vector<128x8x512xf32>
    %swap3A_30 = arith.constant 0 : index
    %swap3A_31 = arith.constant 0 : index
    %swap3A_32 = arith.constant 0 : index
    %swap3A_33 = vector.load %arg29[%swap3A_30, %swap3A_31, %swap3A_32] : memref<128x8x512xf32, #tpu.memory_space<vmem>>, vector<128x8x512xf32>
    tpu.vector_store %arg29[%swap3A_30, %swap3A_31, %swap3A_32], %reshape3A_29 {strides = array<i32>} : memref<128x8x512xf32, #tpu.memory_space<vmem>>, vector<128x8x512xf32>,
    %reshape3A_34 = vector.shape_cast %get3A_12 : vector<128x8x256xf32> to vector<1024x256xf32>
    %get3A_35 = arith.constant 0 : index
    %get3A_36 = arith.constant 0 : index
    %get3A_37 = vector.load %arg16[%get3A_35, %get3A_36] : memref<256x512xf32, #tpu.memory_space<vmem>>, vector<256x512xf32>
    %dot_general3A_38 = arith.constant dense<0.000000e+00> : vector<1024x512xf32>
    %dot_general3A_39 = tpu.matmul %reshape3A_34, %get3A_37, %dot_general3A_38 {dimension_numbers = #tpu.dot_dimension_numbers<[1], [0], [0], [1], [0, 0, 1, 1], [], []>, transpose_lhs_hint = false} : vector<1024x256xf32>, vector<256x512xf32>, vector<1024x512xf32> -> vector<1024x512xf32>
    %reshape3A_40 = vector.shape_cast %dot_general3A_39 : vector<1024x512xf32> to vector<128x8x512xf32>
    %swap3A_41 = arith.constant 0 : index
    %swap3A_42 = arith.constant 0 : index
    %swap3A_43 = arith.constant 0 : index
    %swap3A_44 = vector.load %arg30[%swap3A_41, %swap3A_42, %swap3A_43] : memref<128x8x512xf32, #tpu.memory_space<vmem>>, vector<128x8x512xf32>
    tpu.vector_store %arg30[%swap3A_41, %swap3A_42, %swap3A_43], %reshape3A_40 {strides = array<i32>} : memref<128x8x512xf32, #tpu.memory_space<vmem>>, vector<128x8x512xf32>,
    %get3A_45 = arith.constant 0 : index
    %get3A_46 = arith.constant 0 : index
    %get3A_47 = vector.load %arg17[%get3A_45, %get3A_46] : memref<1x512xf32, #tpu.memory_space<vmem>>, vector<1x512xf32>
    %reshape3A_48 = vector.shape_cast %get3A_47 : vector<1x512xf32> to vector<1x1x512xf32>
    %broadcast_in_dim3A = arith.constant 0.000000e+00 : f32
    %broadcast_in_dim3A_49 = vector.broadcast %broadcast_in_dim3A : f32 to vector<8x1x128xf32>
    %swap3A_50 = arith.constant 0 : index
    %swap3A_51 = arith.constant 0 : index
    %swap3A_52 = arith.constant 0 : index
    %swap3A_53 = vector.load %arg31[%swap3A_50, %swap3A_51, %swap3A_52] : memref<8x128x128xf32, #tpu.memory_space<vmem>>, vector<8x1x128xf32>
    tpu.vector_store %arg31[%swap3A_50, %swap3A_51, %swap3A_52], %broadcast_in_dim3A_49 {strides = array<i32>} : memref<8x128x128xf32, #tpu.memory_space<vmem>>, vector<8x1x128xf32>,
    %scan3A = arith.constant 1 : i32
    %scan3A_54 = arith.constant 112 : i32
    %scan3A_55 = arith.addi %scan3A, %scan3A_54 : i32
    %scan3A_56 = arith.constant 16 : i32
    scf.for %scan3A_638 = %scan3A to %scan3A_55 step %scan3A_56  : i32 {
      %sub3A_639 = arith.constant 1 : i32
      %sub3A_640 = arith.subi %scan3A_638, %sub3A_639 : i32
      %get3A_641 = arith.index_cast %sub3A_640 : i32 to index
      %get3A_642 = arith.constant 0 : index
      %get3A_643 = arith.constant 0 : index
      %get3A_644 = vector.load %arg30[%get3A_641, %get3A_642, %get3A_643] : memref<128x8x512xf32, #tpu.memory_space<vmem>>, vector<1x8x512xf32>
      %get3A_645 = arith.constant 0 : index
      %get3A_646 = arith.constant 0 : index
      %get3A_647 = arith.constant 0 : index
      %get3A_648 = vector.load %arg29[%get3A_645, %get3A_646, %get3A_647] : memref<128x8x512xf32, #tpu.memory_space<vmem>>, vector<128x8x512xf32>
      %add3A_649 = vector.broadcast %get3A_644 : vector<1x8x512xf32> to vector<128x8x512xf32>
      %add3A_650 = arith.addf %get3A_648, %add3A_649 : vector<128x8x512xf32>
      %tanh3A_651 = math.tanh %add3A_650 : vector<128x8x512xf32>
      %mul3A_652 = vector.broadcast %reshape3A_48 : vector<1x1x512xf32> to vector<128x8x512xf32>
      %mul3A_653 = arith.mulf %tanh3A_651, %mul3A_652 : vector<128x8x512xf32>
      %reduce_sum3A_654 = arith.constant dense<0.000000e+00> : vector<128x8xf32>
      %reduce_sum3A_655 = vector.multi_reduction <add>, %mul3A_653, %reduce_sum3A_654 [2] : vector<128x8x512xf32> to vector<128x8xf32>
      %transpose3A_656 = tpu.transpose %reduce_sum3A_655, [1, 0] : vector<128x8xf32> -> vector<8x128xf32>
      %broadcast_in_dim3A_657 = vector.shape_cast %transpose3A_656 : vector<8x128xf32> to vector<8x1x128xf32>
      %swap3A_658 = arith.constant 0 : index
      %swap3A_659 = arith.index_cast %scan3A_638 : i32 to index
      %swap3A_660 = arith.constant 0 : index
      %swap3A_661 = vector.load %arg31[%swap3A_658, %swap3A_659, %swap3A_660] : memref<8x128x128xf32, #tpu.memory_space<vmem>>, vector<8x1x128xf32>
      tpu.vector_store %arg31[%swap3A_658, %swap3A_659, %swap3A_660], %broadcast_in_dim3A_657 {strides = array<i32>} : memref<8x128x128xf32, #tpu.memory_space<vmem>>, vector<8x1x128xf32>,
      %scan3A_662 = arith.constant 1 : i32
      %scan3A_663 = arith.addi %scan3A_638, %scan3A_662 : i32
      %sub3A_664 = arith.constant 1 : i32
      %sub3A_665 = arith.subi %scan3A_663, %sub3A_664 : i32
      %get3A_666 = arith.index_cast %sub3A_665 : i32 to index
      %get3A_667 = arith.constant 0 : index
      %get3A_668 = arith.constant 0 : index
      %get3A_669 = vector.load %arg30[%get3A_666, %get3A_667, %get3A_668] : memref<128x8x512xf32, #tpu.memory_space<vmem>>, vector<1x8x512xf32>
      %get3A_670 = arith.constant 0 : index
      %get3A_671 = arith.constant 0 : index
      %get3A_672 = arith.constant 0 : index
      %get3A_673 = vector.load %arg29[%get3A_670, %get3A_671, %get3A_672] : memref<128x8x512xf32, #tpu.memory_space<vmem>>, vector<128x8x512xf32>
      %add3A_674 = vector.broadcast %get3A_669 : vector<1x8x512xf32> to vector<128x8x512xf32>
      %add3A_675 = arith.addf %get3A_673, %add3A_674 : vector<128x8x512xf32>
      %tanh3A_676 = math.tanh %add3A_675 : vector<128x8x512xf32>
      %mul3A_677 = vector.broadcast %reshape3A_48 : vector<1x1x512xf32> to vector<128x8x512xf32>
      %mul3A_678 = arith.mulf %tanh3A_676, %mul3A_677 : vector<128x8x512xf32>
      %reduce_sum3A_679 = arith.constant dense<0.000000e+00> : vector<128x8xf32>
      %reduce_sum3A_680 = vector.multi_reduction <add>, %mul3A_678, %reduce_sum3A_679 [2] : vector<128x8x512xf32> to vector<128x8xf32>
      %transpose3A_681 = tpu.transpose %reduce_sum3A_680, [1, 0] : vector<128x8xf32> -> vector<8x128xf32>
      %broadcast_in_dim3A_682 = vector.shape_cast %transpose3A_681 : vector<8x128xf32> to vector<8x1x128xf32>
      %swap3A_683 = arith.constant 0 : index
      %swap3A_684 = arith.index_cast %scan3A_663 : i32 to index
      %swap3A_685 = arith.constant 0 : index
      %swap3A_686 = vector.load %arg31[%swap3A_683, %swap3A_684, %swap3A_685] : memref<8x128x128xf32, #tpu.memory_space<vmem>>, vector<8x1x128xf32>
      tpu.vector_store %arg31[%swap3A_683, %swap3A_684, %swap3A_685], %broadcast_in_dim3A_682 {strides = array<i32>} : memref<8x128x128xf32, #tpu.memory_space<vmem>>, vector<8x1x128xf32>,
      %scan3A_687 = arith.constant 2 : i32
      %scan3A_688 = arith.addi %scan3A_638, %scan3A_687 : i32
      %sub3A_689 = arith.constant 1 : i32
      %sub3A_690 = arith.subi %scan3A_688, %sub3A_689 : i32
      %get3A_691 = arith.index_cast %sub3A_690 : i32 to index
      %get3A_692 = arith.constant 0 : index
      %get3A_693 = arith.constant 0 : index
      %get3A_694 = vector.load %arg30[%get3A_691, %get3A_692, %get3A_693] : memref<128x8x512xf32, #tpu.memory_space<vmem>>, vector<1x8x512xf32>
      %get3A_695 = arith.constant 0 : index
      %get3A_696 = arith.constant 0 : index
      %get3A_697 = arith.constant 0 : index
      %get3A_698 = vector.load %arg29[%get3A_695, %get3A_696, %get3A_697] : memref<128x8x512xf32, #tpu.memory_space<vmem>>, vector<128x8x512xf32>
      %add3A_699 = vector.broadcast %get3A_694 : vector<1x8x512xf32> to vector<128x8x512xf32>
      %add3A_700 = arith.addf %get3A_698, %add3A_699 : vector<128x8x512xf32>
      %tanh3A_701 = math.tanh %add3A_700 : vector<128x8x512xf32>
      %mul3A_702 = vector.broadcast %reshape3A_48 : vector<1x1x512xf32> to vector<128x8x512xf32>
      %mul3A_703 = arith.mulf %tanh3A_701, %mul3A_702 : vector<128x8x512xf32>
      %reduce_sum3A_704 = arith.constant dense<0.000000e+00> : vector<128x8xf32>
      %reduce_sum3A_705 = vector.multi_reduction <add>, %mul3A_703, %reduce_sum3A_704 [2] : vector<128x8x512xf32> to vector<128x8xf32>
      %transpose3A_706 = tpu.transpose %reduce_sum3A_705, [1, 0] : vector<128x8xf32> -> vector<8x128xf32>
      %broadcast_in_dim3A_707 = vector.shape_cast %transpose3A_706 : vector<8x128xf32> to vector<8x1x128xf32>
      %swap3A_708 = arith.constant 0 : index
      %swap3A_709 = arith.index_cast %scan3A_688 : i32 to index
      %swap3A_710 = arith.constant 0 : index
      %swap3A_711 = vector.load %arg31[%swap3A_708, %swap3A_709, %swap3A_710] : memref<8x128x128xf32, #tpu.memory_space<vmem>>, vector<8x1x128xf32>
      tpu.vector_store %arg31[%swap3A_708, %swap3A_709, %swap3A_710], %broadcast_in_dim3A_707 {strides = array<i32>} : memref<8x128x128xf32, #tpu.memory_space<vmem>>, vector<8x1x128xf32>,
      %scan3A_712 = arith.constant 3 : i32
      %scan3A_713 = arith.addi %scan3A_638, %scan3A_712 : i32
      %sub3A_714 = arith.constant 1 : i32
      %sub3A_715 = arith.subi %scan3A_713, %sub3A_714 : i32
      %get3A_716 = arith.index_cast %sub3A_715 : i32 to index
      %get3A_717 = arith.constant 0 : index
      %get3A_718 = arith.constant 0 : index
      %get3A_719 = vector.load %arg30[%get3A_716, %get3A_717, %get3A_718] : memref<128x8x512xf32, #tpu.memory_space<vmem>>, vector<1x8x512xf32>
      %get3A_720 = arith.constant 0 : index
      %get3A_721 = arith.constant 0 : index
      %get3A_722 = arith.constant 0 : index
      %get3A_723 = vector.load %arg29[%get3A_720, %get3A_721, %get3A_722] : memref<128x8x512xf32, #tpu.memory_space<vmem>>, vector<128x8x512xf32>
      %add3A_724 = vector.broadcast %get3A_719 : vector<1x8x512xf32> to vector<128x8x512xf32>
      %add3A_725 = arith.addf %get3A_723, %add3A_724 : vector<128x8x512xf32>
      %tanh3A_726 = math.tanh %add3A_725 : vector<128x8x512xf32>
      %mul3A_727 = vector.broadcast %reshape3A_48 : vector<1x1x512xf32> to vector<128x8x512xf32>
      %mul3A_728 = arith.mulf %tanh3A_726, %mul3A_727 : vector<128x8x512xf32>
      %reduce_sum3A_729 = arith.constant dense<0.000000e+00> : vector<128x8xf32>
      %reduce_sum3A_730 = vector.multi_reduction <add>, %mul3A_728, %reduce_sum3A_729 [2] : vector<128x8x512xf32> to vector<128x8xf32>
      %transpose3A_731 = tpu.transpose %reduce_sum3A_730, [1, 0] : vector<128x8xf32> -> vector<8x128xf32>
      %broadcast_in_dim3A_732 = vector.shape_cast %transpose3A_731 : vector<8x128xf32> to vector<8x1x128xf32>
      %swap3A_733 = arith.constant 0 : index
      %swap3A_734 = arith.index_cast %scan3A_713 : i32 to index
      %swap3A_735 = arith.constant 0 : index
      %swap3A_736 = vector.load %arg31[%swap3A_733, %swap3A_734, %swap3A_735] : memref<8x128x128xf32, #tpu.memory_space<vmem>>, vector<8x1x128xf32>
      tpu.vector_store %arg31[%swap3A_733, %swap3A_734, %swap3A_735], %broadcast_in_dim3A_732 {strides = array<i32>} : memref<8x128x128xf32, #tpu.memory_space<vmem>>, vector<8x1x128xf32>,
      %scan3A_737 = arith.constant 4 : i32
      %scan3A_738 = arith.addi %scan3A_638, %scan3A_737 : i32
      %sub3A_739 = arith.constant 1 : i32
      %sub3A_740 = arith.subi %scan3A_738, %sub3A_739 : i32
      %get3A_741 = arith.index_cast %sub3A_740 : i32 to index
      %get3A_742 = arith.constant 0 : index
      %get3A_743 = arith.constant 0 : index
      %get3A_744 = vector.load %arg30[%get3A_741, %get3A_742, %get3A_743] : memref<128x8x512xf32, #tpu.memory_space<vmem>>, vector<1x8x512xf32>
      %get3A_745 = arith.constant 0 : index
      %get3A_746 = arith.constant 0 : index
      %get3A_747 = arith.constant 0 : index
      %get3A_748 = vector.load %arg29[%get3A_745, %get3A_746, %get3A_747] : memref<128x8x512xf32, #tpu.memory_space<vmem>>, vector<128x8x512xf32>
      %add3A_749 = vector.broadcast %get3A_744 : vector<1x8x512xf32> to vector<128x8x512xf32>
      %add3A_750 = arith.addf %get3A_748, %add3A_749 : vector<128x8x512xf32>
      %tanh3A_751 = math.tanh %add3A_750 : vector<128x8x512xf32>
      %mul3A_752 = vector.broadcast %reshape3A_48 : vector<1x1x512xf32> to vector<128x8x512xf32>
      %mul3A_753 = arith.mulf %tanh3A_751, %mul3A_752 : vector<128x8x512xf32>
      %reduce_sum3A_754 = arith.constant dense<0.000000e+00> : vector<128x8xf32>
      %reduce_sum3A_755 = vector.multi_reduction <add>, %mul3A_753, %reduce_sum3A_754 [2] : vector<128x8x512xf32> to vector<128x8xf32>
      %transpose3A_756 = tpu.transpose %reduce_sum3A_755, [1, 0] : vector<128x8xf32> -> vector<8x128xf32>
      %broadcast_in_dim3A_757 = vector.shape_cast %transpose3A_756 : vector<8x128xf32> to vector<8x1x128xf32>
      %swap3A_758 = arith.constant 0 : index
      %swap3A_759 = arith.index_cast %scan3A_738 : i32 to index
      %swap3A_760 = arith.constant 0 : index
      %swap3A_761 = vector.load %arg31[%swap3A_758, %swap3A_759, %swap3A_760] : memref<8x128x128xf32, #tpu.memory_space<vmem>>, vector<8x1x128xf32>
      tpu.vector_store %arg31[%swap3A_758, %swap3A_759, %swap3A_760], %broadcast_in_dim3A_757 {strides = array<i32>} : memref<8x128x128xf32, #tpu.memory_space<vmem>>, vector<8x1x128xf32>,
      %scan3A_762 = arith.constant 5 : i32
      %scan3A_763 = arith.addi %scan3A_638, %scan3A_762 : i32
      %sub3A_764 = arith.constant 1 : i32
      %sub3A_765 = arith.subi %scan3A_763, %sub3A_764 : i32
      %get3A_766 = arith.index_cast %sub3A_765 : i32 to index
      %get3A_767 = arith.constant 0 : index
      %get3A_768 = arith.constant 0 : index
      %get3A_769 = vector.load %arg30[%get3A_766, %get3A_767, %get3A_768] : memref<128x8x512xf32, #tpu.memory_space<vmem>>, vector<1x8x512xf32>
      %get3A_770 = arith.constant 0 : index
      %get3A_771 = arith.constant 0 : index
      %get3A_772 = arith.constant 0 : index
      %get3A_773 = vector.load %arg29[%get3A_770, %get3A_771, %get3A_772] : memref<128x8x512xf32, #tpu.memory_space<vmem>>, vector<128x8x512xf32>
      %add3A_774 = vector.broadcast %get3A_769 : vector<1x8x512xf32> to vector<128x8x512xf32>
      %add3A_775 = arith.addf %get3A_773, %add3A_774 : vector<128x8x512xf32>
      %tanh3A_776 = math.tanh %add3A_775 : vector<128x8x512xf32>
      %mul3A_777 = vector.broadcast %reshape3A_48 : vector<1x1x512xf32> to vector<128x8x512xf32>
      %mul3A_778 = arith.mulf %tanh3A_776, %mul3A_777 : vector<128x8x512xf32>
      %reduce_sum3A_779 = arith.constant dense<0.000000e+00> : vector<128x8xf32>
      %reduce_sum3A_780 = vector.multi_reduction <add>, %mul3A_778, %reduce_sum3A_779 [2] : vector<128x8x512xf32> to vector<128x8xf32>
      %transpose3A_781 = tpu.transpose %reduce_sum3A_780, [1, 0] : vector<128x8xf32> -> vector<8x128xf32>
      %broadcast_in_dim3A_782 = vector.shape_cast %transpose3A_781 : vector<8x128xf32> to vector<8x1x128xf32>
      %swap3A_783 = arith.constant 0 : index
      %swap3A_784 = arith.index_cast %scan3A_763 : i32 to index
      %swap3A_785 = arith.constant 0 : index
      %swap3A_786 = vector.load %arg31[%swap3A_783, %swap3A_784, %swap3A_785] : memref<8x128x128xf32, #tpu.memory_space<vmem>>, vector<8x1x128xf32>
      tpu.vector_store %arg31[%swap3A_783, %swap3A_784, %swap3A_785], %broadcast_in_dim3A_782 {strides = array<i32>} : memref<8x128x128xf32, #tpu.memory_space<vmem>>, vector<8x1x128xf32>,
      %scan3A_787 = arith.constant 6 : i32
      %scan3A_788 = arith.addi %scan3A_638, %scan3A_787 : i32
      %sub3A_789 = arith.constant 1 : i32
      %sub3A_790 = arith.subi %scan3A_788, %sub3A_789 : i32
      %get3A_791 = arith.index_cast %sub3A_790 : i32 to index
      %get3A_792 = arith.constant 0 : index
      %get3A_793 = arith.constant 0 : index
      %get3A_794 = vector.load %arg30[%get3A_791, %get3A_792, %get3A_793] : memref<128x8x512xf32, #tpu.memory_space<vmem>>, vector<1x8x512xf32>
      %get3A_795 = arith.constant 0 : index
      %get3A_796 = arith.constant 0 : index
      %get3A_797 = arith.constant 0 : index
      %get3A_798 = vector.load %arg29[%get3A_795, %get3A_796, %get3A_797] : memref<128x8x512xf32, #tpu.memory_space<vmem>>, vector<128x8x512xf32>
      %add3A_799 = vector.broadcast %get3A_794 : vector<1x8x512xf32> to vector<128x8x512xf32>
      %add3A_800 = arith.addf %get3A_798, %add3A_799 : vector<128x8x512xf32>
      %tanh3A_801 = math.tanh %add3A_800 : vector<128x8x512xf32>
      %mul3A_802 = vector.broadcast %reshape3A_48 : vector<1x1x512xf32> to vector<128x8x512xf32>
      %mul3A_803 = arith.mulf %tanh3A_801, %mul3A_802 : vector<128x8x512xf32>
      %reduce_sum3A_804 = arith.constant dense<0.000000e+00> : vector<128x8xf32>
      %reduce_sum3A_805 = vector.multi_reduction <add>, %mul3A_803, %reduce_sum3A_804 [2] : vector<128x8x512xf32> to vector<128x8xf32>
      %transpose3A_806 = tpu.transpose %reduce_sum3A_805, [1, 0] : vector<128x8xf32> -> vector<8x128xf32>
      %broadcast_in_dim3A_807 = vector.shape_cast %transpose3A_806 : vector<8x128xf32> to vector<8x1x128xf32>
      %swap3A_808 = arith.constant 0 : index
      %swap3A_809 = arith.index_cast %scan3A_788 : i32 to index
      %swap3A_810 = arith.constant 0 : index
      %swap3A_811 = vector.load %arg31[%swap3A_808, %swap3A_809, %swap3A_810] : memref<8x128x128xf32, #tpu.memory_space<vmem>>, vector<8x1x128xf32>
      tpu.vector_store %arg31[%swap3A_808, %swap3A_809, %swap3A_810], %broadcast_in_dim3A_807 {strides = array<i32>} : memref<8x128x128xf32, #tpu.memory_space<vmem>>, vector<8x1x128xf32>,
      %scan3A_812 = arith.constant 7 : i32
      %scan3A_813 = arith.addi %scan3A_638, %scan3A_812 : i32
      %sub3A_814 = arith.constant 1 : i32
      %sub3A_815 = arith.subi %scan3A_813, %sub3A_814 : i32
      %get3A_816 = arith.index_cast %sub3A_815 : i32 to index
      %get3A_817 = arith.constant 0 : index
      %get3A_818 = arith.constant 0 : index
      %get3A_819 = vector.load %arg30[%get3A_816, %get3A_817, %get3A_818] : memref<128x8x512xf32, #tpu.memory_space<vmem>>, vector<1x8x512xf32>
      %get3A_820 = arith.constant 0 : index
      %get3A_821 = arith.constant 0 : index
      %get3A_822 = arith.constant 0 : index
      %get3A_823 = vector.load %arg29[%get3A_820, %get3A_821, %get3A_822] : memref<128x8x512xf32, #tpu.memory_space<vmem>>, vector<128x8x512xf32>
      %add3A_824 = vector.broadcast %get3A_819 : vector<1x8x512xf32> to vector<128x8x512xf32>
      %add3A_825 = arith.addf %get3A_823, %add3A_824 : vector<128x8x512xf32>
      %tanh3A_826 = math.tanh %add3A_825 : vector<128x8x512xf32>
      %mul3A_827 = vector.broadcast %reshape3A_48 : vector<1x1x512xf32> to vector<128x8x512xf32>
      %mul3A_828 = arith.mulf %tanh3A_826, %mul3A_827 : vector<128x8x512xf32>
      %reduce_sum3A_829 = arith.constant dense<0.000000e+00> : vector<128x8xf32>
      %reduce_sum3A_830 = vector.multi_reduction <add>, %mul3A_828, %reduce_sum3A_829 [2] : vector<128x8x512xf32> to vector<128x8xf32>
      %transpose3A_831 = tpu.transpose %reduce_sum3A_830, [1, 0] : vector<128x8xf32> -> vector<8x128xf32>
      %broadcast_in_dim3A_832 = vector.shape_cast %transpose3A_831 : vector<8x128xf32> to vector<8x1x128xf32>
      %swap3A_833 = arith.constant 0 : index
      %swap3A_834 = arith.index_cast %scan3A_813 : i32 to index
      %swap3A_835 = arith.constant 0 : index
      %swap3A_836 = vector.load %arg31[%swap3A_833, %swap3A_834, %swap3A_835] : memref<8x128x128xf32, #tpu.memory_space<vmem>>, vector<8x1x128xf32>
      tpu.vector_store %arg31[%swap3A_833, %swap3A_834, %swap3A_835], %broadcast_in_dim3A_832 {strides = array<i32>} : memref<8x128x128xf32, #tpu.memory_space<vmem>>, vector<8x1x128xf32>,
      %scan3A_837 = arith.constant 8 : i32
      %scan3A_838 = arith.addi %scan3A_638, %scan3A_837 : i32
      %sub3A_839 = arith.constant 1 : i32
      %sub3A_840 = arith.subi %scan3A_838, %sub3A_839 : i32
      %get3A_841 = arith.index_cast %sub3A_840 : i32 to index
      %get3A_842 = arith.constant 0 : index
      %get3A_843 = arith.constant 0 : index
      %get3A_844 = vector.load %arg30[%get3A_841, %get3A_842, %get3A_843] : memref<128x8x512xf32, #tpu.memory_space<vmem>>, vector<1x8x512xf32>
      %get3A_845 = arith.constant 0 : index
      %get3A_846 = arith.constant 0 : index
      %get3A_847 = arith.constant 0 : index
      %get3A_848 = vector.load %arg29[%get3A_845, %get3A_846, %get3A_847] : memref<128x8x512xf32, #tpu.memory_space<vmem>>, vector<128x8x512xf32>
      %add3A_849 = vector.broadcast %get3A_844 : vector<1x8x512xf32> to vector<128x8x512xf32>
      %add3A_850 = arith.addf %get3A_848, %add3A_849 : vector<128x8x512xf32>
      %tanh3A_851 = math.tanh %add3A_850 : vector<128x8x512xf32>
      %mul3A_852 = vector.broadcast %reshape3A_48 : vector<1x1x512xf32> to vector<128x8x512xf32>
      %mul3A_853 = arith.mulf %tanh3A_851, %mul3A_852 : vector<128x8x512xf32>
      %reduce_sum3A_854 = arith.constant dense<0.000000e+00> : vector<128x8xf32>
      %reduce_sum3A_855 = vector.multi_reduction <add>, %mul3A_853, %reduce_sum3A_854 [2] : vector<128x8x512xf32> to vector<128x8xf32>
      %transpose3A_856 = tpu.transpose %reduce_sum3A_855, [1, 0] : vector<128x8xf32> -> vector<8x128xf32>
      %broadcast_in_dim3A_857 = vector.shape_cast %transpose3A_856 : vector<8x128xf32> to vector<8x1x128xf32>
      %swap3A_858 = arith.constant 0 : index
      %swap3A_859 = arith.index_cast %scan3A_838 : i32 to index
      %swap3A_860 = arith.constant 0 : index
      %swap3A_861 = vector.load %arg31[%swap3A_858, %swap3A_859, %swap3A_860] : memref<8x128x128xf32, #tpu.memory_space<vmem>>, vector<8x1x128xf32>
      tpu.vector_store %arg31[%swap3A_858, %swap3A_859, %swap3A_860], %broadcast_in_dim3A_857 {strides = array<i32>} : memref<8x128x128xf32, #tpu.memory_space<vmem>>, vector<8x1x128xf32>,
      %scan3A_862 = arith.constant 9 : i32
      %scan3A_863 = arith.addi %scan3A_638, %scan3A_862 : i32
      %sub3A_864 = arith.constant 1 : i32
      %sub3A_865 = arith.subi %scan3A_863, %sub3A_864 : i32
      %get3A_866 = arith.index_cast %sub3A_865 : i32 to index
      %get3A_867 = arith.constant 0 : index
      %get3A_868 = arith.constant 0 : index
      %get3A_869 = vector.load %arg30[%get3A_866, %get3A_867, %get3A_868] : memref<128x8x512xf32, #tpu.memory_space<vmem>>, vector<1x8x512xf32>
      %get3A_870 = arith.constant 0 : index
      %get3A_871 = arith.constant 0 : index
      %get3A_872 = arith.constant 0 : index
      %get3A_873 = vector.load %arg29[%get3A_870, %get3A_871, %get3A_872] : memref<128x8x512xf32, #tpu.memory_space<vmem>>, vector<128x8x512xf32>
      %add3A_874 = vector.broadcast %get3A_869 : vector<1x8x512xf32> to vector<128x8x512xf32>
      %add3A_875 = arith.addf %get3A_873, %add3A_874 : vector<128x8x512xf32>
      %tanh3A_876 = math.tanh %add3A_875 : vector<128x8x512xf32>
      %mul3A_877 = vector.broadcast %reshape3A_48 : vector<1x1x512xf32> to vector<128x8x512xf32>
      %mul3A_878 = arith.mulf %tanh3A_876, %mul3A_877 : vector<128x8x512xf32>
      %reduce_sum3A_879 = arith.constant dense<0.000000e+00> : vector<128x8xf32>
      %reduce_sum3A_880 = vector.multi_reduction <add>, %mul3A_878, %reduce_sum3A_879 [2] : vector<128x8x512xf32> to vector<128x8xf32>
      %transpose3A_881 = tpu.transpose %reduce_sum3A_880, [1, 0] : vector<128x8xf32> -> vector<8x128xf32>
      %broadcast_in_dim3A_882 = vector.shape_cast %transpose3A_881 : vector<8x128xf32> to vector<8x1x128xf32>
      %swap3A_883 = arith.constant 0 : index
      %swap3A_884 = arith.index_cast %scan3A_863 : i32 to index
      %swap3A_885 = arith.constant 0 : index
      %swap3A_886 = vector.load %arg31[%swap3A_883, %swap3A_884, %swap3A_885] : memref<8x128x128xf32, #tpu.memory_space<vmem>>, vector<8x1x128xf32>
      tpu.vector_store %arg31[%swap3A_883, %swap3A_884, %swap3A_885], %broadcast_in_dim3A_882 {strides = array<i32>} : memref<8x128x128xf32, #tpu.memory_space<vmem>>, vector<8x1x128xf32>,
      %scan3A_887 = arith.constant 10 : i32
      %scan3A_888 = arith.addi %scan3A_638, %scan3A_887 : i32
      %sub3A_889 = arith.constant 1 : i32
      %sub3A_890 = arith.subi %scan3A_888, %sub3A_889 : i32
      %get3A_891 = arith.index_cast %sub3A_890 : i32 to index
      %get3A_892 = arith.constant 0 : index
      %get3A_893 = arith.constant 0 : index
      %get3A_894 = vector.load %arg30[%get3A_891, %get3A_892, %get3A_893] : memref<128x8x512xf32, #tpu.memory_space<vmem>>, vector<1x8x512xf32>
      %get3A_895 = arith.constant 0 : index
      %get3A_896 = arith.constant 0 : index
      %get3A_897 = arith.constant 0 : index
      %get3A_898 = vector.load %arg29[%get3A_895, %get3A_896, %get3A_897] : memref<128x8x512xf32, #tpu.memory_space<vmem>>, vector<128x8x512xf32>
      %add3A_899 = vector.broadcast %get3A_894 : vector<1x8x512xf32> to vector<128x8x512xf32>
      %add3A_900 = arith.addf %get3A_898, %add3A_899 : vector<128x8x512xf32>
      %tanh3A_901 = math.tanh %add3A_900 : vector<128x8x512xf32>
      %mul3A_902 = vector.broadcast %reshape3A_48 : vector<1x1x512xf32> to vector<128x8x512xf32>
      %mul3A_903 = arith.mulf %tanh3A_901, %mul3A_902 : vector<128x8x512xf32>
      %reduce_sum3A_904 = arith.constant dense<0.000000e+00> : vector<128x8xf32>
      %reduce_sum3A_905 = vector.multi_reduction <add>, %mul3A_903, %reduce_sum3A_904 [2] : vector<128x8x512xf32> to vector<128x8xf32>
      %transpose3A_906 = tpu.transpose %reduce_sum3A_905, [1, 0] : vector<128x8xf32> -> vector<8x128xf32>
      %broadcast_in_dim3A_907 = vector.shape_cast %transpose3A_906 : vector<8x128xf32> to vector<8x1x128xf32>
      %swap3A_908 = arith.constant 0 : index
      %swap3A_909 = arith.index_cast %scan3A_888 : i32 to index
      %swap3A_910 = arith.constant 0 : index
      %swap3A_911 = vector.load %arg31[%swap3A_908, %swap3A_909, %swap3A_910] : memref<8x128x128xf32, #tpu.memory_space<vmem>>, vector<8x1x128xf32>
      tpu.vector_store %arg31[%swap3A_908, %swap3A_909, %swap3A_910], %broadcast_in_dim3A_907 {strides = array<i32>} : memref<8x128x128xf32, #tpu.memory_space<vmem>>, vector<8x1x128xf32>,
      %scan3A_912 = arith.constant 11 : i32
      %scan3A_913 = arith.addi %scan3A_638, %scan3A_912 : i32
      %sub3A_914 = arith.constant 1 : i32
      %sub3A_915 = arith.subi %scan3A_913, %sub3A_914 : i32
      %get3A_916 = arith.index_cast %sub3A_915 : i32 to index
      %get3A_917 = arith.constant 0 : index
      %get3A_918 = arith.constant 0 : index
      %get3A_919 = vector.load %arg30[%get3A_916, %get3A_917, %get3A_918] : memref<128x8x512xf32, #tpu.memory_space<vmem>>, vector<1x8x512xf32>
      %get3A_920 = arith.constant 0 : index
      %get3A_921 = arith.constant 0 : index
      %get3A_922 = arith.constant 0 : index
      %get3A_923 = vector.load %arg29[%get3A_920, %get3A_921, %get3A_922] : memref<128x8x512xf32, #tpu.memory_space<vmem>>, vector<128x8x512xf32>
      %add3A_924 = vector.broadcast %get3A_919 : vector<1x8x512xf32> to vector<128x8x512xf32>
      %add3A_925 = arith.addf %get3A_923, %add3A_924 : vector<128x8x512xf32>
      %tanh3A_926 = math.tanh %add3A_925 : vector<128x8x512xf32>
      %mul3A_927 = vector.broadcast %reshape3A_48 : vector<1x1x512xf32> to vector<128x8x512xf32>
      %mul3A_928 = arith.mulf %tanh3A_926, %mul3A_927 : vector<128x8x512xf32>
      %reduce_sum3A_929 = arith.constant dense<0.000000e+00> : vector<128x8xf32>
      %reduce_sum3A_930 = vector.multi_reduction <add>, %mul3A_928, %reduce_sum3A_929 [2] : vector<128x8x512xf32> to vector<128x8xf32>
      %transpose3A_931 = tpu.transpose %reduce_sum3A_930, [1, 0] : vector<128x8xf32> -> vector<8x128xf32>
      %broadcast_in_dim3A_932 = vector.shape_cast %transpose3A_931 : vector<8x128xf32> to vector<8x1x128xf32>
      %swap3A_933 = arith.constant 0 : index
      %swap3A_934 = arith.index_cast %scan3A_913 : i32 to index
      %swap3A_935 = arith.constant 0 : index
      %swap3A_936 = vector.load %arg31[%swap3A_933, %swap3A_934, %swap3A_935] : memref<8x128x128xf32, #tpu.memory_space<vmem>>, vector<8x1x128xf32>
      tpu.vector_store %arg31[%swap3A_933, %swap3A_934, %swap3A_935], %broadcast_in_dim3A_932 {strides = array<i32>} : memref<8x128x128xf32, #tpu.memory_space<vmem>>, vector<8x1x128xf32>,
      %scan3A_937 = arith.constant 12 : i32
      %scan3A_938 = arith.addi %scan3A_638, %scan3A_937 : i32
      %sub3A_939 = arith.constant 1 : i32
      %sub3A_940 = arith.subi %scan3A_938, %sub3A_939 : i32
      %get3A_941 = arith.index_cast %sub3A_940 : i32 to index
      %get3A_942 = arith.constant 0 : index
      %get3A_943 = arith.constant 0 : index
      %get3A_944 = vector.load %arg30[%get3A_941, %get3A_942, %get3A_943] : memref<128x8x512xf32, #tpu.memory_space<vmem>>, vector<1x8x512xf32>
      %get3A_945 = arith.constant 0 : index
      %get3A_946 = arith.constant 0 : index
      %get3A_947 = arith.constant 0 : index
      %get3A_948 = vector.load %arg29[%get3A_945, %get3A_946, %get3A_947] : memref<128x8x512xf32, #tpu.memory_space<vmem>>, vector<128x8x512xf32>
      %add3A_949 = vector.broadcast %get3A_944 : vector<1x8x512xf32> to vector<128x8x512xf32>
      %add3A_950 = arith.addf %get3A_948, %add3A_949 : vector<128x8x512xf32>
      %tanh3A_951 = math.tanh %add3A_950 : vector<128x8x512xf32>
      %mul3A_952 = vector.broadcast %reshape3A_48 : vector<1x1x512xf32> to vector<128x8x512xf32>
      %mul3A_953 = arith.mulf %tanh3A_951, %mul3A_952 : vector<128x8x512xf32>
      %reduce_sum3A_954 = arith.constant dense<0.000000e+00> : vector<128x8xf32>
      %reduce_sum3A_955 = vector.multi_reduction <add>, %mul3A_953, %reduce_sum3A_954 [2] : vector<128x8x512xf32> to vector<128x8xf32>
      %transpose3A_956 = tpu.transpose %reduce_sum3A_955, [1, 0] : vector<128x8xf32> -> vector<8x128xf32>
      %broadcast_in_dim3A_957 = vector.shape_cast %transpose3A_956 : vector<8x128xf32> to vector<8x1x128xf32>
      %swap3A_958 = arith.constant 0 : index
      %swap3A_959 = arith.index_cast %scan3A_938 : i32 to index
      %swap3A_960 = arith.constant 0 : index
      %swap3A_961 = vector.load %arg31[%swap3A_958, %swap3A_959, %swap3A_960] : memref<8x128x128xf32, #tpu.memory_space<vmem>>, vector<8x1x128xf32>
      tpu.vector_store %arg31[%swap3A_958, %swap3A_959, %swap3A_960], %broadcast_in_dim3A_957 {strides = array<i32>} : memref<8x128x128xf32, #tpu.memory_space<vmem>>, vector<8x1x128xf32>,
      %scan3A_962 = arith.constant 13 : i32
      %scan3A_963 = arith.addi %scan3A_638, %scan3A_962 : i32
      %sub3A_964 = arith.constant 1 : i32
      %sub3A_965 = arith.subi %scan3A_963, %sub3A_964 : i32
      %get3A_966 = arith.index_cast %sub3A_965 : i32 to index
      %get3A_967 = arith.constant 0 : index
      %get3A_968 = arith.constant 0 : index
      %get3A_969 = vector.load %arg30[%get3A_966, %get3A_967, %get3A_968] : memref<128x8x512xf32, #tpu.memory_space<vmem>>, vector<1x8x512xf32>
      %get3A_970 = arith.constant 0 : index
      %get3A_971 = arith.constant 0 : index
      %get3A_972 = arith.constant 0 : index
      %get3A_973 = vector.load %arg29[%get3A_970, %get3A_971, %get3A_972] : memref<128x8x512xf32, #tpu.memory_space<vmem>>, vector<128x8x512xf32>
      %add3A_974 = vector.broadcast %get3A_969 : vector<1x8x512xf32> to vector<128x8x512xf32>
      %add3A_975 = arith.addf %get3A_973, %add3A_974 : vector<128x8x512xf32>
      %tanh3A_976 = math.tanh %add3A_975 : vector<128x8x512xf32>
      %mul3A_977 = vector.broadcast %reshape3A_48 : vector<1x1x512xf32> to vector<128x8x512xf32>
      %mul3A_978 = arith.mulf %tanh3A_976, %mul3A_977 : vector<128x8x512xf32>
      %reduce_sum3A_979 = arith.constant dense<0.000000e+00> : vector<128x8xf32>
      %reduce_sum3A_980 = vector.multi_reduction <add>, %mul3A_978, %reduce_sum3A_979 [2] : vector<128x8x512xf32> to vector<128x8xf32>
      %transpose3A_981 = tpu.transpose %reduce_sum3A_980, [1, 0] : vector<128x8xf32> -> vector<8x128xf32>
      %broadcast_in_dim3A_982 = vector.shape_cast %transpose3A_981 : vector<8x128xf32> to vector<8x1x128xf32>
      %swap3A_983 = arith.constant 0 : index
      %swap3A_984 = arith.index_cast %scan3A_963 : i32 to index
      %swap3A_985 = arith.constant 0 : index
      %swap3A_986 = vector.load %arg31[%swap3A_983, %swap3A_984, %swap3A_985] : memref<8x128x128xf32, #tpu.memory_space<vmem>>, vector<8x1x128xf32>
      tpu.vector_store %arg31[%swap3A_983, %swap3A_984, %swap3A_985], %broadcast_in_dim3A_982 {strides = array<i32>} : memref<8x128x128xf32, #tpu.memory_space<vmem>>, vector<8x1x128xf32>,
      %scan3A_987 = arith.constant 14 : i32
      %scan3A_988 = arith.addi %scan3A_638, %scan3A_987 : i32
      %sub3A_989 = arith.constant 1 : i32
      %sub3A_990 = arith.subi %scan3A_988, %sub3A_989 : i32
      %get3A_991 = arith.index_cast %sub3A_990 : i32 to index
      %get3A_992 = arith.constant 0 : index
      %get3A_993 = arith.constant 0 : index
      %get3A_994 = vector.load %arg30[%get3A_991, %get3A_992, %get3A_993] : memref<128x8x512xf32, #tpu.memory_space<vmem>>, vector<1x8x512xf32>
      %get3A_995 = arith.constant 0 : index
      %get3A_996 = arith.constant 0 : index
      %get3A_997 = arith.constant 0 : index
      %get3A_998 = vector.load %arg29[%get3A_995, %get3A_996, %get3A_997] : memref<128x8x512xf32, #tpu.memory_space<vmem>>, vector<128x8x512xf32>
      %add3A_999 = vector.broadcast %get3A_994 : vector<1x8x512xf32> to vector<128x8x512xf32>
      %add3A_1000 = arith.addf %get3A_998, %add3A_999 : vector<128x8x512xf32>
      %tanh3A_1001 = math.tanh %add3A_1000 : vector<128x8x512xf32>
      %mul3A_1002 = vector.broadcast %reshape3A_48 : vector<1x1x512xf32> to vector<128x8x512xf32>
      %mul3A_1003 = arith.mulf %tanh3A_1001, %mul3A_1002 : vector<128x8x512xf32>
      %reduce_sum3A_1004 = arith.constant dense<0.000000e+00> : vector<128x8xf32>
      %reduce_sum3A_1005 = vector.multi_reduction <add>, %mul3A_1003, %reduce_sum3A_1004 [2] : vector<128x8x512xf32> to vector<128x8xf32>
      %transpose3A_1006 = tpu.transpose %reduce_sum3A_1005, [1, 0] : vector<128x8xf32> -> vector<8x128xf32>
      %broadcast_in_dim3A_1007 = vector.shape_cast %transpose3A_1006 : vector<8x128xf32> to vector<8x1x128xf32>
      %swap3A_1008 = arith.constant 0 : index
      %swap3A_1009 = arith.index_cast %scan3A_988 : i32 to index
      %swap3A_1010 = arith.constant 0 : index
      %swap3A_1011 = vector.load %arg31[%swap3A_1008, %swap3A_1009, %swap3A_1010] : memref<8x128x128xf32, #tpu.memory_space<vmem>>, vector<8x1x128xf32>
      tpu.vector_store %arg31[%swap3A_1008, %swap3A_1009, %swap3A_1010], %broadcast_in_dim3A_1007 {strides = array<i32>} : memref<8x128x128xf32, #tpu.memory_space<vmem>>, vector<8x1x128xf32>,
      %scan3A_1012 = arith.constant 15 : i32
      %scan3A_1013 = arith.addi %scan3A_638, %scan3A_1012 : i32
      %sub3A_1014 = arith.constant 1 : i32
      %sub3A_1015 = arith.subi %scan3A_1013, %sub3A_1014 : i32
      %get3A_1016 = arith.index_cast %sub3A_1015 : i32 to index
      %get3A_1017 = arith.constant 0 : index
      %get3A_1018 = arith.constant 0 : index
      %get3A_1019 = vector.load %arg30[%get3A_1016, %get3A_1017, %get3A_1018] : memref<128x8x512xf32, #tpu.memory_space<vmem>>, vector<1x8x512xf32>
      %get3A_1020 = arith.constant 0 : index
      %get3A_1021 = arith.constant 0 : index
      %get3A_1022 = arith.constant 0 : index
      %get3A_1023 = vector.load %arg29[%get3A_1020, %get3A_1021, %get3A_1022] : memref<128x8x512xf32, #tpu.memory_space<vmem>>, vector<128x8x512xf32>
      %add3A_1024 = vector.broadcast %get3A_1019 : vector<1x8x512xf32> to vector<128x8x512xf32>
      %add3A_1025 = arith.addf %get3A_1023, %add3A_1024 : vector<128x8x512xf32>
      %tanh3A_1026 = math.tanh %add3A_1025 : vector<128x8x512xf32>
      %mul3A_1027 = vector.broadcast %reshape3A_48 : vector<1x1x512xf32> to vector<128x8x512xf32>
      %mul3A_1028 = arith.mulf %tanh3A_1026, %mul3A_1027 : vector<128x8x512xf32>
      %reduce_sum3A_1029 = arith.constant dense<0.000000e+00> : vector<128x8xf32>
      %reduce_sum3A_1030 = vector.multi_reduction <add>, %mul3A_1028, %reduce_sum3A_1029 [2] : vector<128x8x512xf32> to vector<128x8xf32>
      %transpose3A_1031 = tpu.transpose %reduce_sum3A_1030, [1, 0] : vector<128x8xf32> -> vector<8x128xf32>
      %broadcast_in_dim3A_1032 = vector.shape_cast %transpose3A_1031 : vector<8x128xf32> to vector<8x1x128xf32>
      %swap3A_1033 = arith.constant 0 : index
      %swap3A_1034 = arith.index_cast %scan3A_1013 : i32 to index
      %swap3A_1035 = arith.constant 0 : index
      %swap3A_1036 = vector.load %arg31[%swap3A_1033, %swap3A_1034, %swap3A_1035] : memref<8x128x128xf32, #tpu.memory_space<vmem>>, vector<8x1x128xf32>
      tpu.vector_store %arg31[%swap3A_1033, %swap3A_1034, %swap3A_1035], %broadcast_in_dim3A_1032 {strides = array<i32>} : memref<8x128x128xf32, #tpu.memory_space<vmem>>, vector<8x1x128xf32>,
    }
    %scan3A_57 = arith.constant 112 : i32
    %scan3A_58 = arith.addi %scan3A, %scan3A_57 : i32
    %sub3A = arith.constant 1 : i32
    %sub3A_59 = arith.subi %scan3A_58, %sub3A : i32
    %get3A_60 = arith.index_cast %sub3A_59 : i32 to index
    %get3A_61 = arith.constant 0 : index
    %get3A_62 = arith.constant 0 : index
    %get3A_63 = vector.load %arg30[%get3A_60, %get3A_61, %get3A_62] : memref<128x8x512xf32, #tpu.memory_space<vmem>>, vector<1x8x512xf32>
    %get3A_64 = arith.constant 0 : index
    %get3A_65 = arith.constant 0 : index
    %get3A_66 = arith.constant 0 : index
    %get3A_67 = vector.load %arg29[%get3A_64, %get3A_65, %get3A_66] : memref<128x8x512xf32, #tpu.memory_space<vmem>>, vector<128x8x512xf32>
    %add3A_68 = vector.broadcast %get3A_63 : vector<1x8x512xf32> to vector<128x8x512xf32>
    %add3A_69 = arith.addf %get3A_67, %add3A_68 : vector<128x8x512xf32>
    %tanh3A = math.tanh %add3A_69 : vector<128x8x512xf32>
    %mul3A = vector.broadcast %reshape3A_48 : vector<1x1x512xf32> to vector<128x8x512xf32>
    %mul3A_70 = arith.mulf %tanh3A, %mul3A : vector<128x8x512xf32>
    %reduce_sum3A = arith.constant dense<0.000000e+00> : vector<128x8xf32>
    %reduce_sum3A_71 = vector.multi_reduction <add>, %mul3A_70, %reduce_sum3A [2] : vector<128x8x512xf32> to vector<128x8xf32>
    %transpose3A_72 = tpu.transpose %reduce_sum3A_71, [1, 0] : vector<128x8xf32> -> vector<8x128xf32>
    %broadcast_in_dim3A_73 = vector.shape_cast %transpose3A_72 : vector<8x128xf32> to vector<8x1x128xf32>
    %swap3A_74 = arith.constant 0 : index
    %swap3A_75 = arith.index_cast %scan3A_58 : i32 to index
    %swap3A_76 = arith.constant 0 : index
    %swap3A_77 = vector.load %arg31[%swap3A_74, %swap3A_75, %swap3A_76] : memref<8x128x128xf32, #tpu.memory_space<vmem>>, vector<8x1x128xf32>
    tpu.vector_store %arg31[%swap3A_74, %swap3A_75, %swap3A_76], %broadcast_in_dim3A_73 {strides = array<i32>} : memref<8x128x128xf32, #tpu.memory_space<vmem>>, vector<8x1x128xf32>,
    %scan3A_78 = arith.constant 113 : i32
    %scan3A_79 = arith.addi %scan3A, %scan3A_78 : i32
    %sub3A_80 = arith.constant 1 : i32
    %sub3A_81 = arith.subi %scan3A_79, %sub3A_80 : i32
    %get3A_82 = arith.index_cast %sub3A_81 : i32 to index
    %get3A_83 = arith.constant 0 : index
    %get3A_84 = arith.constant 0 : index
    %get3A_85 = vector.load %arg30[%get3A_82, %get3A_83, %get3A_84] : memref<128x8x512xf32, #tpu.memory_space<vmem>>, vector<1x8x512xf32>
    %get3A_86 = arith.constant 0 : index
    %get3A_87 = arith.constant 0 : index
    %get3A_88 = arith.constant 0 : index
    %get3A_89 = vector.load %arg29[%get3A_86, %get3A_87, %get3A_88] : memref<128x8x512xf32, #tpu.memory_space<vmem>>, vector<128x8x512xf32>
    %add3A_90 = vector.broadcast %get3A_85 : vector<1x8x512xf32> to vector<128x8x512xf32>
    %add3A_91 = arith.addf %get3A_89, %add3A_90 : vector<128x8x512xf32>
    %tanh3A_92 = math.tanh %add3A_91 : vector<128x8x512xf32>
    %mul3A_93 = vector.broadcast %reshape3A_48 : vector<1x1x512xf32> to vector<128x8x512xf32>
    %mul3A_94 = arith.mulf %tanh3A_92, %mul3A_93 : vector<128x8x512xf32>
    %reduce_sum3A_95 = arith.constant dense<0.000000e+00> : vector<128x8xf32>
    %reduce_sum3A_96 = vector.multi_reduction <add>, %mul3A_94, %reduce_sum3A_95 [2] : vector<128x8x512xf32> to vector<128x8xf32>
    %transpose3A_97 = tpu.transpose %reduce_sum3A_96, [1, 0] : vector<128x8xf32> -> vector<8x128xf32>
    %broadcast_in_dim3A_98 = vector.shape_cast %transpose3A_97 : vector<8x128xf32> to vector<8x1x128xf32>
    %swap3A_99 = arith.constant 0 : index
    %swap3A_100 = arith.index_cast %scan3A_79 : i32 to index
    %swap3A_101 = arith.constant 0 : index
    %swap3A_102 = vector.load %arg31[%swap3A_99, %swap3A_100, %swap3A_101] : memref<8x128x128xf32, #tpu.memory_space<vmem>>, vector<8x1x128xf32>
    tpu.vector_store %arg31[%swap3A_99, %swap3A_100, %swap3A_101], %broadcast_in_dim3A_98 {strides = array<i32>} : memref<8x128x128xf32, #tpu.memory_space<vmem>>, vector<8x1x128xf32>,
    %scan3A_103 = arith.constant 114 : i32
    %scan3A_104 = arith.addi %scan3A, %scan3A_103 : i32
    %sub3A_105 = arith.constant 1 : i32
    %sub3A_106 = arith.subi %scan3A_104, %sub3A_105 : i32
    %get3A_107 = arith.index_cast %sub3A_106 : i32 to index
    %get3A_108 = arith.constant 0 : index
    %get3A_109 = arith.constant 0 : index
    %get3A_110 = vector.load %arg30[%get3A_107, %get3A_108, %get3A_109] : memref<128x8x512xf32, #tpu.memory_space<vmem>>, vector<1x8x512xf32>
    %get3A_111 = arith.constant 0 : index
    %get3A_112 = arith.constant 0 : index
    %get3A_113 = arith.constant 0 : index
    %get3A_114 = vector.load %arg29[%get3A_111, %get3A_112, %get3A_113] : memref<128x8x512xf32, #tpu.memory_space<vmem>>, vector<128x8x512xf32>
    %add3A_115 = vector.broadcast %get3A_110 : vector<1x8x512xf32> to vector<128x8x512xf32>
    %add3A_116 = arith.addf %get3A_114, %add3A_115 : vector<128x8x512xf32>
    %tanh3A_117 = math.tanh %add3A_116 : vector<128x8x512xf32>
    %mul3A_118 = vector.broadcast %reshape3A_48 : vector<1x1x512xf32> to vector<128x8x512xf32>
    %mul3A_119 = arith.mulf %tanh3A_117, %mul3A_118 : vector<128x8x512xf32>
    %reduce_sum3A_120 = arith.constant dense<0.000000e+00> : vector<128x8xf32>
    %reduce_sum3A_121 = vector.multi_reduction <add>, %mul3A_119, %reduce_sum3A_120 [2] : vector<128x8x512xf32> to vector<128x8xf32>
    %transpose3A_122 = tpu.transpose %reduce_sum3A_121, [1, 0] : vector<128x8xf32> -> vector<8x128xf32>
    %broadcast_in_dim3A_123 = vector.shape_cast %transpose3A_122 : vector<8x128xf32> to vector<8x1x128xf32>
    %swap3A_124 = arith.constant 0 : index
    %swap3A_125 = arith.index_cast %scan3A_104 : i32 to index
    %swap3A_126 = arith.constant 0 : index
    %swap3A_127 = vector.load %arg31[%swap3A_124, %swap3A_125, %swap3A_126] : memref<8x128x128xf32, #tpu.memory_space<vmem>>, vector<8x1x128xf32>
    tpu.vector_store %arg31[%swap3A_124, %swap3A_125, %swap3A_126], %broadcast_in_dim3A_123 {strides = array<i32>} : memref<8x128x128xf32, #tpu.memory_space<vmem>>, vector<8x1x128xf32>,
    %scan3A_128 = arith.constant 115 : i32
    %scan3A_129 = arith.addi %scan3A, %scan3A_128 : i32
    %sub3A_130 = arith.constant 1 : i32
    %sub3A_131 = arith.subi %scan3A_129, %sub3A_130 : i32
    %get3A_132 = arith.index_cast %sub3A_131 : i32 to index
    %get3A_133 = arith.constant 0 : index
    %get3A_134 = arith.constant 0 : index
    %get3A_135 = vector.load %arg30[%get3A_132, %get3A_133, %get3A_134] : memref<128x8x512xf32, #tpu.memory_space<vmem>>, vector<1x8x512xf32>
    %get3A_136 = arith.constant 0 : index
    %get3A_137 = arith.constant 0 : index
    %get3A_138 = arith.constant 0 : index
    %get3A_139 = vector.load %arg29[%get3A_136, %get3A_137, %get3A_138] : memref<128x8x512xf32, #tpu.memory_space<vmem>>, vector<128x8x512xf32>
    %add3A_140 = vector.broadcast %get3A_135 : vector<1x8x512xf32> to vector<128x8x512xf32>
    %add3A_141 = arith.addf %get3A_139, %add3A_140 : vector<128x8x512xf32>
    %tanh3A_142 = math.tanh %add3A_141 : vector<128x8x512xf32>
    %mul3A_143 = vector.broadcast %reshape3A_48 : vector<1x1x512xf32> to vector<128x8x512xf32>
    %mul3A_144 = arith.mulf %tanh3A_142, %mul3A_143 : vector<128x8x512xf32>
    %reduce_sum3A_145 = arith.constant dense<0.000000e+00> : vector<128x8xf32>
    %reduce_sum3A_146 = vector.multi_reduction <add>, %mul3A_144, %reduce_sum3A_145 [2] : vector<128x8x512xf32> to vector<128x8xf32>
    %transpose3A_147 = tpu.transpose %reduce_sum3A_146, [1, 0] : vector<128x8xf32> -> vector<8x128xf32>
    %broadcast_in_dim3A_148 = vector.shape_cast %transpose3A_147 : vector<8x128xf32> to vector<8x1x128xf32>
    %swap3A_149 = arith.constant 0 : index
    %swap3A_150 = arith.index_cast %scan3A_129 : i32 to index
    %swap3A_151 = arith.constant 0 : index
    %swap3A_152 = vector.load %arg31[%swap3A_149, %swap3A_150, %swap3A_151] : memref<8x128x128xf32, #tpu.memory_space<vmem>>, vector<8x1x128xf32>
    tpu.vector_store %arg31[%swap3A_149, %swap3A_150, %swap3A_151], %broadcast_in_dim3A_148 {strides = array<i32>} : memref<8x128x128xf32, #tpu.memory_space<vmem>>, vector<8x1x128xf32>,
    %scan3A_153 = arith.constant 116 : i32
    %scan3A_154 = arith.addi %scan3A, %scan3A_153 : i32
    %sub3A_155 = arith.constant 1 : i32
    %sub3A_156 = arith.subi %scan3A_154, %sub3A_155 : i32
    %get3A_157 = arith.index_cast %sub3A_156 : i32 to index
    %get3A_158 = arith.constant 0 : index
    %get3A_159 = arith.constant 0 : index
    %get3A_160 = vector.load %arg30[%get3A_157, %get3A_158, %get3A_159] : memref<128x8x512xf32, #tpu.memory_space<vmem>>, vector<1x8x512xf32>
    %get3A_161 = arith.constant 0 : index
    %get3A_162 = arith.constant 0 : index
    %get3A_163 = arith.constant 0 : index
    %get3A_164 = vector.load %arg29[%get3A_161, %get3A_162, %get3A_163] : memref<128x8x512xf32, #tpu.memory_space<vmem>>, vector<128x8x512xf32>
    %add3A_165 = vector.broadcast %get3A_160 : vector<1x8x512xf32> to vector<128x8x512xf32>
    %add3A_166 = arith.addf %get3A_164, %add3A_165 : vector<128x8x512xf32>
    %tanh3A_167 = math.tanh %add3A_166 : vector<128x8x512xf32>
    %mul3A_168 = vector.broadcast %reshape3A_48 : vector<1x1x512xf32> to vector<128x8x512xf32>
    %mul3A_169 = arith.mulf %tanh3A_167, %mul3A_168 : vector<128x8x512xf32>
    %reduce_sum3A_170 = arith.constant dense<0.000000e+00> : vector<128x8xf32>
    %reduce_sum3A_171 = vector.multi_reduction <add>, %mul3A_169, %reduce_sum3A_170 [2] : vector<128x8x512xf32> to vector<128x8xf32>
    %transpose3A_172 = tpu.transpose %reduce_sum3A_171, [1, 0] : vector<128x8xf32> -> vector<8x128xf32>
    %broadcast_in_dim3A_173 = vector.shape_cast %transpose3A_172 : vector<8x128xf32> to vector<8x1x128xf32>
    %swap3A_174 = arith.constant 0 : index
    %swap3A_175 = arith.index_cast %scan3A_154 : i32 to index
    %swap3A_176 = arith.constant 0 : index
    %swap3A_177 = vector.load %arg31[%swap3A_174, %swap3A_175, %swap3A_176] : memref<8x128x128xf32, #tpu.memory_space<vmem>>, vector<8x1x128xf32>
    tpu.vector_store %arg31[%swap3A_174, %swap3A_175, %swap3A_176], %broadcast_in_dim3A_173 {strides = array<i32>} : memref<8x128x128xf32, #tpu.memory_space<vmem>>, vector<8x1x128xf32>,
    %scan3A_178 = arith.constant 117 : i32
    %scan3A_179 = arith.addi %scan3A, %scan3A_178 : i32
    %sub3A_180 = arith.constant 1 : i32
    %sub3A_181 = arith.subi %scan3A_179, %sub3A_180 : i32
    %get3A_182 = arith.index_cast %sub3A_181 : i32 to index
    %get3A_183 = arith.constant 0 : index
    %get3A_184 = arith.constant 0 : index
    %get3A_185 = vector.load %arg30[%get3A_182, %get3A_183, %get3A_184] : memref<128x8x512xf32, #tpu.memory_space<vmem>>, vector<1x8x512xf32>
    %get3A_186 = arith.constant 0 : index
    %get3A_187 = arith.constant 0 : index
    %get3A_188 = arith.constant 0 : index
    %get3A_189 = vector.load %arg29[%get3A_186, %get3A_187, %get3A_188] : memref<128x8x512xf32, #tpu.memory_space<vmem>>, vector<128x8x512xf32>
    %add3A_190 = vector.broadcast %get3A_185 : vector<1x8x512xf32> to vector<128x8x512xf32>
    %add3A_191 = arith.addf %get3A_189, %add3A_190 : vector<128x8x512xf32>
    %tanh3A_192 = math.tanh %add3A_191 : vector<128x8x512xf32>
    %mul3A_193 = vector.broadcast %reshape3A_48 : vector<1x1x512xf32> to vector<128x8x512xf32>
    %mul3A_194 = arith.mulf %tanh3A_192, %mul3A_193 : vector<128x8x512xf32>
    %reduce_sum3A_195 = arith.constant dense<0.000000e+00> : vector<128x8xf32>
    %reduce_sum3A_196 = vector.multi_reduction <add>, %mul3A_194, %reduce_sum3A_195 [2] : vector<128x8x512xf32> to vector<128x8xf32>
    %transpose3A_197 = tpu.transpose %reduce_sum3A_196, [1, 0] : vector<128x8xf32> -> vector<8x128xf32>
    %broadcast_in_dim3A_198 = vector.shape_cast %transpose3A_197 : vector<8x128xf32> to vector<8x1x128xf32>
    %swap3A_199 = arith.constant 0 : index
    %swap3A_200 = arith.index_cast %scan3A_179 : i32 to index
    %swap3A_201 = arith.constant 0 : index
    %swap3A_202 = vector.load %arg31[%swap3A_199, %swap3A_200, %swap3A_201] : memref<8x128x128xf32, #tpu.memory_space<vmem>>, vector<8x1x128xf32>
    tpu.vector_store %arg31[%swap3A_199, %swap3A_200, %swap3A_201], %broadcast_in_dim3A_198 {strides = array<i32>} : memref<8x128x128xf32, #tpu.memory_space<vmem>>, vector<8x1x128xf32>,
    %scan3A_203 = arith.constant 118 : i32
    %scan3A_204 = arith.addi %scan3A, %scan3A_203 : i32
    %sub3A_205 = arith.constant 1 : i32
    %sub3A_206 = arith.subi %scan3A_204, %sub3A_205 : i32
    %get3A_207 = arith.index_cast %sub3A_206 : i32 to index
    %get3A_208 = arith.constant 0 : index
    %get3A_209 = arith.constant 0 : index
    %get3A_210 = vector.load %arg30[%get3A_207, %get3A_208, %get3A_209] : memref<128x8x512xf32, #tpu.memory_space<vmem>>, vector<1x8x512xf32>
    %get3A_211 = arith.constant 0 : index
    %get3A_212 = arith.constant 0 : index
    %get3A_213 = arith.constant 0 : index
    %get3A_214 = vector.load %arg29[%get3A_211, %get3A_212, %get3A_213] : memref<128x8x512xf32, #tpu.memory_space<vmem>>, vector<128x8x512xf32>
    %add3A_215 = vector.broadcast %get3A_210 : vector<1x8x512xf32> to vector<128x8x512xf32>
    %add3A_216 = arith.addf %get3A_214, %add3A_215 : vector<128x8x512xf32>
    %tanh3A_217 = math.tanh %add3A_216 : vector<128x8x512xf32>
    %mul3A_218 = vector.broadcast %reshape3A_48 : vector<1x1x512xf32> to vector<128x8x512xf32>
    %mul3A_219 = arith.mulf %tanh3A_217, %mul3A_218 : vector<128x8x512xf32>
    %reduce_sum3A_220 = arith.constant dense<0.000000e+00> : vector<128x8xf32>
    %reduce_sum3A_221 = vector.multi_reduction <add>, %mul3A_219, %reduce_sum3A_220 [2] : vector<128x8x512xf32> to vector<128x8xf32>
    %transpose3A_222 = tpu.transpose %reduce_sum3A_221, [1, 0] : vector<128x8xf32> -> vector<8x128xf32>
    %broadcast_in_dim3A_223 = vector.shape_cast %transpose3A_222 : vector<8x128xf32> to vector<8x1x128xf32>
    %swap3A_224 = arith.constant 0 : index
    %swap3A_225 = arith.index_cast %scan3A_204 : i32 to index
    %swap3A_226 = arith.constant 0 : index
    %swap3A_227 = vector.load %arg31[%swap3A_224, %swap3A_225, %swap3A_226] : memref<8x128x128xf32, #tpu.memory_space<vmem>>, vector<8x1x128xf32>
    tpu.vector_store %arg31[%swap3A_224, %swap3A_225, %swap3A_226], %broadcast_in_dim3A_223 {strides = array<i32>} : memref<8x128x128xf32, #tpu.memory_space<vmem>>, vector<8x1x128xf32>,
    %scan3A_228 = arith.constant 119 : i32
    %scan3A_229 = arith.addi %scan3A, %scan3A_228 : i32
    %sub3A_230 = arith.constant 1 : i32
    %sub3A_231 = arith.subi %scan3A_229, %sub3A_230 : i32
    %get3A_232 = arith.index_cast %sub3A_231 : i32 to index
    %get3A_233 = arith.constant 0 : index
    %get3A_234 = arith.constant 0 : index
    %get3A_235 = vector.load %arg30[%get3A_232, %get3A_233, %get3A_234] : memref<128x8x512xf32, #tpu.memory_space<vmem>>, vector<1x8x512xf32>
    %get3A_236 = arith.constant 0 : index
    %get3A_237 = arith.constant 0 : index
    %get3A_238 = arith.constant 0 : index
    %get3A_239 = vector.load %arg29[%get3A_236, %get3A_237, %get3A_238] : memref<128x8x512xf32, #tpu.memory_space<vmem>>, vector<128x8x512xf32>
    %add3A_240 = vector.broadcast %get3A_235 : vector<1x8x512xf32> to vector<128x8x512xf32>
    %add3A_241 = arith.addf %get3A_239, %add3A_240 : vector<128x8x512xf32>
    %tanh3A_242 = math.tanh %add3A_241 : vector<128x8x512xf32>
    %mul3A_243 = vector.broadcast %reshape3A_48 : vector<1x1x512xf32> to vector<128x8x512xf32>
    %mul3A_244 = arith.mulf %tanh3A_242, %mul3A_243 : vector<128x8x512xf32>
    %reduce_sum3A_245 = arith.constant dense<0.000000e+00> : vector<128x8xf32>
    %reduce_sum3A_246 = vector.multi_reduction <add>, %mul3A_244, %reduce_sum3A_245 [2] : vector<128x8x512xf32> to vector<128x8xf32>
    %transpose3A_247 = tpu.transpose %reduce_sum3A_246, [1, 0] : vector<128x8xf32> -> vector<8x128xf32>
    %broadcast_in_dim3A_248 = vector.shape_cast %transpose3A_247 : vector<8x128xf32> to vector<8x1x128xf32>
    %swap3A_249 = arith.constant 0 : index
    %swap3A_250 = arith.index_cast %scan3A_229 : i32 to index
    %swap3A_251 = arith.constant 0 : index
    %swap3A_252 = vector.load %arg31[%swap3A_249, %swap3A_250, %swap3A_251] : memref<8x128x128xf32, #tpu.memory_space<vmem>>, vector<8x1x128xf32>
    tpu.vector_store %arg31[%swap3A_249, %swap3A_250, %swap3A_251], %broadcast_in_dim3A_248 {strides = array<i32>} : memref<8x128x128xf32, #tpu.memory_space<vmem>>, vector<8x1x128xf32>,
    %scan3A_253 = arith.constant 120 : i32
    %scan3A_254 = arith.addi %scan3A, %scan3A_253 : i32
    %sub3A_255 = arith.constant 1 : i32
    %sub3A_256 = arith.subi %scan3A_254, %sub3A_255 : i32
    %get3A_257 = arith.index_cast %sub3A_256 : i32 to index
    %get3A_258 = arith.constant 0 : index
    %get3A_259 = arith.constant 0 : index
    %get3A_260 = vector.load %arg30[%get3A_257, %get3A_258, %get3A_259] : memref<128x8x512xf32, #tpu.memory_space<vmem>>, vector<1x8x512xf32>
    %get3A_261 = arith.constant 0 : index
    %get3A_262 = arith.constant 0 : index
    %get3A_263 = arith.constant 0 : index
    %get3A_264 = vector.load %arg29[%get3A_261, %get3A_262, %get3A_263] : memref<128x8x512xf32, #tpu.memory_space<vmem>>, vector<128x8x512xf32>
    %add3A_265 = vector.broadcast %get3A_260 : vector<1x8x512xf32> to vector<128x8x512xf32>
    %add3A_266 = arith.addf %get3A_264, %add3A_265 : vector<128x8x512xf32>
    %tanh3A_267 = math.tanh %add3A_266 : vector<128x8x512xf32>
    %mul3A_268 = vector.broadcast %reshape3A_48 : vector<1x1x512xf32> to vector<128x8x512xf32>
    %mul3A_269 = arith.mulf %tanh3A_267, %mul3A_268 : vector<128x8x512xf32>
    %reduce_sum3A_270 = arith.constant dense<0.000000e+00> : vector<128x8xf32>
    %reduce_sum3A_271 = vector.multi_reduction <add>, %mul3A_269, %reduce_sum3A_270 [2] : vector<128x8x512xf32> to vector<128x8xf32>
    %transpose3A_272 = tpu.transpose %reduce_sum3A_271, [1, 0] : vector<128x8xf32> -> vector<8x128xf32>
    %broadcast_in_dim3A_273 = vector.shape_cast %transpose3A_272 : vector<8x128xf32> to vector<8x1x128xf32>
    %swap3A_274 = arith.constant 0 : index
    %swap3A_275 = arith.index_cast %scan3A_254 : i32 to index
    %swap3A_276 = arith.constant 0 : index
    %swap3A_277 = vector.load %arg31[%swap3A_274, %swap3A_275, %swap3A_276] : memref<8x128x128xf32, #tpu.memory_space<vmem>>, vector<8x1x128xf32>
    tpu.vector_store %arg31[%swap3A_274, %swap3A_275, %swap3A_276], %broadcast_in_dim3A_273 {strides = array<i32>} : memref<8x128x128xf32, #tpu.memory_space<vmem>>, vector<8x1x128xf32>,
    %scan3A_278 = arith.constant 121 : i32
    %scan3A_279 = arith.addi %scan3A, %scan3A_278 : i32
    %sub3A_280 = arith.constant 1 : i32
    %sub3A_281 = arith.subi %scan3A_279, %sub3A_280 : i32
    %get3A_282 = arith.index_cast %sub3A_281 : i32 to index
    %get3A_283 = arith.constant 0 : index
    %get3A_284 = arith.constant 0 : index
    %get3A_285 = vector.load %arg30[%get3A_282, %get3A_283, %get3A_284] : memref<128x8x512xf32, #tpu.memory_space<vmem>>, vector<1x8x512xf32>
    %get3A_286 = arith.constant 0 : index
    %get3A_287 = arith.constant 0 : index
    %get3A_288 = arith.constant 0 : index
    %get3A_289 = vector.load %arg29[%get3A_286, %get3A_287, %get3A_288] : memref<128x8x512xf32, #tpu.memory_space<vmem>>, vector<128x8x512xf32>
    %add3A_290 = vector.broadcast %get3A_285 : vector<1x8x512xf32> to vector<128x8x512xf32>
    %add3A_291 = arith.addf %get3A_289, %add3A_290 : vector<128x8x512xf32>
    %tanh3A_292 = math.tanh %add3A_291 : vector<128x8x512xf32>
    %mul3A_293 = vector.broadcast %reshape3A_48 : vector<1x1x512xf32> to vector<128x8x512xf32>
    %mul3A_294 = arith.mulf %tanh3A_292, %mul3A_293 : vector<128x8x512xf32>
    %reduce_sum3A_295 = arith.constant dense<0.000000e+00> : vector<128x8xf32>
    %reduce_sum3A_296 = vector.multi_reduction <add>, %mul3A_294, %reduce_sum3A_295 [2] : vector<128x8x512xf32> to vector<128x8xf32>
    %transpose3A_297 = tpu.transpose %reduce_sum3A_296, [1, 0] : vector<128x8xf32> -> vector<8x128xf32>
    %broadcast_in_dim3A_298 = vector.shape_cast %transpose3A_297 : vector<8x128xf32> to vector<8x1x128xf32>
    %swap3A_299 = arith.constant 0 : index
    %swap3A_300 = arith.index_cast %scan3A_279 : i32 to index
    %swap3A_301 = arith.constant 0 : index
    %swap3A_302 = vector.load %arg31[%swap3A_299, %swap3A_300, %swap3A_301] : memref<8x128x128xf32, #tpu.memory_space<vmem>>, vector<8x1x128xf32>
    tpu.vector_store %arg31[%swap3A_299, %swap3A_300, %swap3A_301], %broadcast_in_dim3A_298 {strides = array<i32>} : memref<8x128x128xf32, #tpu.memory_space<vmem>>, vector<8x1x128xf32>,
    %scan3A_303 = arith.constant 122 : i32
    %scan3A_304 = arith.addi %scan3A, %scan3A_303 : i32
    %sub3A_305 = arith.constant 1 : i32
    %sub3A_306 = arith.subi %scan3A_304, %sub3A_305 : i32
    %get3A_307 = arith.index_cast %sub3A_306 : i32 to index
    %get3A_308 = arith.constant 0 : index
    %get3A_309 = arith.constant 0 : index
    %get3A_310 = vector.load %arg30[%get3A_307, %get3A_308, %get3A_309] : memref<128x8x512xf32, #tpu.memory_space<vmem>>, vector<1x8x512xf32>
    %get3A_311 = arith.constant 0 : index
    %get3A_312 = arith.constant 0 : index
    %get3A_313 = arith.constant 0 : index
    %get3A_314 = vector.load %arg29[%get3A_311, %get3A_312, %get3A_313] : memref<128x8x512xf32, #tpu.memory_space<vmem>>, vector<128x8x512xf32>
    %add3A_315 = vector.broadcast %get3A_310 : vector<1x8x512xf32> to vector<128x8x512xf32>
    %add3A_316 = arith.addf %get3A_314, %add3A_315 : vector<128x8x512xf32>
    %tanh3A_317 = math.tanh %add3A_316 : vector<128x8x512xf32>
    %mul3A_318 = vector.broadcast %reshape3A_48 : vector<1x1x512xf32> to vector<128x8x512xf32>
    %mul3A_319 = arith.mulf %tanh3A_317, %mul3A_318 : vector<128x8x512xf32>
    %reduce_sum3A_320 = arith.constant dense<0.000000e+00> : vector<128x8xf32>
    %reduce_sum3A_321 = vector.multi_reduction <add>, %mul3A_319, %reduce_sum3A_320 [2] : vector<128x8x512xf32> to vector<128x8xf32>
    %transpose3A_322 = tpu.transpose %reduce_sum3A_321, [1, 0] : vector<128x8xf32> -> vector<8x128xf32>
    %broadcast_in_dim3A_323 = vector.shape_cast %transpose3A_322 : vector<8x128xf32> to vector<8x1x128xf32>
    %swap3A_324 = arith.constant 0 : index
    %swap3A_325 = arith.index_cast %scan3A_304 : i32 to index
    %swap3A_326 = arith.constant 0 : index
    %swap3A_327 = vector.load %arg31[%swap3A_324, %swap3A_325, %swap3A_326] : memref<8x128x128xf32, #tpu.memory_space<vmem>>, vector<8x1x128xf32>
    tpu.vector_store %arg31[%swap3A_324, %swap3A_325, %swap3A_326], %broadcast_in_dim3A_323 {strides = array<i32>} : memref<8x128x128xf32, #tpu.memory_space<vmem>>, vector<8x1x128xf32>,
    %scan3A_328 = arith.constant 123 : i32
    %scan3A_329 = arith.addi %scan3A, %scan3A_328 : i32
    %sub3A_330 = arith.constant 1 : i32
    %sub3A_331 = arith.subi %scan3A_329, %sub3A_330 : i32
    %get3A_332 = arith.index_cast %sub3A_331 : i32 to index
    %get3A_333 = arith.constant 0 : index
    %get3A_334 = arith.constant 0 : index
    %get3A_335 = vector.load %arg30[%get3A_332, %get3A_333, %get3A_334] : memref<128x8x512xf32, #tpu.memory_space<vmem>>, vector<1x8x512xf32>
    %get3A_336 = arith.constant 0 : index
    %get3A_337 = arith.constant 0 : index
    %get3A_338 = arith.constant 0 : index
    %get3A_339 = vector.load %arg29[%get3A_336, %get3A_337, %get3A_338] : memref<128x8x512xf32, #tpu.memory_space<vmem>>, vector<128x8x512xf32>
    %add3A_340 = vector.broadcast %get3A_335 : vector<1x8x512xf32> to vector<128x8x512xf32>
    %add3A_341 = arith.addf %get3A_339, %add3A_340 : vector<128x8x512xf32>
    %tanh3A_342 = math.tanh %add3A_341 : vector<128x8x512xf32>
    %mul3A_343 = vector.broadcast %reshape3A_48 : vector<1x1x512xf32> to vector<128x8x512xf32>
    %mul3A_344 = arith.mulf %tanh3A_342, %mul3A_343 : vector<128x8x512xf32>
    %reduce_sum3A_345 = arith.constant dense<0.000000e+00> : vector<128x8xf32>
    %reduce_sum3A_346 = vector.multi_reduction <add>, %mul3A_344, %reduce_sum3A_345 [2] : vector<128x8x512xf32> to vector<128x8xf32>
    %transpose3A_347 = tpu.transpose %reduce_sum3A_346, [1, 0] : vector<128x8xf32> -> vector<8x128xf32>
    %broadcast_in_dim3A_348 = vector.shape_cast %transpose3A_347 : vector<8x128xf32> to vector<8x1x128xf32>
    %swap3A_349 = arith.constant 0 : index
    %swap3A_350 = arith.index_cast %scan3A_329 : i32 to index
    %swap3A_351 = arith.constant 0 : index
    %swap3A_352 = vector.load %arg31[%swap3A_349, %swap3A_350, %swap3A_351] : memref<8x128x128xf32, #tpu.memory_space<vmem>>, vector<8x1x128xf32>
    tpu.vector_store %arg31[%swap3A_349, %swap3A_350, %swap3A_351], %broadcast_in_dim3A_348 {strides = array<i32>} : memref<8x128x128xf32, #tpu.memory_space<vmem>>, vector<8x1x128xf32>,
    %scan3A_353 = arith.constant 124 : i32
    %scan3A_354 = arith.addi %scan3A, %scan3A_353 : i32
    %sub3A_355 = arith.constant 1 : i32
    %sub3A_356 = arith.subi %scan3A_354, %sub3A_355 : i32
    %get3A_357 = arith.index_cast %sub3A_356 : i32 to index
    %get3A_358 = arith.constant 0 : index
    %get3A_359 = arith.constant 0 : index
    %get3A_360 = vector.load %arg30[%get3A_357, %get3A_358, %get3A_359] : memref<128x8x512xf32, #tpu.memory_space<vmem>>, vector<1x8x512xf32>
    %get3A_361 = arith.constant 0 : index
    %get3A_362 = arith.constant 0 : index
    %get3A_363 = arith.constant 0 : index
    %get3A_364 = vector.load %arg29[%get3A_361, %get3A_362, %get3A_363] : memref<128x8x512xf32, #tpu.memory_space<vmem>>, vector<128x8x512xf32>
    %add3A_365 = vector.broadcast %get3A_360 : vector<1x8x512xf32> to vector<128x8x512xf32>
    %add3A_366 = arith.addf %get3A_364, %add3A_365 : vector<128x8x512xf32>
    %tanh3A_367 = math.tanh %add3A_366 : vector<128x8x512xf32>
    %mul3A_368 = vector.broadcast %reshape3A_48 : vector<1x1x512xf32> to vector<128x8x512xf32>
    %mul3A_369 = arith.mulf %tanh3A_367, %mul3A_368 : vector<128x8x512xf32>
    %reduce_sum3A_370 = arith.constant dense<0.000000e+00> : vector<128x8xf32>
    %reduce_sum3A_371 = vector.multi_reduction <add>, %mul3A_369, %reduce_sum3A_370 [2] : vector<128x8x512xf32> to vector<128x8xf32>
    %transpose3A_372 = tpu.transpose %reduce_sum3A_371, [1, 0] : vector<128x8xf32> -> vector<8x128xf32>
    %broadcast_in_dim3A_373 = vector.shape_cast %transpose3A_372 : vector<8x128xf32> to vector<8x1x128xf32>
    %swap3A_374 = arith.constant 0 : index
    %swap3A_375 = arith.index_cast %scan3A_354 : i32 to index
    %swap3A_376 = arith.constant 0 : index
    %swap3A_377 = vector.load %arg31[%swap3A_374, %swap3A_375, %swap3A_376] : memref<8x128x128xf32, #tpu.memory_space<vmem>>, vector<8x1x128xf32>
    tpu.vector_store %arg31[%swap3A_374, %swap3A_375, %swap3A_376], %broadcast_in_dim3A_373 {strides = array<i32>} : memref<8x128x128xf32, #tpu.memory_space<vmem>>, vector<8x1x128xf32>,
    %scan3A_378 = arith.constant 125 : i32
    %scan3A_379 = arith.addi %scan3A, %scan3A_378 : i32
    %sub3A_380 = arith.constant 1 : i32
    %sub3A_381 = arith.subi %scan3A_379, %sub3A_380 : i32
    %get3A_382 = arith.index_cast %sub3A_381 : i32 to index
    %get3A_383 = arith.constant 0 : index
    %get3A_384 = arith.constant 0 : index
    %get3A_385 = vector.load %arg30[%get3A_382, %get3A_383, %get3A_384] : memref<128x8x512xf32, #tpu.memory_space<vmem>>, vector<1x8x512xf32>
    %get3A_386 = arith.constant 0 : index
    %get3A_387 = arith.constant 0 : index
    %get3A_388 = arith.constant 0 : index
    %get3A_389 = vector.load %arg29[%get3A_386, %get3A_387, %get3A_388] : memref<128x8x512xf32, #tpu.memory_space<vmem>>, vector<128x8x512xf32>
    %add3A_390 = vector.broadcast %get3A_385 : vector<1x8x512xf32> to vector<128x8x512xf32>
    %add3A_391 = arith.addf %get3A_389, %add3A_390 : vector<128x8x512xf32>
    %tanh3A_392 = math.tanh %add3A_391 : vector<128x8x512xf32>
    %mul3A_393 = vector.broadcast %reshape3A_48 : vector<1x1x512xf32> to vector<128x8x512xf32>
    %mul3A_394 = arith.mulf %tanh3A_392, %mul3A_393 : vector<128x8x512xf32>
    %reduce_sum3A_395 = arith.constant dense<0.000000e+00> : vector<128x8xf32>
    %reduce_sum3A_396 = vector.multi_reduction <add>, %mul3A_394, %reduce_sum3A_395 [2] : vector<128x8x512xf32> to vector<128x8xf32>
    %transpose3A_397 = tpu.transpose %reduce_sum3A_396, [1, 0] : vector<128x8xf32> -> vector<8x128xf32>
    %broadcast_in_dim3A_398 = vector.shape_cast %transpose3A_397 : vector<8x128xf32> to vector<8x1x128xf32>
    %swap3A_399 = arith.constant 0 : index
    %swap3A_400 = arith.index_cast %scan3A_379 : i32 to index
    %swap3A_401 = arith.constant 0 : index
    %swap3A_402 = vector.load %arg31[%swap3A_399, %swap3A_400, %swap3A_401] : memref<8x128x128xf32, #tpu.memory_space<vmem>>, vector<8x1x128xf32>
    tpu.vector_store %arg31[%swap3A_399, %swap3A_400, %swap3A_401], %broadcast_in_dim3A_398 {strides = array<i32>} : memref<8x128x128xf32, #tpu.memory_space<vmem>>, vector<8x1x128xf32>,
    %scan3A_403 = arith.constant 126 : i32
    %scan3A_404 = arith.addi %scan3A, %scan3A_403 : i32
    %sub3A_405 = arith.constant 1 : i32
    %sub3A_406 = arith.subi %scan3A_404, %sub3A_405 : i32
    %get3A_407 = arith.index_cast %sub3A_406 : i32 to index
    %get3A_408 = arith.constant 0 : index
    %get3A_409 = arith.constant 0 : index
    %get3A_410 = vector.load %arg30[%get3A_407, %get3A_408, %get3A_409] : memref<128x8x512xf32, #tpu.memory_space<vmem>>, vector<1x8x512xf32>
    %get3A_411 = arith.constant 0 : index
    %get3A_412 = arith.constant 0 : index
    %get3A_413 = arith.constant 0 : index
    %get3A_414 = vector.load %arg29[%get3A_411, %get3A_412, %get3A_413] : memref<128x8x512xf32, #tpu.memory_space<vmem>>, vector<128x8x512xf32>
    %add3A_415 = vector.broadcast %get3A_410 : vector<1x8x512xf32> to vector<128x8x512xf32>
    %add3A_416 = arith.addf %get3A_414, %add3A_415 : vector<128x8x512xf32>
    %tanh3A_417 = math.tanh %add3A_416 : vector<128x8x512xf32>
    %mul3A_418 = vector.broadcast %reshape3A_48 : vector<1x1x512xf32> to vector<128x8x512xf32>
    %mul3A_419 = arith.mulf %tanh3A_417, %mul3A_418 : vector<128x8x512xf32>
    %reduce_sum3A_420 = arith.constant dense<0.000000e+00> : vector<128x8xf32>
    %reduce_sum3A_421 = vector.multi_reduction <add>, %mul3A_419, %reduce_sum3A_420 [2] : vector<128x8x512xf32> to vector<128x8xf32>
    %transpose3A_422 = tpu.transpose %reduce_sum3A_421, [1, 0] : vector<128x8xf32> -> vector<8x128xf32>
    %broadcast_in_dim3A_423 = vector.shape_cast %transpose3A_422 : vector<8x128xf32> to vector<8x1x128xf32>
    %swap3A_424 = arith.constant 0 : index
    %swap3A_425 = arith.index_cast %scan3A_404 : i32 to index
    %swap3A_426 = arith.constant 0 : index
    %swap3A_427 = vector.load %arg31[%swap3A_424, %swap3A_425, %swap3A_426] : memref<8x128x128xf32, #tpu.memory_space<vmem>>, vector<8x1x128xf32>
    tpu.vector_store %arg31[%swap3A_424, %swap3A_425, %swap3A_426], %broadcast_in_dim3A_423 {strides = array<i32>} : memref<8x128x128xf32, #tpu.memory_space<vmem>>, vector<8x1x128xf32>,
    %scan3A_428 = arith.constant 127 : i32
    %get3A_429 = arith.constant 0 : index
    %get3A_430 = arith.constant 0 : index
    %get3A_431 = arith.constant 0 : index
    %get3A_432 = vector.load %arg31[%get3A_429, %get3A_430, %get3A_431] : memref<8x128x128xf32, #tpu.memory_space<vmem>>, vector<8x128x128xf32>
    %exp3A = math.exp %get3A_432 : vector<8x128x128xf32>
    %reduce_sum3A_433 = arith.constant dense<0.000000e+00> : vector<8x128xf32>
    %reduce_sum3A_434 = vector.multi_reduction <add>, %exp3A, %reduce_sum3A_433 [2] : vector<8x128x128xf32> to vector<8x128xf32>
    %broadcast_in_dim3A_435 = vector.shape_cast %reduce_sum3A_434 : vector<8x128xf32> to vector<8x128x1xf32>
    %div3A = vector.broadcast %broadcast_in_dim3A_435 : vector<8x128x1xf32> to vector<8x128x128xf32>
    %div3A_436 = arith.divf %exp3A, %div3A : vector<8x128x128xf32>
    %swap3A_437 = arith.constant 0 : index
    %swap3A_438 = arith.constant 0 : index
    %swap3A_439 = arith.constant 0 : index
    %swap3A_440 = vector.load %arg31[%swap3A_437, %swap3A_438, %swap3A_439] : memref<8x128x128xf32, #tpu.memory_space<vmem>>, vector<8x128x128xf32>
    tpu.vector_store %arg31[%swap3A_437, %swap3A_438, %swap3A_439], %div3A_436 {strides = array<i32>} : memref<8x128x128xf32, #tpu.memory_space<vmem>>, vector<8x128x128xf32>,
    %get3A_441 = arith.constant 0 : index
    %get3A_442 = arith.constant 0 : index
    %get3A_443 = arith.constant 0 : index
    %get3A_444 = vector.load %arg31[%get3A_441, %get3A_442, %get3A_443] : memref<8x128x128xf32, #tpu.memory_space<vmem>>, vector<1x128x128xf32>
    %get3A_445 = vector.shape_cast %get3A_444 : vector<1x128x128xf32> to vector<128x128xf32>
    %get3A_446 = arith.constant 0 : index
    %get3A_447 = arith.constant 0 : index
    %get3A_448 = arith.constant 0 : index
    %get3A_449 = vector.load %arg27[%get3A_446, %get3A_447, %get3A_448] : memref<8x128x512xf32, #tpu.memory_space<vmem>>, vector<1x128x512xf32>
    %get3A_450 = vector.shape_cast %get3A_449 : vector<1x128x512xf32> to vector<128x512xf32>
    %dot_general3A_451 = arith.constant dense<0.000000e+00> : vector<128x512xf32>
    %dot_general3A_452 = tpu.matmul %get3A_445, %get3A_450, %dot_general3A_451 {dimension_numbers = #tpu.dot_dimension_numbers<[1], [0], [0], [1], [0, 0, 1, 1], [], []>, transpose_lhs_hint = false} : vector<128x128xf32>, vector<128x512xf32>, vector<128x512xf32> -> vector<128x512xf32>
    %swap3A_453 = arith.constant 0 : index
    %swap3A_454 = arith.constant 0 : index
    %swap3A_455 = arith.constant 0 : index
    %swap3A_456 = vector.load %arg32[%swap3A_453, %swap3A_454, %swap3A_455] : memref<8x128x512xf32, #tpu.memory_space<vmem>>, vector<1x128x512xf32>
    %swap3A_457 = vector.shape_cast %swap3A_456 : vector<1x128x512xf32> to vector<128x512xf32>
    %swap3A_458 = vector.shape_cast %dot_general3A_452 : vector<128x512xf32> to vector<1x128x512xf32>
    tpu.vector_store %arg32[%swap3A_453, %swap3A_454, %swap3A_455], %swap3A_458 {strides = array<i32>} : memref<8x128x512xf32, #tpu.memory_space<vmem>>, vector<1x128x512xf32>,
    %get3A_459 = arith.constant 1 : index
    %get3A_460 = arith.constant 0 : index
    %get3A_461 = arith.constant 0 : index
    %get3A_462 = vector.load %arg31[%get3A_459, %get3A_460, %get3A_461] : memref<8x128x128xf32, #tpu.memory_space<vmem>>, vector<1x128x128xf32>
    %get3A_463 = vector.shape_cast %get3A_462 : vector<1x128x128xf32> to vector<128x128xf32>
    %get3A_464 = arith.constant 1 : index
    %get3A_465 = arith.constant 0 : index
    %get3A_466 = arith.constant 0 : index
    %get3A_467 = vector.load %arg27[%get3A_464, %get3A_465, %get3A_466] : memref<8x128x512xf32, #tpu.memory_space<vmem>>, vector<1x128x512xf32>
    %get3A_468 = vector.shape_cast %get3A_467 : vector<1x128x512xf32> to vector<128x512xf32>
    %dot_general3A_469 = arith.constant dense<0.000000e+00> : vector<128x512xf32>
    %dot_general3A_470 = tpu.matmul %get3A_463, %get3A_468, %dot_general3A_469 {dimension_numbers = #tpu.dot_dimension_numbers<[1], [0], [0], [1], [0, 0, 1, 1], [], []>, transpose_lhs_hint = false} : vector<128x128xf32>, vector<128x512xf32>, vector<128x512xf32> -> vector<128x512xf32>
    %swap3A_471 = arith.constant 1 : index
    %swap3A_472 = arith.constant 0 : index
    %swap3A_473 = arith.constant 0 : index
    %swap3A_474 = vector.load %arg32[%swap3A_471, %swap3A_472, %swap3A_473] : memref<8x128x512xf32, #tpu.memory_space<vmem>>, vector<1x128x512xf32>
    %swap3A_475 = vector.shape_cast %swap3A_474 : vector<1x128x512xf32> to vector<128x512xf32>
    %swap3A_476 = vector.shape_cast %dot_general3A_470 : vector<128x512xf32> to vector<1x128x512xf32>
    tpu.vector_store %arg32[%swap3A_471, %swap3A_472, %swap3A_473], %swap3A_476 {strides = array<i32>} : memref<8x128x512xf32, #tpu.memory_space<vmem>>, vector<1x128x512xf32>,
    %get3A_477 = arith.constant 2 : index
    %get3A_478 = arith.constant 0 : index
    %get3A_479 = arith.constant 0 : index
    %get3A_480 = vector.load %arg31[%get3A_477, %get3A_478, %get3A_479] : memref<8x128x128xf32, #tpu.memory_space<vmem>>, vector<1x128x128xf32>
    %get3A_481 = vector.shape_cast %get3A_480 : vector<1x128x128xf32> to vector<128x128xf32>
    %get3A_482 = arith.constant 2 : index
    %get3A_483 = arith.constant 0 : index
    %get3A_484 = arith.constant 0 : index
    %get3A_485 = vector.load %arg27[%get3A_482, %get3A_483, %get3A_484] : memref<8x128x512xf32, #tpu.memory_space<vmem>>, vector<1x128x512xf32>
    %get3A_486 = vector.shape_cast %get3A_485 : vector<1x128x512xf32> to vector<128x512xf32>
    %dot_general3A_487 = arith.constant dense<0.000000e+00> : vector<128x512xf32>
    %dot_general3A_488 = tpu.matmul %get3A_481, %get3A_486, %dot_general3A_487 {dimension_numbers = #tpu.dot_dimension_numbers<[1], [0], [0], [1], [0, 0, 1, 1], [], []>, transpose_lhs_hint = false} : vector<128x128xf32>, vector<128x512xf32>, vector<128x512xf32> -> vector<128x512xf32>
    %swap3A_489 = arith.constant 2 : index
    %swap3A_490 = arith.constant 0 : index
    %swap3A_491 = arith.constant 0 : index
    %swap3A_492 = vector.load %arg32[%swap3A_489, %swap3A_490, %swap3A_491] : memref<8x128x512xf32, #tpu.memory_space<vmem>>, vector<1x128x512xf32>
    %swap3A_493 = vector.shape_cast %swap3A_492 : vector<1x128x512xf32> to vector<128x512xf32>
    %swap3A_494 = vector.shape_cast %dot_general3A_488 : vector<128x512xf32> to vector<1x128x512xf32>
    tpu.vector_store %arg32[%swap3A_489, %swap3A_490, %swap3A_491], %swap3A_494 {strides = array<i32>} : memref<8x128x512xf32, #tpu.memory_space<vmem>>, vector<1x128x512xf32>,
    %get3A_495 = arith.constant 3 : index
    %get3A_496 = arith.constant 0 : index
    %get3A_497 = arith.constant 0 : index
    %get3A_498 = vector.load %arg31[%get3A_495, %get3A_496, %get3A_497] : memref<8x128x128xf32, #tpu.memory_space<vmem>>, vector<1x128x128xf32>
    %get3A_499 = vector.shape_cast %get3A_498 : vector<1x128x128xf32> to vector<128x128xf32>
    %get3A_500 = arith.constant 3 : index
    %get3A_501 = arith.constant 0 : index
    %get3A_502 = arith.constant 0 : index
    %get3A_503 = vector.load %arg27[%get3A_500, %get3A_501, %get3A_502] : memref<8x128x512xf32, #tpu.memory_space<vmem>>, vector<1x128x512xf32>
    %get3A_504 = vector.shape_cast %get3A_503 : vector<1x128x512xf32> to vector<128x512xf32>
    %dot_general3A_505 = arith.constant dense<0.000000e+00> : vector<128x512xf32>
    %dot_general3A_506 = tpu.matmul %get3A_499, %get3A_504, %dot_general3A_505 {dimension_numbers = #tpu.dot_dimension_numbers<[1], [0], [0], [1], [0, 0, 1, 1], [], []>, transpose_lhs_hint = false} : vector<128x128xf32>, vector<128x512xf32>, vector<128x512xf32> -> vector<128x512xf32>
    %swap3A_507 = arith.constant 3 : index
    %swap3A_508 = arith.constant 0 : index
    %swap3A_509 = arith.constant 0 : index
    %swap3A_510 = vector.load %arg32[%swap3A_507, %swap3A_508, %swap3A_509] : memref<8x128x512xf32, #tpu.memory_space<vmem>>, vector<1x128x512xf32>
    %swap3A_511 = vector.shape_cast %swap3A_510 : vector<1x128x512xf32> to vector<128x512xf32>
    %swap3A_512 = vector.shape_cast %dot_general3A_506 : vector<128x512xf32> to vector<1x128x512xf32>
    tpu.vector_store %arg32[%swap3A_507, %swap3A_508, %swap3A_509], %swap3A_512 {strides = array<i32>} : memref<8x128x512xf32, #tpu.memory_space<vmem>>, vector<1x128x512xf32>,
    %get3A_513 = arith.constant 4 : index
    %get3A_514 = arith.constant 0 : index
    %get3A_515 = arith.constant 0 : index
    %get3A_516 = vector.load %arg31[%get3A_513, %get3A_514, %get3A_515] : memref<8x128x128xf32, #tpu.memory_space<vmem>>, vector<1x128x128xf32>
    %get3A_517 = vector.shape_cast %get3A_516 : vector<1x128x128xf32> to vector<128x128xf32>
    %get3A_518 = arith.constant 4 : index
    %get3A_519 = arith.constant 0 : index
    %get3A_520 = arith.constant 0 : index
    %get3A_521 = vector.load %arg27[%get3A_518, %get3A_519, %get3A_520] : memref<8x128x512xf32, #tpu.memory_space<vmem>>, vector<1x128x512xf32>
    %get3A_522 = vector.shape_cast %get3A_521 : vector<1x128x512xf32> to vector<128x512xf32>
    %dot_general3A_523 = arith.constant dense<0.000000e+00> : vector<128x512xf32>
    %dot_general3A_524 = tpu.matmul %get3A_517, %get3A_522, %dot_general3A_523 {dimension_numbers = #tpu.dot_dimension_numbers<[1], [0], [0], [1], [0, 0, 1, 1], [], []>, transpose_lhs_hint = false} : vector<128x128xf32>, vector<128x512xf32>, vector<128x512xf32> -> vector<128x512xf32>
    %swap3A_525 = arith.constant 4 : index
    %swap3A_526 = arith.constant 0 : index
    %swap3A_527 = arith.constant 0 : index
    %swap3A_528 = vector.load %arg32[%swap3A_525, %swap3A_526, %swap3A_527] : memref<8x128x512xf32, #tpu.memory_space<vmem>>, vector<1x128x512xf32>
    %swap3A_529 = vector.shape_cast %swap3A_528 : vector<1x128x512xf32> to vector<128x512xf32>
    %swap3A_530 = vector.shape_cast %dot_general3A_524 : vector<128x512xf32> to vector<1x128x512xf32>
    tpu.vector_store %arg32[%swap3A_525, %swap3A_526, %swap3A_527], %swap3A_530 {strides = array<i32>} : memref<8x128x512xf32, #tpu.memory_space<vmem>>, vector<1x128x512xf32>,
    %get3A_531 = arith.constant 5 : index
    %get3A_532 = arith.constant 0 : index
    %get3A_533 = arith.constant 0 : index
    %get3A_534 = vector.load %arg31[%get3A_531, %get3A_532, %get3A_533] : memref<8x128x128xf32, #tpu.memory_space<vmem>>, vector<1x128x128xf32>
    %get3A_535 = vector.shape_cast %get3A_534 : vector<1x128x128xf32> to vector<128x128xf32>
    %get3A_536 = arith.constant 5 : index
    %get3A_537 = arith.constant 0 : index
    %get3A_538 = arith.constant 0 : index
    %get3A_539 = vector.load %arg27[%get3A_536, %get3A_537, %get3A_538] : memref<8x128x512xf32, #tpu.memory_space<vmem>>, vector<1x128x512xf32>
    %get3A_540 = vector.shape_cast %get3A_539 : vector<1x128x512xf32> to vector<128x512xf32>
    %dot_general3A_541 = arith.constant dense<0.000000e+00> : vector<128x512xf32>
    %dot_general3A_542 = tpu.matmul %get3A_535, %get3A_540, %dot_general3A_541 {dimension_numbers = #tpu.dot_dimension_numbers<[1], [0], [0], [1], [0, 0, 1, 1], [], []>, transpose_lhs_hint = false} : vector<128x128xf32>, vector<128x512xf32>, vector<128x512xf32> -> vector<128x512xf32>
    %swap3A_543 = arith.constant 5 : index
    %swap3A_544 = arith.constant 0 : index
    %swap3A_545 = arith.constant 0 : index
    %swap3A_546 = vector.load %arg32[%swap3A_543, %swap3A_544, %swap3A_545] : memref<8x128x512xf32, #tpu.memory_space<vmem>>, vector<1x128x512xf32>
    %swap3A_547 = vector.shape_cast %swap3A_546 : vector<1x128x512xf32> to vector<128x512xf32>
    %swap3A_548 = vector.shape_cast %dot_general3A_542 : vector<128x512xf32> to vector<1x128x512xf32>
    tpu.vector_store %arg32[%swap3A_543, %swap3A_544, %swap3A_545], %swap3A_548 {strides = array<i32>} : memref<8x128x512xf32, #tpu.memory_space<vmem>>, vector<1x128x512xf32>,
    %get3A_549 = arith.constant 6 : index
    %get3A_550 = arith.constant 0 : index
    %get3A_551 = arith.constant 0 : index
    %get3A_552 = vector.load %arg31[%get3A_549, %get3A_550, %get3A_551] : memref<8x128x128xf32, #tpu.memory_space<vmem>>, vector<1x128x128xf32>
    %get3A_553 = vector.shape_cast %get3A_552 : vector<1x128x128xf32> to vector<128x128xf32>
    %get3A_554 = arith.constant 6 : index
    %get3A_555 = arith.constant 0 : index
    %get3A_556 = arith.constant 0 : index
    %get3A_557 = vector.load %arg27[%get3A_554, %get3A_555, %get3A_556] : memref<8x128x512xf32, #tpu.memory_space<vmem>>, vector<1x128x512xf32>
    %get3A_558 = vector.shape_cast %get3A_557 : vector<1x128x512xf32> to vector<128x512xf32>
    %dot_general3A_559 = arith.constant dense<0.000000e+00> : vector<128x512xf32>
    %dot_general3A_560 = tpu.matmul %get3A_553, %get3A_558, %dot_general3A_559 {dimension_numbers = #tpu.dot_dimension_numbers<[1], [0], [0], [1], [0, 0, 1, 1], [], []>, transpose_lhs_hint = false} : vector<128x128xf32>, vector<128x512xf32>, vector<128x512xf32> -> vector<128x512xf32>
    %swap3A_561 = arith.constant 6 : index
    %swap3A_562 = arith.constant 0 : index
    %swap3A_563 = arith.constant 0 : index
    %swap3A_564 = vector.load %arg32[%swap3A_561, %swap3A_562, %swap3A_563] : memref<8x128x512xf32, #tpu.memory_space<vmem>>, vector<1x128x512xf32>
    %swap3A_565 = vector.shape_cast %swap3A_564 : vector<1x128x512xf32> to vector<128x512xf32>
    %swap3A_566 = vector.shape_cast %dot_general3A_560 : vector<128x512xf32> to vector<1x128x512xf32>
    tpu.vector_store %arg32[%swap3A_561, %swap3A_562, %swap3A_563], %swap3A_566 {strides = array<i32>} : memref<8x128x512xf32, #tpu.memory_space<vmem>>, vector<1x128x512xf32>,
    %get3A_567 = arith.constant 7 : index
    %get3A_568 = arith.constant 0 : index
    %get3A_569 = arith.constant 0 : index
    %get3A_570 = vector.load %arg31[%get3A_567, %get3A_568, %get3A_569] : memref<8x128x128xf32, #tpu.memory_space<vmem>>, vector<1x128x128xf32>
    %get3A_571 = vector.shape_cast %get3A_570 : vector<1x128x128xf32> to vector<128x128xf32>
    %get3A_572 = arith.constant 7 : index
    %get3A_573 = arith.constant 0 : index
    %get3A_574 = arith.constant 0 : index
    %get3A_575 = vector.load %arg27[%get3A_572, %get3A_573, %get3A_574] : memref<8x128x512xf32, #tpu.memory_space<vmem>>, vector<1x128x512xf32>
    %get3A_576 = vector.shape_cast %get3A_575 : vector<1x128x512xf32> to vector<128x512xf32>
    %dot_general3A_577 = arith.constant dense<0.000000e+00> : vector<128x512xf32>
    %dot_general3A_578 = tpu.matmul %get3A_571, %get3A_576, %dot_general3A_577 {dimension_numbers = #tpu.dot_dimension_numbers<[1], [0], [0], [1], [0, 0, 1, 1], [], []>, transpose_lhs_hint = false} : vector<128x128xf32>, vector<128x512xf32>, vector<128x512xf32> -> vector<128x512xf32>
    %swap3A_579 = arith.constant 7 : index
    %swap3A_580 = arith.constant 0 : index
    %swap3A_581 = arith.constant 0 : index
    %swap3A_582 = vector.load %arg32[%swap3A_579, %swap3A_580, %swap3A_581] : memref<8x128x512xf32, #tpu.memory_space<vmem>>, vector<1x128x512xf32>
    %swap3A_583 = vector.shape_cast %swap3A_582 : vector<1x128x512xf32> to vector<128x512xf32>
    %swap3A_584 = vector.shape_cast %dot_general3A_578 : vector<128x512xf32> to vector<1x128x512xf32>
    tpu.vector_store %arg32[%swap3A_579, %swap3A_580, %swap3A_581], %swap3A_584 {strides = array<i32>} : memref<8x128x512xf32, #tpu.memory_space<vmem>>, vector<1x128x512xf32>,
    %get3A_585 = arith.constant 0 : index
    %get3A_586 = arith.constant 0 : index
    %get3A_587 = arith.constant 0 : index
    %get3A_588 = vector.load %arg32[%get3A_585, %get3A_586, %get3A_587] : memref<8x128x512xf32, #tpu.memory_space<vmem>>, vector<8x128x512xf32>
    %reshape3A_589 = vector.shape_cast %get3A_588 : vector<8x128x512xf32> to vector<1024x512xf32>
    %get3A_590 = arith.constant 0 : index
    %get3A_591 = arith.constant 0 : index
    %get3A_592 = arith.constant 0 : index
    %get3A_593 = vector.load %arg28[%get3A_590, %get3A_591, %get3A_592] : memref<8x128x256xf32, #tpu.memory_space<vmem>>, vector<8x128x256xf32>
    %reshape3A_594 = vector.shape_cast %get3A_593 : vector<8x128x256xf32> to vector<1024x256xf32>
    %get3A_595 = arith.constant 0 : index
    %get3A_596 = arith.constant 0 : index
    %get3A_597 = vector.load %arg18[%get3A_595, %get3A_596] : memref<512x256xf32, #tpu.memory_space<vmem>>, vector<512x256xf32>
    %dot_general3A_598 = arith.constant dense<0.000000e+00> : vector<1024x256xf32>
    %dot_general3A_599 = tpu.matmul %reshape3A_589, %get3A_597, %dot_general3A_598 {dimension_numbers = #tpu.dot_dimension_numbers<[1], [0], [0], [1], [0, 0, 1, 1], [], []>, transpose_lhs_hint = false} : vector<1024x512xf32>, vector<512x256xf32>, vector<1024x256xf32> -> vector<1024x256xf32>
    %get3A_600 = arith.constant 0 : index
    %get3A_601 = arith.constant 0 : index
    %get3A_602 = vector.load %arg19[%get3A_600, %get3A_601] : memref<256x256xf32, #tpu.memory_space<vmem>>, vector<256x256xf32>
    %dot_general3A_603 = arith.constant dense<0.000000e+00> : vector<1024x256xf32>
    %dot_general3A_604 = tpu.matmul %dot_general3A_599, %get3A_602, %dot_general3A_603 {dimension_numbers = #tpu.dot_dimension_numbers<[1], [0], [0], [1], [0, 0, 1, 1], [], []>, transpose_lhs_hint = false} : vector<1024x256xf32>, vector<256x256xf32>, vector<1024x256xf32> -> vector<1024x256xf32>
    %get3A_605 = arith.constant 0 : index
    %get3A_606 = arith.constant 0 : index
    %get3A_607 = vector.load %arg20[%get3A_605, %get3A_606] : memref<256x256xf32, #tpu.memory_space<vmem>>, vector<256x256xf32>
    %dot_general3A_608 = arith.constant dense<0.000000e+00> : vector<1024x256xf32>
    %dot_general3A_609 = tpu.matmul %reshape3A_594, %get3A_607, %dot_general3A_608 {dimension_numbers = #tpu.dot_dimension_numbers<[1], [0], [0], [1], [0, 0, 1, 1], [], []>, transpose_lhs_hint = false} : vector<1024x256xf32>, vector<256x256xf32>, vector<1024x256xf32> -> vector<1024x256xf32>
    %add3A_610 = arith.addf %dot_general3A_604, %dot_general3A_609 : vector<1024x256xf32>
    %get3A_611 = arith.constant 0 : index
    %get3A_612 = arith.constant 0 : index
    %get3A_613 = vector.load %arg21[%get3A_611, %get3A_612] : memref<1x256xf32, #tpu.memory_space<vmem>>, vector<1x256xf32>
    %add3A_614 = vector.broadcast %get3A_613 : vector<1x256xf32> to vector<1024x256xf32>
    %add3A_615 = arith.addf %add3A_610, %add3A_614 : vector<1024x256xf32>
    %logistic3A = arith.negf %add3A_615 : vector<1024x256xf32>
    %logistic3A_616 = math.exp %logistic3A : vector<1024x256xf32>
    %logistic3A_617 = arith.constant 1.000000e+00 : f32
    %logistic3A_618 = vector.broadcast %logistic3A_617 : f32 to vector<1024x256xf32>
    %logistic3A_619 = arith.addf %logistic3A_618, %logistic3A_616 : vector<1024x256xf32>
    %logistic3A_620 = arith.divf %logistic3A_618, %logistic3A_619 : vector<1024x256xf32>
    %mul3A_621 = arith.mulf %dot_general3A_599, %logistic3A_620 : vector<1024x256xf32>
    %add3A_622 = arith.addf %mul3A_621, %reshape3A_594 : vector<1024x256xf32>
    %get3A_623 = arith.constant 0 : index
    %get3A_624 = arith.constant 0 : index
    %get3A_625 = vector.load %arg22[%get3A_623, %get3A_624] : memref<256x51xf32, #tpu.memory_space<vmem>>, vector<256x51xf32>
    %dot_general3A_626 = arith.constant dense<0.000000e+00> : vector<1024x51xf32>
    %dot_general3A_627 = tpu.matmul %add3A_622, %get3A_625, %dot_general3A_626 {dimension_numbers = #tpu.dot_dimension_numbers<[1], [0], [0], [1], [0, 0, 1, 1], [], []>, transpose_lhs_hint = false} : vector<1024x256xf32>, vector<256x51xf32>, vector<1024x51xf32> -> vector<1024x51xf32>
    %get3A_628 = arith.constant 0 : index
    %get3A_629 = arith.constant 0 : index
    %get3A_630 = vector.load %arg23[%get3A_628, %get3A_629] : memref<1x51xf32, #tpu.memory_space<vmem>>, vector<1x51xf32>
    %add3A_631 = vector.broadcast %get3A_630 : vector<1x51xf32> to vector<1024x51xf32>
    %add3A_632 = arith.addf %dot_general3A_627, %add3A_631 : vector<1024x51xf32>
    %reshape3A_633 = vector.shape_cast %add3A_632 : vector<1024x51xf32> to vector<8x128x51xf32>
    %swap3A_634 = arith.constant 0 : index
    %swap3A_635 = arith.constant 0 : index
    %swap3A_636 = arith.constant 0 : index
    %swap3A_637 = vector.load %arg24[%swap3A_634, %swap3A_635, %swap3A_636] : memref<8x128x51xf32, #tpu.memory_space<vmem>>, vector<8x128x51xf32>
    tpu.vector_store %arg24[%swap3A_634, %swap3A_635, %swap3A_636], %reshape3A_633 {strides = array<i32>} : memref<8x128x51xf32, #tpu.memory_space<vmem>>, vector<8x128x51xf32>,
    return
  }
  func.func @transform_0(%arg0: i32) -> (i32, i32, i32) {
    %c0_i32 = arith.constant 0 : i32
    %c0_i32_0 = arith.constant 0 : i32
    %c0_i32_1 = arith.constant 0 : i32
    %c0_i32_2 = arith.constant 0 : i32
    return %c0_i32, %c0_i32_0, %c0_i32_1 : i32, i32, i32
  }
  func.func @transform_1(%arg0: i32) -> (i32, i32) {
    %c0_i32 = arith.constant 0 : i32
    %c0_i32_0 = arith.constant 0 : i32
    %c0_i32_1 = arith.constant 0 : i32
    return %c0_i32, %c0_i32_0 : i32, i32
  }
  func.func @transform_2(%arg0: i32) -> (i32, i32) {
    %c0_i32 = arith.constant 0 : i32
    %c0_i32_0 = arith.constant 0 : i32
    %c0_i32_1 = arith.constant 0 : i32
    return %c0_i32, %c0_i32_0 : i32, i32
  }
  func.func @transform_3(%arg0: i32) -> (i32, i32) {
    %c0_i32 = arith.constant 0 : i32
    %c0_i32_0 = arith.constant 0 : i32
    %c0_i32_1 = arith.constant 0 : i32
    return %c0_i32, %c0_i32_0 : i32, i32
  }
  func.func @transform_4(%arg0: i32) -> (i32, i32) {
    %c0_i32 = arith.constant 0 : i32
    %c0_i32_0 = arith.constant 0 : i32
    %c0_i32_1 = arith.constant 0 : i32
    return %c0_i32, %c0_i32_0 : i32, i32
  }
  func.func @transform_5(%arg0: i32) -> (i32, i32) {
    %c0_i32 = arith.constant 0 : i32
    %c0_i32_0 = arith.constant 0 : i32
    %c0_i32_1 = arith.constant 0 : i32
    return %c0_i32, %c0_i32_0 : i32, i32
  }
  func.func @transform_6(%arg0: i32) -> (i32, i32) {
    %c0_i32 = arith.constant 0 : i32
    %c0_i32_0 = arith.constant 0 : i32
    %c0_i32_1 = arith.constant 0 : i32
    return %c0_i32, %c0_i32_0 : i32, i32
  }
  func.func @transform_7(%arg0: i32) -> (i32, i32) {
    %c0_i32 = arith.constant 0 : i32
    %c0_i32_0 = arith.constant 0 : i32
    %c0_i32_1 = arith.constant 0 : i32
    return %c0_i32, %c0_i32_0 : i32, i32
  }
  func.func @transform_8(%arg0: i32) -> (i32, i32) {
    %c0_i32 = arith.constant 0 : i32
    %c0_i32_0 = arith.constant 0 : i32
    %c0_i32_1 = arith.constant 0 : i32
    return %c0_i32, %c0_i32_0 : i32, i32
  }
  func.func @transform_9(%arg0: i32) -> (i32, i32) {
    %c0_i32 = arith.constant 0 : i32
    %c0_i32_0 = arith.constant 0 : i32
    %c0_i32_1 = arith.constant 0 : i32
    return %c0_i32, %c0_i32_0 : i32, i32
  }
  func.func @transform_10(%arg0: i32) -> (i32, i32) {
    %c0_i32 = arith.constant 0 : i32
    %c0_i32_0 = arith.constant 0 : i32
    %c0_i32_1 = arith.constant 0 : i32
    return %c0_i32, %c0_i32_0 : i32, i32
  }
  func.func @transform_11(%arg0: i32) -> (i32, i32) {
    %c0_i32 = arith.constant 0 : i32
    %c0_i32_0 = arith.constant 0 : i32
    %c0_i32_1 = arith.constant 0 : i32
    return %c0_i32, %c0_i32_0 : i32, i32
  }
  func.func @transform_12(%arg0: i32) -> (i32, i32) {
    %c0_i32 = arith.constant 0 : i32
    %c0_i32_0 = arith.constant 0 : i32
    %c0_i32_1 = arith.constant 0 : i32
    return %c0_i32, %c0_i32_0 : i32, i32
  }
  func.func @transform_13(%arg0: i32) -> (i32, i32) {
    %c0_i32 = arith.constant 0 : i32
    %c0_i32_0 = arith.constant 0 : i32
    %c0_i32_1 = arith.constant 0 : i32
    return %c0_i32, %c0_i32_0 : i32, i32
  }
  func.func @transform_14(%arg0: i32) -> (i32, i32) {
    %c0_i32 = arith.constant 0 : i32
    %c0_i32_0 = arith.constant 0 : i32
    %c0_i32_1 = arith.constant 0 : i32
    return %c0_i32, %c0_i32_0 : i32, i32
  }
  func.func @transform_15(%arg0: i32) -> (i32, i32) {
    %c0_i32 = arith.constant 0 : i32
    %c0_i32_0 = arith.constant 0 : i32
    %c0_i32_1 = arith.constant 0 : i32
    return %c0_i32, %c0_i32_0 : i32, i32
  }
  func.func @transform_16(%arg0: i32) -> (i32, i32) {
    %c0_i32 = arith.constant 0 : i32
    %c0_i32_0 = arith.constant 0 : i32
    %c0_i32_1 = arith.constant 0 : i32
    return %c0_i32, %c0_i32_0 : i32, i32
  }
  func.func @transform_17(%arg0: i32) -> (i32, i32) {
    %c0_i32 = arith.constant 0 : i32
    %c0_i32_0 = arith.constant 0 : i32
    %c0_i32_1 = arith.constant 0 : i32
    return %c0_i32, %c0_i32_0 : i32, i32
  }
  func.func @transform_18(%arg0: i32) -> (i32, i32) {
    %c0_i32 = arith.constant 0 : i32
    %c0_i32_0 = arith.constant 0 : i32
    %c0_i32_1 = arith.constant 0 : i32
    return %c0_i32, %c0_i32_0 : i32, i32
  }
  func.func @transform_19(%arg0: i32) -> (i32, i32) {
    %c0_i32 = arith.constant 0 : i32
    %c0_i32_0 = arith.constant 0 : i32
    %c0_i32_1 = arith.constant 0 : i32
    return %c0_i32, %c0_i32_0 : i32, i32
  }
  func.func @transform_20(%arg0: i32) -> (i32, i32) {
    %c0_i32 = arith.constant 0 : i32
    %c0_i32_0 = arith.constant 0 : i32
    %c0_i32_1 = arith.constant 0 : i32
    return %c0_i32, %c0_i32_0 : i32, i32
  }
  func.func @transform_21(%arg0: i32) -> (i32, i32) {
    %c0_i32 = arith.constant 0 : i32
    %c0_i32_0 = arith.constant 0 : i32
    %c0_i32_1 = arith.constant 0 : i32
    return %c0_i32, %c0_i32_0 : i32, i32
  }
  func.func @transform_22(%arg0: i32) -> (i32, i32) {
    %c0_i32 = arith.constant 0 : i32
    %c0_i32_0 = arith.constant 0 : i32
    %c0_i32_1 = arith.constant 0 : i32
    return %c0_i32, %c0_i32_0 : i32, i32
  }
  func.func @transform_23(%arg0: i32) -> (i32, i32, i32) {
    %c0_i32 = arith.constant 0 : i32
    %c0_i32_0 = arith.constant 0 : i32
    %c0_i32_1 = arith.constant 0 : i32
    return %arg0, %c0_i32, %c0_i32_0 : i32, i32, i32
  }
}

</mosaic_0001>

<sc_bundles>
// kernel: kernel.4.cloned.1.call-start
scs
__scs_entry_jumppad:
0x0: {  	(pc) =	sbr.rel $0x88, $3  }
0x1: {  	(tag) =	ssettag $0x0;
	lr =	simm.s32 $0x1  }
0x2: {  	[smem:$0x3F83] =	sst lr;
	_ =	strace $0xD0000000  }
0x3: {  	_ = 	snop  }
0x4: {  	_ = 	snop  }
0x5: {  	_ = 	snop  }
0x6: {  	_ = 	snop  }
0x7: {  	_ = 	snop  }
__scs_overlays_trampoline_lowered:
0x8: {  	[smem:$0x3F92] =	sst s0  }
0x9: {  	[smem:$0x3F93] =	sst s1  }
0xa: {  	[smem:$0x3F94] =	sst s2  }
0xb: {  	[smem:$0x3F95] =	sst s3  }
0xc: {  	[smem:$0x3F96] =	sst s4  }
0xd: {  	[smem:$0x3F97] =	sst s5  }
0xe: {  	[smem:$0x3F98] =	sst s6  }
0xf: {  	[smem:$0x3F99] =	sst s7  }
0x10: {  	[smem:$0x3F9A] =	sst s8  }
0x11: {  	[smem:$0x3F9B] =	sst s9;
	s0 =	simm.s32 @!p0 $0x0  }
0x12: {  	s1 =	sld [smem:$0x3F81];
	s0 =	simm.s32 @p0 $0x1  }
0x13: {  	[smem:$0x3F9C] =	sst s0;
	s0 =	simm.s32 @!p1 $0x0  }
0x14: {  	s2 =	sld [smem:$0x3F80];
	s0 =	simm.s32 @p1 $0x1  }
0x15: {  	[smem:$0x3F9D] =	sst s0;
	s0 =	simm.s32 @!p2 $0x0  }
0x16: {  	s3 =	sld [smem:$0x3FDB];
	s0 =	simm.s32 @p2 $0x1  }
0x17: {  	s4 =	simm.s32 $0x1BF5;
	[smem:$0x3F9F] =	sst s0  }
0x18: {  	s0 =	sld [smem:$0x3F82];
	_ =	swait.ge [sflag:s4], $0x0  }
0x19: {  	s7 =	sld [smem:$0x3F83]  }
0x1a: {  	s8 =	sadd.s32 $0xFFFFE003, lr  }
0x1b: {  	s9 =	sadd.s32 $0xFFFFFEF7, lr;
	s5 =	simm.s32 $0xFFFFFFFF;
	p2 =	slt.u32 s8, $0xFFFFF086  }
0x1c: {  	p1 =	slt.u32 s9, $0xF7A;
	s5 =	simm.s32 @!p2 $0x0  }
0x1d: {  	s5 =	simm.s32 @p1 $0x1;
	p0 =	seq.s32 s7, s2  }
0x1e: {  	s7 =	smul.u32 @!p0 $0xF7A, s2;
	p2 =	seq.s32 @!p0 s5, $0x0  }
0x1f: {  	s9 =	smul.u32 $0xF7A, s1;
	s8 =	simm.s32 @!p0 $0x1BF5;
	p2 =	por !p2, p0  }
0x20: {  	[sflag:s8] =	ssyncset.s32 @!p0 $0xFFFFF086;
	s6 =	sadd.s32 @!p0 s3, s7;
	s7 =	simm.s32 @!p0 $0x108  }
0x21: {  	s3 =	sadd.s32 s3, s9;
	s6 =	sadd.s32 @!p0 $0x88, s6;
	s7 =	simm.s32 @p2 $0x1082  }
0x22: {  	[simem:s7], [sflag:s8] =	dma.local @!p0 [hbm:s6], $0xF7A  }
0x23: {  	s9 =	sor.u32 $0xD0000000, s2;
	s6 =	simm.s32 $0x108;
	_ =	swait.ge @!p0 [sflag:s8], $0x0  }
0x24: {  	s3 =	sadd.s32 $0x88, s3;
	s6 =	simm.s32 @!p1 $0x1082;
	[sflag:s4] =	ssyncset.s32 $0xFFFFF086  }
0x25: {  	[simem:s6], [sflag:s4] =	dma.local [hbm:s3], $0xF7A  }
0x26: {  	[smem:$0x3F83] =	sst s1;
	(tag) =	ssettag s2;
	_ =	strace s9  }
0x27: {  	s1 =	sld [smem:$0x3F93]  }
0x28: {  	s2 =	sld [smem:$0x3F94]  }
0x29: {  	s4 =	sld [smem:$0x3F96]  }
0x2a: {  	p0 =	seq.s32 s5, $0x0;
	s5 =	sld [smem:$0x3F97]  }
0x2b: {  	s6 =	sld [smem:$0x3F98]  }
0x2c: {  	s7 =	sld [smem:$0x3F99]  }
0x2d: {  	s3 =	simm.s32 $0x108;
	s8 =	sld [smem:$0x3F9A]  }
0x2e: {  	s3 =	simm.s32 @!p0 $0x1082;
	s9 =	sld [smem:$0x3F9B]  }
0x2f: {  	lr =	sadd.s32 s0, s3;
	s0 =	sld [smem:$0x3F92]  }
0x30: {  	s3 =	sld [smem:$0x3F95]  }
0x31: {  	[smem:$0x3F9E] =	sst s10  }
0x32: {  	s10 =	sld [smem:$0x3F9C];
	_ =	sdelay $0x3  }
0x33: {  	p0 =	seq.s32 s10, $0x1;
	s10 =	sld [smem:$0x3F9E];
	_ =	sdelay $0x3  }
0x34: {  	[smem:$0x3F9E] =	sst s10  }
0x35: {  	s10 =	sld [smem:$0x3F9D];
	_ =	sdelay $0x3  }
0x36: {  	p1 =	seq.s32 s10, $0x1;
	s10 =	sld [smem:$0x3F9E];
	_ =	sdelay $0x3  }
0x37: {  	[smem:$0x3F9E] =	sst s10  }
0x38: {  	s10 =	sld [smem:$0x3F9F]  }
0x39: {  	_ = 	snop;
	(pc) =	sbr.ind lr, $3  }
0x3a: {  	_ = 	snop  }
0x3b: {  	_ = 	snop  }
0x3c: {  	p2 =	seq.s32 s10, $0x1;
	s10 =	sld [smem:$0x3F9E]  }
0x3d: {  	_ =	shalt  }
0x3e: {  	_ =	shalt  }
0x3f: {  	_ =	shalt  }
0x40: {  	_ =	shalt  }
0x41: {  	_ =	shalt  }
0x42: {  	_ =	shalt  }
0x43: {  	_ =	shalt  }
0x44: {  	_ =	shalt  }
0x45: {  	_ =	shalt  }
0x46: {  	_ =	shalt  }
0x47: {  	_ =	shalt  }
0x48: {  	_ =	shalt  }
0x49: {  	_ =	shalt  }
0x4a: {  	_ =	shalt  }
0x4b: {  	_ =	shalt  }
0x4c: {  	_ =	shalt  }
0x4d: {  	_ =	shalt  }
0x4e: {  	_ =	shalt  }
0x4f: {  	_ =	shalt  }
0x50: {  	_ =	shalt  }
0x51: {  	_ =	shalt  }
0x52: {  	_ =	shalt  }
0x53: {  	_ =	shalt  }
0x54: {  	_ =	shalt  }
0x55: {  	_ =	shalt  }
0x56: {  	_ =	shalt  }
0x57: {  	_ =	shalt  }
0x58: {  	_ =	shalt  }
0x59: {  	_ =	shalt  }
0x5a: {  	_ =	shalt  }
0x5b: {  	_ =	shalt  }
0x5c: {  	_ =	shalt  }
0x5d: {  	_ =	shalt  }
0x5e: {  	_ =	shalt  }
0x5f: {  	_ =	shalt  }
0x60: {  	_ =	shalt  }
0x61: {  	_ =	shalt  }
0x62: {  	_ =	shalt  }
0x63: {  	_ =	shalt  }
0x64: {  	_ =	shalt  }
0x65: {  	_ =	shalt  }
0x66: {  	_ =	shalt  }
0x67: {  	_ =	shalt  }
0x68: {  	_ =	shalt  }
0x69: {  	_ =	shalt  }
0x6a: {  	_ =	shalt  }
0x6b: {  	_ =	shalt  }
0x6c: {  	_ =	shalt  }
0x6d: {  	_ =	shalt  }
0x6e: {  	_ =	shalt  }
0x6f: {  	_ =	shalt  }
0x70: {  	_ =	shalt  }
0x71: {  	_ =	shalt  }
0x72: {  	_ =	shalt  }
0x73: {  	_ =	shalt  }
0x74: {  	_ =	shalt  }
0x75: {  	_ =	shalt  }
0x76: {  	_ =	shalt  }
0x77: {  	_ =	shalt  }
0x78: {  	_ =	shalt  }
0x79: {  	_ =	shalt  }
0x7a: {  	_ =	shalt  }
0x7b: {  	_ =	shalt  }
0x7c: {  	_ =	shalt  }
0x7d: {  	_ =	shalt  }
0x7e: {  	_ =	shalt  }
0x7f: {  	_ =	shalt  }
0x80: {  	_ =	shalt  }
0x81: {  	_ =	shalt  }
0x82: {  	_ =	shalt  }
0x83: {  	_ =	shalt  }
0x84: {  	_ =	shalt  }
0x85: {  	_ =	shalt  }
0x86: {  	_ =	shalt  }
0x87: {  	_ =	shalt  }
.Lfunc_end0:
.L_simem_size_0:
called_computation_lowered:
.L_overlay_start_0:
0x88: {  	s2 =	sld [smem:$0x3FD9]  }
0x89: {  	s3 =	sld [smem:$0x3FFE];
	_ =	sdelay $0x1  }
0x8a: {  	s1 =	srdreg.scid  }
0x8b: {  	s0 =	sand.u32 $0x1, s1  }
0x8c: {  	s17 =	sshll.u32 s0, $0xA;
	s2 =	sadd.s32 s3, s2  }
0x8d: {  	s2 =	sadd.s32 s2, s17  }
0x8e: {  	[smem:$0x3FAA] =	sst s2  }
0x8f: {  	_ = 	snop  }
0x90: {  	s2 =	sld [smem:$0x3FC8];
	(tm) =	ssettm $0x1  }
0x91: {  	s18 =	sld [smem:$0x3FFB];
	_ =	sdelay $0x3  }
0x92: {  	_ =	strace s18  }
0x93: {  	s3 =	sld [smem:$0x3FFC];
	_ =	sdelay $0x3  }
0x94: {  	_ =	strace s3  }
0x95: {  	s3 =	sld [smem:$0x3FFD];
	_ =	sdelay $0x3  }
0x96: {  	_ =	strace s3  }
0x97: {  	_ =	strace $0x8FFFFFFF  }
0x98: {  	s19 =	sld [smem:$0x3FDB];
	_ =	sdelay $0x1  }
0x99: {  	s4 =	simm.s32 $_scs_section_size  }
0x9a: {  	s5 =	simm.s32 $_size__tile_overlayer_lowered;
	s6 =	simm.s32 $_tile_overlayer_lowered  }
0x9b: {  	s22 =	simm.s32 $0x1BFF;
	s21 =	sshll.u32 s6, $0x1;
	s3 =	sadd.s32 s4, s19  }
0x9c: {  	s7 =	simm.s32 $0x0;
	s20 =	sshll.u32 s5, $0x1;
	s5 =	sadd.s32 s21, s3  }
0x9d: {  	[timem:s7], [sflag:s22] =	dma.local [hbm:s5], s20  }
0x9e: {  	_ =	swait.ge [sflag:s22], s20  }
0x9f: {  	s4 =	ssub.s32 $0x0, s20;
	[sflag:s22] =	ssyncset.done $0x0  }
0xa0: {  	[sflag:s22] =	ssyncadd.s32 s4;
	_ =	sdelay $0x1  }
0xa1: {  	s23 =	simm.s32 $0x1B8B  }
0xa2: {  	_ =	swait.ge [sflag:s23], $0x1  }
0xa3: {  	[sflag:s23] =	ssyncset.done $0x0  }
0xa4: {  	s25 =	simm.s32 $0x1B8E;
	s24 =	sld [smem:$0x3FFE];
	[sflag:s23] =	ssyncadd.s32 $0xFFFFFFFF  }
0xa5: {  	s26 =	simm.s32 $execute0_lowered;
	[smem:$0x3FD2] =	sst s25  }
0xa6: {  	s5 =	sshll.u32 s26, $0x1;
	_ =	strace $0x80000046;
	[dreg:$0x1] =	wrdreg $0xFFFFFFFF  }
0xa7: {  	s28 =	simm.s32 $_size_execute0_lowered;
	s3 =	sadd.s32 s3, s5;
	[dreg:$0x0] =	wrdreg $0x0  }
0xa8: {  	s5 =	sshll.u32 s28, $0x1;
	[dreg:$0x2] =	wrdreg s3  }
0xa9: {  	[dreg:$0x3] =	wrdreg s5  }
0xaa: {  	[dreg:$0x4] =	wrdreg $0xC0  }
0xab: {  	_ =	task [dreg:s7], $0x5FFFF  }
0xac: {  	[dreg:$0x1] =	wrdreg $0xFFFFFFFF  }
0xad: {  	[dreg:$0x0] =	wrdreg $0x60  }
0xae: {  	[dreg:$0x2] =	wrdreg s2  }
0xaf: {  	[dreg:$0x3] =	wrdreg s24  }
0xb0: {  	[dreg:$0x4] =	wrdreg $0x9  }
0xb1: {  	_ =	task.clear_ibuf [dreg:s7], $0x5FFFF;
	_ =	strace $0x90000046  }
0xb2: {  	s29 =	simm.s32 $0x9;
	_ =	strace $0x8000004F  }
0xb3: {  	_ =	swait.ge [sflag:s29], $0x1  }
0xb4: {  	[sflag:s29] =	ssyncadd.s32 $0xFFFFFFFF  }
0xb5: {  	_ =	strace $0x9000004F  }
0xb6: {  	_ =	sfence  }
0xb7: {  	s30 =	sld [smem:$0x0];
	_ =	sdelay $0x2  }
0xb8: {  	s31 =	sshll.u32 s1, $0xD;
	s1 =	sshrl.u32 s1, $0x2  }
0xb9: {  	s3 =	sand.u32 $0x4000, s31;
	s1 =	sadd.s32 s1, s30  }
0xba: {  	s0 =	sor.u32 s3, s0;
	s1 =	sshll.u32 s1, $0x11  }
0xbb: {  	s0 =	sor.u32 s1, s0  }
0xbc: {  	s0 =	sadd.s32 $0x8F2B, s0  }
0xbd: {  	[sflag:s0] =	ssyncadd.remote.s32 $0x1  }
0xbe: {  	_ =	sfence.sel $0xFFFF  }
0xbf: {  	[dreg:$0x0] =	wrdreg $0xFFFFFFFF;
	(pc) =	sbr.abs _section_cstart, $3  }
0xc0: {  	[dreg:$0x1] =	wrdreg $0xFFFFFFFF  }
0xc1: {  	_ =	task.clear_ibuf [dreg:s7], $0x2FFFF;
	_ =	strace $0x9FFFFFFF  }
0xc2: {  	(tm) =	ssettm $0x7FFFFFFF  }
0xc3: {  	_ =	shalt  }
tec
execute0_lowered:
.L_overlay_start_1:
0x0: {  	(tag) =	ssettag $0x1  }
0x1: {  	s1 =	rddreg [dreg:$0x0]  }
0x2: {  	s5 =	rddreg [dreg:$0x1]  }
0x3: {  	s0 =	rddreg [dreg:$0x2]  }
0x4: {  	s2 =	simm.s32 $0x0;
	s3 =	srdreg.scid;
	s10 =	simm.s32 $0x4  }
0x5: {  	s11 =	simm.s32 $0x0;
	[smem:$0x7FF] =	sst s2;
	s4 =	sand.u32 $0x1, s3  }
.Ltmp0:
0x6: {  	s3 =	stileid.u32;
	_ =	strace $0x80000047;
	(pc) =	sbr.rel .LBB2_1-.Ltmp0, $4  }
0x7: {  	s6 =	ssub.s32 $0x2, s4;
	s7 =	sshll.u32 s4, $0x4;
	s4 =	sadd.s32 $0x2200, s5  }
0x8: {  	v2 =	vlaneseq.u32;
	s5 =	sadd.s32 $0x2600, s5;
	s8 =	sshrl.u32 s6, $0x1;
	s7 =	sor.u32 s3, s7  }
0x9: {  	vm0 =	vmmov $0xffff;
	v1 =	vshrl.u32 v2, $0x3;
	s8 =	ssub.s32 s6, s8;
	s9 =	sshll.u32 s7, $0x5;
	s6 =	sshll.u32 s7, $0x1  }
0xa: {  	v0 =	vand.u32 $0x7, v2;
	v2 =	vor.u32 $0x8, v2;
	v1 =	vmul.u32 $0x8, v1;
	s7 =	sadd.s32 s4, s9;
	s8 =	smax.u32 s8, $0x1;
	s9 =	simm.s32 $0x5  }
.LBB2_4:
0xb: {  	s12 =	sand.u32 $0x1, s12  }
0xc: {  	_ =	strace $0x8000004D;
	s12 =	sadd.s32 $0x3, s12  }
0xd: {  	_ =	swait.ge [sflag:s12], $0x8000  }
0xe: {  	[sflag:s12] =	ssyncset.done $0x0  }
0xf: {  	s11 =	sadd.s32 $0x1, s11;
	[sflag:s12] =	ssyncadd.s32 $0xFFFF8000  }
0x10: {  	p0 =	sne.s32 s11, s8;
	_ =	strace $0x9000004D  }
.Ltmp1:
0x11: {  	_ =	strace $0x8000004E;
	(pc) =	sbr.rel @!p0 .LBB2_5-.Ltmp1, $4  }
0x12: {  	_ =	swait.ge [sflag:s10], $0x8000  }
0x13: {  	[sflag:s10] =	ssyncset.done $0x0  }
0x14: {  	[sflag:s10] =	ssyncadd.s32 $0xFFFF8000  }
0x15: {  	_ =	strace $0x9000004E  }
.LBB2_1:
0x16: {  	_ =	strace $0x80000048  }
0x17: {  	p0 =	por $0x1, $0x1;
	p2 =	por $0x0, $0x0;
	s13 =	simm.s32 $0x0  }
0x18: {  	s12 =	simm.s32 $0x0;
	s17 =	simm.s32 $0x0;
	s14 =	simm.s32 $0x0  }
0x19: {  	[tilespmem:s2], [sflag:$0x1] =	stream.linear.gather [hbm4b:s7+s2], $0x80, $0x200038;
	[tilespmem:$0x10100] =	vst v63  }
0x1a: {  	s15 =	simm.s32 $0x1;
	s16 =	simm.s32 $0x0;
	_ =	strace $0x90000048  }
.LBB2_2:
0x1b: {  	s18 =	smov.u32 s13;
	s13 =	sadd.s32 $0x1, s13  }
0x1c: {  	p1 =	seq.s32 s13, $0x2  }
0x1d: {  	s13 =	simm.s32 @p1 $0x0  }
0x1e: {  	p1 =	sne.s32 s18, s13  }
0x1f: {  	p1 =	por !p0, !p1  }
0x20: {  	p1 =	por !p1, !p1  }
0x21: {  	s19 =	sadd.s32 @p1 s6, s13  }
0x22: {  	s20 =	sand.u32 @p1 $0x1, s15;
	s19 =	sshll.u32 @p1 s19, $0x4  }
0x23: {  	_ =	strace @p1 $0x80000049;
	s22 =	simm.s32 @p1 $0x0;
	s19 =	sand.u32 @p1 $0x1FFFFFF0, s19  }
0x24: {  	s21 =	sshll.u32 @p1 s20, $0x7;
	s20 =	sadd.s32 @p1 $0x1, s20;
	s19 =	sadd.s32 @p1 s4, s19  }
0x25: {  	[tilespmem:s21], [sflag:s20] =	stream.linear.gather @p1 [hbm4b:s19+s22], $0x80, $0x200038;
	[tilespmem:$0x10100] =	vst v63  }
0x26: {  	s23 =	sand.u32 $0x1, s14;
	_ =	strace @p1 $0x90000049  }
0x27: {  	s19 =	sadd.s32 $0x1, s23;
	_ =	strace $0x8000004A  }
0x28: {  	_ =	swait.ge [sflag:s19], $0x80  }
0x29: {  	[sflag:s19] =	ssyncset.done $0x0  }
0x2a: {  	[sflag:s19] =	ssyncadd.s32 $0xFFFFFF80  }
0x2b: {  	s24 =	sshll.u32 s14, $0x7;
	_ =	strace $0x9000004A  }
0x2c: {  	s22 =	sand.u32 $0x80, s24;
	_ =	strace $0x8000004B  }
0x2d: {  	v3 =	vld [tilespmem:s22+$0x0];
	_ =	sdelay $0x4  }
0x2e: {  	v4 =	vshll.u32 v3, $0x1  }
0x2f: {  	v3 =	vand.u32 $0x7, v3;
	v4 =	vand.u32 $0xFFFFFFF0, v4  }
0x30: {  	v3 =	vor.u32 v3, v4  }
0x31: {  	v4 =	vperm.xlane v3, v0;
	_ =	sdelay $0x1  }
0x32: {  	v3 =	vperm.xlane v3, v2;
	v4 =	vadd.s32 v1, v4;
	_ =	sdelay $0x1  }
0x33: {  	s19 =	sand.u32 $0x1, s17;
	v3 =	vadd.s32 v1, v3  }
0x34: {  	s21 =	sshll.u32 s19, $0xF  }
0x35: {  	s20 =	sor.u32 $0x100, s21  }
0x36: {  	[tilespmem:s20], [sflag:$0x5] =	stream.indirect_vreg.gather [hbm4b:s1+s2], $0x80, v4, vm0, $0x2000b8;
	[tilespmem:$0x10100] =	vst v63  }
0x37: {  	s23 =	sor.u32 $0x900, s21  }
0x38: {  	[tilespmem:s23], [sflag:$0x5] =	stream.indirect_vreg.gather [hbm4b:s1+s2], $0x80, v3, vm0, $0x2000b8;
	[tilespmem:$0x10100] =	vst v63  }
0x39: {  	v3 =	vld [tilespmem:s22+$0x10];
	_ =	sdelay $0x4  }
0x3a: {  	v57 =	vshll.u32 v3, $0x1  }
0x3b: {  	v3 =	vand.u32 $0x7, v3;
	v4 =	vand.u32 $0xFFFFFFF0, v57  }
0x3c: {  	v3 =	vor.u32 v3, v4  }
0x3d: {  	v4 =	vperm.xlane v3, v0;
	_ =	sdelay $0x1  }
0x3e: {  	v3 =	vperm.xlane v3, v2;
	v4 =	vadd.s32 v1, v4;
	_ =	sdelay $0x1  }
0x3f: {  	v3 =	vadd.s32 v1, v3;
	_ =	sdelay $0x1  }
0x40: {  	s25 =	sor.u32 $0x1100, s21  }
0x41: {  	[tilespmem:s25], [sflag:$0x5] =	stream.indirect_vreg.gather [hbm4b:s1+s2], $0x80, v4, vm0, $0x2000b8;
	[tilespmem:$0x10100] =	vst v63  }
0x42: {  	s26 =	sor.u32 $0x1900, s21  }
0x43: {  	[tilespmem:s26], [sflag:$0x5] =	stream.indirect_vreg.gather [hbm4b:s1+s2], $0x80, v3, vm0, $0x2000b8;
	[tilespmem:$0x10100] =	vst v63  }
0x44: {  	v3 =	vld [tilespmem:s22+$0x20];
	_ =	sdelay $0x4  }
0x45: {  	v58 =	vshll.u32 v3, $0x1  }
0x46: {  	v3 =	vand.u32 $0x7, v3;
	v4 =	vand.u32 $0xFFFFFFF0, v58  }
0x47: {  	v3 =	vor.u32 v3, v4  }
0x48: {  	v4 =	vperm.xlane v3, v0;
	_ =	sdelay $0x1  }
0x49: {  	v3 =	vperm.xlane v3, v2;
	v4 =	vadd.s32 v1, v4;
	_ =	sdelay $0x1  }
0x4a: {  	v3 =	vadd.s32 v1, v3;
	_ =	sdelay $0x1  }
0x4b: {  	s28 =	sor.u32 $0x2100, s21  }
0x4c: {  	[tilespmem:s28], [sflag:$0x5] =	stream.indirect_vreg.gather [hbm4b:s1+s2], $0x80, v4, vm0, $0x2000b8;
	[tilespmem:$0x10100] =	vst v63  }
0x4d: {  	s29 =	sor.u32 $0x2900, s21  }
0x4e: {  	[tilespmem:s29], [sflag:$0x5] =	stream.indirect_vreg.gather [hbm4b:s1+s2], $0x80, v3, vm0, $0x2000b8;
	[tilespmem:$0x10100] =	vst v63  }
0x4f: {  	v3 =	vld [tilespmem:s22+$0x30];
	_ =	sdelay $0x4  }
0x50: {  	v59 =	vshll.u32 v3, $0x1  }
0x51: {  	v3 =	vand.u32 $0x7, v3;
	v4 =	vand.u32 $0xFFFFFFF0, v59  }
0x52: {  	v3 =	vor.u32 v3, v4  }
0x53: {  	v4 =	vperm.xlane v3, v0;
	_ =	sdelay $0x1  }
0x54: {  	v3 =	vperm.xlane v3, v2;
	v4 =	vadd.s32 v1, v4;
	_ =	sdelay $0x1  }
0x55: {  	v3 =	vadd.s32 v1, v3;
	_ =	sdelay $0x1  }
0x56: {  	s30 =	sor.u32 $0x3100, s21  }
0x57: {  	[tilespmem:s30], [sflag:$0x5] =	stream.indirect_vreg.gather [hbm4b:s1+s2], $0x80, v4, vm0, $0x2000b8;
	[tilespmem:$0x10100] =	vst v63  }
0x58: {  	s31 =	sor.u32 $0x3900, s21  }
0x59: {  	[tilespmem:s31], [sflag:$0x5] =	stream.indirect_vreg.gather [hbm4b:s1+s2], $0x80, v3, vm0, $0x2000b8;
	[tilespmem:$0x10100] =	vst v63  }
0x5a: {  	v3 =	vld [tilespmem:s22+$0x40];
	_ =	sdelay $0x4  }
0x5b: {  	v60 =	vshll.u32 v3, $0x1  }
0x5c: {  	v3 =	vand.u32 $0x7, v3;
	v4 =	vand.u32 $0xFFFFFFF0, v60  }
0x5d: {  	v3 =	vor.u32 v3, v4  }
0x5e: {  	v4 =	vperm.xlane v3, v0;
	_ =	sdelay $0x1  }
0x5f: {  	v3 =	vperm.xlane v3, v2;
	v4 =	vadd.s32 v1, v4;
	_ =	sdelay $0x1  }
0x60: {  	v3 =	vadd.s32 v1, v3;
	_ =	sdelay $0x1  }
0x61: {  	s24 =	sor.u32 $0x4100, s21  }
0x62: {  	[tilespmem:s24], [sflag:$0x5] =	stream.indirect_vreg.gather [hbm4b:s1+s2], $0x80, v4, vm0, $0x2000b8;
	[tilespmem:$0x10100] =	vst v63  }
0x63: {  	s25 =	sor.u32 $0x4900, s21  }
0x64: {  	[tilespmem:s25], [sflag:$0x5] =	stream.indirect_vreg.gather [hbm4b:s1+s2], $0x80, v3, vm0, $0x2000b8;
	[tilespmem:$0x10100] =	vst v63  }
0x65: {  	v3 =	vld [tilespmem:s22+$0x50];
	_ =	sdelay $0x4  }
0x66: {  	v61 =	vshll.u32 v3, $0x1  }
0x67: {  	v3 =	vand.u32 $0x7, v3;
	v4 =	vand.u32 $0xFFFFFFF0, v61  }
0x68: {  	v3 =	vor.u32 v3, v4  }
0x69: {  	v4 =	vperm.xlane v3, v0;
	_ =	sdelay $0x1  }
0x6a: {  	v3 =	vperm.xlane v3, v2;
	v4 =	vadd.s32 v1, v4;
	_ =	sdelay $0x1  }
0x6b: {  	v3 =	vadd.s32 v1, v3;
	_ =	sdelay $0x1  }
0x6c: {  	s26 =	sor.u32 $0x5100, s21  }
0x6d: {  	[tilespmem:s26], [sflag:$0x5] =	stream.indirect_vreg.gather [hbm4b:s1+s2], $0x80, v4, vm0, $0x2000b8;
	[tilespmem:$0x10100] =	vst v63  }
0x6e: {  	s28 =	sor.u32 $0x5900, s21  }
0x6f: {  	[tilespmem:s28], [sflag:$0x5] =	stream.indirect_vreg.gather [hbm4b:s1+s2], $0x80, v3, vm0, $0x2000b8;
	[tilespmem:$0x10100] =	vst v63  }
0x70: {  	v3 =	vld [tilespmem:s22+$0x60];
	_ =	sdelay $0x4  }
0x71: {  	v62 =	vshll.u32 v3, $0x1  }
0x72: {  	v3 =	vand.u32 $0x7, v3;
	v4 =	vand.u32 $0xFFFFFFF0, v62  }
0x73: {  	v3 =	vor.u32 v3, v4  }
0x74: {  	v4 =	vperm.xlane v3, v0;
	_ =	sdelay $0x1  }
0x75: {  	v3 =	vperm.xlane v3, v2;
	v4 =	vadd.s32 v1, v4;
	_ =	sdelay $0x1  }
0x76: {  	v3 =	vadd.s32 v1, v3;
	_ =	sdelay $0x1  }
0x77: {  	s29 =	sor.u32 $0x6100, s21  }
0x78: {  	[tilespmem:s29], [sflag:$0x5] =	stream.indirect_vreg.gather [hbm4b:s1+s2], $0x80, v4, vm0, $0x2000b8;
	[tilespmem:$0x10100] =	vst v63  }
0x79: {  	s30 =	sor.u32 $0x6900, s21  }
0x7a: {  	[tilespmem:s30], [sflag:$0x5] =	stream.indirect_vreg.gather [hbm4b:s1+s2], $0x80, v3, vm0, $0x2000b8;
	[tilespmem:$0x10100] =	vst v63  }
0x7b: {  	v3 =	vld [tilespmem:s22+$0x70];
	_ =	sdelay $0x4  }
0x7c: {  	v63 =	vshll.u32 v3, $0x1  }
0x7d: {  	v3 =	vand.u32 $0x7, v3;
	v4 =	vand.u32 $0xFFFFFFF0, v63  }
0x7e: {  	v3 =	vor.u32 v3, v4  }
0x7f: {  	v4 =	vperm.xlane v3, v0;
	_ =	sdelay $0x1  }
0x80: {  	v3 =	vperm.xlane v3, v2;
	v4 =	vadd.s32 v1, v4;
	_ =	sdelay $0x1  }
0x81: {  	v3 =	vadd.s32 v1, v3;
	_ =	sdelay $0x1  }
0x82: {  	p2 =	por !p2, !p2;
	p3 =	seq.s32 s18, s13;
	s31 =	sor.u32 $0x7100, s21  }
0x83: {  	[tilespmem:s31], [sflag:$0x5] =	stream.indirect_vreg.gather [hbm4b:s1+s2], $0x80, v4, vm0, $0x2000b8;
	[tilespmem:$0x10100] =	vst v63  }
0x84: {  	p2 =	por !p2, !p3;
	s21 =	sor.u32 $0x7900, s21  }
0x85: {  	[tilespmem:s21], [sflag:$0x5] =	stream.indirect_vreg.gather [hbm4b:s1+s2], $0x80, v3, vm0, $0x2000b8;
	[tilespmem:$0x10100] =	vst v63  }
0x86: {  	s18 =	sadd.s32 s6, s18;
	p2 =	por !p2, !p2;
	_ =	swait.ge [sflag:s9], $0x8000  }
0x87: {  	s18 =	sshll.u32 @!p2 s18, $0xC;
	p0 =	por p2, p0;
	[sflag:s9] =	ssyncset.done $0x0  }
.Ltmp2:
0x88: {  	s18 =	sand.u32 @!p2 $0x1FFFF000, s18;
	[sflag:s9] =	ssyncadd.s32 $0xFFFF8000;
	(pc) =	sbr.rel @!p0 .LBB2_4-.Ltmp2, $4  }
0x89: {  	s18 =	sadd.s32 @!p2 s5, s18;
	_ =	strace $0x9000004B  }
0x8a: {  	s19 =	sadd.s32 @!p2 $0x3, s19;
	s21 =	simm.s32 @!p2 $0x0;
	_ =	strace @!p2 $0x8000004C  }
0x8b: {  	[hbm4b:s18+s21] =	stream.linear.scatter @!p2 [tilespmem:s20], [sflag:s19], $0x8000, $0x200038;
	[tilespmem:$0x10100] =	vst v63  }
0x8c: {  	_ =	strace @!p2 $0x9000004C  }
.Ltmp3:
0x8d: {  	s18 =	simm.s32 $0x1;
	(pc) =	sbr.rel .LBB2_2-.Ltmp3, $4  }
0x8e: {  	s19 =	simm.s32 @!p2 $0x1;
	s12 =	sadd.s32 s16, s12;
	s18 =	simm.s32 @!p1 $0x0  }
0x8f: {  	s16 =	simm.s32 $0x1;
	s15 =	sadd.s32 s18, s15;
	s18 =	sadd.s32 @!p2 $0x1, s17  }
0x90: {  	p0 =	por $0x0, $0x0;
	s19 =	simm.s32 @p2 $0x0;
	s18 =	smov.u32 @p2 s17  }
0x91: {  	s14 =	sadd.s32 s14, s19;
	p2 =	por $0x1, $0x1;
	s17 =	smov.u32 s18  }
.LBB2_5:
0x92: {  	_ =	sfence.sel $0x180000  }
0x93: {  	[bflag:$0x0] =	sbarrier.arrive $0xFFFF  }
0x94: {  	p0 =	sne.s32 s3, $0x0;
	_ =	strace $0x90000047  }
0x95: {  	s0 =	sadd.s32 @!p0 $0x100000, s0;
	[bflag:$0x2] =	sbarrier.arrive $0xFFFF  }
0x96: {  	[sflag:s0] =	ssyncadd.tile.s32 @!p0 $0x1;
	_ =	shalt  }
.Lfunc_end2:
_tile_overlayer_lowered:
.L_overlay_start_2:
0x97: {  	(tag) =	ssettag $0x2  }
0x98: {  	s0 =	rddreg [dreg:$0x0];
	s2 =	stileid.u32  }
0x99: {  	s1 =	rddreg [dreg:$0x1];
	p0 =	sne.s32 s2, $0x0  }
0x9a: {  	s3 =	rddreg [dreg:$0x2];
	[bflag:$0x3] =	sbarrier.arrive $0xFFFF;
	s2 =	simm.s32 @!p0 $0x1C01  }
0x9b: {  	[timem:s3], [sflag:s2] =	dma.local @!p0 [hbm:s0], s1  }
0x9c: {  	s0 =	simm.s32 @!p0 $0x1  }
0x9d: {  	_ =	swait.ge @!p0 [sflag:s0], s1  }
0x9e: {  	s1 =	ssub.s32 @!p0 $0x0, s1;
	[sflag:s0] =	ssyncset.done @!p0 $0x0  }
0x9f: {  	[sflag:s0] =	ssyncadd.s32 @!p0 s1  }
0xa0: {  	[bflag:$0x3] =	sbarrier.arrive $0xFFFF  }
0xa1: {  	_ =	shalt  }

</sc_bundles>
